<compile_context>
chip_gen: v7x
topology: tpu7x:2x2x1
jax: 0.10.2.dev20260603
libtpu: 0.0.44.dev20260713+nightly
codegen_flags: <defaults>
</compile_context>

<pallas_src>
import functools

import jax
import jax.numpy as jnp
from jax import lax
from jax.experimental import pallas as pl
from jax.experimental.pallas import tpu as pltpu
from jax.experimental.pallas import tpu_sc as plsc

N = 10000
E = 320000
D = 128
DE = 16
U = 128
H = 8
DH = 16
ACCW = 136

NC = 2
NS = 16
NW = NC * NS
EW = E // NW
C = 40
NCHUNK = EW // C
NACC_CHUNKS = N // C
ACC_ITERS = -(-NACC_CHUNKS // NS)


PERM = [(2 * p + j) * DH + d
        for p in range(H // 2) for d in range(DH) for j in range(2)]


def _proj_body(x_ref, wq_ref, wk_ref, wv_ref, q_ref, kv_ref):
    xb = x_ref[...]
    q_ref[...] = (jnp.dot(xb, wq_ref[...],
                          preferred_element_type=jnp.float32)
                  * 0.25).astype(jnp.bfloat16)
    kv_ref[:, 0:U] = jnp.dot(xb, wk_ref[...],
                             preferred_element_type=jnp.float32
                             ).astype(jnp.bfloat16)
    kv_ref[:, U:2 * U] = jnp.dot(xb, wv_ref[...],
                                 preferred_element_type=jnp.float32
                                 ).astype(jnp.bfloat16)


def _qkv_proj(x, Wq, Wk, Wv):
    bn = 2000
    grid = N // bn
    w_spec = pl.BlockSpec((D, U), lambda i: (0, 0))
    return pl.pallas_call(
        _proj_body,
        grid=(grid,),
        in_specs=[pl.BlockSpec((bn, D), lambda i: (i, 0)),
                  w_spec, w_spec, w_spec],
        out_specs=[pl.BlockSpec((bn, U), lambda i: (i, 0)),
                   pl.BlockSpec((bn, 2 * U), lambda i: (i, 0))],
        out_shape=[jax.ShapeDtypeStruct((N, U), jnp.bfloat16),
                   jax.ShapeDtypeStruct((N, 2 * U), jnp.bfloat16)],
    )(x, Wq, Wk, Wv)


def _eproj_body(ea_ref, we_ref, e_ref):
    e_ref[...] = jnp.dot(ea_ref[...], we_ref[...],
                         preferred_element_type=jnp.float32
                         ).astype(jnp.bfloat16)


def _e_proj(edge_attr, We):
    be = 4000
    grid = E // be
    return pl.pallas_call(
        _eproj_body,
        grid=(grid,),
        in_specs=[pl.BlockSpec((be, DE), lambda i: (i, 0)),
                  pl.BlockSpec((DE, U), lambda i: (0, 0))],
        out_specs=pl.BlockSpec((be, U), lambda i: (i, 0)),
        out_shape=jax.ShapeDtypeStruct((E, U), jnp.bfloat16),
    )(edge_attr, We)


@functools.partial(
    pl.kernel,
    out_type=jax.ShapeDtypeStruct((NC, N, ACCW), jnp.float32),
    mesh=plsc.VectorSubcoreMesh(core_axis_name="c", subcore_axis_name="s"),
    scratch_types=[
        pltpu.VMEM((2, 48), jnp.int32),
        pltpu.VMEM((2, 48), jnp.int32),
        pltpu.VMEM((C,), jnp.int32),
        pltpu.VMEM((C,), jnp.int32),
        pltpu.VMEM((C, U), jnp.bfloat16),
        pltpu.VMEM((C, U), jnp.bfloat16),
        pltpu.VMEM((C, 2 * U), jnp.bfloat16),
        pltpu.VMEM((C, 2 * U), jnp.bfloat16),
        pltpu.VMEM((C, U), jnp.bfloat16),
        pltpu.VMEM((C, U), jnp.bfloat16),
        pltpu.VMEM((C, ACCW), jnp.float32),
        pltpu.VMEM_SHARED((N, ACCW), jnp.float32),
        pltpu.SemaphoreType.DMA,
        pltpu.SemaphoreType.DMA,
        pltpu.SemaphoreType.DMA,
        pltpu.SemaphoreType.DMA,
        pltpu.SemaphoreType.DMA,
        pltpu.SemaphoreType.DMA,
    ],
    compiler_params=pltpu.CompilerParams(use_tc_tiling_on_sc=False,
                                         needs_layout_passes=False),
)
def _edge_kernel(ei_hbm, q_hbm, kv_hbm, e_hbm, out_hbm,
                 idx0, idx1, dstb0, dstb1, qr0, qr1, kvr0, kvr1, er0, er1,
                 contrib, acc, sem_i0, sem_i1, sem_g0, sem_g1, sem_e, sem_s):
    c = lax.axis_index("c")
    s = lax.axis_index("s")
    zero16 = jnp.zeros((16,), jnp.float32)
    lane = lax.iota(jnp.int32, 16)

    def _zrow(i, carry):
        for j in range(8):
            contrib[i, pl.ds(16 * j, 16)] = zero16
        plsc.store_scatter(contrib, [jnp.full((16,), i, jnp.int32),
                                     U + lane], zero16, mask=lane < 8)
        return carry
    lax.fori_loop(0, C, _zrow, 0)

    def _init(t, carry):
        cid = t * NS + s
        @pl.when(cid < NACC_CHUNKS)
        def _():
            pltpu.sync_copy(contrib, acc.at[pl.ds(cid * C, C)])
        return carry
    lax.fori_loop(0, ACC_ITERS, _init, 0)
    plsc.subcore_barrier()

    ebase = (c * NS + s) * EW

    def _dec(x32):
        w = plsc.bitcast(x32, jnp.int32)
        lo = plsc.bitcast(jax.lax.shift_left(w, 16), jnp.float32)
        hi = plsc.bitcast(jnp.bitwise_and(w, jnp.int32(-65536)), jnp.float32)
        return lo, hi

    def _pairs(ref, i, base):
        out = []
        for p in range(H // 2):
            out.extend(_dec(ref[i, pl.ds(base + 32 * p, 32)]))
        return out

    def _compute(qr, kvr, er):
        @plsc.parallel_loop(0, C, step=1, unroll=5)
        def _edge(i):
            eh = _pairs(er, i, 0)
            qh = _pairs(qr, i, 0)
            kh = _pairs(kvr, i, 0)
            vh = _pairs(kvr, i, U)
            parts = [jnp.where(lane == h, jnp.sum(qh[h] * (kh[h] + eh[h])),
                               0.0) for h in range(H)]
            s01 = parts[0] + parts[1]
            s23 = parts[2] + parts[3]
            s45 = parts[4] + parts[5]
            s67 = parts[6] + parts[7]
            wv = jnp.exp((s01 + s23) + (s45 + s67))
            plsc.store_scatter(contrib, [jnp.full((16,), i, jnp.int32),
                                         U + lane], wv, mask=lane < 8)
            for h in range(H):
                wb = jnp.broadcast_to(wv[h], (16,))
                contrib[i, pl.ds(DH * h, DH)] = wb * (vh[h] + eh[h])

    def _step(t, idxp, dstbp, qrp, kvrp, erp, sem_gp, sem_ip,
              idxq, qrq, kvrq, erq, sem_gq, sem_iq):
        @pl.when(t + 1 < NCHUNK)
        def _():
            pltpu.make_async_copy(ei_hbm.at[:, pl.ds(0, C)],
                                  idxq.at[:, pl.ds(0, C)], sem_iq).wait()
            pltpu.async_copy(kv_hbm.at[idxq.at[0, pl.ds(0, C)]], kvrq, sem_gq)
            pltpu.async_copy(q_hbm.at[idxq.at[1, pl.ds(0, C)]], qrq, sem_gq)
            pltpu.async_copy(e_hbm.at[pl.ds(ebase + (t + 1) * C, C)], erq,
                             sem_e)
        pltpu.make_async_copy(kv_hbm.at[pl.ds(0, C)], kvrp, sem_gp).wait()
        pltpu.make_async_copy(q_hbm.at[pl.ds(0, C)], qrp, sem_gp).wait()
        pltpu.make_async_copy(e_hbm.at[pl.ds(0, C)], erp, sem_e).wait()
        @pl.when(t > 0)
        def _():
            pltpu.make_async_copy(contrib, acc.at[pl.ds(0, C)], sem_s).wait()
        for j in range(2):
            dstbp[pl.ds(16 * j, 16)] = idxp[1, pl.ds(16 * j, 16)]
        plsc.store_scatter(dstbp, [32 + lane], idxp[1, pl.ds(32, 16)],
                           mask=lane < 8)
        @pl.when(t + 2 < NCHUNK)
        def _():
            pltpu.async_copy(ei_hbm.at[:, pl.ds(ebase + (t + 2) * C, C)],
                             idxp.at[:, pl.ds(0, C)], sem_ip)
        _compute(qrp, kvrp, erp)
        @pl.when(t < NCHUNK - 1)
        def _():
            pltpu.async_copy(contrib, acc.at[dstbp], sem_s, add=True)
        @pl.when(t == NCHUNK - 1)
        def _():
            pltpu.sync_copy(contrib, acc.at[dstbp], add=True)

    pltpu.async_copy(ei_hbm.at[:, pl.ds(ebase, C)],
                     idx0.at[:, pl.ds(0, C)], sem_i0).wait()
    pltpu.async_copy(kv_hbm.at[idx0.at[0, pl.ds(0, C)]], kvr0, sem_g0)
    pltpu.async_copy(q_hbm.at[idx0.at[1, pl.ds(0, C)]], qr0, sem_g0)
    pltpu.async_copy(e_hbm.at[pl.ds(ebase, C)], er0, sem_e)
    pltpu.async_copy(ei_hbm.at[:, pl.ds(ebase + C, C)],
                     idx1.at[:, pl.ds(0, C)], sem_i1)

    def _pair(tt, carry):
        t0 = 2 * tt
        _step(t0, idx0, dstb0, qr0, kvr0, er0, sem_g0, sem_i0,
              idx1, qr1, kvr1, er1, sem_g1, sem_i1)
        _step(t0 + 1, idx1, dstb1, qr1, kvr1, er1, sem_g1, sem_i1,
              idx0, qr0, kvr0, er0, sem_g0, sem_i0)
        return carry
    lax.fori_loop(0, NCHUNK // 2, _pair, 0)

    plsc.subcore_barrier()

    def _flush(t, carry):
        cid = t * NS + s
        @pl.when(cid < NACC_CHUNKS)
        def _():
            pltpu.sync_copy(acc.at[pl.ds(cid * C, C)], contrib)
            pltpu.sync_copy(contrib, out_hbm.at[c, pl.ds(cid * C, C)])
        return carry
    lax.fori_loop(0, ACC_ITERS, _flush, 0)


def _finish_body(acc_ref, wo_ref, bo_ref, rexp_ref, out_ref):
    num = acc_ref[0, :, 0:U] + acc_ref[1, :, 0:U]
    den = acc_ref[0, :, U:U + H] + acc_ref[1, :, U:U + H]
    denr = jnp.dot(den, rexp_ref[...], preferred_element_type=jnp.float32)
    agg = num / (denr + 1e-9)
    out_ref[...] = (jnp.dot(agg, wo_ref[...],
                            preferred_element_type=jnp.float32) + bo_ref[...])


def _finish(acc, Wo, bo, rexp):
    bn = 2000
    grid = N // bn
    return pl.pallas_call(
        _finish_body,
        grid=(grid,),
        in_specs=[pl.BlockSpec((NC, bn, ACCW), lambda i: (0, i, 0)),
                  pl.BlockSpec((U, U), lambda i: (0, 0)),
                  pl.BlockSpec((1, U), lambda i: (0, 0)),
                  pl.BlockSpec((H, U), lambda i: (0, 0))],
        out_specs=pl.BlockSpec((bn, U), lambda i: (i, 0)),
        out_shape=jax.ShapeDtypeStruct((N, U), jnp.float32),
    )(acc, Wo, bo, rexp)


def kernel(x, edge_index, edge_attr, Wq, Wk, Wv, We, Wo, bo):
    perm = jnp.array(PERM, dtype=jnp.int32)
    q, kv = _qkv_proj(x, Wq[:, perm], Wk[:, perm], Wv[:, perm])
    e = _e_proj(edge_attr, We[:, perm])
    acc = _edge_kernel(edge_index, q, kv, e)
    rexp = (jnp.arange(U, dtype=jnp.int32)[None, :] // DH
            == jnp.arange(H, dtype=jnp.int32)[:, None]).astype(jnp.float32)
    return _finish(acc, Wo, bo.reshape(1, U), rexp)

# --- scband reference (transcript-rebuilt; emitter-appended) ---
"""Pipeline reference for scband-gtconv-12206297055379 (READ-ONLY COPY).

The authoritative reference and input builder live on the scoring server;
editing this copy changes nothing except your own understanding.
"""

import jax, jax.numpy as jnp
import numpy as np

N = 10000
E = 320000
D = 128
DE = 16
U = 128
H = 8
DH = U // H

def setup_inputs(seed: int = 0) -> dict:
    key = jax.random.key(seed)
    ks = jax.random.split(key, 10)
    x = jax.random.normal(ks[0], (N, D), dtype=jnp.float32)
    edge_index = jax.random.randint(ks[1], (2, E), 0, N)
    edge_attr = jax.random.normal(ks[2], (E, DE), dtype=jnp.float32)
    Wq = jax.random.normal(ks[3], (D, U), dtype=jnp.float32) * 0.05
    Wk = jax.random.normal(ks[4], (D, U), dtype=jnp.float32) * 0.05
    Wv = jax.random.normal(ks[5], (D, U), dtype=jnp.float32) * 0.05
    We = jax.random.normal(ks[6], (DE, U), dtype=jnp.float32) * 0.05
    Wo = jax.random.normal(ks[7], (U, U), dtype=jnp.float32) * 0.05
    bo = jnp.zeros((U,), dtype=jnp.float32)
    return {"x": x, "edge_index": edge_index, "edge_attr": edge_attr,
            "Wq": Wq, "Wk": Wk, "Wv": Wv, "We": We, "Wo": Wo, "bo": bo}

def reference(x, edge_index, edge_attr, Wq, Wk, Wv, We, Wo, bo):
    n = x.shape[0]
    src = edge_index[0]
    dst = edge_index[1]
    q = (x @ Wq).reshape(n, H, DH)
    k = (x @ Wk).reshape(n, H, DH)
    v = (x @ Wv).reshape(n, H, DH)
    e = (edge_attr @ We).reshape(-1, H, DH)
    # gather per-edge keys/values (source nodes) and add edge projections
    kj = jnp.take(k, src, axis=0) + e
    vj = jnp.take(v, src, axis=0) + e
    qi = jnp.take(q, dst, axis=0)
    scores = jnp.sum(qi * kj, axis=-1) / jnp.sqrt(float(DH))  # [E, H]
    # segment softmax over incoming edges of each destination node
    m = jax.ops.segment_max(scores, dst, num_segments=n)
    m = jnp.where(jnp.isfinite(m), m, 0.0)
    m = jax.lax.stop_gradient(m)
    ex = jnp.exp(scores - jnp.take(m, dst, axis=0))
    denom = jax.ops.segment_sum(ex, dst, num_segments=n)
    alpha = ex / (jnp.take(denom, dst, axis=0) + 1e-9)
    agg = jax.ops.segment_sum(alpha[:, :, None] * vj, dst, num_segments=n)  # [N, H, DH]
    out = agg.reshape(n, U) @ Wo + bo
    return out

if __name__ == "__main__":
    import jax
    _d = setup_inputs()
    print(jax.jit(kernel)(*tuple(_d.values())))

</pallas_src>

<mosaic_0001>
#map = affine_map<(d0, d1) -> (0, 0)>
#map1 = affine_map<(d0, d1) -> (0, 0, 0)>
module attributes {stable_mosaic.version = 14 : i64} {
  func.func @_edge_kernel(%arg0: i32, %arg1: i32, %arg2: memref<2x320000xi32, #tpu.memory_space<hbm>>, %arg3: memref<10000x128xbf16, #tpu.memory_space<hbm>>, %arg4: memref<10000x256xbf16, #tpu.memory_space<hbm>>, %arg5: memref<320000x128xbf16, #tpu.memory_space<hbm>>, %arg6: memref<2x10000x136xf32, #tpu.memory_space<hbm>>, %arg7: memref<2x48xi32, #tpu.memory_space<vmem>>, %arg8: memref<2x48xi32, #tpu.memory_space<vmem>>, %arg9: memref<40xi32, #tpu.memory_space<vmem>>, %arg10: memref<40xi32, #tpu.memory_space<vmem>>, %arg11: memref<40x128xbf16, #tpu.memory_space<vmem>>, %arg12: memref<40x128xbf16, #tpu.memory_space<vmem>>, %arg13: memref<40x256xbf16, #tpu.memory_space<vmem>>, %arg14: memref<40x256xbf16, #tpu.memory_space<vmem>>, %arg15: memref<40x128xbf16, #tpu.memory_space<vmem>>, %arg16: memref<40x128xbf16, #tpu.memory_space<vmem>>, %arg17: memref<40x136xf32, #tpu.memory_space<vmem>>, %arg18: memref<10000x136xf32, #tpu.memory_space<vmem_shared>>, %arg19: memref<!tpu.dma_semaphore, #tpu.memory_space<semaphore_mem>>, %arg20: memref<!tpu.dma_semaphore, #tpu.memory_space<semaphore_mem>>, %arg21: memref<!tpu.dma_semaphore, #tpu.memory_space<semaphore_mem>>, %arg22: memref<!tpu.dma_semaphore, #tpu.memory_space<semaphore_mem>>, %arg23: memref<!tpu.dma_semaphore, #tpu.memory_space<semaphore_mem>>, %arg24: memref<!tpu.dma_semaphore, #tpu.memory_space<semaphore_mem>>) attributes {dimension_semantics = [#tpu.dimension_semantics<core_parallel>, #tpu.dimension_semantics<subcore_parallel>], iteration_bounds = array<i64: 2, 16>, scalar_prefetch = 0 : i64, scratch_operands = 18 : i64, tpu.core_type = #tpu.core_type<sc_vector_subcore>, window_params = [{transform_indices = #map}, {transform_indices = #map}, {transform_indices = #map}, {transform_indices = #map}, {transform_indices = #map1}]} {
    %broadcast_in_dim3A = arith.constant 0.000000e+00 : f32
    %broadcast_in_dim3A_0 = vector.broadcast %broadcast_in_dim3A : f32 to vector<16xf32>
    %iota3A = tpu.iota {dimensions = array<i32: 0>} : vector<16xi32>
    %scan3A = arith.constant 0 : i32
    %scan3A_1 = arith.constant 0 : i32
    %scan3A_2 = arith.constant 40 : i32
    %scan3A_3 = arith.addi %scan3A_1, %scan3A_2 : i32
    %scan3A_4 = arith.constant 1 : i32
    scf.for %scan3A_76 = %scan3A_1 to %scan3A_3 step %scan3A_4  : i32 {
      %swap3A = arith.index_cast %scan3A_76 : i32 to index
      %swap3A_77 = arith.constant 0 : index
      %swap3A_78 = tpu.vector_load %arg17[%swap3A, %swap3A_77] {strides = array<i32>} : memref<40x136xf32, #tpu.memory_space<vmem>>, vector<16xf32>,
      tpu.vector_store %arg17[%swap3A, %swap3A_77], %broadcast_in_dim3A_0 {strides = array<i32>} : memref<40x136xf32, #tpu.memory_space<vmem>>, vector<16xf32>,
      %swap3A_79 = arith.index_cast %scan3A_76 : i32 to index
      %swap3A_80 = arith.constant 16 : index
      %swap3A_81 = tpu.vector_load %arg17[%swap3A_79, %swap3A_80] {strides = array<i32>} : memref<40x136xf32, #tpu.memory_space<vmem>>, vector<16xf32>,
      tpu.vector_store %arg17[%swap3A_79, %swap3A_80], %broadcast_in_dim3A_0 {strides = array<i32>} : memref<40x136xf32, #tpu.memory_space<vmem>>, vector<16xf32>,
      %swap3A_82 = arith.index_cast %scan3A_76 : i32 to index
      %swap3A_83 = arith.constant 32 : index
      %swap3A_84 = tpu.vector_load %arg17[%swap3A_82, %swap3A_83] {strides = array<i32>} : memref<40x136xf32, #tpu.memory_space<vmem>>, vector<16xf32>,
      tpu.vector_store %arg17[%swap3A_82, %swap3A_83], %broadcast_in_dim3A_0 {strides = array<i32>} : memref<40x136xf32, #tpu.memory_space<vmem>>, vector<16xf32>,
      %swap3A_85 = arith.index_cast %scan3A_76 : i32 to index
      %swap3A_86 = arith.constant 48 : index
      %swap3A_87 = tpu.vector_load %arg17[%swap3A_85, %swap3A_86] {strides = array<i32>} : memref<40x136xf32, #tpu.memory_space<vmem>>, vector<16xf32>,
      tpu.vector_store %arg17[%swap3A_85, %swap3A_86], %broadcast_in_dim3A_0 {strides = array<i32>} : memref<40x136xf32, #tpu.memory_space<vmem>>, vector<16xf32>,
      %swap3A_88 = arith.index_cast %scan3A_76 : i32 to index
      %swap3A_89 = arith.constant 64 : index
      %swap3A_90 = tpu.vector_load %arg17[%swap3A_88, %swap3A_89] {strides = array<i32>} : memref<40x136xf32, #tpu.memory_space<vmem>>, vector<16xf32>,
      tpu.vector_store %arg17[%swap3A_88, %swap3A_89], %broadcast_in_dim3A_0 {strides = array<i32>} : memref<40x136xf32, #tpu.memory_space<vmem>>, vector<16xf32>,
      %swap3A_91 = arith.index_cast %scan3A_76 : i32 to index
      %swap3A_92 = arith.constant 80 : index
      %swap3A_93 = tpu.vector_load %arg17[%swap3A_91, %swap3A_92] {strides = array<i32>} : memref<40x136xf32, #tpu.memory_space<vmem>>, vector<16xf32>,
      tpu.vector_store %arg17[%swap3A_91, %swap3A_92], %broadcast_in_dim3A_0 {strides = array<i32>} : memref<40x136xf32, #tpu.memory_space<vmem>>, vector<16xf32>,
      %swap3A_94 = arith.index_cast %scan3A_76 : i32 to index
      %swap3A_95 = arith.constant 96 : index
      %swap3A_96 = tpu.vector_load %arg17[%swap3A_94, %swap3A_95] {strides = array<i32>} : memref<40x136xf32, #tpu.memory_space<vmem>>, vector<16xf32>,
      tpu.vector_store %arg17[%swap3A_94, %swap3A_95], %broadcast_in_dim3A_0 {strides = array<i32>} : memref<40x136xf32, #tpu.memory_space<vmem>>, vector<16xf32>,
      %swap3A_97 = arith.index_cast %scan3A_76 : i32 to index
      %swap3A_98 = arith.constant 112 : index
      %swap3A_99 = tpu.vector_load %arg17[%swap3A_97, %swap3A_98] {strides = array<i32>} : memref<40x136xf32, #tpu.memory_space<vmem>>, vector<16xf32>,
      tpu.vector_store %arg17[%swap3A_97, %swap3A_98], %broadcast_in_dim3A_0 {strides = array<i32>} : memref<40x136xf32, #tpu.memory_space<vmem>>, vector<16xf32>,
      %broadcast_in_dim3A_100 = vector.broadcast %scan3A_76 : i32 to vector<16xi32>
      %add3A_101 = arith.constant 128 : i32
      %add3A_102 = vector.broadcast %add3A_101 : i32 to vector<16xi32>
      %add3A_103 = arith.addi %add3A_102, %iota3A : vector<16xi32>
      %lt3A = arith.constant 8 : i32
      %lt3A_104 = vector.broadcast %lt3A : i32 to vector<16xi32>
      %lt3A_105 = arith.cmpi slt, %iota3A, %lt3A_104 : vector<16xi32>
      tpu.vector_store_idx %arg17[%broadcast_in_dim3A_100, %add3A_103], %broadcast_in_dim3A_0 masked %lt3A_105 : memref<40x136xf32, #tpu.memory_space<vmem>>[vector<16xi32>, vector<16xi32>], vector<16xf32>, vector<16xi1>
    }
    %scan3A_5 = arith.constant 40 : i32
    %scan3A_6 = arith.constant 0 : i32
    %scan3A_7 = arith.constant 0 : i32
    %scan3A_8 = arith.constant 16 : i32
    %scan3A_9 = arith.addi %scan3A_7, %scan3A_8 : i32
    %scan3A_10 = arith.constant 1 : i32
    scf.for %scan3A_76 = %scan3A_7 to %scan3A_9 step %scan3A_10  : i32 {
      %mul3A_77 = arith.constant 16 : i32
      %mul3A_78 = arith.muli %scan3A_76, %mul3A_77 : i32
      %add3A_79 = arith.addi %mul3A_78, %arg1 : i32
      %lt3A = arith.constant 250 : i32
      %lt3A_80 = arith.cmpi slt, %add3A_79, %lt3A : i32
      %convert_element_type3A = arith.extui %lt3A_80 : i1 to i32
      %cond3A = arith.constant 0 : i32
      %cond3A_81 = arith.cmpi ne, %convert_element_type3A, %cond3A : i32
      scf.if %cond3A_81 {
        %mul3A_82 = arith.constant 40 : i32
        %mul3A_83 = arith.muli %add3A_79, %mul3A_82 : i32
        "tpu.region"() ({
          %run_scoped3A = tpu.sem_alloc : memref<!tpu.dma_semaphore, #tpu.memory_space<semaphore_mem>>
          %dma_start3A_84 = arith.constant 0 : i32
          %dma_start3A_85 = tpu.memref_slice %arg18[%mul3A_83, %dma_start3A_84] : memref<10000x136xf32, #tpu.memory_space<vmem_shared>> -> memref<40x136xf32, #tpu.memory_space<vmem_shared>>
          %dma_start3A_86 = arith.constant 0 : i32
          %dma_start3A_87 = tpu.memref_slice %arg18[%mul3A_83, %dma_start3A_86] : memref<10000x136xf32, #tpu.memory_space<vmem_shared>> -> memref<40x136xf32, #tpu.memory_space<vmem_shared>>
          tpu.enqueue_dma source(%arg17 : memref<40x136xf32, #tpu.memory_space<vmem>>) target(%dma_start3A_87 : memref<40x136xf32, #tpu.memory_space<vmem_shared>>) target_semaphore(%run_scoped3A : memref<!tpu.dma_semaphore, #tpu.memory_space<semaphore_mem>>)
          %dma_wait3A_88 = arith.constant 0 : i32
          %dma_wait3A_89 = tpu.memref_slice %arg18[%mul3A_83, %dma_wait3A_88] : memref<10000x136xf32, #tpu.memory_space<vmem_shared>> -> memref<40x136xf32, #tpu.memory_space<vmem_shared>>
          %dma_wait3A_90 = arith.constant 0 : i32
          %dma_wait3A_91 = tpu.memref_slice %arg18[%mul3A_83, %dma_wait3A_90] : memref<10000x136xf32, #tpu.memory_space<vmem_shared>> -> memref<40x136xf32, #tpu.memory_space<vmem_shared>>
          tpu.wait_dma2 semaphore(%run_scoped3A : memref<!tpu.dma_semaphore, #tpu.memory_space<semaphore_mem>>) src(%arg17 : memref<40x136xf32, #tpu.memory_space<vmem>>) dst(%dma_wait3A_91 : memref<40x136xf32, #tpu.memory_space<vmem_shared>>)
          tpu.yield
        }) : () -> ()
      } else {
      }
    }
    %scan3A_11 = arith.constant 16 : i32
    %barrier3A = arith.constant 0 : index
    tpu.barrier barrier_id(%barrier3A)
    %mul3A = arith.constant 16 : i32
    %mul3A_12 = arith.muli %arg0, %mul3A : i32
    %add3A = arith.addi %mul3A_12, %arg1 : i32
    %mul3A_13 = arith.constant 10000 : i32
    %mul3A_14 = arith.muli %add3A, %mul3A_13 : i32
    %dma_start3A = arith.constant 0 : i32
    %dma_start3A_15 = arith.constant 0 : i32
    %dma_start3A_16 = tpu.memref_slice %arg7[%dma_start3A, %dma_start3A_15] : memref<2x48xi32, #tpu.memory_space<vmem>> -> memref<2x40xi32, #tpu.memory_space<vmem>>
    %dma_start3A_17 = arith.constant 0 : i32
    %dma_start3A_18 = tpu.memref_slice %arg2[%dma_start3A_17, %mul3A_14] : memref<2x320000xi32, #tpu.memory_space<hbm>> -> memref<2x40xi32, #tpu.memory_space<hbm>>
    %dma_start3A_19 = arith.constant 0 : i32
    %dma_start3A_20 = arith.constant 0 : i32
    %dma_start3A_21 = tpu.memref_slice %arg7[%dma_start3A_19, %dma_start3A_20] : memref<2x48xi32, #tpu.memory_space<vmem>> -> memref<2x40xi32, #tpu.memory_space<vmem>>
    %dma_start3A_22 = arith.constant 0 : i32
    %dma_start3A_23 = tpu.memref_slice %arg2[%dma_start3A_22, %mul3A_14] : memref<2x320000xi32, #tpu.memory_space<hbm>> -> memref<2x40xi32, #tpu.memory_space<hbm>>
    tpu.enqueue_dma source(%dma_start3A_23 : memref<2x40xi32, #tpu.memory_space<hbm>>) target(%dma_start3A_21 : memref<2x40xi32, #tpu.memory_space<vmem>>) target_semaphore(%arg19 : memref<!tpu.dma_semaphore, #tpu.memory_space<semaphore_mem>>)
    %dma_wait3A = arith.constant 0 : i32
    %dma_wait3A_24 = arith.constant 0 : i32
    %dma_wait3A_25 = tpu.memref_slice %arg7[%dma_wait3A, %dma_wait3A_24] : memref<2x48xi32, #tpu.memory_space<vmem>> -> memref<2x40xi32, #tpu.memory_space<vmem>>
    %dma_wait3A_26 = arith.constant 0 : i32
    %dma_wait3A_27 = tpu.memref_slice %arg2[%dma_wait3A_26, %mul3A_14] : memref<2x320000xi32, #tpu.memory_space<hbm>> -> memref<2x40xi32, #tpu.memory_space<hbm>>
    %dma_wait3A_28 = arith.constant 0 : i32
    %dma_wait3A_29 = arith.constant 0 : i32
    %dma_wait3A_30 = tpu.memref_slice %arg7[%dma_wait3A_28, %dma_wait3A_29] : memref<2x48xi32, #tpu.memory_space<vmem>> -> memref<2x40xi32, #tpu.memory_space<vmem>>
    %dma_wait3A_31 = arith.constant 0 : i32
    %dma_wait3A_32 = tpu.memref_slice %arg2[%dma_wait3A_31, %mul3A_14] : memref<2x320000xi32, #tpu.memory_space<hbm>> -> memref<2x40xi32, #tpu.memory_space<hbm>>
    tpu.wait_dma2 semaphore(%arg19 : memref<!tpu.dma_semaphore, #tpu.memory_space<semaphore_mem>>) src(%dma_wait3A_32 : memref<2x40xi32, #tpu.memory_space<hbm>>) dst(%dma_wait3A_30 : memref<2x40xi32, #tpu.memory_space<vmem>>)
    %dma_start3A_33 = arith.constant 0 : i32
    %dma_start3A_34 = arith.constant 0 : i32
    %dma_start3A_35 = tpu.memref_slice %arg7[%dma_start3A_33, %dma_start3A_34] : memref<2x48xi32, #tpu.memory_space<vmem>> -> memref<1x40xi32, #tpu.memory_space<vmem>>
    %dma_start3A_36 = tpu.memref_squeeze %dma_start3A_35 : memref<1x40xi32, #tpu.memory_space<vmem>> -> memref<40xi32, #tpu.memory_space<vmem>>
    %dma_start3A_37 = arith.constant 0 : i32
    %dma_start3A_38 = arith.constant 0 : i32
    %dma_start3A_39 = tpu.memref_slice %arg4[%dma_start3A_37, %dma_start3A_38] : memref<10000x256xbf16, #tpu.memory_space<hbm>> -> memref<10000x256xbf16, #tpu.memory_space<hbm>>
    tpu.enqueue_indirect_dma source(%dma_start3A_39 : memref<10000x256xbf16, #tpu.memory_space<hbm>>) target(%arg13 : memref<40x256xbf16, #tpu.memory_space<vmem>>) offsets(%dma_start3A_36 : memref<40xi32, #tpu.memory_space<vmem>>) semaphore(%arg21 : memref<!tpu.dma_semaphore, #tpu.memory_space<semaphore_mem>>)
    %dma_start3A_40 = arith.constant 1 : i32
    %dma_start3A_41 = arith.constant 0 : i32
    %dma_start3A_42 = tpu.memref_slice %arg7[%dma_start3A_40, %dma_start3A_41] : memref<2x48xi32, #tpu.memory_space<vmem>> -> memref<1x40xi32, #tpu.memory_space<vmem>>
    %dma_start3A_43 = tpu.memref_squeeze %dma_start3A_42 : memref<1x40xi32, #tpu.memory_space<vmem>> -> memref<40xi32, #tpu.memory_space<vmem>>
    %dma_start3A_44 = arith.constant 0 : i32
    %dma_start3A_45 = arith.constant 0 : i32
    %dma_start3A_46 = tpu.memref_slice %arg3[%dma_start3A_44, %dma_start3A_45] : memref<10000x128xbf16, #tpu.memory_space<hbm>> -> memref<10000x128xbf16, #tpu.memory_space<hbm>>
    tpu.enqueue_indirect_dma source(%dma_start3A_46 : memref<10000x128xbf16, #tpu.memory_space<hbm>>) target(%arg11 : memref<40x128xbf16, #tpu.memory_space<vmem>>) offsets(%dma_start3A_43 : memref<40xi32, #tpu.memory_space<vmem>>) semaphore(%arg21 : memref<!tpu.dma_semaphore, #tpu.memory_space<semaphore_mem>>)
    %dma_start3A_47 = arith.constant 0 : i32
    %dma_start3A_48 = tpu.memref_slice %arg5[%mul3A_14, %dma_start3A_47] : memref<320000x128xbf16, #tpu.memory_space<hbm>> -> memref<40x128xbf16, #tpu.memory_space<hbm>>
    %dma_start3A_49 = arith.constant 0 : i32
    %dma_start3A_50 = tpu.memref_slice %arg5[%mul3A_14, %dma_start3A_49] : memref<320000x128xbf16, #tpu.memory_space<hbm>> -> memref<40x128xbf16, #tpu.memory_space<hbm>>
    tpu.enqueue_dma source(%dma_start3A_50 : memref<40x128xbf16, #tpu.memory_space<hbm>>) target(%arg15 : memref<40x128xbf16, #tpu.memory_space<vmem>>) target_semaphore(%arg23 : memref<!tpu.dma_semaphore, #tpu.memory_space<semaphore_mem>>)
    %add3A_51 = arith.constant 40 : i32
    %add3A_52 = arith.addi %mul3A_14, %add3A_51 : i32
    %dma_start3A_53 = arith.constant 0 : i32
    %dma_start3A_54 = arith.constant 0 : i32
    %dma_start3A_55 = tpu.memref_slice %arg8[%dma_start3A_53, %dma_start3A_54] : memref<2x48xi32, #tpu.memory_space<vmem>> -> memref<2x40xi32, #tpu.memory_space<vmem>>
    %dma_start3A_56 = arith.constant 0 : i32
    %dma_start3A_57 = tpu.memref_slice %arg2[%dma_start3A_56, %add3A_52] : memref<2x320000xi32, #tpu.memory_space<hbm>> -> memref<2x40xi32, #tpu.memory_space<hbm>>
    %dma_start3A_58 = arith.constant 0 : i32
    %dma_start3A_59 = arith.constant 0 : i32
    %dma_start3A_60 = tpu.memref_slice %arg8[%dma_start3A_58, %dma_start3A_59] : memref<2x48xi32, #tpu.memory_space<vmem>> -> memref<2x40xi32, #tpu.memory_space<vmem>>
    %dma_start3A_61 = arith.constant 0 : i32
    %dma_start3A_62 = tpu.memref_slice %arg2[%dma_start3A_61, %add3A_52] : memref<2x320000xi32, #tpu.memory_space<hbm>> -> memref<2x40xi32, #tpu.memory_space<hbm>>
    tpu.enqueue_dma source(%dma_start3A_62 : memref<2x40xi32, #tpu.memory_space<hbm>>) target(%dma_start3A_60 : memref<2x40xi32, #tpu.memory_space<vmem>>) target_semaphore(%arg20 : memref<!tpu.dma_semaphore, #tpu.memory_space<semaphore_mem>>)
    %scan3A_63 = arith.constant 0 : i32
    %scan3A_64 = arith.constant 0 : i32
    %scan3A_65 = arith.constant 125 : i32
    %scan3A_66 = arith.addi %scan3A_64, %scan3A_65 : i32
    %scan3A_67 = arith.constant 1 : i32
    scf.for %scan3A_76 = %scan3A_64 to %scan3A_66 step %scan3A_67  : i32 {
      %mul3A_77 = arith.constant 2 : i32
      %mul3A_78 = arith.muli %mul3A_77, %scan3A_76 : i32
      %add3A_79 = arith.constant 1 : i32
      %add3A_80 = arith.addi %mul3A_78, %add3A_79 : i32
      %lt3A = arith.constant 250 : i32
      %lt3A_81 = arith.cmpi slt, %add3A_80, %lt3A : i32
      %convert_element_type3A = arith.extui %lt3A_81 : i1 to i32
      %cond3A = arith.constant 0 : i32
      %cond3A_82 = arith.cmpi ne, %convert_element_type3A, %cond3A : i32
      scf.if %cond3A_82 {
        %dma_wait3A_217 = arith.constant 0 : i32
        %dma_wait3A_218 = arith.constant 0 : i32
        %dma_wait3A_219 = tpu.memref_slice %arg8[%dma_wait3A_217, %dma_wait3A_218] : memref<2x48xi32, #tpu.memory_space<vmem>> -> memref<2x40xi32, #tpu.memory_space<vmem>>
        %dma_wait3A_220 = arith.constant 0 : i32
        %dma_wait3A_221 = arith.constant 0 : i32
        %dma_wait3A_222 = tpu.memref_slice %arg2[%dma_wait3A_220, %dma_wait3A_221] : memref<2x320000xi32, #tpu.memory_space<hbm>> -> memref<2x40xi32, #tpu.memory_space<hbm>>
        %dma_wait3A_223 = arith.constant 0 : i32
        %dma_wait3A_224 = arith.constant 0 : i32
        %dma_wait3A_225 = tpu.memref_slice %arg8[%dma_wait3A_223, %dma_wait3A_224] : memref<2x48xi32, #tpu.memory_space<vmem>> -> memref<2x40xi32, #tpu.memory_space<vmem>>
        %dma_wait3A_226 = arith.constant 0 : i32
        %dma_wait3A_227 = arith.constant 0 : i32
        %dma_wait3A_228 = tpu.memref_slice %arg2[%dma_wait3A_226, %dma_wait3A_227] : memref<2x320000xi32, #tpu.memory_space<hbm>> -> memref<2x40xi32, #tpu.memory_space<hbm>>
        tpu.wait_dma2 semaphore(%arg20 : memref<!tpu.dma_semaphore, #tpu.memory_space<semaphore_mem>>) src(%dma_wait3A_228 : memref<2x40xi32, #tpu.memory_space<hbm>>) dst(%dma_wait3A_225 : memref<2x40xi32, #tpu.memory_space<vmem>>)
        %dma_start3A_229 = arith.constant 0 : i32
        %dma_start3A_230 = arith.constant 0 : i32
        %dma_start3A_231 = tpu.memref_slice %arg8[%dma_start3A_229, %dma_start3A_230] : memref<2x48xi32, #tpu.memory_space<vmem>> -> memref<1x40xi32, #tpu.memory_space<vmem>>
        %dma_start3A_232 = tpu.memref_squeeze %dma_start3A_231 : memref<1x40xi32, #tpu.memory_space<vmem>> -> memref<40xi32, #tpu.memory_space<vmem>>
        %dma_start3A_233 = arith.constant 0 : i32
        %dma_start3A_234 = arith.constant 0 : i32
        %dma_start3A_235 = tpu.memref_slice %arg4[%dma_start3A_233, %dma_start3A_234] : memref<10000x256xbf16, #tpu.memory_space<hbm>> -> memref<10000x256xbf16, #tpu.memory_space<hbm>>
        tpu.enqueue_indirect_dma source(%dma_start3A_235 : memref<10000x256xbf16, #tpu.memory_space<hbm>>) target(%arg14 : memref<40x256xbf16, #tpu.memory_space<vmem>>) offsets(%dma_start3A_232 : memref<40xi32, #tpu.memory_space<vmem>>) semaphore(%arg22 : memref<!tpu.dma_semaphore, #tpu.memory_space<semaphore_mem>>)
        %dma_start3A_236 = arith.constant 1 : i32
        %dma_start3A_237 = arith.constant 0 : i32
        %dma_start3A_238 = tpu.memref_slice %arg8[%dma_start3A_236, %dma_start3A_237] : memref<2x48xi32, #tpu.memory_space<vmem>> -> memref<1x40xi32, #tpu.memory_space<vmem>>
        %dma_start3A_239 = tpu.memref_squeeze %dma_start3A_238 : memref<1x40xi32, #tpu.memory_space<vmem>> -> memref<40xi32, #tpu.memory_space<vmem>>
        %dma_start3A_240 = arith.constant 0 : i32
        %dma_start3A_241 = arith.constant 0 : i32
        %dma_start3A_242 = tpu.memref_slice %arg3[%dma_start3A_240, %dma_start3A_241] : memref<10000x128xbf16, #tpu.memory_space<hbm>> -> memref<10000x128xbf16, #tpu.memory_space<hbm>>
        tpu.enqueue_indirect_dma source(%dma_start3A_242 : memref<10000x128xbf16, #tpu.memory_space<hbm>>) target(%arg12 : memref<40x128xbf16, #tpu.memory_space<vmem>>) offsets(%dma_start3A_239 : memref<40xi32, #tpu.memory_space<vmem>>) semaphore(%arg22 : memref<!tpu.dma_semaphore, #tpu.memory_space<semaphore_mem>>)
        %add3A_243 = arith.constant 1 : i32
        %add3A_244 = arith.addi %mul3A_78, %add3A_243 : i32
        %mul3A_245 = arith.constant 40 : i32
        %mul3A_246 = arith.muli %add3A_244, %mul3A_245 : i32
        %add3A_247 = arith.addi %mul3A_14, %mul3A_246 : i32
        %dma_start3A_248 = arith.constant 0 : i32
        %dma_start3A_249 = tpu.memref_slice %arg5[%add3A_247, %dma_start3A_248] : memref<320000x128xbf16, #tpu.memory_space<hbm>> -> memref<40x128xbf16, #tpu.memory_space<hbm>>
        %dma_start3A_250 = arith.constant 0 : i32
        %dma_start3A_251 = tpu.memref_slice %arg5[%add3A_247, %dma_start3A_250] : memref<320000x128xbf16, #tpu.memory_space<hbm>> -> memref<40x128xbf16, #tpu.memory_space<hbm>>
        tpu.enqueue_dma source(%dma_start3A_251 : memref<40x128xbf16, #tpu.memory_space<hbm>>) target(%arg16 : memref<40x128xbf16, #tpu.memory_space<vmem>>) target_semaphore(%arg23 : memref<!tpu.dma_semaphore, #tpu.memory_space<semaphore_mem>>)
      } else {
      }
      %dma_wait3A_83 = arith.constant 0 : i32
      %dma_wait3A_84 = arith.constant 0 : i32
      %dma_wait3A_85 = tpu.memref_slice %arg4[%dma_wait3A_83, %dma_wait3A_84] : memref<10000x256xbf16, #tpu.memory_space<hbm>> -> memref<40x256xbf16, #tpu.memory_space<hbm>>
      %dma_wait3A_86 = arith.constant 0 : i32
      %dma_wait3A_87 = arith.constant 0 : i32
      %dma_wait3A_88 = tpu.memref_slice %arg4[%dma_wait3A_86, %dma_wait3A_87] : memref<10000x256xbf16, #tpu.memory_space<hbm>> -> memref<40x256xbf16, #tpu.memory_space<hbm>>
      tpu.wait_dma2 semaphore(%arg21 : memref<!tpu.dma_semaphore, #tpu.memory_space<semaphore_mem>>) src(%dma_wait3A_88 : memref<40x256xbf16, #tpu.memory_space<hbm>>) dst(%arg13 : memref<40x256xbf16, #tpu.memory_space<vmem>>)
      %dma_wait3A_89 = arith.constant 0 : i32
      %dma_wait3A_90 = arith.constant 0 : i32
      %dma_wait3A_91 = tpu.memref_slice %arg3[%dma_wait3A_89, %dma_wait3A_90] : memref<10000x128xbf16, #tpu.memory_space<hbm>> -> memref<40x128xbf16, #tpu.memory_space<hbm>>
      %dma_wait3A_92 = arith.constant 0 : i32
      %dma_wait3A_93 = arith.constant 0 : i32
      %dma_wait3A_94 = tpu.memref_slice %arg3[%dma_wait3A_92, %dma_wait3A_93] : memref<10000x128xbf16, #tpu.memory_space<hbm>> -> memref<40x128xbf16, #tpu.memory_space<hbm>>
      tpu.wait_dma2 semaphore(%arg21 : memref<!tpu.dma_semaphore, #tpu.memory_space<semaphore_mem>>) src(%dma_wait3A_94 : memref<40x128xbf16, #tpu.memory_space<hbm>>) dst(%arg11 : memref<40x128xbf16, #tpu.memory_space<vmem>>)
      %dma_wait3A_95 = arith.constant 0 : i32
      %dma_wait3A_96 = arith.constant 0 : i32
      %dma_wait3A_97 = tpu.memref_slice %arg5[%dma_wait3A_95, %dma_wait3A_96] : memref<320000x128xbf16, #tpu.memory_space<hbm>> -> memref<40x128xbf16, #tpu.memory_space<hbm>>
      %dma_wait3A_98 = arith.constant 0 : i32
      %dma_wait3A_99 = arith.constant 0 : i32
      %dma_wait3A_100 = tpu.memref_slice %arg5[%dma_wait3A_98, %dma_wait3A_99] : memref<320000x128xbf16, #tpu.memory_space<hbm>> -> memref<40x128xbf16, #tpu.memory_space<hbm>>
      tpu.wait_dma2 semaphore(%arg23 : memref<!tpu.dma_semaphore, #tpu.memory_space<semaphore_mem>>) src(%dma_wait3A_100 : memref<40x128xbf16, #tpu.memory_space<hbm>>) dst(%arg15 : memref<40x128xbf16, #tpu.memory_space<vmem>>)
      %gt3A = arith.constant 0 : i32
      %gt3A_101 = arith.cmpi sgt, %mul3A_78, %gt3A : i32
      %convert_element_type3A_102 = arith.extui %gt3A_101 : i1 to i32
      %cond3A_103 = arith.constant 0 : i32
      %cond3A_104 = arith.cmpi ne, %convert_element_type3A_102, %cond3A_103 : i32
      scf.if %cond3A_104 {
        %dma_wait3A_217 = arith.constant 0 : i32
        %dma_wait3A_218 = arith.constant 0 : i32
        %dma_wait3A_219 = tpu.memref_slice %arg18[%dma_wait3A_217, %dma_wait3A_218] : memref<10000x136xf32, #tpu.memory_space<vmem_shared>> -> memref<40x136xf32, #tpu.memory_space<vmem_shared>>
        %dma_wait3A_220 = arith.constant 0 : i32
        %dma_wait3A_221 = arith.constant 0 : i32
        %dma_wait3A_222 = tpu.memref_slice %arg18[%dma_wait3A_220, %dma_wait3A_221] : memref<10000x136xf32, #tpu.memory_space<vmem_shared>> -> memref<40x136xf32, #tpu.memory_space<vmem_shared>>
        tpu.wait_dma2 semaphore(%arg24 : memref<!tpu.dma_semaphore, #tpu.memory_space<semaphore_mem>>) src(%arg17 : memref<40x136xf32, #tpu.memory_space<vmem>>) dst(%dma_wait3A_222 : memref<40x136xf32, #tpu.memory_space<vmem_shared>>)
      } else {
      }
      %get3A = arith.constant 1 : i32
      %get3A_105 = arith.index_cast %get3A : i32 to index
      %get3A_106 = arith.constant 0 : index
      %get3A_107 = tpu.vector_load %arg7[%get3A_105, %get3A_106] {strides = array<i32>} : memref<2x48xi32, #tpu.memory_space<vmem>>, vector<16xi32>,
      %swap3A = arith.constant 0 : index
      %swap3A_108 = tpu.vector_load %arg9[%swap3A] {strides = array<i32>} : memref<40xi32, #tpu.memory_space<vmem>>, vector<16xi32>,
      tpu.vector_store %arg9[%swap3A], %get3A_107 {strides = array<i32>} : memref<40xi32, #tpu.memory_space<vmem>>, vector<16xi32>,
      %get3A_109 = arith.constant 1 : i32
      %get3A_110 = arith.index_cast %get3A_109 : i32 to index
      %get3A_111 = arith.constant 16 : index
      %get3A_112 = tpu.vector_load %arg7[%get3A_110, %get3A_111] {strides = array<i32>} : memref<2x48xi32, #tpu.memory_space<vmem>>, vector<16xi32>,
      %swap3A_113 = arith.constant 16 : index
      %swap3A_114 = tpu.vector_load %arg9[%swap3A_113] {strides = array<i32>} : memref<40xi32, #tpu.memory_space<vmem>>, vector<16xi32>,
      tpu.vector_store %arg9[%swap3A_113], %get3A_112 {strides = array<i32>} : memref<40xi32, #tpu.memory_space<vmem>>, vector<16xi32>,
      %add3A_115 = arith.constant 32 : i32
      %add3A_116 = vector.broadcast %add3A_115 : i32 to vector<16xi32>
      %add3A_117 = arith.addi %add3A_116, %iota3A : vector<16xi32>
      %get3A_118 = arith.constant 1 : i32
      %get3A_119 = arith.index_cast %get3A_118 : i32 to index
      %get3A_120 = arith.constant 32 : index
      %get3A_121 = tpu.vector_load %arg7[%get3A_119, %get3A_120] {strides = array<i32>} : memref<2x48xi32, #tpu.memory_space<vmem>>, vector<16xi32>,
      %lt3A_122 = arith.constant 8 : i32
      %lt3A_123 = vector.broadcast %lt3A_122 : i32 to vector<16xi32>
      %lt3A_124 = arith.cmpi slt, %iota3A, %lt3A_123 : vector<16xi32>
      tpu.vector_store_idx %arg9[%add3A_117], %get3A_121 masked %lt3A_124 : memref<40xi32, #tpu.memory_space<vmem>>[vector<16xi32>], vector<16xi32>, vector<16xi1>
      %add3A_125 = arith.constant 2 : i32
      %add3A_126 = arith.addi %mul3A_78, %add3A_125 : i32
      %lt3A_127 = arith.constant 250 : i32
      %lt3A_128 = arith.cmpi slt, %add3A_126, %lt3A_127 : i32
      %convert_element_type3A_129 = arith.extui %lt3A_128 : i1 to i32
      %cond3A_130 = arith.constant 0 : i32
      %cond3A_131 = arith.cmpi ne, %convert_element_type3A_129, %cond3A_130 : i32
      scf.if %cond3A_131 {
        %add3A_217 = arith.constant 2 : i32
        %add3A_218 = arith.addi %mul3A_78, %add3A_217 : i32
        %mul3A_219 = arith.constant 40 : i32
        %mul3A_220 = arith.muli %add3A_218, %mul3A_219 : i32
        %add3A_221 = arith.addi %mul3A_14, %mul3A_220 : i32
        %dma_start3A_222 = arith.constant 0 : i32
        %dma_start3A_223 = arith.constant 0 : i32
        %dma_start3A_224 = tpu.memref_slice %arg7[%dma_start3A_222, %dma_start3A_223] : memref<2x48xi32, #tpu.memory_space<vmem>> -> memref<2x40xi32, #tpu.memory_space<vmem>>
        %dma_start3A_225 = arith.constant 0 : i32
        %dma_start3A_226 = tpu.memref_slice %arg2[%dma_start3A_225, %add3A_221] : memref<2x320000xi32, #tpu.memory_space<hbm>> -> memref<2x40xi32, #tpu.memory_space<hbm>>
        %dma_start3A_227 = arith.constant 0 : i32
        %dma_start3A_228 = arith.constant 0 : i32
        %dma_start3A_229 = tpu.memref_slice %arg7[%dma_start3A_227, %dma_start3A_228] : memref<2x48xi32, #tpu.memory_space<vmem>> -> memref<2x40xi32, #tpu.memory_space<vmem>>
        %dma_start3A_230 = arith.constant 0 : i32
        %dma_start3A_231 = tpu.memref_slice %arg2[%dma_start3A_230, %add3A_221] : memref<2x320000xi32, #tpu.memory_space<hbm>> -> memref<2x40xi32, #tpu.memory_space<hbm>>
        tpu.enqueue_dma source(%dma_start3A_231 : memref<2x40xi32, #tpu.memory_space<hbm>>) target(%dma_start3A_229 : memref<2x40xi32, #tpu.memory_space<vmem>>) target_semaphore(%arg19 : memref<!tpu.dma_semaphore, #tpu.memory_space<semaphore_mem>>)
      } else {
      }
      %parallel_loop3A = arith.constant 0 : i32
      %parallel_loop3A_132 = arith.constant 40 : i32
      %parallel_loop3A_133 = arith.constant 1 : i32
      scf.for %parallel_loop3A_217 = %parallel_loop3A to %parallel_loop3A_132 step %parallel_loop3A_133  : i32 {
        %parallel_loop3A_218 = arith.index_cast %parallel_loop3A_217 : i32 to index
        %parallel_loop3A_219 = arith.constant 0 : index
        %parallel_loop3A_220 = tpu.vector_load %arg15[%parallel_loop3A_218, %parallel_loop3A_219] {strides = array<i32>} : memref<40x128xbf16, #tpu.memory_space<vmem>>, vector<32xbf16>,
        %parallel_loop3A_221 = vector.bitcast %parallel_loop3A_220 : vector<32xbf16> to vector<16xi32>
        %parallel_loop3A_222 = arith.constant 16 : i32
        %parallel_loop3A_223 = vector.broadcast %parallel_loop3A_222 : i32 to vector<16xi32>
        %parallel_loop3A_224 = arith.shli %parallel_loop3A_221, %parallel_loop3A_223 : vector<16xi32>
        %parallel_loop3A_225 = vector.bitcast %parallel_loop3A_224 : vector<16xi32> to vector<16xf32>
        %parallel_loop3A_226 = arith.constant -65536 : i32
        %parallel_loop3A_227 = vector.broadcast %parallel_loop3A_226 : i32 to vector<16xi32>
        %parallel_loop3A_228 = arith.andi %parallel_loop3A_221, %parallel_loop3A_227 : vector<16xi32>
        %parallel_loop3A_229 = vector.bitcast %parallel_loop3A_228 : vector<16xi32> to vector<16xf32>
        %parallel_loop3A_230 = arith.index_cast %parallel_loop3A_217 : i32 to index
        %parallel_loop3A_231 = arith.constant 32 : index
        %parallel_loop3A_232 = tpu.vector_load %arg15[%parallel_loop3A_230, %parallel_loop3A_231] {strides = array<i32>} : memref<40x128xbf16, #tpu.memory_space<vmem>>, vector<32xbf16>,
        %parallel_loop3A_233 = vector.bitcast %parallel_loop3A_232 : vector<32xbf16> to vector<16xi32>
        %parallel_loop3A_234 = arith.constant 16 : i32
        %parallel_loop3A_235 = vector.broadcast %parallel_loop3A_234 : i32 to vector<16xi32>
        %parallel_loop3A_236 = arith.shli %parallel_loop3A_233, %parallel_loop3A_235 : vector<16xi32>
        %parallel_loop3A_237 = vector.bitcast %parallel_loop3A_236 : vector<16xi32> to vector<16xf32>
        %parallel_loop3A_238 = arith.constant -65536 : i32
        %parallel_loop3A_239 = vector.broadcast %parallel_loop3A_238 : i32 to vector<16xi32>
        %parallel_loop3A_240 = arith.andi %parallel_loop3A_233, %parallel_loop3A_239 : vector<16xi32>
        %parallel_loop3A_241 = vector.bitcast %parallel_loop3A_240 : vector<16xi32> to vector<16xf32>
        %parallel_loop3A_242 = arith.index_cast %parallel_loop3A_217 : i32 to index
        %parallel_loop3A_243 = arith.constant 64 : index
        %parallel_loop3A_244 = tpu.vector_load %arg15[%parallel_loop3A_242, %parallel_loop3A_243] {strides = array<i32>} : memref<40x128xbf16, #tpu.memory_space<vmem>>, vector<32xbf16>,
        %parallel_loop3A_245 = vector.bitcast %parallel_loop3A_244 : vector<32xbf16> to vector<16xi32>
        %parallel_loop3A_246 = arith.constant 16 : i32
        %parallel_loop3A_247 = vector.broadcast %parallel_loop3A_246 : i32 to vector<16xi32>
        %parallel_loop3A_248 = arith.shli %parallel_loop3A_245, %parallel_loop3A_247 : vector<16xi32>
        %parallel_loop3A_249 = vector.bitcast %parallel_loop3A_248 : vector<16xi32> to vector<16xf32>
        %parallel_loop3A_250 = arith.constant -65536 : i32
        %parallel_loop3A_251 = vector.broadcast %parallel_loop3A_250 : i32 to vector<16xi32>
        %parallel_loop3A_252 = arith.andi %parallel_loop3A_245, %parallel_loop3A_251 : vector<16xi32>
        %parallel_loop3A_253 = vector.bitcast %parallel_loop3A_252 : vector<16xi32> to vector<16xf32>
        %parallel_loop3A_254 = arith.index_cast %parallel_loop3A_217 : i32 to index
        %parallel_loop3A_255 = arith.constant 96 : index
        %parallel_loop3A_256 = tpu.vector_load %arg15[%parallel_loop3A_254, %parallel_loop3A_255] {strides = array<i32>} : memref<40x128xbf16, #tpu.memory_space<vmem>>, vector<32xbf16>,
        %parallel_loop3A_257 = vector.bitcast %parallel_loop3A_256 : vector<32xbf16> to vector<16xi32>
        %parallel_loop3A_258 = arith.constant 16 : i32
        %parallel_loop3A_259 = vector.broadcast %parallel_loop3A_258 : i32 to vector<16xi32>
        %parallel_loop3A_260 = arith.shli %parallel_loop3A_257, %parallel_loop3A_259 : vector<16xi32>
        %parallel_loop3A_261 = vector.bitcast %parallel_loop3A_260 : vector<16xi32> to vector<16xf32>
        %parallel_loop3A_262 = arith.constant -65536 : i32
        %parallel_loop3A_263 = vector.broadcast %parallel_loop3A_262 : i32 to vector<16xi32>
        %parallel_loop3A_264 = arith.andi %parallel_loop3A_257, %parallel_loop3A_263 : vector<16xi32>
        %parallel_loop3A_265 = vector.bitcast %parallel_loop3A_264 : vector<16xi32> to vector<16xf32>
        %parallel_loop3A_266 = arith.index_cast %parallel_loop3A_217 : i32 to index
        %parallel_loop3A_267 = arith.constant 0 : index
        %parallel_loop3A_268 = tpu.vector_load %arg11[%parallel_loop3A_266, %parallel_loop3A_267] {strides = array<i32>} : memref<40x128xbf16, #tpu.memory_space<vmem>>, vector<32xbf16>,
        %parallel_loop3A_269 = vector.bitcast %parallel_loop3A_268 : vector<32xbf16> to vector<16xi32>
        %parallel_loop3A_270 = arith.constant 16 : i32
        %parallel_loop3A_271 = vector.broadcast %parallel_loop3A_270 : i32 to vector<16xi32>
        %parallel_loop3A_272 = arith.shli %parallel_loop3A_269, %parallel_loop3A_271 : vector<16xi32>
        %parallel_loop3A_273 = vector.bitcast %parallel_loop3A_272 : vector<16xi32> to vector<16xf32>
        %parallel_loop3A_274 = arith.constant -65536 : i32
        %parallel_loop3A_275 = vector.broadcast %parallel_loop3A_274 : i32 to vector<16xi32>
        %parallel_loop3A_276 = arith.andi %parallel_loop3A_269, %parallel_loop3A_275 : vector<16xi32>
        %parallel_loop3A_277 = vector.bitcast %parallel_loop3A_276 : vector<16xi32> to vector<16xf32>
        %parallel_loop3A_278 = arith.index_cast %parallel_loop3A_217 : i32 to index
        %parallel_loop3A_279 = arith.constant 32 : index
        %parallel_loop3A_280 = tpu.vector_load %arg11[%parallel_loop3A_278, %parallel_loop3A_279] {strides = array<i32>} : memref<40x128xbf16, #tpu.memory_space<vmem>>, vector<32xbf16>,
        %parallel_loop3A_281 = vector.bitcast %parallel_loop3A_280 : vector<32xbf16> to vector<16xi32>
        %parallel_loop3A_282 = arith.constant 16 : i32
        %parallel_loop3A_283 = vector.broadcast %parallel_loop3A_282 : i32 to vector<16xi32>
        %parallel_loop3A_284 = arith.shli %parallel_loop3A_281, %parallel_loop3A_283 : vector<16xi32>
        %parallel_loop3A_285 = vector.bitcast %parallel_loop3A_284 : vector<16xi32> to vector<16xf32>
        %parallel_loop3A_286 = arith.constant -65536 : i32
        %parallel_loop3A_287 = vector.broadcast %parallel_loop3A_286 : i32 to vector<16xi32>
        %parallel_loop3A_288 = arith.andi %parallel_loop3A_281, %parallel_loop3A_287 : vector<16xi32>
        %parallel_loop3A_289 = vector.bitcast %parallel_loop3A_288 : vector<16xi32> to vector<16xf32>
        %parallel_loop3A_290 = arith.index_cast %parallel_loop3A_217 : i32 to index
        %parallel_loop3A_291 = arith.constant 64 : index
        %parallel_loop3A_292 = tpu.vector_load %arg11[%parallel_loop3A_290, %parallel_loop3A_291] {strides = array<i32>} : memref<40x128xbf16, #tpu.memory_space<vmem>>, vector<32xbf16>,
        %parallel_loop3A_293 = vector.bitcast %parallel_loop3A_292 : vector<32xbf16> to vector<16xi32>
        %parallel_loop3A_294 = arith.constant 16 : i32
        %parallel_loop3A_295 = vector.broadcast %parallel_loop3A_294 : i32 to vector<16xi32>
        %parallel_loop3A_296 = arith.shli %parallel_loop3A_293, %parallel_loop3A_295 : vector<16xi32>
        %parallel_loop3A_297 = vector.bitcast %parallel_loop3A_296 : vector<16xi32> to vector<16xf32>
        %parallel_loop3A_298 = arith.constant -65536 : i32
        %parallel_loop3A_299 = vector.broadcast %parallel_loop3A_298 : i32 to vector<16xi32>
        %parallel_loop3A_300 = arith.andi %parallel_loop3A_293, %parallel_loop3A_299 : vector<16xi32>
        %parallel_loop3A_301 = vector.bitcast %parallel_loop3A_300 : vector<16xi32> to vector<16xf32>
        %parallel_loop3A_302 = arith.index_cast %parallel_loop3A_217 : i32 to index
        %parallel_loop3A_303 = arith.constant 96 : index
        %parallel_loop3A_304 = tpu.vector_load %arg11[%parallel_loop3A_302, %parallel_loop3A_303] {strides = array<i32>} : memref<40x128xbf16, #tpu.memory_space<vmem>>, vector<32xbf16>,
        %parallel_loop3A_305 = vector.bitcast %parallel_loop3A_304 : vector<32xbf16> to vector<16xi32>
        %parallel_loop3A_306 = arith.constant 16 : i32
        %parallel_loop3A_307 = vector.broadcast %parallel_loop3A_306 : i32 to vector<16xi32>
        %parallel_loop3A_308 = arith.shli %parallel_loop3A_305, %parallel_loop3A_307 : vector<16xi32>
        %parallel_loop3A_309 = vector.bitcast %parallel_loop3A_308 : vector<16xi32> to vector<16xf32>
        %parallel_loop3A_310 = arith.constant -65536 : i32
        %parallel_loop3A_311 = vector.broadcast %parallel_loop3A_310 : i32 to vector<16xi32>
        %parallel_loop3A_312 = arith.andi %parallel_loop3A_305, %parallel_loop3A_311 : vector<16xi32>
        %parallel_loop3A_313 = vector.bitcast %parallel_loop3A_312 : vector<16xi32> to vector<16xf32>
        %parallel_loop3A_314 = arith.index_cast %parallel_loop3A_217 : i32 to index
        %parallel_loop3A_315 = arith.constant 0 : index
        %parallel_loop3A_316 = tpu.vector_load %arg13[%parallel_loop3A_314, %parallel_loop3A_315] {strides = array<i32>} : memref<40x256xbf16, #tpu.memory_space<vmem>>, vector<32xbf16>,
        %parallel_loop3A_317 = vector.bitcast %parallel_loop3A_316 : vector<32xbf16> to vector<16xi32>
        %parallel_loop3A_318 = arith.constant 16 : i32
        %parallel_loop3A_319 = vector.broadcast %parallel_loop3A_318 : i32 to vector<16xi32>
        %parallel_loop3A_320 = arith.shli %parallel_loop3A_317, %parallel_loop3A_319 : vector<16xi32>
        %parallel_loop3A_321 = vector.bitcast %parallel_loop3A_320 : vector<16xi32> to vector<16xf32>
        %parallel_loop3A_322 = arith.constant -65536 : i32
        %parallel_loop3A_323 = vector.broadcast %parallel_loop3A_322 : i32 to vector<16xi32>
        %parallel_loop3A_324 = arith.andi %parallel_loop3A_317, %parallel_loop3A_323 : vector<16xi32>
        %parallel_loop3A_325 = vector.bitcast %parallel_loop3A_324 : vector<16xi32> to vector<16xf32>
        %parallel_loop3A_326 = arith.index_cast %parallel_loop3A_217 : i32 to index
        %parallel_loop3A_327 = arith.constant 32 : index
        %parallel_loop3A_328 = tpu.vector_load %arg13[%parallel_loop3A_326, %parallel_loop3A_327] {strides = array<i32>} : memref<40x256xbf16, #tpu.memory_space<vmem>>, vector<32xbf16>,
        %parallel_loop3A_329 = vector.bitcast %parallel_loop3A_328 : vector<32xbf16> to vector<16xi32>
        %parallel_loop3A_330 = arith.constant 16 : i32
        %parallel_loop3A_331 = vector.broadcast %parallel_loop3A_330 : i32 to vector<16xi32>
        %parallel_loop3A_332 = arith.shli %parallel_loop3A_329, %parallel_loop3A_331 : vector<16xi32>
        %parallel_loop3A_333 = vector.bitcast %parallel_loop3A_332 : vector<16xi32> to vector<16xf32>
        %parallel_loop3A_334 = arith.constant -65536 : i32
        %parallel_loop3A_335 = vector.broadcast %parallel_loop3A_334 : i32 to vector<16xi32>
        %parallel_loop3A_336 = arith.andi %parallel_loop3A_329, %parallel_loop3A_335 : vector<16xi32>
        %parallel_loop3A_337 = vector.bitcast %parallel_loop3A_336 : vector<16xi32> to vector<16xf32>
        %parallel_loop3A_338 = arith.index_cast %parallel_loop3A_217 : i32 to index
        %parallel_loop3A_339 = arith.constant 64 : index
        %parallel_loop3A_340 = tpu.vector_load %arg13[%parallel_loop3A_338, %parallel_loop3A_339] {strides = array<i32>} : memref<40x256xbf16, #tpu.memory_space<vmem>>, vector<32xbf16>,
        %parallel_loop3A_341 = vector.bitcast %parallel_loop3A_340 : vector<32xbf16> to vector<16xi32>
        %parallel_loop3A_342 = arith.constant 16 : i32
        %parallel_loop3A_343 = vector.broadcast %parallel_loop3A_342 : i32 to vector<16xi32>
        %parallel_loop3A_344 = arith.shli %parallel_loop3A_341, %parallel_loop3A_343 : vector<16xi32>
        %parallel_loop3A_345 = vector.bitcast %parallel_loop3A_344 : vector<16xi32> to vector<16xf32>
        %parallel_loop3A_346 = arith.constant -65536 : i32
        %parallel_loop3A_347 = vector.broadcast %parallel_loop3A_346 : i32 to vector<16xi32>
        %parallel_loop3A_348 = arith.andi %parallel_loop3A_341, %parallel_loop3A_347 : vector<16xi32>
        %parallel_loop3A_349 = vector.bitcast %parallel_loop3A_348 : vector<16xi32> to vector<16xf32>
        %parallel_loop3A_350 = arith.index_cast %parallel_loop3A_217 : i32 to index
        %parallel_loop3A_351 = arith.constant 96 : index
        %parallel_loop3A_352 = tpu.vector_load %arg13[%parallel_loop3A_350, %parallel_loop3A_351] {strides = array<i32>} : memref<40x256xbf16, #tpu.memory_space<vmem>>, vector<32xbf16>,
        %parallel_loop3A_353 = vector.bitcast %parallel_loop3A_352 : vector<32xbf16> to vector<16xi32>
        %parallel_loop3A_354 = arith.constant 16 : i32
        %parallel_loop3A_355 = vector.broadcast %parallel_loop3A_354 : i32 to vector<16xi32>
        %parallel_loop3A_356 = arith.shli %parallel_loop3A_353, %parallel_loop3A_355 : vector<16xi32>
        %parallel_loop3A_357 = vector.bitcast %parallel_loop3A_356 : vector<16xi32> to vector<16xf32>
        %parallel_loop3A_358 = arith.constant -65536 : i32
        %parallel_loop3A_359 = vector.broadcast %parallel_loop3A_358 : i32 to vector<16xi32>
        %parallel_loop3A_360 = arith.andi %parallel_loop3A_353, %parallel_loop3A_359 : vector<16xi32>
        %parallel_loop3A_361 = vector.bitcast %parallel_loop3A_360 : vector<16xi32> to vector<16xf32>
        %parallel_loop3A_362 = arith.index_cast %parallel_loop3A_217 : i32 to index
        %parallel_loop3A_363 = arith.constant 128 : index
        %parallel_loop3A_364 = tpu.vector_load %arg13[%parallel_loop3A_362, %parallel_loop3A_363] {strides = array<i32>} : memref<40x256xbf16, #tpu.memory_space<vmem>>, vector<32xbf16>,
        %parallel_loop3A_365 = vector.bitcast %parallel_loop3A_364 : vector<32xbf16> to vector<16xi32>
        %parallel_loop3A_366 = arith.constant 16 : i32
        %parallel_loop3A_367 = vector.broadcast %parallel_loop3A_366 : i32 to vector<16xi32>
        %parallel_loop3A_368 = arith.shli %parallel_loop3A_365, %parallel_loop3A_367 : vector<16xi32>
        %parallel_loop3A_369 = vector.bitcast %parallel_loop3A_368 : vector<16xi32> to vector<16xf32>
        %parallel_loop3A_370 = arith.constant -65536 : i32
        %parallel_loop3A_371 = vector.broadcast %parallel_loop3A_370 : i32 to vector<16xi32>
        %parallel_loop3A_372 = arith.andi %parallel_loop3A_365, %parallel_loop3A_371 : vector<16xi32>
        %parallel_loop3A_373 = vector.bitcast %parallel_loop3A_372 : vector<16xi32> to vector<16xf32>
        %parallel_loop3A_374 = arith.index_cast %parallel_loop3A_217 : i32 to index
        %parallel_loop3A_375 = arith.constant 160 : index
        %parallel_loop3A_376 = tpu.vector_load %arg13[%parallel_loop3A_374, %parallel_loop3A_375] {strides = array<i32>} : memref<40x256xbf16, #tpu.memory_space<vmem>>, vector<32xbf16>,
        %parallel_loop3A_377 = vector.bitcast %parallel_loop3A_376 : vector<32xbf16> to vector<16xi32>
        %parallel_loop3A_378 = arith.constant 16 : i32
        %parallel_loop3A_379 = vector.broadcast %parallel_loop3A_378 : i32 to vector<16xi32>
        %parallel_loop3A_380 = arith.shli %parallel_loop3A_377, %parallel_loop3A_379 : vector<16xi32>
        %parallel_loop3A_381 = vector.bitcast %parallel_loop3A_380 : vector<16xi32> to vector<16xf32>
        %parallel_loop3A_382 = arith.constant -65536 : i32
        %parallel_loop3A_383 = vector.broadcast %parallel_loop3A_382 : i32 to vector<16xi32>
        %parallel_loop3A_384 = arith.andi %parallel_loop3A_377, %parallel_loop3A_383 : vector<16xi32>
        %parallel_loop3A_385 = vector.bitcast %parallel_loop3A_384 : vector<16xi32> to vector<16xf32>
        %parallel_loop3A_386 = arith.index_cast %parallel_loop3A_217 : i32 to index
        %parallel_loop3A_387 = arith.constant 192 : index
        %parallel_loop3A_388 = tpu.vector_load %arg13[%parallel_loop3A_386, %parallel_loop3A_387] {strides = array<i32>} : memref<40x256xbf16, #tpu.memory_space<vmem>>, vector<32xbf16>,
        %parallel_loop3A_389 = vector.bitcast %parallel_loop3A_388 : vector<32xbf16> to vector<16xi32>
        %parallel_loop3A_390 = arith.constant 16 : i32
        %parallel_loop3A_391 = vector.broadcast %parallel_loop3A_390 : i32 to vector<16xi32>
        %parallel_loop3A_392 = arith.shli %parallel_loop3A_389, %parallel_loop3A_391 : vector<16xi32>
        %parallel_loop3A_393 = vector.bitcast %parallel_loop3A_392 : vector<16xi32> to vector<16xf32>
        %parallel_loop3A_394 = arith.constant -65536 : i32
        %parallel_loop3A_395 = vector.broadcast %parallel_loop3A_394 : i32 to vector<16xi32>
        %parallel_loop3A_396 = arith.andi %parallel_loop3A_389, %parallel_loop3A_395 : vector<16xi32>
        %parallel_loop3A_397 = vector.bitcast %parallel_loop3A_396 : vector<16xi32> to vector<16xf32>
        %parallel_loop3A_398 = arith.index_cast %parallel_loop3A_217 : i32 to index
        %parallel_loop3A_399 = arith.constant 224 : index
        %parallel_loop3A_400 = tpu.vector_load %arg13[%parallel_loop3A_398, %parallel_loop3A_399] {strides = array<i32>} : memref<40x256xbf16, #tpu.memory_space<vmem>>, vector<32xbf16>,
        %parallel_loop3A_401 = vector.bitcast %parallel_loop3A_400 : vector<32xbf16> to vector<16xi32>
        %parallel_loop3A_402 = arith.constant 16 : i32
        %parallel_loop3A_403 = vector.broadcast %parallel_loop3A_402 : i32 to vector<16xi32>
        %parallel_loop3A_404 = arith.shli %parallel_loop3A_401, %parallel_loop3A_403 : vector<16xi32>
        %parallel_loop3A_405 = vector.bitcast %parallel_loop3A_404 : vector<16xi32> to vector<16xf32>
        %parallel_loop3A_406 = arith.constant -65536 : i32
        %parallel_loop3A_407 = vector.broadcast %parallel_loop3A_406 : i32 to vector<16xi32>
        %parallel_loop3A_408 = arith.andi %parallel_loop3A_401, %parallel_loop3A_407 : vector<16xi32>
        %parallel_loop3A_409 = vector.bitcast %parallel_loop3A_408 : vector<16xi32> to vector<16xf32>
        %parallel_loop3A_410 = arith.constant 0 : i32
        %parallel_loop3A_411 = vector.broadcast %parallel_loop3A_410 : i32 to vector<16xi32>
        %parallel_loop3A_412 = arith.cmpi eq, %iota3A, %parallel_loop3A_411 : vector<16xi32>
        %parallel_loop3A_413 = arith.addf %parallel_loop3A_321, %parallel_loop3A_225 : vector<16xf32>
        %parallel_loop3A_414 = arith.mulf %parallel_loop3A_273, %parallel_loop3A_413 : vector<16xf32>
        %parallel_loop3A_415 = arith.constant true
        %parallel_loop3A_416 = vector.broadcast %parallel_loop3A_415 : i1 to vector<16xi1>
        %parallel_loop3A_417 = tpu.scan <sum>, %parallel_loop3A_414 masked %parallel_loop3A_416 : vector<16xf32>, vector<16xi1> -> vector<16xf32>
        %parallel_loop3A_418 = vector.extract %parallel_loop3A_417[15] : f32 from vector<16xf32>
        %parallel_loop3A_419 = arith.constant 0.000000e+00 : f32
        %parallel_loop3A_420 = vector.broadcast %parallel_loop3A_418 : f32 to vector<16xf32>
        %parallel_loop3A_421 = vector.broadcast %parallel_loop3A_419 : f32 to vector<16xf32>
        %parallel_loop3A_422 = arith.select %parallel_loop3A_412, %parallel_loop3A_420, %parallel_loop3A_421 : vector<16xi1>, vector<16xf32>
        %parallel_loop3A_423 = arith.constant 1 : i32
        %parallel_loop3A_424 = vector.broadcast %parallel_loop3A_423 : i32 to vector<16xi32>
        %parallel_loop3A_425 = arith.cmpi eq, %iota3A, %parallel_loop3A_424 : vector<16xi32>
        %parallel_loop3A_426 = arith.addf %parallel_loop3A_325, %parallel_loop3A_229 : vector<16xf32>
        %parallel_loop3A_427 = arith.mulf %parallel_loop3A_277, %parallel_loop3A_426 : vector<16xf32>
        %parallel_loop3A_428 = arith.constant true
        %parallel_loop3A_429 = vector.broadcast %parallel_loop3A_428 : i1 to vector<16xi1>
        %parallel_loop3A_430 = tpu.scan <sum>, %parallel_loop3A_427 masked %parallel_loop3A_429 : vector<16xf32>, vector<16xi1> -> vector<16xf32>
        %parallel_loop3A_431 = vector.extract %parallel_loop3A_430[15] : f32 from vector<16xf32>
        %parallel_loop3A_432 = arith.constant 0.000000e+00 : f32
        %parallel_loop3A_433 = vector.broadcast %parallel_loop3A_431 : f32 to vector<16xf32>
        %parallel_loop3A_434 = vector.broadcast %parallel_loop3A_432 : f32 to vector<16xf32>
        %parallel_loop3A_435 = arith.select %parallel_loop3A_425, %parallel_loop3A_433, %parallel_loop3A_434 : vector<16xi1>, vector<16xf32>
        %parallel_loop3A_436 = arith.constant 2 : i32
        %parallel_loop3A_437 = vector.broadcast %parallel_loop3A_436 : i32 to vector<16xi32>
        %parallel_loop3A_438 = arith.cmpi eq, %iota3A, %parallel_loop3A_437 : vector<16xi32>
        %parallel_loop3A_439 = arith.addf %parallel_loop3A_333, %parallel_loop3A_237 : vector<16xf32>
        %parallel_loop3A_440 = arith.mulf %parallel_loop3A_285, %parallel_loop3A_439 : vector<16xf32>
        %parallel_loop3A_441 = arith.constant true
        %parallel_loop3A_442 = vector.broadcast %parallel_loop3A_441 : i1 to vector<16xi1>
        %parallel_loop3A_443 = tpu.scan <sum>, %parallel_loop3A_440 masked %parallel_loop3A_442 : vector<16xf32>, vector<16xi1> -> vector<16xf32>
        %parallel_loop3A_444 = vector.extract %parallel_loop3A_443[15] : f32 from vector<16xf32>
        %parallel_loop3A_445 = arith.constant 0.000000e+00 : f32
        %parallel_loop3A_446 = vector.broadcast %parallel_loop3A_444 : f32 to vector<16xf32>
        %parallel_loop3A_447 = vector.broadcast %parallel_loop3A_445 : f32 to vector<16xf32>
        %parallel_loop3A_448 = arith.select %parallel_loop3A_438, %parallel_loop3A_446, %parallel_loop3A_447 : vector<16xi1>, vector<16xf32>
        %parallel_loop3A_449 = arith.constant 3 : i32
        %parallel_loop3A_450 = vector.broadcast %parallel_loop3A_449 : i32 to vector<16xi32>
        %parallel_loop3A_451 = arith.cmpi eq, %iota3A, %parallel_loop3A_450 : vector<16xi32>
        %parallel_loop3A_452 = arith.addf %parallel_loop3A_337, %parallel_loop3A_241 : vector<16xf32>
        %parallel_loop3A_453 = arith.mulf %parallel_loop3A_289, %parallel_loop3A_452 : vector<16xf32>
        %parallel_loop3A_454 = arith.constant true
        %parallel_loop3A_455 = vector.broadcast %parallel_loop3A_454 : i1 to vector<16xi1>
        %parallel_loop3A_456 = tpu.scan <sum>, %parallel_loop3A_453 masked %parallel_loop3A_455 : vector<16xf32>, vector<16xi1> -> vector<16xf32>
        %parallel_loop3A_457 = vector.extract %parallel_loop3A_456[15] : f32 from vector<16xf32>
        %parallel_loop3A_458 = arith.constant 0.000000e+00 : f32
        %parallel_loop3A_459 = vector.broadcast %parallel_loop3A_457 : f32 to vector<16xf32>
        %parallel_loop3A_460 = vector.broadcast %parallel_loop3A_458 : f32 to vector<16xf32>
        %parallel_loop3A_461 = arith.select %parallel_loop3A_451, %parallel_loop3A_459, %parallel_loop3A_460 : vector<16xi1>, vector<16xf32>
        %parallel_loop3A_462 = arith.constant 4 : i32
        %parallel_loop3A_463 = vector.broadcast %parallel_loop3A_462 : i32 to vector<16xi32>
        %parallel_loop3A_464 = arith.cmpi eq, %iota3A, %parallel_loop3A_463 : vector<16xi32>
        %parallel_loop3A_465 = arith.addf %parallel_loop3A_345, %parallel_loop3A_249 : vector<16xf32>
        %parallel_loop3A_466 = arith.mulf %parallel_loop3A_297, %parallel_loop3A_465 : vector<16xf32>
        %parallel_loop3A_467 = arith.constant true
        %parallel_loop3A_468 = vector.broadcast %parallel_loop3A_467 : i1 to vector<16xi1>
        %parallel_loop3A_469 = tpu.scan <sum>, %parallel_loop3A_466 masked %parallel_loop3A_468 : vector<16xf32>, vector<16xi1> -> vector<16xf32>
        %parallel_loop3A_470 = vector.extract %parallel_loop3A_469[15] : f32 from vector<16xf32>
        %parallel_loop3A_471 = arith.constant 0.000000e+00 : f32
        %parallel_loop3A_472 = vector.broadcast %parallel_loop3A_470 : f32 to vector<16xf32>
        %parallel_loop3A_473 = vector.broadcast %parallel_loop3A_471 : f32 to vector<16xf32>
        %parallel_loop3A_474 = arith.select %parallel_loop3A_464, %parallel_loop3A_472, %parallel_loop3A_473 : vector<16xi1>, vector<16xf32>
        %parallel_loop3A_475 = arith.constant 5 : i32
        %parallel_loop3A_476 = vector.broadcast %parallel_loop3A_475 : i32 to vector<16xi32>
        %parallel_loop3A_477 = arith.cmpi eq, %iota3A, %parallel_loop3A_476 : vector<16xi32>
        %parallel_loop3A_478 = arith.addf %parallel_loop3A_349, %parallel_loop3A_253 : vector<16xf32>
        %parallel_loop3A_479 = arith.mulf %parallel_loop3A_301, %parallel_loop3A_478 : vector<16xf32>
        %parallel_loop3A_480 = arith.constant true
        %parallel_loop3A_481 = vector.broadcast %parallel_loop3A_480 : i1 to vector<16xi1>
        %parallel_loop3A_482 = tpu.scan <sum>, %parallel_loop3A_479 masked %parallel_loop3A_481 : vector<16xf32>, vector<16xi1> -> vector<16xf32>
        %parallel_loop3A_483 = vector.extract %parallel_loop3A_482[15] : f32 from vector<16xf32>
        %parallel_loop3A_484 = arith.constant 0.000000e+00 : f32
        %parallel_loop3A_485 = vector.broadcast %parallel_loop3A_483 : f32 to vector<16xf32>
        %parallel_loop3A_486 = vector.broadcast %parallel_loop3A_484 : f32 to vector<16xf32>
        %parallel_loop3A_487 = arith.select %parallel_loop3A_477, %parallel_loop3A_485, %parallel_loop3A_486 : vector<16xi1>, vector<16xf32>
        %parallel_loop3A_488 = arith.constant 6 : i32
        %parallel_loop3A_489 = vector.broadcast %parallel_loop3A_488 : i32 to vector<16xi32>
        %parallel_loop3A_490 = arith.cmpi eq, %iota3A, %parallel_loop3A_489 : vector<16xi32>
        %parallel_loop3A_491 = arith.addf %parallel_loop3A_357, %parallel_loop3A_261 : vector<16xf32>
        %parallel_loop3A_492 = arith.mulf %parallel_loop3A_309, %parallel_loop3A_491 : vector<16xf32>
        %parallel_loop3A_493 = arith.constant true
        %parallel_loop3A_494 = vector.broadcast %parallel_loop3A_493 : i1 to vector<16xi1>
        %parallel_loop3A_495 = tpu.scan <sum>, %parallel_loop3A_492 masked %parallel_loop3A_494 : vector<16xf32>, vector<16xi1> -> vector<16xf32>
        %parallel_loop3A_496 = vector.extract %parallel_loop3A_495[15] : f32 from vector<16xf32>
        %parallel_loop3A_497 = arith.constant 0.000000e+00 : f32
        %parallel_loop3A_498 = vector.broadcast %parallel_loop3A_496 : f32 to vector<16xf32>
        %parallel_loop3A_499 = vector.broadcast %parallel_loop3A_497 : f32 to vector<16xf32>
        %parallel_loop3A_500 = arith.select %parallel_loop3A_490, %parallel_loop3A_498, %parallel_loop3A_499 : vector<16xi1>, vector<16xf32>
        %parallel_loop3A_501 = arith.constant 7 : i32
        %parallel_loop3A_502 = vector.broadcast %parallel_loop3A_501 : i32 to vector<16xi32>
        %parallel_loop3A_503 = arith.cmpi eq, %iota3A, %parallel_loop3A_502 : vector<16xi32>
        %parallel_loop3A_504 = arith.addf %parallel_loop3A_361, %parallel_loop3A_265 : vector<16xf32>
        %parallel_loop3A_505 = arith.mulf %parallel_loop3A_313, %parallel_loop3A_504 : vector<16xf32>
        %parallel_loop3A_506 = arith.constant true
        %parallel_loop3A_507 = vector.broadcast %parallel_loop3A_506 : i1 to vector<16xi1>
        %parallel_loop3A_508 = tpu.scan <sum>, %parallel_loop3A_505 masked %parallel_loop3A_507 : vector<16xf32>, vector<16xi1> -> vector<16xf32>
        %parallel_loop3A_509 = vector.extract %parallel_loop3A_508[15] : f32 from vector<16xf32>
        %parallel_loop3A_510 = arith.constant 0.000000e+00 : f32
        %parallel_loop3A_511 = vector.broadcast %parallel_loop3A_509 : f32 to vector<16xf32>
        %parallel_loop3A_512 = vector.broadcast %parallel_loop3A_510 : f32 to vector<16xf32>
        %parallel_loop3A_513 = arith.select %parallel_loop3A_503, %parallel_loop3A_511, %parallel_loop3A_512 : vector<16xi1>, vector<16xf32>
        %parallel_loop3A_514 = arith.addf %parallel_loop3A_422, %parallel_loop3A_435 : vector<16xf32>
        %parallel_loop3A_515 = arith.addf %parallel_loop3A_448, %parallel_loop3A_461 : vector<16xf32>
        %parallel_loop3A_516 = arith.addf %parallel_loop3A_474, %parallel_loop3A_487 : vector<16xf32>
        %parallel_loop3A_517 = arith.addf %parallel_loop3A_500, %parallel_loop3A_513 : vector<16xf32>
        %parallel_loop3A_518 = arith.addf %parallel_loop3A_514, %parallel_loop3A_515 : vector<16xf32>
        %parallel_loop3A_519 = arith.addf %parallel_loop3A_516, %parallel_loop3A_517 : vector<16xf32>
        %parallel_loop3A_520 = arith.addf %parallel_loop3A_518, %parallel_loop3A_519 : vector<16xf32>
        %parallel_loop3A_521 = math.exp %parallel_loop3A_520 : vector<16xf32>
        %parallel_loop3A_522 = vector.broadcast %parallel_loop3A_217 : i32 to vector<16xi32>
        %parallel_loop3A_523 = arith.constant 128 : i32
        %parallel_loop3A_524 = vector.broadcast %parallel_loop3A_523 : i32 to vector<16xi32>
        %parallel_loop3A_525 = arith.addi %parallel_loop3A_524, %iota3A : vector<16xi32>
        %parallel_loop3A_526 = arith.constant 8 : i32
        %parallel_loop3A_527 = vector.broadcast %parallel_loop3A_526 : i32 to vector<16xi32>
        %parallel_loop3A_528 = arith.cmpi slt, %iota3A, %parallel_loop3A_527 : vector<16xi32>
        tpu.vector_store_idx %arg17[%parallel_loop3A_522, %parallel_loop3A_525], %parallel_loop3A_521 masked %parallel_loop3A_528 : memref<40x136xf32, #tpu.memory_space<vmem>>[vector<16xi32>, vector<16xi32>], vector<16xf32>, vector<16xi1>
        %parallel_loop3A_529 = vector.extract_strided_slice %parallel_loop3A_521 {offsets = [0], sizes = [1], strides = [1]} : vector<16xf32> to vector<1xf32>
        %parallel_loop3A_530 = vector.extract %parallel_loop3A_529[0] : f32 from vector<1xf32>
        %parallel_loop3A_531 = vector.broadcast %parallel_loop3A_530 : f32 to vector<16xf32>
        %parallel_loop3A_532 = arith.addf %parallel_loop3A_369, %parallel_loop3A_225 : vector<16xf32>
        %parallel_loop3A_533 = arith.mulf %parallel_loop3A_531, %parallel_loop3A_532 : vector<16xf32>
        %parallel_loop3A_534 = arith.index_cast %parallel_loop3A_217 : i32 to index
        %parallel_loop3A_535 = arith.constant 0 : index
        %parallel_loop3A_536 = tpu.vector_load %arg17[%parallel_loop3A_534, %parallel_loop3A_535] {strides = array<i32>} : memref<40x136xf32, #tpu.memory_space<vmem>>, vector<16xf32>,
        tpu.vector_store %arg17[%parallel_loop3A_534, %parallel_loop3A_535], %parallel_loop3A_533 {strides = array<i32>} : memref<40x136xf32, #tpu.memory_space<vmem>>, vector<16xf32>,
        %parallel_loop3A_537 = vector.extract_strided_slice %parallel_loop3A_521 {offsets = [1], sizes = [1], strides = [1]} : vector<16xf32> to vector<1xf32>
        %parallel_loop3A_538 = vector.extract %parallel_loop3A_537[0] : f32 from vector<1xf32>
        %parallel_loop3A_539 = vector.broadcast %parallel_loop3A_538 : f32 to vector<16xf32>
        %parallel_loop3A_540 = arith.addf %parallel_loop3A_373, %parallel_loop3A_229 : vector<16xf32>
        %parallel_loop3A_541 = arith.mulf %parallel_loop3A_539, %parallel_loop3A_540 : vector<16xf32>
        %parallel_loop3A_542 = arith.index_cast %parallel_loop3A_217 : i32 to index
        %parallel_loop3A_543 = arith.constant 16 : index
        %parallel_loop3A_544 = tpu.vector_load %arg17[%parallel_loop3A_542, %parallel_loop3A_543] {strides = array<i32>} : memref<40x136xf32, #tpu.memory_space<vmem>>, vector<16xf32>,
        tpu.vector_store %arg17[%parallel_loop3A_542, %parallel_loop3A_543], %parallel_loop3A_541 {strides = array<i32>} : memref<40x136xf32, #tpu.memory_space<vmem>>, vector<16xf32>,
        %parallel_loop3A_545 = vector.extract_strided_slice %parallel_loop3A_521 {offsets = [2], sizes = [1], strides = [1]} : vector<16xf32> to vector<1xf32>
        %parallel_loop3A_546 = vector.extract %parallel_loop3A_545[0] : f32 from vector<1xf32>
        %parallel_loop3A_547 = vector.broadcast %parallel_loop3A_546 : f32 to vector<16xf32>
        %parallel_loop3A_548 = arith.addf %parallel_loop3A_381, %parallel_loop3A_237 : vector<16xf32>
        %parallel_loop3A_549 = arith.mulf %parallel_loop3A_547, %parallel_loop3A_548 : vector<16xf32>
        %parallel_loop3A_550 = arith.index_cast %parallel_loop3A_217 : i32 to index
        %parallel_loop3A_551 = arith.constant 32 : index
        %parallel_loop3A_552 = tpu.vector_load %arg17[%parallel_loop3A_550, %parallel_loop3A_551] {strides = array<i32>} : memref<40x136xf32, #tpu.memory_space<vmem>>, vector<16xf32>,
        tpu.vector_store %arg17[%parallel_loop3A_550, %parallel_loop3A_551], %parallel_loop3A_549 {strides = array<i32>} : memref<40x136xf32, #tpu.memory_space<vmem>>, vector<16xf32>,
        %parallel_loop3A_553 = vector.extract_strided_slice %parallel_loop3A_521 {offsets = [3], sizes = [1], strides = [1]} : vector<16xf32> to vector<1xf32>
        %parallel_loop3A_554 = vector.extract %parallel_loop3A_553[0] : f32 from vector<1xf32>
        %parallel_loop3A_555 = vector.broadcast %parallel_loop3A_554 : f32 to vector<16xf32>
        %parallel_loop3A_556 = arith.addf %parallel_loop3A_385, %parallel_loop3A_241 : vector<16xf32>
        %parallel_loop3A_557 = arith.mulf %parallel_loop3A_555, %parallel_loop3A_556 : vector<16xf32>
        %parallel_loop3A_558 = arith.index_cast %parallel_loop3A_217 : i32 to index
        %parallel_loop3A_559 = arith.constant 48 : index
        %parallel_loop3A_560 = tpu.vector_load %arg17[%parallel_loop3A_558, %parallel_loop3A_559] {strides = array<i32>} : memref<40x136xf32, #tpu.memory_space<vmem>>, vector<16xf32>,
        tpu.vector_store %arg17[%parallel_loop3A_558, %parallel_loop3A_559], %parallel_loop3A_557 {strides = array<i32>} : memref<40x136xf32, #tpu.memory_space<vmem>>, vector<16xf32>,
        %parallel_loop3A_561 = vector.extract_strided_slice %parallel_loop3A_521 {offsets = [4], sizes = [1], strides = [1]} : vector<16xf32> to vector<1xf32>
        %parallel_loop3A_562 = vector.extract %parallel_loop3A_561[0] : f32 from vector<1xf32>
        %parallel_loop3A_563 = vector.broadcast %parallel_loop3A_562 : f32 to vector<16xf32>
        %parallel_loop3A_564 = arith.addf %parallel_loop3A_393, %parallel_loop3A_249 : vector<16xf32>
        %parallel_loop3A_565 = arith.mulf %parallel_loop3A_563, %parallel_loop3A_564 : vector<16xf32>
        %parallel_loop3A_566 = arith.index_cast %parallel_loop3A_217 : i32 to index
        %parallel_loop3A_567 = arith.constant 64 : index
        %parallel_loop3A_568 = tpu.vector_load %arg17[%parallel_loop3A_566, %parallel_loop3A_567] {strides = array<i32>} : memref<40x136xf32, #tpu.memory_space<vmem>>, vector<16xf32>,
        tpu.vector_store %arg17[%parallel_loop3A_566, %parallel_loop3A_567], %parallel_loop3A_565 {strides = array<i32>} : memref<40x136xf32, #tpu.memory_space<vmem>>, vector<16xf32>,
        %parallel_loop3A_569 = vector.extract_strided_slice %parallel_loop3A_521 {offsets = [5], sizes = [1], strides = [1]} : vector<16xf32> to vector<1xf32>
        %parallel_loop3A_570 = vector.extract %parallel_loop3A_569[0] : f32 from vector<1xf32>
        %parallel_loop3A_571 = vector.broadcast %parallel_loop3A_570 : f32 to vector<16xf32>
        %parallel_loop3A_572 = arith.addf %parallel_loop3A_397, %parallel_loop3A_253 : vector<16xf32>
        %parallel_loop3A_573 = arith.mulf %parallel_loop3A_571, %parallel_loop3A_572 : vector<16xf32>
        %parallel_loop3A_574 = arith.index_cast %parallel_loop3A_217 : i32 to index
        %parallel_loop3A_575 = arith.constant 80 : index
        %parallel_loop3A_576 = tpu.vector_load %arg17[%parallel_loop3A_574, %parallel_loop3A_575] {strides = array<i32>} : memref<40x136xf32, #tpu.memory_space<vmem>>, vector<16xf32>,
        tpu.vector_store %arg17[%parallel_loop3A_574, %parallel_loop3A_575], %parallel_loop3A_573 {strides = array<i32>} : memref<40x136xf32, #tpu.memory_space<vmem>>, vector<16xf32>,
        %parallel_loop3A_577 = vector.extract_strided_slice %parallel_loop3A_521 {offsets = [6], sizes = [1], strides = [1]} : vector<16xf32> to vector<1xf32>
        %parallel_loop3A_578 = vector.extract %parallel_loop3A_577[0] : f32 from vector<1xf32>
        %parallel_loop3A_579 = vector.broadcast %parallel_loop3A_578 : f32 to vector<16xf32>
        %parallel_loop3A_580 = arith.addf %parallel_loop3A_405, %parallel_loop3A_261 : vector<16xf32>
        %parallel_loop3A_581 = arith.mulf %parallel_loop3A_579, %parallel_loop3A_580 : vector<16xf32>
        %parallel_loop3A_582 = arith.index_cast %parallel_loop3A_217 : i32 to index
        %parallel_loop3A_583 = arith.constant 96 : index
        %parallel_loop3A_584 = tpu.vector_load %arg17[%parallel_loop3A_582, %parallel_loop3A_583] {strides = array<i32>} : memref<40x136xf32, #tpu.memory_space<vmem>>, vector<16xf32>,
        tpu.vector_store %arg17[%parallel_loop3A_582, %parallel_loop3A_583], %parallel_loop3A_581 {strides = array<i32>} : memref<40x136xf32, #tpu.memory_space<vmem>>, vector<16xf32>,
        %parallel_loop3A_585 = vector.extract_strided_slice %parallel_loop3A_521 {offsets = [7], sizes = [1], strides = [1]} : vector<16xf32> to vector<1xf32>
        %parallel_loop3A_586 = vector.extract %parallel_loop3A_585[0] : f32 from vector<1xf32>
        %parallel_loop3A_587 = vector.broadcast %parallel_loop3A_586 : f32 to vector<16xf32>
        %parallel_loop3A_588 = arith.addf %parallel_loop3A_409, %parallel_loop3A_265 : vector<16xf32>
        %parallel_loop3A_589 = arith.mulf %parallel_loop3A_587, %parallel_loop3A_588 : vector<16xf32>
        %parallel_loop3A_590 = arith.index_cast %parallel_loop3A_217 : i32 to index
        %parallel_loop3A_591 = arith.constant 112 : index
        %parallel_loop3A_592 = tpu.vector_load %arg17[%parallel_loop3A_590, %parallel_loop3A_591] {strides = array<i32>} : memref<40x136xf32, #tpu.memory_space<vmem>>, vector<16xf32>,
        tpu.vector_store %arg17[%parallel_loop3A_590, %parallel_loop3A_591], %parallel_loop3A_589 {strides = array<i32>} : memref<40x136xf32, #tpu.memory_space<vmem>>, vector<16xf32>,
      } {sc.loop_unroll_factor = 5 : i64, sc.parallel_access}
      %lt3A_134 = arith.constant 249 : i32
      %lt3A_135 = arith.cmpi slt, %mul3A_78, %lt3A_134 : i32
      %convert_element_type3A_136 = arith.extui %lt3A_135 : i1 to i32
      %cond3A_137 = arith.constant 0 : i32
      %cond3A_138 = arith.cmpi ne, %convert_element_type3A_136, %cond3A_137 : i32
      scf.if %cond3A_138 {
        %dma_start3A_217 = arith.constant 0 : i32
        %dma_start3A_218 = arith.constant 0 : i32
        %dma_start3A_219 = tpu.memref_slice %arg18[%dma_start3A_217, %dma_start3A_218] : memref<10000x136xf32, #tpu.memory_space<vmem_shared>> -> memref<10000x136xf32, #tpu.memory_space<vmem_shared>>
        tpu.enqueue_indirect_dma source(%arg17 : memref<40x136xf32, #tpu.memory_space<vmem>>) target(%dma_start3A_219 : memref<10000x136xf32, #tpu.memory_space<vmem_shared>>) offsets(%arg9 : memref<40xi32, #tpu.memory_space<vmem>>) semaphore(%arg24 : memref<!tpu.dma_semaphore, #tpu.memory_space<semaphore_mem>>) {add = true}
      } else {
      }
      %eq3A = arith.constant 249 : i32
      %eq3A_139 = arith.cmpi eq, %mul3A_78, %eq3A : i32
      %convert_element_type3A_140 = arith.extui %eq3A_139 : i1 to i32
      %cond3A_141 = arith.constant 0 : i32
      %cond3A_142 = arith.cmpi ne, %convert_element_type3A_140, %cond3A_141 : i32
      scf.if %cond3A_142 {
        "tpu.region"() ({
          %run_scoped3A = tpu.sem_alloc : memref<!tpu.dma_semaphore, #tpu.memory_space<semaphore_mem>>
          %dma_start3A_217 = arith.constant 0 : i32
          %dma_start3A_218 = arith.constant 0 : i32
          %dma_start3A_219 = tpu.memref_slice %arg18[%dma_start3A_217, %dma_start3A_218] : memref<10000x136xf32, #tpu.memory_space<vmem_shared>> -> memref<10000x136xf32, #tpu.memory_space<vmem_shared>>
          tpu.enqueue_indirect_dma source(%arg17 : memref<40x136xf32, #tpu.memory_space<vmem>>) target(%dma_start3A_219 : memref<10000x136xf32, #tpu.memory_space<vmem_shared>>) offsets(%arg9 : memref<40xi32, #tpu.memory_space<vmem>>) semaphore(%run_scoped3A : memref<!tpu.dma_semaphore, #tpu.memory_space<semaphore_mem>>) {add = true}
          %dma_wait3A_220 = arith.constant 0 : i32
          %dma_wait3A_221 = arith.constant 0 : i32
          %dma_wait3A_222 = tpu.memref_slice %arg18[%dma_wait3A_220, %dma_wait3A_221] : memref<10000x136xf32, #tpu.memory_space<vmem_shared>> -> memref<10000x136xf32, #tpu.memory_space<vmem_shared>>
          tpu.wait_indirect_dma semaphore(%run_scoped3A : memref<!tpu.dma_semaphore, #tpu.memory_space<semaphore_mem>>) src(%arg17 : memref<40x136xf32, #tpu.memory_space<vmem>>) dst(%dma_wait3A_222 : memref<10000x136xf32, #tpu.memory_space<vmem_shared>>)
          tpu.yield
        }) : () -> ()
      } else {
      }
      %add3A_143 = arith.constant 1 : i32
      %add3A_144 = arith.addi %mul3A_78, %add3A_143 : i32
      %add3A_145 = arith.constant 1 : i32
      %add3A_146 = arith.addi %add3A_144, %add3A_145 : i32
      %lt3A_147 = arith.constant 250 : i32
      %lt3A_148 = arith.cmpi slt, %add3A_146, %lt3A_147 : i32
      %convert_element_type3A_149 = arith.extui %lt3A_148 : i1 to i32
      %cond3A_150 = arith.constant 0 : i32
      %cond3A_151 = arith.cmpi ne, %convert_element_type3A_149, %cond3A_150 : i32
      scf.if %cond3A_151 {
        %dma_wait3A_217 = arith.constant 0 : i32
        %dma_wait3A_218 = arith.constant 0 : i32
        %dma_wait3A_219 = tpu.memref_slice %arg7[%dma_wait3A_217, %dma_wait3A_218] : memref<2x48xi32, #tpu.memory_space<vmem>> -> memref<2x40xi32, #tpu.memory_space<vmem>>
        %dma_wait3A_220 = arith.constant 0 : i32
        %dma_wait3A_221 = arith.constant 0 : i32
        %dma_wait3A_222 = tpu.memref_slice %arg2[%dma_wait3A_220, %dma_wait3A_221] : memref<2x320000xi32, #tpu.memory_space<hbm>> -> memref<2x40xi32, #tpu.memory_space<hbm>>
        %dma_wait3A_223 = arith.constant 0 : i32
        %dma_wait3A_224 = arith.constant 0 : i32
        %dma_wait3A_225 = tpu.memref_slice %arg7[%dma_wait3A_223, %dma_wait3A_224] : memref<2x48xi32, #tpu.memory_space<vmem>> -> memref<2x40xi32, #tpu.memory_space<vmem>>
        %dma_wait3A_226 = arith.constant 0 : i32
        %dma_wait3A_227 = arith.constant 0 : i32
        %dma_wait3A_228 = tpu.memref_slice %arg2[%dma_wait3A_226, %dma_wait3A_227] : memref<2x320000xi32, #tpu.memory_space<hbm>> -> memref<2x40xi32, #tpu.memory_space<hbm>>
        tpu.wait_dma2 semaphore(%arg19 : memref<!tpu.dma_semaphore, #tpu.memory_space<semaphore_mem>>) src(%dma_wait3A_228 : memref<2x40xi32, #tpu.memory_space<hbm>>) dst(%dma_wait3A_225 : memref<2x40xi32, #tpu.memory_space<vmem>>)
        %dma_start3A_229 = arith.constant 0 : i32
        %dma_start3A_230 = arith.constant 0 : i32
        %dma_start3A_231 = tpu.memref_slice %arg7[%dma_start3A_229, %dma_start3A_230] : memref<2x48xi32, #tpu.memory_space<vmem>> -> memref<1x40xi32, #tpu.memory_space<vmem>>
        %dma_start3A_232 = tpu.memref_squeeze %dma_start3A_231 : memref<1x40xi32, #tpu.memory_space<vmem>> -> memref<40xi32, #tpu.memory_space<vmem>>
        %dma_start3A_233 = arith.constant 0 : i32
        %dma_start3A_234 = arith.constant 0 : i32
        %dma_start3A_235 = tpu.memref_slice %arg4[%dma_start3A_233, %dma_start3A_234] : memref<10000x256xbf16, #tpu.memory_space<hbm>> -> memref<10000x256xbf16, #tpu.memory_space<hbm>>
        tpu.enqueue_indirect_dma source(%dma_start3A_235 : memref<10000x256xbf16, #tpu.memory_space<hbm>>) target(%arg13 : memref<40x256xbf16, #tpu.memory_space<vmem>>) offsets(%dma_start3A_232 : memref<40xi32, #tpu.memory_space<vmem>>) semaphore(%arg21 : memref<!tpu.dma_semaphore, #tpu.memory_space<semaphore_mem>>)
        %dma_start3A_236 = arith.constant 1 : i32
        %dma_start3A_237 = arith.constant 0 : i32
        %dma_start3A_238 = tpu.memref_slice %arg7[%dma_start3A_236, %dma_start3A_237] : memref<2x48xi32, #tpu.memory_space<vmem>> -> memref<1x40xi32, #tpu.memory_space<vmem>>
        %dma_start3A_239 = tpu.memref_squeeze %dma_start3A_238 : memref<1x40xi32, #tpu.memory_space<vmem>> -> memref<40xi32, #tpu.memory_space<vmem>>
        %dma_start3A_240 = arith.constant 0 : i32
        %dma_start3A_241 = arith.constant 0 : i32
        %dma_start3A_242 = tpu.memref_slice %arg3[%dma_start3A_240, %dma_start3A_241] : memref<10000x128xbf16, #tpu.memory_space<hbm>> -> memref<10000x128xbf16, #tpu.memory_space<hbm>>
        tpu.enqueue_indirect_dma source(%dma_start3A_242 : memref<10000x128xbf16, #tpu.memory_space<hbm>>) target(%arg11 : memref<40x128xbf16, #tpu.memory_space<vmem>>) offsets(%dma_start3A_239 : memref<40xi32, #tpu.memory_space<vmem>>) semaphore(%arg21 : memref<!tpu.dma_semaphore, #tpu.memory_space<semaphore_mem>>)
        %add3A_243 = arith.constant 1 : i32
        %add3A_244 = arith.addi %add3A_144, %add3A_243 : i32
        %mul3A_245 = arith.constant 40 : i32
        %mul3A_246 = arith.muli %add3A_244, %mul3A_245 : i32
        %add3A_247 = arith.addi %mul3A_14, %mul3A_246 : i32
        %dma_start3A_248 = arith.constant 0 : i32
        %dma_start3A_249 = tpu.memref_slice %arg5[%add3A_247, %dma_start3A_248] : memref<320000x128xbf16, #tpu.memory_space<hbm>> -> memref<40x128xbf16, #tpu.memory_space<hbm>>
        %dma_start3A_250 = arith.constant 0 : i32
        %dma_start3A_251 = tpu.memref_slice %arg5[%add3A_247, %dma_start3A_250] : memref<320000x128xbf16, #tpu.memory_space<hbm>> -> memref<40x128xbf16, #tpu.memory_space<hbm>>
        tpu.enqueue_dma source(%dma_start3A_251 : memref<40x128xbf16, #tpu.memory_space<hbm>>) target(%arg15 : memref<40x128xbf16, #tpu.memory_space<vmem>>) target_semaphore(%arg23 : memref<!tpu.dma_semaphore, #tpu.memory_space<semaphore_mem>>)
      } else {
      }
      %dma_wait3A_152 = arith.constant 0 : i32
      %dma_wait3A_153 = arith.constant 0 : i32
      %dma_wait3A_154 = tpu.memref_slice %arg4[%dma_wait3A_152, %dma_wait3A_153] : memref<10000x256xbf16, #tpu.memory_space<hbm>> -> memref<40x256xbf16, #tpu.memory_space<hbm>>
      %dma_wait3A_155 = arith.constant 0 : i32
      %dma_wait3A_156 = arith.constant 0 : i32
      %dma_wait3A_157 = tpu.memref_slice %arg4[%dma_wait3A_155, %dma_wait3A_156] : memref<10000x256xbf16, #tpu.memory_space<hbm>> -> memref<40x256xbf16, #tpu.memory_space<hbm>>
      tpu.wait_dma2 semaphore(%arg22 : memref<!tpu.dma_semaphore, #tpu.memory_space<semaphore_mem>>) src(%dma_wait3A_157 : memref<40x256xbf16, #tpu.memory_space<hbm>>) dst(%arg14 : memref<40x256xbf16, #tpu.memory_space<vmem>>)
      %dma_wait3A_158 = arith.constant 0 : i32
      %dma_wait3A_159 = arith.constant 0 : i32
      %dma_wait3A_160 = tpu.memref_slice %arg3[%dma_wait3A_158, %dma_wait3A_159] : memref<10000x128xbf16, #tpu.memory_space<hbm>> -> memref<40x128xbf16, #tpu.memory_space<hbm>>
      %dma_wait3A_161 = arith.constant 0 : i32
      %dma_wait3A_162 = arith.constant 0 : i32
      %dma_wait3A_163 = tpu.memref_slice %arg3[%dma_wait3A_161, %dma_wait3A_162] : memref<10000x128xbf16, #tpu.memory_space<hbm>> -> memref<40x128xbf16, #tpu.memory_space<hbm>>
      tpu.wait_dma2 semaphore(%arg22 : memref<!tpu.dma_semaphore, #tpu.memory_space<semaphore_mem>>) src(%dma_wait3A_163 : memref<40x128xbf16, #tpu.memory_space<hbm>>) dst(%arg12 : memref<40x128xbf16, #tpu.memory_space<vmem>>)
      %dma_wait3A_164 = arith.constant 0 : i32
      %dma_wait3A_165 = arith.constant 0 : i32
      %dma_wait3A_166 = tpu.memref_slice %arg5[%dma_wait3A_164, %dma_wait3A_165] : memref<320000x128xbf16, #tpu.memory_space<hbm>> -> memref<40x128xbf16, #tpu.memory_space<hbm>>
      %dma_wait3A_167 = arith.constant 0 : i32
      %dma_wait3A_168 = arith.constant 0 : i32
      %dma_wait3A_169 = tpu.memref_slice %arg5[%dma_wait3A_167, %dma_wait3A_168] : memref<320000x128xbf16, #tpu.memory_space<hbm>> -> memref<40x128xbf16, #tpu.memory_space<hbm>>
      tpu.wait_dma2 semaphore(%arg23 : memref<!tpu.dma_semaphore, #tpu.memory_space<semaphore_mem>>) src(%dma_wait3A_169 : memref<40x128xbf16, #tpu.memory_space<hbm>>) dst(%arg16 : memref<40x128xbf16, #tpu.memory_space<vmem>>)
      %gt3A_170 = arith.constant 0 : i32
      %gt3A_171 = arith.cmpi sgt, %add3A_144, %gt3A_170 : i32
      %convert_element_type3A_172 = arith.extui %gt3A_171 : i1 to i32
      %cond3A_173 = arith.constant 0 : i32
      %cond3A_174 = arith.cmpi ne, %convert_element_type3A_172, %cond3A_173 : i32
      scf.if %cond3A_174 {
        %dma_wait3A_217 = arith.constant 0 : i32
        %dma_wait3A_218 = arith.constant 0 : i32
        %dma_wait3A_219 = tpu.memref_slice %arg18[%dma_wait3A_217, %dma_wait3A_218] : memref<10000x136xf32, #tpu.memory_space<vmem_shared>> -> memref<40x136xf32, #tpu.memory_space<vmem_shared>>
        %dma_wait3A_220 = arith.constant 0 : i32
        %dma_wait3A_221 = arith.constant 0 : i32
        %dma_wait3A_222 = tpu.memref_slice %arg18[%dma_wait3A_220, %dma_wait3A_221] : memref<10000x136xf32, #tpu.memory_space<vmem_shared>> -> memref<40x136xf32, #tpu.memory_space<vmem_shared>>
        tpu.wait_dma2 semaphore(%arg24 : memref<!tpu.dma_semaphore, #tpu.memory_space<semaphore_mem>>) src(%arg17 : memref<40x136xf32, #tpu.memory_space<vmem>>) dst(%dma_wait3A_222 : memref<40x136xf32, #tpu.memory_space<vmem_shared>>)
      } else {
      }
      %get3A_175 = arith.constant 1 : i32
      %get3A_176 = arith.index_cast %get3A_175 : i32 to index
      %get3A_177 = arith.constant 0 : index
      %get3A_178 = tpu.vector_load %arg8[%get3A_176, %get3A_177] {strides = array<i32>} : memref<2x48xi32, #tpu.memory_space<vmem>>, vector<16xi32>,
      %swap3A_179 = arith.constant 0 : index
      %swap3A_180 = tpu.vector_load %arg10[%swap3A_179] {strides = array<i32>} : memref<40xi32, #tpu.memory_space<vmem>>, vector<16xi32>,
      tpu.vector_store %arg10[%swap3A_179], %get3A_178 {strides = array<i32>} : memref<40xi32, #tpu.memory_space<vmem>>, vector<16xi32>,
      %get3A_181 = arith.constant 1 : i32
      %get3A_182 = arith.index_cast %get3A_181 : i32 to index
      %get3A_183 = arith.constant 16 : index
      %get3A_184 = tpu.vector_load %arg8[%get3A_182, %get3A_183] {strides = array<i32>} : memref<2x48xi32, #tpu.memory_space<vmem>>, vector<16xi32>,
      %swap3A_185 = arith.constant 16 : index
      %swap3A_186 = tpu.vector_load %arg10[%swap3A_185] {strides = array<i32>} : memref<40xi32, #tpu.memory_space<vmem>>, vector<16xi32>,
      tpu.vector_store %arg10[%swap3A_185], %get3A_184 {strides = array<i32>} : memref<40xi32, #tpu.memory_space<vmem>>, vector<16xi32>,
      %add3A_187 = arith.constant 32 : i32
      %add3A_188 = vector.broadcast %add3A_187 : i32 to vector<16xi32>
      %add3A_189 = arith.addi %add3A_188, %iota3A : vector<16xi32>
      %get3A_190 = arith.constant 1 : i32
      %get3A_191 = arith.index_cast %get3A_190 : i32 to index
      %get3A_192 = arith.constant 32 : index
      %get3A_193 = tpu.vector_load %arg8[%get3A_191, %get3A_192] {strides = array<i32>} : memref<2x48xi32, #tpu.memory_space<vmem>>, vector<16xi32>,
      %lt3A_194 = arith.constant 8 : i32
      %lt3A_195 = vector.broadcast %lt3A_194 : i32 to vector<16xi32>
      %lt3A_196 = arith.cmpi slt, %iota3A, %lt3A_195 : vector<16xi32>
      tpu.vector_store_idx %arg10[%add3A_189], %get3A_193 masked %lt3A_196 : memref<40xi32, #tpu.memory_space<vmem>>[vector<16xi32>], vector<16xi32>, vector<16xi1>
      %add3A_197 = arith.constant 2 : i32
      %add3A_198 = arith.addi %add3A_144, %add3A_197 : i32
      %lt3A_199 = arith.constant 250 : i32
      %lt3A_200 = arith.cmpi slt, %add3A_198, %lt3A_199 : i32
      %convert_element_type3A_201 = arith.extui %lt3A_200 : i1 to i32
      %cond3A_202 = arith.constant 0 : i32
      %cond3A_203 = arith.cmpi ne, %convert_element_type3A_201, %cond3A_202 : i32
      scf.if %cond3A_203 {
        %add3A_217 = arith.constant 2 : i32
        %add3A_218 = arith.addi %add3A_144, %add3A_217 : i32
        %mul3A_219 = arith.constant 40 : i32
        %mul3A_220 = arith.muli %add3A_218, %mul3A_219 : i32
        %add3A_221 = arith.addi %mul3A_14, %mul3A_220 : i32
        %dma_start3A_222 = arith.constant 0 : i32
        %dma_start3A_223 = arith.constant 0 : i32
        %dma_start3A_224 = tpu.memref_slice %arg8[%dma_start3A_222, %dma_start3A_223] : memref<2x48xi32, #tpu.memory_space<vmem>> -> memref<2x40xi32, #tpu.memory_space<vmem>>
        %dma_start3A_225 = arith.constant 0 : i32
        %dma_start3A_226 = tpu.memref_slice %arg2[%dma_start3A_225, %add3A_221] : memref<2x320000xi32, #tpu.memory_space<hbm>> -> memref<2x40xi32, #tpu.memory_space<hbm>>
        %dma_start3A_227 = arith.constant 0 : i32
        %dma_start3A_228 = arith.constant 0 : i32
        %dma_start3A_229 = tpu.memref_slice %arg8[%dma_start3A_227, %dma_start3A_228] : memref<2x48xi32, #tpu.memory_space<vmem>> -> memref<2x40xi32, #tpu.memory_space<vmem>>
        %dma_start3A_230 = arith.constant 0 : i32
        %dma_start3A_231 = tpu.memref_slice %arg2[%dma_start3A_230, %add3A_221] : memref<2x320000xi32, #tpu.memory_space<hbm>> -> memref<2x40xi32, #tpu.memory_space<hbm>>
        tpu.enqueue_dma source(%dma_start3A_231 : memref<2x40xi32, #tpu.memory_space<hbm>>) target(%dma_start3A_229 : memref<2x40xi32, #tpu.memory_space<vmem>>) target_semaphore(%arg20 : memref<!tpu.dma_semaphore, #tpu.memory_space<semaphore_mem>>)
      } else {
      }
      %parallel_loop3A_204 = arith.constant 0 : i32
      %parallel_loop3A_205 = arith.constant 40 : i32
      %parallel_loop3A_206 = arith.constant 1 : i32
      scf.for %parallel_loop3A_217 = %parallel_loop3A_204 to %parallel_loop3A_205 step %parallel_loop3A_206  : i32 {
        %parallel_loop3A_218 = arith.index_cast %parallel_loop3A_217 : i32 to index
        %parallel_loop3A_219 = arith.constant 0 : index
        %parallel_loop3A_220 = tpu.vector_load %arg16[%parallel_loop3A_218, %parallel_loop3A_219] {strides = array<i32>} : memref<40x128xbf16, #tpu.memory_space<vmem>>, vector<32xbf16>,
        %parallel_loop3A_221 = vector.bitcast %parallel_loop3A_220 : vector<32xbf16> to vector<16xi32>
        %parallel_loop3A_222 = arith.constant 16 : i32
        %parallel_loop3A_223 = vector.broadcast %parallel_loop3A_222 : i32 to vector<16xi32>
        %parallel_loop3A_224 = arith.shli %parallel_loop3A_221, %parallel_loop3A_223 : vector<16xi32>
        %parallel_loop3A_225 = vector.bitcast %parallel_loop3A_224 : vector<16xi32> to vector<16xf32>
        %parallel_loop3A_226 = arith.constant -65536 : i32
        %parallel_loop3A_227 = vector.broadcast %parallel_loop3A_226 : i32 to vector<16xi32>
        %parallel_loop3A_228 = arith.andi %parallel_loop3A_221, %parallel_loop3A_227 : vector<16xi32>
        %parallel_loop3A_229 = vector.bitcast %parallel_loop3A_228 : vector<16xi32> to vector<16xf32>
        %parallel_loop3A_230 = arith.index_cast %parallel_loop3A_217 : i32 to index
        %parallel_loop3A_231 = arith.constant 32 : index
        %parallel_loop3A_232 = tpu.vector_load %arg16[%parallel_loop3A_230, %parallel_loop3A_231] {strides = array<i32>} : memref<40x128xbf16, #tpu.memory_space<vmem>>, vector<32xbf16>,
        %parallel_loop3A_233 = vector.bitcast %parallel_loop3A_232 : vector<32xbf16> to vector<16xi32>
        %parallel_loop3A_234 = arith.constant 16 : i32
        %parallel_loop3A_235 = vector.broadcast %parallel_loop3A_234 : i32 to vector<16xi32>
        %parallel_loop3A_236 = arith.shli %parallel_loop3A_233, %parallel_loop3A_235 : vector<16xi32>
        %parallel_loop3A_237 = vector.bitcast %parallel_loop3A_236 : vector<16xi32> to vector<16xf32>
        %parallel_loop3A_238 = arith.constant -65536 : i32
        %parallel_loop3A_239 = vector.broadcast %parallel_loop3A_238 : i32 to vector<16xi32>
        %parallel_loop3A_240 = arith.andi %parallel_loop3A_233, %parallel_loop3A_239 : vector<16xi32>
        %parallel_loop3A_241 = vector.bitcast %parallel_loop3A_240 : vector<16xi32> to vector<16xf32>
        %parallel_loop3A_242 = arith.index_cast %parallel_loop3A_217 : i32 to index
        %parallel_loop3A_243 = arith.constant 64 : index
        %parallel_loop3A_244 = tpu.vector_load %arg16[%parallel_loop3A_242, %parallel_loop3A_243] {strides = array<i32>} : memref<40x128xbf16, #tpu.memory_space<vmem>>, vector<32xbf16>,
        %parallel_loop3A_245 = vector.bitcast %parallel_loop3A_244 : vector<32xbf16> to vector<16xi32>
        %parallel_loop3A_246 = arith.constant 16 : i32
        %parallel_loop3A_247 = vector.broadcast %parallel_loop3A_246 : i32 to vector<16xi32>
        %parallel_loop3A_248 = arith.shli %parallel_loop3A_245, %parallel_loop3A_247 : vector<16xi32>
        %parallel_loop3A_249 = vector.bitcast %parallel_loop3A_248 : vector<16xi32> to vector<16xf32>
        %parallel_loop3A_250 = arith.constant -65536 : i32
        %parallel_loop3A_251 = vector.broadcast %parallel_loop3A_250 : i32 to vector<16xi32>
        %parallel_loop3A_252 = arith.andi %parallel_loop3A_245, %parallel_loop3A_251 : vector<16xi32>
        %parallel_loop3A_253 = vector.bitcast %parallel_loop3A_252 : vector<16xi32> to vector<16xf32>
        %parallel_loop3A_254 = arith.index_cast %parallel_loop3A_217 : i32 to index
        %parallel_loop3A_255 = arith.constant 96 : index
        %parallel_loop3A_256 = tpu.vector_load %arg16[%parallel_loop3A_254, %parallel_loop3A_255] {strides = array<i32>} : memref<40x128xbf16, #tpu.memory_space<vmem>>, vector<32xbf16>,
        %parallel_loop3A_257 = vector.bitcast %parallel_loop3A_256 : vector<32xbf16> to vector<16xi32>
        %parallel_loop3A_258 = arith.constant 16 : i32
        %parallel_loop3A_259 = vector.broadcast %parallel_loop3A_258 : i32 to vector<16xi32>
        %parallel_loop3A_260 = arith.shli %parallel_loop3A_257, %parallel_loop3A_259 : vector<16xi32>
        %parallel_loop3A_261 = vector.bitcast %parallel_loop3A_260 : vector<16xi32> to vector<16xf32>
        %parallel_loop3A_262 = arith.constant -65536 : i32
        %parallel_loop3A_263 = vector.broadcast %parallel_loop3A_262 : i32 to vector<16xi32>
        %parallel_loop3A_264 = arith.andi %parallel_loop3A_257, %parallel_loop3A_263 : vector<16xi32>
        %parallel_loop3A_265 = vector.bitcast %parallel_loop3A_264 : vector<16xi32> to vector<16xf32>
        %parallel_loop3A_266 = arith.index_cast %parallel_loop3A_217 : i32 to index
        %parallel_loop3A_267 = arith.constant 0 : index
        %parallel_loop3A_268 = tpu.vector_load %arg12[%parallel_loop3A_266, %parallel_loop3A_267] {strides = array<i32>} : memref<40x128xbf16, #tpu.memory_space<vmem>>, vector<32xbf16>,
        %parallel_loop3A_269 = vector.bitcast %parallel_loop3A_268 : vector<32xbf16> to vector<16xi32>
        %parallel_loop3A_270 = arith.constant 16 : i32
        %parallel_loop3A_271 = vector.broadcast %parallel_loop3A_270 : i32 to vector<16xi32>
        %parallel_loop3A_272 = arith.shli %parallel_loop3A_269, %parallel_loop3A_271 : vector<16xi32>
        %parallel_loop3A_273 = vector.bitcast %parallel_loop3A_272 : vector<16xi32> to vector<16xf32>
        %parallel_loop3A_274 = arith.constant -65536 : i32
        %parallel_loop3A_275 = vector.broadcast %parallel_loop3A_274 : i32 to vector<16xi32>
        %parallel_loop3A_276 = arith.andi %parallel_loop3A_269, %parallel_loop3A_275 : vector<16xi32>
        %parallel_loop3A_277 = vector.bitcast %parallel_loop3A_276 : vector<16xi32> to vector<16xf32>
        %parallel_loop3A_278 = arith.index_cast %parallel_loop3A_217 : i32 to index
        %parallel_loop3A_279 = arith.constant 32 : index
        %parallel_loop3A_280 = tpu.vector_load %arg12[%parallel_loop3A_278, %parallel_loop3A_279] {strides = array<i32>} : memref<40x128xbf16, #tpu.memory_space<vmem>>, vector<32xbf16>,
        %parallel_loop3A_281 = vector.bitcast %parallel_loop3A_280 : vector<32xbf16> to vector<16xi32>
        %parallel_loop3A_282 = arith.constant 16 : i32
        %parallel_loop3A_283 = vector.broadcast %parallel_loop3A_282 : i32 to vector<16xi32>
        %parallel_loop3A_284 = arith.shli %parallel_loop3A_281, %parallel_loop3A_283 : vector<16xi32>
        %parallel_loop3A_285 = vector.bitcast %parallel_loop3A_284 : vector<16xi32> to vector<16xf32>
        %parallel_loop3A_286 = arith.constant -65536 : i32
        %parallel_loop3A_287 = vector.broadcast %parallel_loop3A_286 : i32 to vector<16xi32>
        %parallel_loop3A_288 = arith.andi %parallel_loop3A_281, %parallel_loop3A_287 : vector<16xi32>
        %parallel_loop3A_289 = vector.bitcast %parallel_loop3A_288 : vector<16xi32> to vector<16xf32>
        %parallel_loop3A_290 = arith.index_cast %parallel_loop3A_217 : i32 to index
        %parallel_loop3A_291 = arith.constant 64 : index
        %parallel_loop3A_292 = tpu.vector_load %arg12[%parallel_loop3A_290, %parallel_loop3A_291] {strides = array<i32>} : memref<40x128xbf16, #tpu.memory_space<vmem>>, vector<32xbf16>,
        %parallel_loop3A_293 = vector.bitcast %parallel_loop3A_292 : vector<32xbf16> to vector<16xi32>
        %parallel_loop3A_294 = arith.constant 16 : i32
        %parallel_loop3A_295 = vector.broadcast %parallel_loop3A_294 : i32 to vector<16xi32>
        %parallel_loop3A_296 = arith.shli %parallel_loop3A_293, %parallel_loop3A_295 : vector<16xi32>
        %parallel_loop3A_297 = vector.bitcast %parallel_loop3A_296 : vector<16xi32> to vector<16xf32>
        %parallel_loop3A_298 = arith.constant -65536 : i32
        %parallel_loop3A_299 = vector.broadcast %parallel_loop3A_298 : i32 to vector<16xi32>
        %parallel_loop3A_300 = arith.andi %parallel_loop3A_293, %parallel_loop3A_299 : vector<16xi32>
        %parallel_loop3A_301 = vector.bitcast %parallel_loop3A_300 : vector<16xi32> to vector<16xf32>
        %parallel_loop3A_302 = arith.index_cast %parallel_loop3A_217 : i32 to index
        %parallel_loop3A_303 = arith.constant 96 : index
        %parallel_loop3A_304 = tpu.vector_load %arg12[%parallel_loop3A_302, %parallel_loop3A_303] {strides = array<i32>} : memref<40x128xbf16, #tpu.memory_space<vmem>>, vector<32xbf16>,
        %parallel_loop3A_305 = vector.bitcast %parallel_loop3A_304 : vector<32xbf16> to vector<16xi32>
        %parallel_loop3A_306 = arith.constant 16 : i32
        %parallel_loop3A_307 = vector.broadcast %parallel_loop3A_306 : i32 to vector<16xi32>
        %parallel_loop3A_308 = arith.shli %parallel_loop3A_305, %parallel_loop3A_307 : vector<16xi32>
        %parallel_loop3A_309 = vector.bitcast %parallel_loop3A_308 : vector<16xi32> to vector<16xf32>
        %parallel_loop3A_310 = arith.constant -65536 : i32
        %parallel_loop3A_311 = vector.broadcast %parallel_loop3A_310 : i32 to vector<16xi32>
        %parallel_loop3A_312 = arith.andi %parallel_loop3A_305, %parallel_loop3A_311 : vector<16xi32>
        %parallel_loop3A_313 = vector.bitcast %parallel_loop3A_312 : vector<16xi32> to vector<16xf32>
        %parallel_loop3A_314 = arith.index_cast %parallel_loop3A_217 : i32 to index
        %parallel_loop3A_315 = arith.constant 0 : index
        %parallel_loop3A_316 = tpu.vector_load %arg14[%parallel_loop3A_314, %parallel_loop3A_315] {strides = array<i32>} : memref<40x256xbf16, #tpu.memory_space<vmem>>, vector<32xbf16>,
        %parallel_loop3A_317 = vector.bitcast %parallel_loop3A_316 : vector<32xbf16> to vector<16xi32>
        %parallel_loop3A_318 = arith.constant 16 : i32
        %parallel_loop3A_319 = vector.broadcast %parallel_loop3A_318 : i32 to vector<16xi32>
        %parallel_loop3A_320 = arith.shli %parallel_loop3A_317, %parallel_loop3A_319 : vector<16xi32>
        %parallel_loop3A_321 = vector.bitcast %parallel_loop3A_320 : vector<16xi32> to vector<16xf32>
        %parallel_loop3A_322 = arith.constant -65536 : i32
        %parallel_loop3A_323 = vector.broadcast %parallel_loop3A_322 : i32 to vector<16xi32>
        %parallel_loop3A_324 = arith.andi %parallel_loop3A_317, %parallel_loop3A_323 : vector<16xi32>
        %parallel_loop3A_325 = vector.bitcast %parallel_loop3A_324 : vector<16xi32> to vector<16xf32>
        %parallel_loop3A_326 = arith.index_cast %parallel_loop3A_217 : i32 to index
        %parallel_loop3A_327 = arith.constant 32 : index
        %parallel_loop3A_328 = tpu.vector_load %arg14[%parallel_loop3A_326, %parallel_loop3A_327] {strides = array<i32>} : memref<40x256xbf16, #tpu.memory_space<vmem>>, vector<32xbf16>,
        %parallel_loop3A_329 = vector.bitcast %parallel_loop3A_328 : vector<32xbf16> to vector<16xi32>
        %parallel_loop3A_330 = arith.constant 16 : i32
        %parallel_loop3A_331 = vector.broadcast %parallel_loop3A_330 : i32 to vector<16xi32>
        %parallel_loop3A_332 = arith.shli %parallel_loop3A_329, %parallel_loop3A_331 : vector<16xi32>
        %parallel_loop3A_333 = vector.bitcast %parallel_loop3A_332 : vector<16xi32> to vector<16xf32>
        %parallel_loop3A_334 = arith.constant -65536 : i32
        %parallel_loop3A_335 = vector.broadcast %parallel_loop3A_334 : i32 to vector<16xi32>
        %parallel_loop3A_336 = arith.andi %parallel_loop3A_329, %parallel_loop3A_335 : vector<16xi32>
        %parallel_loop3A_337 = vector.bitcast %parallel_loop3A_336 : vector<16xi32> to vector<16xf32>
        %parallel_loop3A_338 = arith.index_cast %parallel_loop3A_217 : i32 to index
        %parallel_loop3A_339 = arith.constant 64 : index
        %parallel_loop3A_340 = tpu.vector_load %arg14[%parallel_loop3A_338, %parallel_loop3A_339] {strides = array<i32>} : memref<40x256xbf16, #tpu.memory_space<vmem>>, vector<32xbf16>,
        %parallel_loop3A_341 = vector.bitcast %parallel_loop3A_340 : vector<32xbf16> to vector<16xi32>
        %parallel_loop3A_342 = arith.constant 16 : i32
        %parallel_loop3A_343 = vector.broadcast %parallel_loop3A_342 : i32 to vector<16xi32>
        %parallel_loop3A_344 = arith.shli %parallel_loop3A_341, %parallel_loop3A_343 : vector<16xi32>
        %parallel_loop3A_345 = vector.bitcast %parallel_loop3A_344 : vector<16xi32> to vector<16xf32>
        %parallel_loop3A_346 = arith.constant -65536 : i32
        %parallel_loop3A_347 = vector.broadcast %parallel_loop3A_346 : i32 to vector<16xi32>
        %parallel_loop3A_348 = arith.andi %parallel_loop3A_341, %parallel_loop3A_347 : vector<16xi32>
        %parallel_loop3A_349 = vector.bitcast %parallel_loop3A_348 : vector<16xi32> to vector<16xf32>
        %parallel_loop3A_350 = arith.index_cast %parallel_loop3A_217 : i32 to index
        %parallel_loop3A_351 = arith.constant 96 : index
        %parallel_loop3A_352 = tpu.vector_load %arg14[%parallel_loop3A_350, %parallel_loop3A_351] {strides = array<i32>} : memref<40x256xbf16, #tpu.memory_space<vmem>>, vector<32xbf16>,
        %parallel_loop3A_353 = vector.bitcast %parallel_loop3A_352 : vector<32xbf16> to vector<16xi32>
        %parallel_loop3A_354 = arith.constant 16 : i32
        %parallel_loop3A_355 = vector.broadcast %parallel_loop3A_354 : i32 to vector<16xi32>
        %parallel_loop3A_356 = arith.shli %parallel_loop3A_353, %parallel_loop3A_355 : vector<16xi32>
        %parallel_loop3A_357 = vector.bitcast %parallel_loop3A_356 : vector<16xi32> to vector<16xf32>
        %parallel_loop3A_358 = arith.constant -65536 : i32
        %parallel_loop3A_359 = vector.broadcast %parallel_loop3A_358 : i32 to vector<16xi32>
        %parallel_loop3A_360 = arith.andi %parallel_loop3A_353, %parallel_loop3A_359 : vector<16xi32>
        %parallel_loop3A_361 = vector.bitcast %parallel_loop3A_360 : vector<16xi32> to vector<16xf32>
        %parallel_loop3A_362 = arith.index_cast %parallel_loop3A_217 : i32 to index
        %parallel_loop3A_363 = arith.constant 128 : index
        %parallel_loop3A_364 = tpu.vector_load %arg14[%parallel_loop3A_362, %parallel_loop3A_363] {strides = array<i32>} : memref<40x256xbf16, #tpu.memory_space<vmem>>, vector<32xbf16>,
        %parallel_loop3A_365 = vector.bitcast %parallel_loop3A_364 : vector<32xbf16> to vector<16xi32>
        %parallel_loop3A_366 = arith.constant 16 : i32
        %parallel_loop3A_367 = vector.broadcast %parallel_loop3A_366 : i32 to vector<16xi32>
        %parallel_loop3A_368 = arith.shli %parallel_loop3A_365, %parallel_loop3A_367 : vector<16xi32>
        %parallel_loop3A_369 = vector.bitcast %parallel_loop3A_368 : vector<16xi32> to vector<16xf32>
        %parallel_loop3A_370 = arith.constant -65536 : i32
        %parallel_loop3A_371 = vector.broadcast %parallel_loop3A_370 : i32 to vector<16xi32>
        %parallel_loop3A_372 = arith.andi %parallel_loop3A_365, %parallel_loop3A_371 : vector<16xi32>
        %parallel_loop3A_373 = vector.bitcast %parallel_loop3A_372 : vector<16xi32> to vector<16xf32>
        %parallel_loop3A_374 = arith.index_cast %parallel_loop3A_217 : i32 to index
        %parallel_loop3A_375 = arith.constant 160 : index
        %parallel_loop3A_376 = tpu.vector_load %arg14[%parallel_loop3A_374, %parallel_loop3A_375] {strides = array<i32>} : memref<40x256xbf16, #tpu.memory_space<vmem>>, vector<32xbf16>,
        %parallel_loop3A_377 = vector.bitcast %parallel_loop3A_376 : vector<32xbf16> to vector<16xi32>
        %parallel_loop3A_378 = arith.constant 16 : i32
        %parallel_loop3A_379 = vector.broadcast %parallel_loop3A_378 : i32 to vector<16xi32>
        %parallel_loop3A_380 = arith.shli %parallel_loop3A_377, %parallel_loop3A_379 : vector<16xi32>
        %parallel_loop3A_381 = vector.bitcast %parallel_loop3A_380 : vector<16xi32> to vector<16xf32>
        %parallel_loop3A_382 = arith.constant -65536 : i32
        %parallel_loop3A_383 = vector.broadcast %parallel_loop3A_382 : i32 to vector<16xi32>
        %parallel_loop3A_384 = arith.andi %parallel_loop3A_377, %parallel_loop3A_383 : vector<16xi32>
        %parallel_loop3A_385 = vector.bitcast %parallel_loop3A_384 : vector<16xi32> to vector<16xf32>
        %parallel_loop3A_386 = arith.index_cast %parallel_loop3A_217 : i32 to index
        %parallel_loop3A_387 = arith.constant 192 : index
        %parallel_loop3A_388 = tpu.vector_load %arg14[%parallel_loop3A_386, %parallel_loop3A_387] {strides = array<i32>} : memref<40x256xbf16, #tpu.memory_space<vmem>>, vector<32xbf16>,
        %parallel_loop3A_389 = vector.bitcast %parallel_loop3A_388 : vector<32xbf16> to vector<16xi32>
        %parallel_loop3A_390 = arith.constant 16 : i32
        %parallel_loop3A_391 = vector.broadcast %parallel_loop3A_390 : i32 to vector<16xi32>
        %parallel_loop3A_392 = arith.shli %parallel_loop3A_389, %parallel_loop3A_391 : vector<16xi32>
        %parallel_loop3A_393 = vector.bitcast %parallel_loop3A_392 : vector<16xi32> to vector<16xf32>
        %parallel_loop3A_394 = arith.constant -65536 : i32
        %parallel_loop3A_395 = vector.broadcast %parallel_loop3A_394 : i32 to vector<16xi32>
        %parallel_loop3A_396 = arith.andi %parallel_loop3A_389, %parallel_loop3A_395 : vector<16xi32>
        %parallel_loop3A_397 = vector.bitcast %parallel_loop3A_396 : vector<16xi32> to vector<16xf32>
        %parallel_loop3A_398 = arith.index_cast %parallel_loop3A_217 : i32 to index
        %parallel_loop3A_399 = arith.constant 224 : index
        %parallel_loop3A_400 = tpu.vector_load %arg14[%parallel_loop3A_398, %parallel_loop3A_399] {strides = array<i32>} : memref<40x256xbf16, #tpu.memory_space<vmem>>, vector<32xbf16>,
        %parallel_loop3A_401 = vector.bitcast %parallel_loop3A_400 : vector<32xbf16> to vector<16xi32>
        %parallel_loop3A_402 = arith.constant 16 : i32
        %parallel_loop3A_403 = vector.broadcast %parallel_loop3A_402 : i32 to vector<16xi32>
        %parallel_loop3A_404 = arith.shli %parallel_loop3A_401, %parallel_loop3A_403 : vector<16xi32>
        %parallel_loop3A_405 = vector.bitcast %parallel_loop3A_404 : vector<16xi32> to vector<16xf32>
        %parallel_loop3A_406 = arith.constant -65536 : i32
        %parallel_loop3A_407 = vector.broadcast %parallel_loop3A_406 : i32 to vector<16xi32>
        %parallel_loop3A_408 = arith.andi %parallel_loop3A_401, %parallel_loop3A_407 : vector<16xi32>
        %parallel_loop3A_409 = vector.bitcast %parallel_loop3A_408 : vector<16xi32> to vector<16xf32>
        %parallel_loop3A_410 = arith.constant 0 : i32
        %parallel_loop3A_411 = vector.broadcast %parallel_loop3A_410 : i32 to vector<16xi32>
        %parallel_loop3A_412 = arith.cmpi eq, %iota3A, %parallel_loop3A_411 : vector<16xi32>
        %parallel_loop3A_413 = arith.addf %parallel_loop3A_321, %parallel_loop3A_225 : vector<16xf32>
        %parallel_loop3A_414 = arith.mulf %parallel_loop3A_273, %parallel_loop3A_413 : vector<16xf32>
        %parallel_loop3A_415 = arith.constant true
        %parallel_loop3A_416 = vector.broadcast %parallel_loop3A_415 : i1 to vector<16xi1>
        %parallel_loop3A_417 = tpu.scan <sum>, %parallel_loop3A_414 masked %parallel_loop3A_416 : vector<16xf32>, vector<16xi1> -> vector<16xf32>
        %parallel_loop3A_418 = vector.extract %parallel_loop3A_417[15] : f32 from vector<16xf32>
        %parallel_loop3A_419 = arith.constant 0.000000e+00 : f32
        %parallel_loop3A_420 = vector.broadcast %parallel_loop3A_418 : f32 to vector<16xf32>
        %parallel_loop3A_421 = vector.broadcast %parallel_loop3A_419 : f32 to vector<16xf32>
        %parallel_loop3A_422 = arith.select %parallel_loop3A_412, %parallel_loop3A_420, %parallel_loop3A_421 : vector<16xi1>, vector<16xf32>
        %parallel_loop3A_423 = arith.constant 1 : i32
        %parallel_loop3A_424 = vector.broadcast %parallel_loop3A_423 : i32 to vector<16xi32>
        %parallel_loop3A_425 = arith.cmpi eq, %iota3A, %parallel_loop3A_424 : vector<16xi32>
        %parallel_loop3A_426 = arith.addf %parallel_loop3A_325, %parallel_loop3A_229 : vector<16xf32>
        %parallel_loop3A_427 = arith.mulf %parallel_loop3A_277, %parallel_loop3A_426 : vector<16xf32>
        %parallel_loop3A_428 = arith.constant true
        %parallel_loop3A_429 = vector.broadcast %parallel_loop3A_428 : i1 to vector<16xi1>
        %parallel_loop3A_430 = tpu.scan <sum>, %parallel_loop3A_427 masked %parallel_loop3A_429 : vector<16xf32>, vector<16xi1> -> vector<16xf32>
        %parallel_loop3A_431 = vector.extract %parallel_loop3A_430[15] : f32 from vector<16xf32>
        %parallel_loop3A_432 = arith.constant 0.000000e+00 : f32
        %parallel_loop3A_433 = vector.broadcast %parallel_loop3A_431 : f32 to vector<16xf32>
        %parallel_loop3A_434 = vector.broadcast %parallel_loop3A_432 : f32 to vector<16xf32>
        %parallel_loop3A_435 = arith.select %parallel_loop3A_425, %parallel_loop3A_433, %parallel_loop3A_434 : vector<16xi1>, vector<16xf32>
        %parallel_loop3A_436 = arith.constant 2 : i32
        %parallel_loop3A_437 = vector.broadcast %parallel_loop3A_436 : i32 to vector<16xi32>
        %parallel_loop3A_438 = arith.cmpi eq, %iota3A, %parallel_loop3A_437 : vector<16xi32>
        %parallel_loop3A_439 = arith.addf %parallel_loop3A_333, %parallel_loop3A_237 : vector<16xf32>
        %parallel_loop3A_440 = arith.mulf %parallel_loop3A_285, %parallel_loop3A_439 : vector<16xf32>
        %parallel_loop3A_441 = arith.constant true
        %parallel_loop3A_442 = vector.broadcast %parallel_loop3A_441 : i1 to vector<16xi1>
        %parallel_loop3A_443 = tpu.scan <sum>, %parallel_loop3A_440 masked %parallel_loop3A_442 : vector<16xf32>, vector<16xi1> -> vector<16xf32>
        %parallel_loop3A_444 = vector.extract %parallel_loop3A_443[15] : f32 from vector<16xf32>
        %parallel_loop3A_445 = arith.constant 0.000000e+00 : f32
        %parallel_loop3A_446 = vector.broadcast %parallel_loop3A_444 : f32 to vector<16xf32>
        %parallel_loop3A_447 = vector.broadcast %parallel_loop3A_445 : f32 to vector<16xf32>
        %parallel_loop3A_448 = arith.select %parallel_loop3A_438, %parallel_loop3A_446, %parallel_loop3A_447 : vector<16xi1>, vector<16xf32>
        %parallel_loop3A_449 = arith.constant 3 : i32
        %parallel_loop3A_450 = vector.broadcast %parallel_loop3A_449 : i32 to vector<16xi32>
        %parallel_loop3A_451 = arith.cmpi eq, %iota3A, %parallel_loop3A_450 : vector<16xi32>
        %parallel_loop3A_452 = arith.addf %parallel_loop3A_337, %parallel_loop3A_241 : vector<16xf32>
        %parallel_loop3A_453 = arith.mulf %parallel_loop3A_289, %parallel_loop3A_452 : vector<16xf32>
        %parallel_loop3A_454 = arith.constant true
        %parallel_loop3A_455 = vector.broadcast %parallel_loop3A_454 : i1 to vector<16xi1>
        %parallel_loop3A_456 = tpu.scan <sum>, %parallel_loop3A_453 masked %parallel_loop3A_455 : vector<16xf32>, vector<16xi1> -> vector<16xf32>
        %parallel_loop3A_457 = vector.extract %parallel_loop3A_456[15] : f32 from vector<16xf32>
        %parallel_loop3A_458 = arith.constant 0.000000e+00 : f32
        %parallel_loop3A_459 = vector.broadcast %parallel_loop3A_457 : f32 to vector<16xf32>
        %parallel_loop3A_460 = vector.broadcast %parallel_loop3A_458 : f32 to vector<16xf32>
        %parallel_loop3A_461 = arith.select %parallel_loop3A_451, %parallel_loop3A_459, %parallel_loop3A_460 : vector<16xi1>, vector<16xf32>
        %parallel_loop3A_462 = arith.constant 4 : i32
        %parallel_loop3A_463 = vector.broadcast %parallel_loop3A_462 : i32 to vector<16xi32>
        %parallel_loop3A_464 = arith.cmpi eq, %iota3A, %parallel_loop3A_463 : vector<16xi32>
        %parallel_loop3A_465 = arith.addf %parallel_loop3A_345, %parallel_loop3A_249 : vector<16xf32>
        %parallel_loop3A_466 = arith.mulf %parallel_loop3A_297, %parallel_loop3A_465 : vector<16xf32>
        %parallel_loop3A_467 = arith.constant true
        %parallel_loop3A_468 = vector.broadcast %parallel_loop3A_467 : i1 to vector<16xi1>
        %parallel_loop3A_469 = tpu.scan <sum>, %parallel_loop3A_466 masked %parallel_loop3A_468 : vector<16xf32>, vector<16xi1> -> vector<16xf32>
        %parallel_loop3A_470 = vector.extract %parallel_loop3A_469[15] : f32 from vector<16xf32>
        %parallel_loop3A_471 = arith.constant 0.000000e+00 : f32
        %parallel_loop3A_472 = vector.broadcast %parallel_loop3A_470 : f32 to vector<16xf32>
        %parallel_loop3A_473 = vector.broadcast %parallel_loop3A_471 : f32 to vector<16xf32>
        %parallel_loop3A_474 = arith.select %parallel_loop3A_464, %parallel_loop3A_472, %parallel_loop3A_473 : vector<16xi1>, vector<16xf32>
        %parallel_loop3A_475 = arith.constant 5 : i32
        %parallel_loop3A_476 = vector.broadcast %parallel_loop3A_475 : i32 to vector<16xi32>
        %parallel_loop3A_477 = arith.cmpi eq, %iota3A, %parallel_loop3A_476 : vector<16xi32>
        %parallel_loop3A_478 = arith.addf %parallel_loop3A_349, %parallel_loop3A_253 : vector<16xf32>
        %parallel_loop3A_479 = arith.mulf %parallel_loop3A_301, %parallel_loop3A_478 : vector<16xf32>
        %parallel_loop3A_480 = arith.constant true
        %parallel_loop3A_481 = vector.broadcast %parallel_loop3A_480 : i1 to vector<16xi1>
        %parallel_loop3A_482 = tpu.scan <sum>, %parallel_loop3A_479 masked %parallel_loop3A_481 : vector<16xf32>, vector<16xi1> -> vector<16xf32>
        %parallel_loop3A_483 = vector.extract %parallel_loop3A_482[15] : f32 from vector<16xf32>
        %parallel_loop3A_484 = arith.constant 0.000000e+00 : f32
        %parallel_loop3A_485 = vector.broadcast %parallel_loop3A_483 : f32 to vector<16xf32>
        %parallel_loop3A_486 = vector.broadcast %parallel_loop3A_484 : f32 to vector<16xf32>
        %parallel_loop3A_487 = arith.select %parallel_loop3A_477, %parallel_loop3A_485, %parallel_loop3A_486 : vector<16xi1>, vector<16xf32>
        %parallel_loop3A_488 = arith.constant 6 : i32
        %parallel_loop3A_489 = vector.broadcast %parallel_loop3A_488 : i32 to vector<16xi32>
        %parallel_loop3A_490 = arith.cmpi eq, %iota3A, %parallel_loop3A_489 : vector<16xi32>
        %parallel_loop3A_491 = arith.addf %parallel_loop3A_357, %parallel_loop3A_261 : vector<16xf32>
        %parallel_loop3A_492 = arith.mulf %parallel_loop3A_309, %parallel_loop3A_491 : vector<16xf32>
        %parallel_loop3A_493 = arith.constant true
        %parallel_loop3A_494 = vector.broadcast %parallel_loop3A_493 : i1 to vector<16xi1>
        %parallel_loop3A_495 = tpu.scan <sum>, %parallel_loop3A_492 masked %parallel_loop3A_494 : vector<16xf32>, vector<16xi1> -> vector<16xf32>
        %parallel_loop3A_496 = vector.extract %parallel_loop3A_495[15] : f32 from vector<16xf32>
        %parallel_loop3A_497 = arith.constant 0.000000e+00 : f32
        %parallel_loop3A_498 = vector.broadcast %parallel_loop3A_496 : f32 to vector<16xf32>
        %parallel_loop3A_499 = vector.broadcast %parallel_loop3A_497 : f32 to vector<16xf32>
        %parallel_loop3A_500 = arith.select %parallel_loop3A_490, %parallel_loop3A_498, %parallel_loop3A_499 : vector<16xi1>, vector<16xf32>
        %parallel_loop3A_501 = arith.constant 7 : i32
        %parallel_loop3A_502 = vector.broadcast %parallel_loop3A_501 : i32 to vector<16xi32>
        %parallel_loop3A_503 = arith.cmpi eq, %iota3A, %parallel_loop3A_502 : vector<16xi32>
        %parallel_loop3A_504 = arith.addf %parallel_loop3A_361, %parallel_loop3A_265 : vector<16xf32>
        %parallel_loop3A_505 = arith.mulf %parallel_loop3A_313, %parallel_loop3A_504 : vector<16xf32>
        %parallel_loop3A_506 = arith.constant true
        %parallel_loop3A_507 = vector.broadcast %parallel_loop3A_506 : i1 to vector<16xi1>
        %parallel_loop3A_508 = tpu.scan <sum>, %parallel_loop3A_505 masked %parallel_loop3A_507 : vector<16xf32>, vector<16xi1> -> vector<16xf32>
        %parallel_loop3A_509 = vector.extract %parallel_loop3A_508[15] : f32 from vector<16xf32>
        %parallel_loop3A_510 = arith.constant 0.000000e+00 : f32
        %parallel_loop3A_511 = vector.broadcast %parallel_loop3A_509 : f32 to vector<16xf32>
        %parallel_loop3A_512 = vector.broadcast %parallel_loop3A_510 : f32 to vector<16xf32>
        %parallel_loop3A_513 = arith.select %parallel_loop3A_503, %parallel_loop3A_511, %parallel_loop3A_512 : vector<16xi1>, vector<16xf32>
        %parallel_loop3A_514 = arith.addf %parallel_loop3A_422, %parallel_loop3A_435 : vector<16xf32>
        %parallel_loop3A_515 = arith.addf %parallel_loop3A_448, %parallel_loop3A_461 : vector<16xf32>
        %parallel_loop3A_516 = arith.addf %parallel_loop3A_474, %parallel_loop3A_487 : vector<16xf32>
        %parallel_loop3A_517 = arith.addf %parallel_loop3A_500, %parallel_loop3A_513 : vector<16xf32>
        %parallel_loop3A_518 = arith.addf %parallel_loop3A_514, %parallel_loop3A_515 : vector<16xf32>
        %parallel_loop3A_519 = arith.addf %parallel_loop3A_516, %parallel_loop3A_517 : vector<16xf32>
        %parallel_loop3A_520 = arith.addf %parallel_loop3A_518, %parallel_loop3A_519 : vector<16xf32>
        %parallel_loop3A_521 = math.exp %parallel_loop3A_520 : vector<16xf32>
        %parallel_loop3A_522 = vector.broadcast %parallel_loop3A_217 : i32 to vector<16xi32>
        %parallel_loop3A_523 = arith.constant 128 : i32
        %parallel_loop3A_524 = vector.broadcast %parallel_loop3A_523 : i32 to vector<16xi32>
        %parallel_loop3A_525 = arith.addi %parallel_loop3A_524, %iota3A : vector<16xi32>
        %parallel_loop3A_526 = arith.constant 8 : i32
        %parallel_loop3A_527 = vector.broadcast %parallel_loop3A_526 : i32 to vector<16xi32>
        %parallel_loop3A_528 = arith.cmpi slt, %iota3A, %parallel_loop3A_527 : vector<16xi32>
        tpu.vector_store_idx %arg17[%parallel_loop3A_522, %parallel_loop3A_525], %parallel_loop3A_521 masked %parallel_loop3A_528 : memref<40x136xf32, #tpu.memory_space<vmem>>[vector<16xi32>, vector<16xi32>], vector<16xf32>, vector<16xi1>
        %parallel_loop3A_529 = vector.extract_strided_slice %parallel_loop3A_521 {offsets = [0], sizes = [1], strides = [1]} : vector<16xf32> to vector<1xf32>
        %parallel_loop3A_530 = vector.extract %parallel_loop3A_529[0] : f32 from vector<1xf32>
        %parallel_loop3A_531 = vector.broadcast %parallel_loop3A_530 : f32 to vector<16xf32>
        %parallel_loop3A_532 = arith.addf %parallel_loop3A_369, %parallel_loop3A_225 : vector<16xf32>
        %parallel_loop3A_533 = arith.mulf %parallel_loop3A_531, %parallel_loop3A_532 : vector<16xf32>
        %parallel_loop3A_534 = arith.index_cast %parallel_loop3A_217 : i32 to index
        %parallel_loop3A_535 = arith.constant 0 : index
        %parallel_loop3A_536 = tpu.vector_load %arg17[%parallel_loop3A_534, %parallel_loop3A_535] {strides = array<i32>} : memref<40x136xf32, #tpu.memory_space<vmem>>, vector<16xf32>,
        tpu.vector_store %arg17[%parallel_loop3A_534, %parallel_loop3A_535], %parallel_loop3A_533 {strides = array<i32>} : memref<40x136xf32, #tpu.memory_space<vmem>>, vector<16xf32>,
        %parallel_loop3A_537 = vector.extract_strided_slice %parallel_loop3A_521 {offsets = [1], sizes = [1], strides = [1]} : vector<16xf32> to vector<1xf32>
        %parallel_loop3A_538 = vector.extract %parallel_loop3A_537[0] : f32 from vector<1xf32>
        %parallel_loop3A_539 = vector.broadcast %parallel_loop3A_538 : f32 to vector<16xf32>
        %parallel_loop3A_540 = arith.addf %parallel_loop3A_373, %parallel_loop3A_229 : vector<16xf32>
        %parallel_loop3A_541 = arith.mulf %parallel_loop3A_539, %parallel_loop3A_540 : vector<16xf32>
        %parallel_loop3A_542 = arith.index_cast %parallel_loop3A_217 : i32 to index
        %parallel_loop3A_543 = arith.constant 16 : index
        %parallel_loop3A_544 = tpu.vector_load %arg17[%parallel_loop3A_542, %parallel_loop3A_543] {strides = array<i32>} : memref<40x136xf32, #tpu.memory_space<vmem>>, vector<16xf32>,
        tpu.vector_store %arg17[%parallel_loop3A_542, %parallel_loop3A_543], %parallel_loop3A_541 {strides = array<i32>} : memref<40x136xf32, #tpu.memory_space<vmem>>, vector<16xf32>,
        %parallel_loop3A_545 = vector.extract_strided_slice %parallel_loop3A_521 {offsets = [2], sizes = [1], strides = [1]} : vector<16xf32> to vector<1xf32>
        %parallel_loop3A_546 = vector.extract %parallel_loop3A_545[0] : f32 from vector<1xf32>
        %parallel_loop3A_547 = vector.broadcast %parallel_loop3A_546 : f32 to vector<16xf32>
        %parallel_loop3A_548 = arith.addf %parallel_loop3A_381, %parallel_loop3A_237 : vector<16xf32>
        %parallel_loop3A_549 = arith.mulf %parallel_loop3A_547, %parallel_loop3A_548 : vector<16xf32>
        %parallel_loop3A_550 = arith.index_cast %parallel_loop3A_217 : i32 to index
        %parallel_loop3A_551 = arith.constant 32 : index
        %parallel_loop3A_552 = tpu.vector_load %arg17[%parallel_loop3A_550, %parallel_loop3A_551] {strides = array<i32>} : memref<40x136xf32, #tpu.memory_space<vmem>>, vector<16xf32>,
        tpu.vector_store %arg17[%parallel_loop3A_550, %parallel_loop3A_551], %parallel_loop3A_549 {strides = array<i32>} : memref<40x136xf32, #tpu.memory_space<vmem>>, vector<16xf32>,
        %parallel_loop3A_553 = vector.extract_strided_slice %parallel_loop3A_521 {offsets = [3], sizes = [1], strides = [1]} : vector<16xf32> to vector<1xf32>
        %parallel_loop3A_554 = vector.extract %parallel_loop3A_553[0] : f32 from vector<1xf32>
        %parallel_loop3A_555 = vector.broadcast %parallel_loop3A_554 : f32 to vector<16xf32>
        %parallel_loop3A_556 = arith.addf %parallel_loop3A_385, %parallel_loop3A_241 : vector<16xf32>
        %parallel_loop3A_557 = arith.mulf %parallel_loop3A_555, %parallel_loop3A_556 : vector<16xf32>
        %parallel_loop3A_558 = arith.index_cast %parallel_loop3A_217 : i32 to index
        %parallel_loop3A_559 = arith.constant 48 : index
        %parallel_loop3A_560 = tpu.vector_load %arg17[%parallel_loop3A_558, %parallel_loop3A_559] {strides = array<i32>} : memref<40x136xf32, #tpu.memory_space<vmem>>, vector<16xf32>,
        tpu.vector_store %arg17[%parallel_loop3A_558, %parallel_loop3A_559], %parallel_loop3A_557 {strides = array<i32>} : memref<40x136xf32, #tpu.memory_space<vmem>>, vector<16xf32>,
        %parallel_loop3A_561 = vector.extract_strided_slice %parallel_loop3A_521 {offsets = [4], sizes = [1], strides = [1]} : vector<16xf32> to vector<1xf32>
        %parallel_loop3A_562 = vector.extract %parallel_loop3A_561[0] : f32 from vector<1xf32>
        %parallel_loop3A_563 = vector.broadcast %parallel_loop3A_562 : f32 to vector<16xf32>
        %parallel_loop3A_564 = arith.addf %parallel_loop3A_393, %parallel_loop3A_249 : vector<16xf32>
        %parallel_loop3A_565 = arith.mulf %parallel_loop3A_563, %parallel_loop3A_564 : vector<16xf32>
        %parallel_loop3A_566 = arith.index_cast %parallel_loop3A_217 : i32 to index
        %parallel_loop3A_567 = arith.constant 64 : index
        %parallel_loop3A_568 = tpu.vector_load %arg17[%parallel_loop3A_566, %parallel_loop3A_567] {strides = array<i32>} : memref<40x136xf32, #tpu.memory_space<vmem>>, vector<16xf32>,
        tpu.vector_store %arg17[%parallel_loop3A_566, %parallel_loop3A_567], %parallel_loop3A_565 {strides = array<i32>} : memref<40x136xf32, #tpu.memory_space<vmem>>, vector<16xf32>,
        %parallel_loop3A_569 = vector.extract_strided_slice %parallel_loop3A_521 {offsets = [5], sizes = [1], strides = [1]} : vector<16xf32> to vector<1xf32>
        %parallel_loop3A_570 = vector.extract %parallel_loop3A_569[0] : f32 from vector<1xf32>
        %parallel_loop3A_571 = vector.broadcast %parallel_loop3A_570 : f32 to vector<16xf32>
        %parallel_loop3A_572 = arith.addf %parallel_loop3A_397, %parallel_loop3A_253 : vector<16xf32>
        %parallel_loop3A_573 = arith.mulf %parallel_loop3A_571, %parallel_loop3A_572 : vector<16xf32>
        %parallel_loop3A_574 = arith.index_cast %parallel_loop3A_217 : i32 to index
        %parallel_loop3A_575 = arith.constant 80 : index
        %parallel_loop3A_576 = tpu.vector_load %arg17[%parallel_loop3A_574, %parallel_loop3A_575] {strides = array<i32>} : memref<40x136xf32, #tpu.memory_space<vmem>>, vector<16xf32>,
        tpu.vector_store %arg17[%parallel_loop3A_574, %parallel_loop3A_575], %parallel_loop3A_573 {strides = array<i32>} : memref<40x136xf32, #tpu.memory_space<vmem>>, vector<16xf32>,
        %parallel_loop3A_577 = vector.extract_strided_slice %parallel_loop3A_521 {offsets = [6], sizes = [1], strides = [1]} : vector<16xf32> to vector<1xf32>
        %parallel_loop3A_578 = vector.extract %parallel_loop3A_577[0] : f32 from vector<1xf32>
        %parallel_loop3A_579 = vector.broadcast %parallel_loop3A_578 : f32 to vector<16xf32>
        %parallel_loop3A_580 = arith.addf %parallel_loop3A_405, %parallel_loop3A_261 : vector<16xf32>
        %parallel_loop3A_581 = arith.mulf %parallel_loop3A_579, %parallel_loop3A_580 : vector<16xf32>
        %parallel_loop3A_582 = arith.index_cast %parallel_loop3A_217 : i32 to index
        %parallel_loop3A_583 = arith.constant 96 : index
        %parallel_loop3A_584 = tpu.vector_load %arg17[%parallel_loop3A_582, %parallel_loop3A_583] {strides = array<i32>} : memref<40x136xf32, #tpu.memory_space<vmem>>, vector<16xf32>,
        tpu.vector_store %arg17[%parallel_loop3A_582, %parallel_loop3A_583], %parallel_loop3A_581 {strides = array<i32>} : memref<40x136xf32, #tpu.memory_space<vmem>>, vector<16xf32>,
        %parallel_loop3A_585 = vector.extract_strided_slice %parallel_loop3A_521 {offsets = [7], sizes = [1], strides = [1]} : vector<16xf32> to vector<1xf32>
        %parallel_loop3A_586 = vector.extract %parallel_loop3A_585[0] : f32 from vector<1xf32>
        %parallel_loop3A_587 = vector.broadcast %parallel_loop3A_586 : f32 to vector<16xf32>
        %parallel_loop3A_588 = arith.addf %parallel_loop3A_409, %parallel_loop3A_265 : vector<16xf32>
        %parallel_loop3A_589 = arith.mulf %parallel_loop3A_587, %parallel_loop3A_588 : vector<16xf32>
        %parallel_loop3A_590 = arith.index_cast %parallel_loop3A_217 : i32 to index
        %parallel_loop3A_591 = arith.constant 112 : index
        %parallel_loop3A_592 = tpu.vector_load %arg17[%parallel_loop3A_590, %parallel_loop3A_591] {strides = array<i32>} : memref<40x136xf32, #tpu.memory_space<vmem>>, vector<16xf32>,
        tpu.vector_store %arg17[%parallel_loop3A_590, %parallel_loop3A_591], %parallel_loop3A_589 {strides = array<i32>} : memref<40x136xf32, #tpu.memory_space<vmem>>, vector<16xf32>,
      } {sc.loop_unroll_factor = 5 : i64, sc.parallel_access}
      %lt3A_207 = arith.constant 249 : i32
      %lt3A_208 = arith.cmpi slt, %add3A_144, %lt3A_207 : i32
      %convert_element_type3A_209 = arith.extui %lt3A_208 : i1 to i32
      %cond3A_210 = arith.constant 0 : i32
      %cond3A_211 = arith.cmpi ne, %convert_element_type3A_209, %cond3A_210 : i32
      scf.if %cond3A_211 {
        %dma_start3A_217 = arith.constant 0 : i32
        %dma_start3A_218 = arith.constant 0 : i32
        %dma_start3A_219 = tpu.memref_slice %arg18[%dma_start3A_217, %dma_start3A_218] : memref<10000x136xf32, #tpu.memory_space<vmem_shared>> -> memref<10000x136xf32, #tpu.memory_space<vmem_shared>>
        tpu.enqueue_indirect_dma source(%arg17 : memref<40x136xf32, #tpu.memory_space<vmem>>) target(%dma_start3A_219 : memref<10000x136xf32, #tpu.memory_space<vmem_shared>>) offsets(%arg10 : memref<40xi32, #tpu.memory_space<vmem>>) semaphore(%arg24 : memref<!tpu.dma_semaphore, #tpu.memory_space<semaphore_mem>>) {add = true}
      } else {
      }
      %eq3A_212 = arith.constant 249 : i32
      %eq3A_213 = arith.cmpi eq, %add3A_144, %eq3A_212 : i32
      %convert_element_type3A_214 = arith.extui %eq3A_213 : i1 to i32
      %cond3A_215 = arith.constant 0 : i32
      %cond3A_216 = arith.cmpi ne, %convert_element_type3A_214, %cond3A_215 : i32
      scf.if %cond3A_216 {
        "tpu.region"() ({
          %run_scoped3A = tpu.sem_alloc : memref<!tpu.dma_semaphore, #tpu.memory_space<semaphore_mem>>
          %dma_start3A_217 = arith.constant 0 : i32
          %dma_start3A_218 = arith.constant 0 : i32
          %dma_start3A_219 = tpu.memref_slice %arg18[%dma_start3A_217, %dma_start3A_218] : memref<10000x136xf32, #tpu.memory_space<vmem_shared>> -> memref<10000x136xf32, #tpu.memory_space<vmem_shared>>
          tpu.enqueue_indirect_dma source(%arg17 : memref<40x136xf32, #tpu.memory_space<vmem>>) target(%dma_start3A_219 : memref<10000x136xf32, #tpu.memory_space<vmem_shared>>) offsets(%arg10 : memref<40xi32, #tpu.memory_space<vmem>>) semaphore(%run_scoped3A : memref<!tpu.dma_semaphore, #tpu.memory_space<semaphore_mem>>) {add = true}
          %dma_wait3A_220 = arith.constant 0 : i32
          %dma_wait3A_221 = arith.constant 0 : i32
          %dma_wait3A_222 = tpu.memref_slice %arg18[%dma_wait3A_220, %dma_wait3A_221] : memref<10000x136xf32, #tpu.memory_space<vmem_shared>> -> memref<10000x136xf32, #tpu.memory_space<vmem_shared>>
          tpu.wait_indirect_dma semaphore(%run_scoped3A : memref<!tpu.dma_semaphore, #tpu.memory_space<semaphore_mem>>) src(%arg17 : memref<40x136xf32, #tpu.memory_space<vmem>>) dst(%dma_wait3A_222 : memref<10000x136xf32, #tpu.memory_space<vmem_shared>>)
          tpu.yield
        }) : () -> ()
      } else {
      }
    }
    %scan3A_68 = arith.constant 125 : i32
    %barrier3A_69 = arith.constant 0 : index
    tpu.barrier barrier_id(%barrier3A_69)
    %scan3A_70 = arith.constant 0 : i32
    %scan3A_71 = arith.constant 0 : i32
    %scan3A_72 = arith.constant 16 : i32
    %scan3A_73 = arith.addi %scan3A_71, %scan3A_72 : i32
    %scan3A_74 = arith.constant 1 : i32
    scf.for %scan3A_76 = %scan3A_71 to %scan3A_73 step %scan3A_74  : i32 {
      %mul3A_77 = arith.constant 16 : i32
      %mul3A_78 = arith.muli %scan3A_76, %mul3A_77 : i32
      %add3A_79 = arith.addi %mul3A_78, %arg1 : i32
      %lt3A = arith.constant 250 : i32
      %lt3A_80 = arith.cmpi slt, %add3A_79, %lt3A : i32
      %convert_element_type3A = arith.extui %lt3A_80 : i1 to i32
      %cond3A = arith.constant 0 : i32
      %cond3A_81 = arith.cmpi ne, %convert_element_type3A, %cond3A : i32
      scf.if %cond3A_81 {
        %mul3A_82 = arith.constant 40 : i32
        %mul3A_83 = arith.muli %add3A_79, %mul3A_82 : i32
        "tpu.region"() ({
          %run_scoped3A = tpu.sem_alloc : memref<!tpu.dma_semaphore, #tpu.memory_space<semaphore_mem>>
          %dma_start3A_86 = arith.constant 0 : i32
          %dma_start3A_87 = tpu.memref_slice %arg18[%mul3A_83, %dma_start3A_86] : memref<10000x136xf32, #tpu.memory_space<vmem_shared>> -> memref<40x136xf32, #tpu.memory_space<vmem_shared>>
          %dma_start3A_88 = arith.constant 0 : i32
          %dma_start3A_89 = tpu.memref_slice %arg18[%mul3A_83, %dma_start3A_88] : memref<10000x136xf32, #tpu.memory_space<vmem_shared>> -> memref<40x136xf32, #tpu.memory_space<vmem_shared>>
          tpu.enqueue_dma source(%dma_start3A_89 : memref<40x136xf32, #tpu.memory_space<vmem_shared>>) target(%arg17 : memref<40x136xf32, #tpu.memory_space<vmem>>) target_semaphore(%run_scoped3A : memref<!tpu.dma_semaphore, #tpu.memory_space<semaphore_mem>>)
          %dma_wait3A_90 = arith.constant 0 : i32
          %dma_wait3A_91 = tpu.memref_slice %arg18[%mul3A_83, %dma_wait3A_90] : memref<10000x136xf32, #tpu.memory_space<vmem_shared>> -> memref<40x136xf32, #tpu.memory_space<vmem_shared>>
          %dma_wait3A_92 = arith.constant 0 : i32
          %dma_wait3A_93 = tpu.memref_slice %arg18[%mul3A_83, %dma_wait3A_92] : memref<10000x136xf32, #tpu.memory_space<vmem_shared>> -> memref<40x136xf32, #tpu.memory_space<vmem_shared>>
          tpu.wait_dma2 semaphore(%run_scoped3A : memref<!tpu.dma_semaphore, #tpu.memory_space<semaphore_mem>>) src(%dma_wait3A_93 : memref<40x136xf32, #tpu.memory_space<vmem_shared>>) dst(%arg17 : memref<40x136xf32, #tpu.memory_space<vmem>>)
          tpu.yield
        }) : () -> ()
        %mul3A_84 = arith.constant 40 : i32
        %mul3A_85 = arith.muli %add3A_79, %mul3A_84 : i32
        "tpu.region"() ({
          %run_scoped3A = tpu.sem_alloc : memref<!tpu.dma_semaphore, #tpu.memory_space<semaphore_mem>>
          %dma_start3A_86 = arith.constant 0 : i32
          %dma_start3A_87 = tpu.memref_slice %arg6[%arg0, %mul3A_85, %dma_start3A_86] : memref<2x10000x136xf32, #tpu.memory_space<hbm>> -> memref<1x40x136xf32, #tpu.memory_space<hbm>>
          %dma_start3A_88 = tpu.memref_squeeze %dma_start3A_87 : memref<1x40x136xf32, #tpu.memory_space<hbm>> -> memref<40x136xf32, #tpu.memory_space<hbm>>
          %dma_start3A_89 = arith.constant 0 : i32
          %dma_start3A_90 = tpu.memref_slice %arg6[%arg0, %mul3A_85, %dma_start3A_89] : memref<2x10000x136xf32, #tpu.memory_space<hbm>> -> memref<1x40x136xf32, #tpu.memory_space<hbm>>
          %dma_start3A_91 = tpu.memref_squeeze %dma_start3A_90 : memref<1x40x136xf32, #tpu.memory_space<hbm>> -> memref<40x136xf32, #tpu.memory_space<hbm>>
          tpu.enqueue_dma source(%arg17 : memref<40x136xf32, #tpu.memory_space<vmem>>) target(%dma_start3A_91 : memref<40x136xf32, #tpu.memory_space<hbm>>) target_semaphore(%run_scoped3A : memref<!tpu.dma_semaphore, #tpu.memory_space<semaphore_mem>>)
          %dma_wait3A_92 = arith.constant 0 : i32
          %dma_wait3A_93 = tpu.memref_slice %arg6[%arg0, %mul3A_85, %dma_wait3A_92] : memref<2x10000x136xf32, #tpu.memory_space<hbm>> -> memref<1x40x136xf32, #tpu.memory_space<hbm>>
          %dma_wait3A_94 = tpu.memref_squeeze %dma_wait3A_93 : memref<1x40x136xf32, #tpu.memory_space<hbm>> -> memref<40x136xf32, #tpu.memory_space<hbm>>
          %dma_wait3A_95 = arith.constant 0 : i32
          %dma_wait3A_96 = tpu.memref_slice %arg6[%arg0, %mul3A_85, %dma_wait3A_95] : memref<2x10000x136xf32, #tpu.memory_space<hbm>> -> memref<1x40x136xf32, #tpu.memory_space<hbm>>
          %dma_wait3A_97 = tpu.memref_squeeze %dma_wait3A_96 : memref<1x40x136xf32, #tpu.memory_space<hbm>> -> memref<40x136xf32, #tpu.memory_space<hbm>>
          tpu.wait_dma2 semaphore(%run_scoped3A : memref<!tpu.dma_semaphore, #tpu.memory_space<semaphore_mem>>) src(%arg17 : memref<40x136xf32, #tpu.memory_space<vmem>>) dst(%dma_wait3A_97 : memref<40x136xf32, #tpu.memory_space<hbm>>)
          tpu.yield
        }) : () -> ()
      } else {
      }
    }
    %scan3A_75 = arith.constant 16 : i32
    return
  }
}

module attributes {stable_mosaic.version = 14 : i64} {
  func.func @_eproj_body(%arg0: i32, %arg1: memref<4000x16xf32, #tpu.memory_space<vmem>>, %arg2: memref<16x128xf32, #tpu.memory_space<vmem>>, %arg3: memref<4000x128xbf16, #tpu.memory_space<vmem>>) attributes {dimension_semantics = [#tpu.dimension_semantics<arbitrary>], iteration_bounds = array<i64: 80>, scalar_prefetch = 0 : i64, scratch_operands = 0 : i64, tpu.core_type = #tpu.core_type<tc>, window_params = [{transform_indices = @transform_0, window_bounds = array<i64: 4000, 16>}, {pipeline_mode = #tpu.pipeline_mode<synchronous>, transform_indices = @transform_1, window_bounds = array<i64: 16, 128>}, {transform_indices = @transform_2, window_bounds = array<i64: 4000, 128>}]} {
    %get3A = arith.constant 0 : index
    %get3A_0 = arith.constant 0 : index
    %get3A_1 = vector.load %arg1[%get3A, %get3A_0] : memref<4000x16xf32, #tpu.memory_space<vmem>>, vector<4000x16xf32>
    %get3A_2 = arith.constant 0 : index
    %get3A_3 = arith.constant 0 : index
    %get3A_4 = vector.load %arg2[%get3A_2, %get3A_3] : memref<16x128xf32, #tpu.memory_space<vmem>>, vector<16x128xf32>
    %dot_general3A = arith.constant dense<0.000000e+00> : vector<4000x128xf32>
    %dot_general3A_5 = tpu.matmul %get3A_1, %get3A_4, %dot_general3A {dimension_numbers = #tpu.dot_dimension_numbers<[1], [0], [0], [1], [0, 0, 1, 1], [], []>, transpose_lhs_hint = false} : vector<4000x16xf32>, vector<16x128xf32>, vector<4000x128xf32> -> vector<4000x128xf32>
    %convert_element_type3A = arith.truncf %dot_general3A_5 : vector<4000x128xf32> to vector<4000x128xbf16>
    %swap3A = arith.constant 0 : index
    %swap3A_6 = arith.constant 0 : index
    %swap3A_7 = vector.load %arg3[%swap3A, %swap3A_6] : memref<4000x128xbf16, #tpu.memory_space<vmem>>, vector<4000x128xbf16>
    tpu.vector_store %arg3[%swap3A, %swap3A_6], %convert_element_type3A {strides = array<i32>} : memref<4000x128xbf16, #tpu.memory_space<vmem>>, vector<4000x128xbf16>,
    return
  }
  func.func @transform_0(%arg0: i32) -> (i32, i32) {
    %c0_i32 = arith.constant 0 : i32
    %c0_i32_0 = arith.constant 0 : i32
    return %arg0, %c0_i32 : i32, i32
  }
  func.func @transform_1(%arg0: i32) -> (i32, i32) {
    %c0_i32 = arith.constant 0 : i32
    %c0_i32_0 = arith.constant 0 : i32
    %c0_i32_1 = arith.constant 0 : i32
    return %c0_i32, %c0_i32_0 : i32, i32
  }
  func.func @transform_2(%arg0: i32) -> (i32, i32) {
    %c0_i32 = arith.constant 0 : i32
    %c0_i32_0 = arith.constant 0 : i32
    return %arg0, %c0_i32 : i32, i32
  }
}

module attributes {stable_mosaic.version = 14 : i64} {
  func.func @_proj_body(%arg0: i32, %arg1: memref<2000x128xf32, #tpu.memory_space<vmem>>, %arg2: memref<128x128xf32, #tpu.memory_space<vmem>>, %arg3: memref<128x128xf32, #tpu.memory_space<vmem>>, %arg4: memref<128x128xf32, #tpu.memory_space<vmem>>, %arg5: memref<2000x128xbf16, #tpu.memory_space<vmem>>, %arg6: memref<2000x256xbf16, #tpu.memory_space<vmem>>) attributes {dimension_semantics = [#tpu.dimension_semantics<arbitrary>], iteration_bounds = array<i64: 5>, scalar_prefetch = 0 : i64, scratch_operands = 0 : i64, tpu.core_type = #tpu.core_type<tc>, window_params = [{transform_indices = @transform_0, window_bounds = array<i64: 2000, 128>}, {pipeline_mode = #tpu.pipeline_mode<synchronous>, transform_indices = @transform_1, window_bounds = array<i64: 128, 128>}, {pipeline_mode = #tpu.pipeline_mode<synchronous>, transform_indices = @transform_2, window_bounds = array<i64: 128, 128>}, {pipeline_mode = #tpu.pipeline_mode<synchronous>, transform_indices = @transform_3, window_bounds = array<i64: 128, 128>}, {transform_indices = @transform_4, window_bounds = array<i64: 2000, 128>}, {transform_indices = @transform_5, window_bounds = array<i64: 2000, 256>}]} {
    %get3A = arith.constant 0 : index
    %get3A_0 = arith.constant 0 : index
    %get3A_1 = vector.load %arg1[%get3A, %get3A_0] : memref<2000x128xf32, #tpu.memory_space<vmem>>, vector<2000x128xf32>
    %get3A_2 = arith.constant 0 : index
    %get3A_3 = arith.constant 0 : index
    %get3A_4 = vector.load %arg2[%get3A_2, %get3A_3] : memref<128x128xf32, #tpu.memory_space<vmem>>, vector<128x128xf32>
    %dot_general3A = arith.constant dense<0.000000e+00> : vector<2000x128xf32>
    %dot_general3A_5 = tpu.matmul %get3A_1, %get3A_4, %dot_general3A {dimension_numbers = #tpu.dot_dimension_numbers<[1], [0], [0], [1], [0, 0, 1, 1], [], []>, transpose_lhs_hint = false} : vector<2000x128xf32>, vector<128x128xf32>, vector<2000x128xf32> -> vector<2000x128xf32>
    %mul3A = arith.constant 2.500000e-01 : f32
    %mul3A_6 = vector.broadcast %mul3A : f32 to vector<2000x128xf32>
    %mul3A_7 = arith.mulf %dot_general3A_5, %mul3A_6 : vector<2000x128xf32>
    %convert_element_type3A = arith.truncf %mul3A_7 : vector<2000x128xf32> to vector<2000x128xbf16>
    %swap3A = arith.constant 0 : index
    %swap3A_8 = arith.constant 0 : index
    %swap3A_9 = vector.load %arg5[%swap3A, %swap3A_8] : memref<2000x128xbf16, #tpu.memory_space<vmem>>, vector<2000x128xbf16>
    tpu.vector_store %arg5[%swap3A, %swap3A_8], %convert_element_type3A {strides = array<i32>} : memref<2000x128xbf16, #tpu.memory_space<vmem>>, vector<2000x128xbf16>,
    %get3A_10 = arith.constant 0 : index
    %get3A_11 = arith.constant 0 : index
    %get3A_12 = vector.load %arg3[%get3A_10, %get3A_11] : memref<128x128xf32, #tpu.memory_space<vmem>>, vector<128x128xf32>
    %dot_general3A_13 = arith.constant dense<0.000000e+00> : vector<2000x128xf32>
    %dot_general3A_14 = tpu.matmul %get3A_1, %get3A_12, %dot_general3A_13 {dimension_numbers = #tpu.dot_dimension_numbers<[1], [0], [0], [1], [0, 0, 1, 1], [], []>, transpose_lhs_hint = false} : vector<2000x128xf32>, vector<128x128xf32>, vector<2000x128xf32> -> vector<2000x128xf32>
    %convert_element_type3A_15 = arith.truncf %dot_general3A_14 : vector<2000x128xf32> to vector<2000x128xbf16>
    %swap3A_16 = arith.constant 0 : index
    %swap3A_17 = arith.constant 0 : index
    %swap3A_18 = vector.load %arg6[%swap3A_16, %swap3A_17] : memref<2000x256xbf16, #tpu.memory_space<vmem>>, vector<2000x128xbf16>
    tpu.vector_store %arg6[%swap3A_16, %swap3A_17], %convert_element_type3A_15 {strides = array<i32>} : memref<2000x256xbf16, #tpu.memory_space<vmem>>, vector<2000x128xbf16>,
    %get3A_19 = arith.constant 0 : index
    %get3A_20 = arith.constant 0 : index
    %get3A_21 = vector.load %arg4[%get3A_19, %get3A_20] : memref<128x128xf32, #tpu.memory_space<vmem>>, vector<128x128xf32>
    %dot_general3A_22 = arith.constant dense<0.000000e+00> : vector<2000x128xf32>
    %dot_general3A_23 = tpu.matmul %get3A_1, %get3A_21, %dot_general3A_22 {dimension_numbers = #tpu.dot_dimension_numbers<[1], [0], [0], [1], [0, 0, 1, 1], [], []>, transpose_lhs_hint = false} : vector<2000x128xf32>, vector<128x128xf32>, vector<2000x128xf32> -> vector<2000x128xf32>
    %convert_element_type3A_24 = arith.truncf %dot_general3A_23 : vector<2000x128xf32> to vector<2000x128xbf16>
    %swap3A_25 = arith.constant 0 : index
    %swap3A_26 = arith.constant 128 : index
    %swap3A_27 = vector.load %arg6[%swap3A_25, %swap3A_26] : memref<2000x256xbf16, #tpu.memory_space<vmem>>, vector<2000x128xbf16>
    tpu.vector_store %arg6[%swap3A_25, %swap3A_26], %convert_element_type3A_24 {strides = array<i32>} : memref<2000x256xbf16, #tpu.memory_space<vmem>>, vector<2000x128xbf16>,
    return
  }
  func.func @transform_0(%arg0: i32) -> (i32, i32) {
    %c0_i32 = arith.constant 0 : i32
    %c0_i32_0 = arith.constant 0 : i32
    return %arg0, %c0_i32 : i32, i32
  }
  func.func @transform_1(%arg0: i32) -> (i32, i32) {
    %c0_i32 = arith.constant 0 : i32
    %c0_i32_0 = arith.constant 0 : i32
    %c0_i32_1 = arith.constant 0 : i32
    return %c0_i32, %c0_i32_0 : i32, i32
  }
  func.func @transform_2(%arg0: i32) -> (i32, i32) {
    %c0_i32 = arith.constant 0 : i32
    %c0_i32_0 = arith.constant 0 : i32
    %c0_i32_1 = arith.constant 0 : i32
    return %c0_i32, %c0_i32_0 : i32, i32
  }
  func.func @transform_3(%arg0: i32) -> (i32, i32) {
    %c0_i32 = arith.constant 0 : i32
    %c0_i32_0 = arith.constant 0 : i32
    %c0_i32_1 = arith.constant 0 : i32
    return %c0_i32, %c0_i32_0 : i32, i32
  }
  func.func @transform_4(%arg0: i32) -> (i32, i32) {
    %c0_i32 = arith.constant 0 : i32
    %c0_i32_0 = arith.constant 0 : i32
    return %arg0, %c0_i32 : i32, i32
  }
  func.func @transform_5(%arg0: i32) -> (i32, i32) {
    %c0_i32 = arith.constant 0 : i32
    %c0_i32_0 = arith.constant 0 : i32
    return %arg0, %c0_i32 : i32, i32
  }
}

module attributes {stable_mosaic.version = 14 : i64} {
  func.func @_finish_body(%arg0: i32, %arg1: memref<2x2000x136xf32, #tpu.memory_space<vmem>>, %arg2: memref<128x128xf32, #tpu.memory_space<vmem>>, %arg3: memref<1x128xf32, #tpu.memory_space<vmem>>, %arg4: memref<8x128xf32, #tpu.memory_space<vmem>>, %arg5: memref<2000x128xf32, #tpu.memory_space<vmem>>) attributes {dimension_semantics = [#tpu.dimension_semantics<arbitrary>], iteration_bounds = array<i64: 5>, scalar_prefetch = 0 : i64, scratch_operands = 0 : i64, tpu.core_type = #tpu.core_type<tc>, window_params = [{transform_indices = @transform_0, window_bounds = array<i64: 2, 2000, 136>}, {pipeline_mode = #tpu.pipeline_mode<synchronous>, transform_indices = @transform_1, window_bounds = array<i64: 128, 128>}, {pipeline_mode = #tpu.pipeline_mode<synchronous>, transform_indices = @transform_2, window_bounds = array<i64: 1, 128>}, {pipeline_mode = #tpu.pipeline_mode<synchronous>, transform_indices = @transform_3, window_bounds = array<i64: 8, 128>}, {transform_indices = @transform_4, window_bounds = array<i64: 2000, 128>}]} {
    %get3A = arith.constant 0 : index
    %get3A_0 = arith.constant 0 : index
    %get3A_1 = arith.constant 0 : index
    %get3A_2 = vector.load %arg1[%get3A, %get3A_0, %get3A_1] : memref<2x2000x136xf32, #tpu.memory_space<vmem>>, vector<1x2000x128xf32>
    %get3A_3 = vector.shape_cast %get3A_2 : vector<1x2000x128xf32> to vector<2000x128xf32>
    %get3A_4 = arith.constant 1 : index
    %get3A_5 = arith.constant 0 : index
    %get3A_6 = arith.constant 0 : index
    %get3A_7 = vector.load %arg1[%get3A_4, %get3A_5, %get3A_6] : memref<2x2000x136xf32, #tpu.memory_space<vmem>>, vector<1x2000x128xf32>
    %get3A_8 = vector.shape_cast %get3A_7 : vector<1x2000x128xf32> to vector<2000x128xf32>
    %add3A = arith.addf %get3A_3, %get3A_8 : vector<2000x128xf32>
    %get3A_9 = arith.constant 0 : index
    %get3A_10 = arith.constant 0 : index
    %get3A_11 = arith.constant 128 : index
    %get3A_12 = vector.load %arg1[%get3A_9, %get3A_10, %get3A_11] : memref<2x2000x136xf32, #tpu.memory_space<vmem>>, vector<1x2000x8xf32>
    %get3A_13 = vector.shape_cast %get3A_12 : vector<1x2000x8xf32> to vector<2000x8xf32>
    %get3A_14 = arith.constant 1 : index
    %get3A_15 = arith.constant 0 : index
    %get3A_16 = arith.constant 128 : index
    %get3A_17 = vector.load %arg1[%get3A_14, %get3A_15, %get3A_16] : memref<2x2000x136xf32, #tpu.memory_space<vmem>>, vector<1x2000x8xf32>
    %get3A_18 = vector.shape_cast %get3A_17 : vector<1x2000x8xf32> to vector<2000x8xf32>
    %add3A_19 = arith.addf %get3A_13, %get3A_18 : vector<2000x8xf32>
    %get3A_20 = arith.constant 0 : index
    %get3A_21 = arith.constant 0 : index
    %get3A_22 = vector.load %arg4[%get3A_20, %get3A_21] : memref<8x128xf32, #tpu.memory_space<vmem>>, vector<8x128xf32>
    %dot_general3A = arith.constant dense<0.000000e+00> : vector<2000x128xf32>
    %dot_general3A_23 = tpu.matmul %add3A_19, %get3A_22, %dot_general3A {dimension_numbers = #tpu.dot_dimension_numbers<[1], [0], [0], [1], [0, 0, 1, 1], [], []>, transpose_lhs_hint = false} : vector<2000x8xf32>, vector<8x128xf32>, vector<2000x128xf32> -> vector<2000x128xf32>
    %add3A_24 = arith.constant 9.99999971E-10 : f32
    %add3A_25 = vector.broadcast %add3A_24 : f32 to vector<2000x128xf32>
    %add3A_26 = arith.addf %dot_general3A_23, %add3A_25 : vector<2000x128xf32>
    %div3A = arith.divf %add3A, %add3A_26 : vector<2000x128xf32>
    %get3A_27 = arith.constant 0 : index
    %get3A_28 = arith.constant 0 : index
    %get3A_29 = vector.load %arg2[%get3A_27, %get3A_28] : memref<128x128xf32, #tpu.memory_space<vmem>>, vector<128x128xf32>
    %dot_general3A_30 = arith.constant dense<0.000000e+00> : vector<2000x128xf32>
    %dot_general3A_31 = tpu.matmul %div3A, %get3A_29, %dot_general3A_30 {dimension_numbers = #tpu.dot_dimension_numbers<[1], [0], [0], [1], [0, 0, 1, 1], [], []>, transpose_lhs_hint = false} : vector<2000x128xf32>, vector<128x128xf32>, vector<2000x128xf32> -> vector<2000x128xf32>
    %get3A_32 = arith.constant 0 : index
    %get3A_33 = arith.constant 0 : index
    %get3A_34 = vector.load %arg3[%get3A_32, %get3A_33] : memref<1x128xf32, #tpu.memory_space<vmem>>, vector<1x128xf32>
    %add3A_35 = vector.broadcast %get3A_34 : vector<1x128xf32> to vector<2000x128xf32>
    %add3A_36 = arith.addf %dot_general3A_31, %add3A_35 : vector<2000x128xf32>
    %swap3A = arith.constant 0 : index
    %swap3A_37 = arith.constant 0 : index
    %swap3A_38 = vector.load %arg5[%swap3A, %swap3A_37] : memref<2000x128xf32, #tpu.memory_space<vmem>>, vector<2000x128xf32>
    tpu.vector_store %arg5[%swap3A, %swap3A_37], %add3A_36 {strides = array<i32>} : memref<2000x128xf32, #tpu.memory_space<vmem>>, vector<2000x128xf32>,
    return
  }
  func.func @transform_0(%arg0: i32) -> (i32, i32, i32) {
    %c0_i32 = arith.constant 0 : i32
    %c0_i32_0 = arith.constant 0 : i32
    %c0_i32_1 = arith.constant 0 : i32
    return %c0_i32, %arg0, %c0_i32_0 : i32, i32, i32
  }
  func.func @transform_1(%arg0: i32) -> (i32, i32) {
    %c0_i32 = arith.constant 0 : i32
    %c0_i32_0 = arith.constant 0 : i32
    %c0_i32_1 = arith.constant 0 : i32
    return %c0_i32, %c0_i32_0 : i32, i32
  }
  func.func @transform_2(%arg0: i32) -> (i32, i32) {
    %c0_i32 = arith.constant 0 : i32
    %c0_i32_0 = arith.constant 0 : i32
    %c0_i32_1 = arith.constant 0 : i32
    return %c0_i32, %c0_i32_0 : i32, i32
  }
  func.func @transform_3(%arg0: i32) -> (i32, i32) {
    %c0_i32 = arith.constant 0 : i32
    %c0_i32_0 = arith.constant 0 : i32
    %c0_i32_1 = arith.constant 0 : i32
    return %c0_i32, %c0_i32_0 : i32, i32
  }
  func.func @transform_4(%arg0: i32) -> (i32, i32) {
    %c0_i32 = arith.constant 0 : i32
    %c0_i32_0 = arith.constant 0 : i32
    return %arg0, %c0_i32 : i32, i32
  }
}

</mosaic_0001>

<sc_bundles>
// kernel: kernel.6.cloned.1.call-start
scs
__scs_entry_jumppad:
0x0: {  	(pc) =	sbr.rel $0x88, $3  }
0x1: {  	(tag) =	ssettag $0x0;
	lr =	simm.s32 $0x1  }
0x2: {  	[smem:$0x3F98] =	sst lr;
	_ =	strace $0xD0000000  }
0x3: {  	_ = 	snop  }
0x4: {  	_ = 	snop  }
0x5: {  	_ = 	snop  }
0x6: {  	_ = 	snop  }
0x7: {  	_ = 	snop  }
__scs_overlays_trampoline_lowered:
0x8: {  	[smem:$0x3FA7] =	sst s0  }
0x9: {  	[smem:$0x3FA8] =	sst s1  }
0xa: {  	[smem:$0x3FA9] =	sst s2  }
0xb: {  	[smem:$0x3FAA] =	sst s3  }
0xc: {  	[smem:$0x3FAB] =	sst s4  }
0xd: {  	[smem:$0x3FAC] =	sst s5  }
0xe: {  	[smem:$0x3FAD] =	sst s6  }
0xf: {  	[smem:$0x3FAE] =	sst s7  }
0x10: {  	[smem:$0x3FAF] =	sst s8  }
0x11: {  	[smem:$0x3FB0] =	sst s9;
	s0 =	simm.s32 @!p0 $0x0  }
0x12: {  	s1 =	sld [smem:$0x3F96];
	s0 =	simm.s32 @p0 $0x1  }
0x13: {  	[smem:$0x3FB1] =	sst s0;
	s0 =	simm.s32 @!p1 $0x0  }
0x14: {  	s2 =	sld [smem:$0x3F95];
	s0 =	simm.s32 @p1 $0x1  }
0x15: {  	[smem:$0x3FB2] =	sst s0;
	s0 =	simm.s32 @!p2 $0x0  }
0x16: {  	s3 =	sld [smem:$0x3FDB];
	s0 =	simm.s32 @p2 $0x1  }
0x17: {  	s4 =	simm.s32 $0x1BF5;
	[smem:$0x3FB4] =	sst s0  }
0x18: {  	s0 =	sld [smem:$0x3F97];
	_ =	swait.ge [sflag:s4], $0x0  }
0x19: {  	s7 =	sld [smem:$0x3F98]  }
0x1a: {  	s8 =	sadd.s32 $0xFFFFE003, lr  }
0x1b: {  	s9 =	sadd.s32 $0xFFFFFEF7, lr;
	s5 =	simm.s32 $0xFFFFFFFF;
	p2 =	slt.u32 s8, $0xFFFFF086  }
0x1c: {  	p1 =	slt.u32 s9, $0xF7A;
	s5 =	simm.s32 @!p2 $0x0  }
0x1d: {  	s5 =	simm.s32 @p1 $0x1;
	p0 =	seq.s32 s7, s2  }
0x1e: {  	s7 =	smul.u32 @!p0 $0xF7A, s2;
	p2 =	seq.s32 @!p0 s5, $0x0  }
0x1f: {  	s9 =	smul.u32 $0xF7A, s1;
	s8 =	simm.s32 @!p0 $0x1BF5;
	p2 =	por !p2, p0  }
0x20: {  	[sflag:s8] =	ssyncset.s32 @!p0 $0xFFFFF086;
	s6 =	sadd.s32 @!p0 s3, s7;
	s7 =	simm.s32 @!p0 $0x108  }
0x21: {  	s3 =	sadd.s32 s3, s9;
	s6 =	sadd.s32 @!p0 $0x88, s6;
	s7 =	simm.s32 @p2 $0x1082  }
0x22: {  	[simem:s7], [sflag:s8] =	dma.local @!p0 [hbm:s6], $0xF7A  }
0x23: {  	s9 =	sor.u32 $0xD0000000, s2;
	s6 =	simm.s32 $0x108;
	_ =	swait.ge @!p0 [sflag:s8], $0x0  }
0x24: {  	s3 =	sadd.s32 $0x88, s3;
	s6 =	simm.s32 @!p1 $0x1082;
	[sflag:s4] =	ssyncset.s32 $0xFFFFF086  }
0x25: {  	[simem:s6], [sflag:s4] =	dma.local [hbm:s3], $0xF7A  }
0x26: {  	[smem:$0x3F98] =	sst s1;
	(tag) =	ssettag s2;
	_ =	strace s9  }
0x27: {  	s1 =	sld [smem:$0x3FA8]  }
0x28: {  	s2 =	sld [smem:$0x3FA9]  }
0x29: {  	s4 =	sld [smem:$0x3FAB]  }
0x2a: {  	p0 =	seq.s32 s5, $0x0;
	s5 =	sld [smem:$0x3FAC]  }
0x2b: {  	s6 =	sld [smem:$0x3FAD]  }
0x2c: {  	s7 =	sld [smem:$0x3FAE]  }
0x2d: {  	s3 =	simm.s32 $0x108;
	s8 =	sld [smem:$0x3FAF]  }
0x2e: {  	s3 =	simm.s32 @!p0 $0x1082;
	s9 =	sld [smem:$0x3FB0]  }
0x2f: {  	lr =	sadd.s32 s0, s3;
	s0 =	sld [smem:$0x3FA7]  }
0x30: {  	s3 =	sld [smem:$0x3FAA]  }
0x31: {  	[smem:$0x3FB3] =	sst s10  }
0x32: {  	s10 =	sld [smem:$0x3FB1];
	_ =	sdelay $0x3  }
0x33: {  	p0 =	seq.s32 s10, $0x1;
	s10 =	sld [smem:$0x3FB3];
	_ =	sdelay $0x3  }
0x34: {  	[smem:$0x3FB3] =	sst s10  }
0x35: {  	s10 =	sld [smem:$0x3FB2];
	_ =	sdelay $0x3  }
0x36: {  	p1 =	seq.s32 s10, $0x1;
	s10 =	sld [smem:$0x3FB3];
	_ =	sdelay $0x3  }
0x37: {  	[smem:$0x3FB3] =	sst s10  }
0x38: {  	s10 =	sld [smem:$0x3FB4]  }
0x39: {  	_ = 	snop;
	(pc) =	sbr.ind lr, $3  }
0x3a: {  	_ = 	snop  }
0x3b: {  	_ = 	snop  }
0x3c: {  	p2 =	seq.s32 s10, $0x1;
	s10 =	sld [smem:$0x3FB3]  }
0x3d: {  	_ =	shalt  }
0x3e: {  	_ =	shalt  }
0x3f: {  	_ =	shalt  }
0x40: {  	_ =	shalt  }
0x41: {  	_ =	shalt  }
0x42: {  	_ =	shalt  }
0x43: {  	_ =	shalt  }
0x44: {  	_ =	shalt  }
0x45: {  	_ =	shalt  }
0x46: {  	_ =	shalt  }
0x47: {  	_ =	shalt  }
0x48: {  	_ =	shalt  }
0x49: {  	_ =	shalt  }
0x4a: {  	_ =	shalt  }
0x4b: {  	_ =	shalt  }
0x4c: {  	_ =	shalt  }
0x4d: {  	_ =	shalt  }
0x4e: {  	_ =	shalt  }
0x4f: {  	_ =	shalt  }
0x50: {  	_ =	shalt  }
0x51: {  	_ =	shalt  }
0x52: {  	_ =	shalt  }
0x53: {  	_ =	shalt  }
0x54: {  	_ =	shalt  }
0x55: {  	_ =	shalt  }
0x56: {  	_ =	shalt  }
0x57: {  	_ =	shalt  }
0x58: {  	_ =	shalt  }
0x59: {  	_ =	shalt  }
0x5a: {  	_ =	shalt  }
0x5b: {  	_ =	shalt  }
0x5c: {  	_ =	shalt  }
0x5d: {  	_ =	shalt  }
0x5e: {  	_ =	shalt  }
0x5f: {  	_ =	shalt  }
0x60: {  	_ =	shalt  }
0x61: {  	_ =	shalt  }
0x62: {  	_ =	shalt  }
0x63: {  	_ =	shalt  }
0x64: {  	_ =	shalt  }
0x65: {  	_ =	shalt  }
0x66: {  	_ =	shalt  }
0x67: {  	_ =	shalt  }
0x68: {  	_ =	shalt  }
0x69: {  	_ =	shalt  }
0x6a: {  	_ =	shalt  }
0x6b: {  	_ =	shalt  }
0x6c: {  	_ =	shalt  }
0x6d: {  	_ =	shalt  }
0x6e: {  	_ =	shalt  }
0x6f: {  	_ =	shalt  }
0x70: {  	_ =	shalt  }
0x71: {  	_ =	shalt  }
0x72: {  	_ =	shalt  }
0x73: {  	_ =	shalt  }
0x74: {  	_ =	shalt  }
0x75: {  	_ =	shalt  }
0x76: {  	_ =	shalt  }
0x77: {  	_ =	shalt  }
0x78: {  	_ =	shalt  }
0x79: {  	_ =	shalt  }
0x7a: {  	_ =	shalt  }
0x7b: {  	_ =	shalt  }
0x7c: {  	_ =	shalt  }
0x7d: {  	_ =	shalt  }
0x7e: {  	_ =	shalt  }
0x7f: {  	_ =	shalt  }
0x80: {  	_ =	shalt  }
0x81: {  	_ =	shalt  }
0x82: {  	_ =	shalt  }
0x83: {  	_ =	shalt  }
0x84: {  	_ =	shalt  }
0x85: {  	_ =	shalt  }
0x86: {  	_ =	shalt  }
0x87: {  	_ =	shalt  }
.Lfunc_end0:
.L_simem_size_0:
called_computation.1_lowered:
.L_overlay_start_0:
0x88: {  	s2 =	sld [smem:$0x3FD9]  }
0x89: {  	s3 =	sld [smem:$0x3FFE];
	_ =	sdelay $0x1  }
0x8a: {  	s1 =	srdreg.scid  }
0x8b: {  	s0 =	sand.u32 $0x1, s1  }
0x8c: {  	s17 =	sshll.u32 s0, $0xA;
	s2 =	sadd.s32 s3, s2  }
0x8d: {  	s2 =	sadd.s32 s2, s17  }
0x8e: {  	[smem:$0x3FBF] =	sst s2  }
0x8f: {  	_ = 	snop  }
0x90: {  	s2 =	sld [smem:$0x3FD0];
	(tm) =	ssettm $0x1  }
0x91: {  	s18 =	sld [smem:$0x3FFB];
	_ =	sdelay $0x3  }
0x92: {  	_ =	strace s18  }
0x93: {  	s3 =	sld [smem:$0x3FFC];
	_ =	sdelay $0x3  }
0x94: {  	_ =	strace s3  }
0x95: {  	s3 =	sld [smem:$0x3FFD];
	_ =	sdelay $0x3  }
0x96: {  	_ =	strace s3  }
0x97: {  	_ =	strace $0x8FFFFFFF  }
0x98: {  	s19 =	sld [smem:$0x3FDB];
	_ =	sdelay $0x1  }
0x99: {  	s4 =	simm.s32 $_scs_section_size  }
0x9a: {  	s5 =	simm.s32 $_size__tile_overlayer_lowered;
	s6 =	simm.s32 $_tile_overlayer_lowered  }
0x9b: {  	s22 =	simm.s32 $0x1BFF;
	s21 =	sshll.u32 s6, $0x1;
	s3 =	sadd.s32 s4, s19  }
0x9c: {  	s7 =	simm.s32 $0x0;
	s20 =	sshll.u32 s5, $0x1;
	s5 =	sadd.s32 s21, s3  }
0x9d: {  	[timem:s7], [sflag:s22] =	dma.local [hbm:s5], s20  }
0x9e: {  	_ =	swait.ge [sflag:s22], s20  }
0x9f: {  	s4 =	ssub.s32 $0x0, s20;
	[sflag:s22] =	ssyncset.done $0x0  }
0xa0: {  	[sflag:s22] =	ssyncadd.s32 s4;
	_ =	sdelay $0x1  }
0xa1: {  	s23 =	simm.s32 $0x1B8B  }
0xa2: {  	_ =	swait.ge [sflag:s23], $0x1  }
0xa3: {  	[sflag:s23] =	ssyncset.done $0x0  }
0xa4: {  	s25 =	simm.s32 $0x1B8E;
	s24 =	sld [smem:$0x3FFE];
	[sflag:s23] =	ssyncadd.s32 $0xFFFFFFFF  }
0xa5: {  	s26 =	simm.s32 $execute0_lowered;
	[smem:$0x3FD2] =	sst s25  }
0xa6: {  	s5 =	sshll.u32 s26, $0x1;
	_ =	strace $0x80000049;
	[dreg:$0x1] =	wrdreg $0xFFFFFFFF  }
0xa7: {  	s28 =	simm.s32 $_size_execute0_lowered;
	s3 =	sadd.s32 s3, s5;
	[dreg:$0x0] =	wrdreg $0x0  }
0xa8: {  	s5 =	sshll.u32 s28, $0x1;
	[dreg:$0x2] =	wrdreg s3  }
0xa9: {  	[dreg:$0x3] =	wrdreg s5  }
0xaa: {  	[dreg:$0x4] =	wrdreg $0xC0  }
0xab: {  	_ =	task [dreg:s7], $0x5FFFF  }
0xac: {  	[dreg:$0x1] =	wrdreg $0xFFFFFFFF  }
0xad: {  	[dreg:$0x0] =	wrdreg $0x60  }
0xae: {  	[dreg:$0x2] =	wrdreg s24  }
0xaf: {  	[dreg:$0x3] =	wrdreg s2  }
0xb0: {  	[dreg:$0x4] =	wrdreg $0x66500  }
0xb1: {  	[dreg:$0x5] =	wrdreg $0x9  }
0xb2: {  	_ =	task.clear_ibuf [dreg:s7], $0x6FFFF;
	_ =	strace $0x90000049  }
0xb3: {  	s29 =	simm.s32 $0x9;
	_ =	strace $0x8000004B  }
0xb4: {  	_ =	swait.ge [sflag:s29], $0x1  }
0xb5: {  	[sflag:s29] =	ssyncadd.s32 $0xFFFFFFFF  }
0xb6: {  	_ =	strace $0x9000004B  }
0xb7: {  	_ =	sfence  }
0xb8: {  	s30 =	sld [smem:$0x0];
	_ =	sdelay $0x2  }
0xb9: {  	s31 =	sshll.u32 s1, $0xD;
	s1 =	sshrl.u32 s1, $0x2  }
0xba: {  	s3 =	sand.u32 $0x4000, s31;
	s1 =	sadd.s32 s1, s30  }
0xbb: {  	s0 =	sor.u32 s3, s0;
	s1 =	sshll.u32 s1, $0x11  }
0xbc: {  	s0 =	sor.u32 s1, s0  }
0xbd: {  	s0 =	sadd.s32 $0x8F2B, s0  }
0xbe: {  	[sflag:s0] =	ssyncadd.remote.s32 $0x1  }
0xbf: {  	_ =	sfence.sel $0xFFFF  }
0xc0: {  	[dreg:$0x0] =	wrdreg $0xFFFFFFFF;
	(pc) =	sbr.abs _section_cstart, $3  }
0xc1: {  	[dreg:$0x1] =	wrdreg $0xFFFFFFFF  }
0xc2: {  	_ =	task.clear_ibuf [dreg:s7], $0x2FFFF;
	_ =	strace $0x9FFFFFFF  }
0xc3: {  	(tm) =	ssettm $0x7FFFFFFF  }
tec
execute0_lowered:
.L_overlay_start_1:
0x0: {  	(tag) =	ssettag $0x1  }
0x1: {  	s0 =	rddreg [dreg:$0x0]  }
0x2: {  	s1 =	rddreg [dreg:$0x1]  }
0x3: {  	s2 =	rddreg [dreg:$0x2]  }
0x4: {  	s3 =	simm.s32 $0x0;
	s4 =	srdreg.scid;
	s16 =	simm.s32 $0x5110  }
0x5: {  	s30 =	simm.s32 $0x3;
	s31 =	simm.s32 $0x5;
	[smem:$0x7FF] =	sst s3  }
0x6: {  	s8 =	sand.u32 $0x1, s4;
	s5 =	sadd.s32 $0x4F7400, s0;
	s6 =	sadd.s32 $0x4E3A00, s0  }
0x7: {  	s4 =	stileid.u32;
	s7 =	sadd.s32 $0x1A00, s0;
	s9 =	smul.u32 $0x14C080, s8  }
0x8: {  	_ =	strace $0x8000004A;
	s10 =	smul.u32 $0x1540, s4;
	s11 =	sshll.u32 s8, $0x4  }
0x9: {  	s18 =	ssub.s32 $0x2, s8;
	s13 =	smul.u32 $0x5500, s4;
	s11 =	sor.u32 s4, s11  }
0xa: {  	s12 =	sshrl.u32 s18, $0x1;
	s9 =	sadd.s32 s10, s9;
	s8 =	smul.u32 $0x2710, s11  }
0xb: {  	s19 =	ssub.s32 s18, s12;
	s20 =	smul.u32 $0x13880, s11;
	s28 =	sshrl.u32 s13, $0x2  }
0xc: {  	s9 =	sshrl.u32 s9, $0x3;
	s29 =	smax.u32 s19, $0x1;
	s17 =	sadd.s32 s28, s2  }
0xd: {  	s19 =	simm.s32 $0x28;
	s0 =	sadd.s32 s9, s0;
	s21 =	sshrl.u32 s8, $0x3  }
0xe: {  	s22 =	sadd.s32 $0x28, s8;
	s24 =	sadd.s32 s7, s20;
	[dreg:$0x7] =	wrdreg s29  }
0xf: {  	s12 =	sadd.s32 $0x78, s8;
	s20 =	simm.s32 $0x4;
	[dreg:$0x8] =	wrdreg s17  }
0x10: {  	s9 =	simm.s32 $0x0;
	s23 =	sadd.s32 s5, s21;
	[dreg:$0x5] =	wrdreg s24  }
0x11: {  	v0 =	vlaneseq.u32;
	v2 =	vimm.f32 $0.0e+00;
	vm0 =	vmmov $0x1;
	s25 =	sshrl.u32 s22, $0x3;
	s0 =	sadd.s32 $0x272A00, s0;
	s24 =	simm.s32 $0x90  }
0x12: {  	vm1 =	vcmask $0x704;
	v3 =	vor.u32 $0x80, v0;
	v0 =	vor.u32 $0x20, v0;
	s21 =	simm.s32 $0x6;
	s22 =	simm.s32 $0xE8;
	[dreg:$0x4] =	wrdreg s23  }
0x13: {  	vm2 =	vcmask $0xB08;
	vm3 =	vcmask $0xF0C;
	vm4 =	vcmask $0x1310;
	[tilespmem:$0x1FFE0] =	vst v0;
	s26 =	sadd.s32 s5, s25;
	[dreg:$0x9] =	wrdreg s0;
	s23 =	simm.s32 $0x60  }
0x14: {  	vm5 =	vcmask $0x1714;
	vm6 =	vcmask $0x1B18;
	vm7 =	vcmask $0x1F1C;
	[tilespmem:$0x1FFF0] =	vst v3;
	s25 =	simm.s32 $0x2;
	s0 =	simm.s32 $0xC0;
	[dreg:$0x6] =	wrdreg s26  }
.LBB2_1:
0x15: {  	s3 =	simm.s32 $0x0  }
0x16: {  	v0 =	vmov s3  }
0x17: {  	[dreg:$0xa] =	wrdreg s9;
	s9 =	simm.s32 $0x5150;
	v0 =	vmul.u32 $0x88, v0  }
0x18: {  	[tilespmem:s9+$0xFFFFFFD0] =	vst v2  }
0x19: {  	[tilespmem:s9+$0xFFFFFFE0] =	vst v2;
	v0 =	vbroadcast v0, $0x0  }
0x1a: {  	[tilespmem:s9+$0xFFFFFFF0] =	vst v2  }
0x1b: {  	[tilespmem:s9+$0x0] =	vst v2;
	v0 =	vadd.s32 v3, v0  }
0x1c: {  	[tilespmem:s9+$0x10] =	vst v2  }
0x1d: {  	[tilespmem:s9+$0x20] =	vst v2  }
0x1e: {  	s10 =	simm.s32 $0x1;
	[tilespmem:s9+$0x30] =	vst v2  }
0x1f: {  	v1 =	vmov s10;
	s10 =	simm.s32 $0x2;
	[tilespmem:s9+$0xFFFFFFC0] =	vst v2  }
.LBB2_2:
0x20: {  	p0 =	seq.s32 s10, $0x27;
	v1 =	vmul.u32 $0x88, v1;
	[tilespmem:v0+s16+$0x0] =	vst.idx.msk $0xff, v2;
	s9 =	sadd.s32 $0x88, s9  }
0x21: {  	[tilespmem:s9+$0xFFFFFFD0] =	vst v2  }
0x22: {  	[tilespmem:s9+$0xFFFFFFE0] =	vst v2;
	v0 =	vbroadcast v1, $0x0  }
0x23: {  	[tilespmem:s9+$0xFFFFFFF0] =	vst v2  }
.Ltmp0:
0x24: {  	[tilespmem:s9+$0x0] =	vst v2;
	v0 =	vadd.s32 v3, v0;
	(pc) =	sbr.rel @!p0 .LBB2_2-.Ltmp0, $4  }
0x25: {  	[tilespmem:s9+$0x10] =	vst v2  }
0x26: {  	[tilespmem:s9+$0x20] =	vst v2  }
0x27: {  	[tilespmem:s9+$0x30] =	vst v2  }
0x28: {  	v1 =	vmov s10;
	s10 =	sadd.s32 $0x1, s10;
	[tilespmem:s9+$0xFFFFFFC0] =	vst v2  }
0x29: {  	_ =	sdelay $0x3  }
0x2a: {  	v1 =	vmul.u32 $0x88, v1;
	[tilespmem:v0+s16+$0x0] =	vst.idx.msk $0xff, v2;
	s9 =	sadd.s32 $0x88, s9  }
0x2b: {  	[tilespmem:s9+$0xFFFFFFD0] =	vst v2  }
0x2c: {  	[tilespmem:s9+$0xFFFFFFE0] =	vst v2;
	v63 =	vbroadcast v1, $0x0  }
0x2d: {  	[tilespmem:s9+$0xFFFFFFF0] =	vst v2  }
0x2e: {  	[tilespmem:s9+$0x0] =	vst v2;
	v0 =	vadd.s32 v3, v63  }
0x2f: {  	[tilespmem:s9+$0x10] =	vst v2  }
0x30: {  	[tilespmem:s9+$0x20] =	vst v2  }
0x31: {  	s29 =	sadd.s32 $0x0, s4;
	[tilespmem:s9+$0x30] =	vst v2  }
0x32: {  	[tilespmem:s9+$0xFFFFFFC0] =	vst v2;
	p0 =	sgt.u32 s29, $0xF9  }
0x33: {  	s9 =	simm.s32 @!p0 $0x5110;
	s13 =	simm.s32 @!p0 $0x7;
	[tilespmem:v0+s16+$0x0] =	vst.idx.msk $0xff, v2  }
0x34: {  	[spmem:s17] =	stream.linear.scatter @!p0 [tilespmem:s9], [sflag:$0x7], $0x1540, $0x38;
	[tilespmem:$0x1B258] =	vst v63  }
0x35: {  	s10 =	simm.s32 $0x10;
	_ =	swait.ge @!p0 [sflag:s13], $0x1540  }
0x36: {  	s11 =	simm.s32 $0x20;
	s9 =	sadd.s32 $0x15400, s17;
	[sflag:s13] =	ssyncset.done @!p0 $0x0  }
.LBB2_4:
0x37: {  	s14 =	sadd.s32 s10, s4;
	s10 =	smov.u32 s11;
	s11 =	sadd.s32 $0x10, s11  }
0x38: {  	[sflag:s13] =	ssyncadd.s32 @!p0 $0xFFFFEAC0;
	p1 =	sne.s32 s11, $0x100  }
.Ltmp1:
0x39: {  	p0 =	sgt.u32 s14, $0xF9;
	(pc) =	sbr.rel @p1 .LBB2_4-.Ltmp1, $4  }
0x3a: {  	s14 =	simm.s32 @!p0 $0x5110;
	s13 =	simm.s32 @!p0 $0x7  }
0x3b: {  	[spmem:s9] =	stream.linear.scatter @!p0 [tilespmem:s14], [sflag:$0x7], $0x1540, $0x38;
	[tilespmem:$0x1B258] =	vst v63  }
0x3c: {  	_ =	swait.ge @!p0 [sflag:s13], $0x1540  }
0x3d: {  	s9 =	sadd.s32 $0x15400, s9;
	[sflag:s13] =	ssyncset.done @!p0 $0x0  }
0x3e: {  	s10 =	sadd.s32 s10, s4  }
0x3f: {  	p1 =	sgt.u32 s10, $0xF9  }
0x40: {  	[sflag:s13] =	ssyncadd.s32 @!p0 $0xFFFFEAC0;
	s10 =	simm.s32 @!p1 $0x5110;
	s11 =	simm.s32 @!p1 $0x7  }
0x41: {  	[spmem:s9] =	stream.linear.scatter @!p1 [tilespmem:s10], [sflag:$0x7], $0x1540, $0x38;
	[tilespmem:$0x1B258] =	vst v63  }
0x42: {  	_ =	swait.ge @!p1 [sflag:s11], $0x1540  }
0x43: {  	[sflag:s11] =	ssyncset.done @!p1 $0x0  }
0x44: {  	[sflag:s11] =	ssyncadd.s32 @!p1 $0xFFFFEAC0  }
0x45: {  	[bflag:$0x0] =	sbarrier.arrive $0xFFFF  }
0x46: {  	s13 =	simm.s32 $0x0;
	s3 =	rddreg [dreg:$0x4]  }
0x47: {  	[tilespmem:s13], [sflag:$0x1] =	stream.linear.gather [hbm4b:s3+s13], $0x28, $0x38;
	[tilespmem:$0x1B258] =	vst v63  }
0x48: {  	s14 =	simm.s32 $0x1;
	s11 =	simm.s32 $0x30;
	s10 =	sadd.s32 $0x9C40, s3  }
0x49: {  	[tilespmem:s11], [sflag:$0x1] =	stream.linear.gather [hbm4b:s10+s13], $0x28, $0x38;
	[tilespmem:$0x1B258] =	vst v63  }
0x4a: {  	_ =	swait.ge [sflag:s14], $0x50  }
0x4b: {  	[sflag:s14] =	ssyncset.done $0x0  }
0x4c: {  	s15 =	simm.s32 $0x1510;
	[sflag:s14] =	ssyncadd.s32 $0xFFFFFFB0  }
0x4d: {  	[tilespmem:s15], [sflag:$0x3] =	stream.indirect.gather [hbm4b:s1+s19], $0x80, s13, s19, $0xb8;
	[tilespmem:$0x1B258] =	vst v63  }
0x4e: {  	s17 =	simm.s32 $0x110  }
0x4f: {  	[tilespmem:s17], [sflag:$0x3] =	stream.indirect.gather [hbm4b:s6+s19], $0x40, s11, s19, $0xb8;
	[tilespmem:$0x1B258] =	vst v63  }
0x50: {  	s26 =	simm.s32 $0x3D10;
	s18 =	rddreg [dreg:$0x5]  }
0x51: {  	[tilespmem:s26], [sflag:$0x5] =	stream.linear.gather [hbm4b:s18+s13], $0xA00, $0x38;
	[tilespmem:$0x1B258] =	vst v63  }
0x52: {  	s28 =	rddreg [dreg:$0x6]  }
0x53: {  	[tilespmem:s23], [sflag:$0x2] =	stream.linear.gather [hbm4b:s28+s13], $0x28, $0x38;
	[tilespmem:$0x1B258] =	vst v63  }
0x54: {  	s29 =	sadd.s32 $0x9C40, s28;
	s18 =	simm.s32 $0x0  }
0x55: {  	[tilespmem:s24], [sflag:$0x2] =	stream.linear.gather [hbm4b:s29+s13], $0x28, $0x38;
	[tilespmem:$0x1B258] =	vst v63  }
.LBB2_6:
0x56: {  	_ =	swait.ge [sflag:s25], $0x50  }
0x57: {  	s17 =	sshllo.u32 s18, $0x1;
	[sflag:s25] =	ssyncset.done $0x0  }
0x58: {  	s3 =	simm.s32 $0x2910;
	s9 =	smul.u32 $0x28, s17;
	[sflag:s25] =	ssyncadd.s32 $0xFFFFFFB0  }
0x59: {  	[tilespmem:s3], [sflag:$0x4] =	stream.indirect.gather [hbm4b:s1+s19], $0x80, s23, s19, $0xb8;
	[tilespmem:$0x1B258] =	vst v63  }
0x5a: {  	s9 =	sadd.s32 s8, s9  }
0x5b: {  	s15 =	simm.s32 $0xB10;
	s9 =	sshll.u32 s9, $0x3  }
0x5c: {  	[tilespmem:s15], [sflag:$0x4] =	stream.indirect.gather [hbm4b:s6+s19], $0x40, s24, s19, $0xb8;
	[tilespmem:$0x1B258] =	vst v63  }
0x5d: {  	s9 =	sand.u32 $0xFFFFFC0, s9  }
0x5e: {  	s26 =	simm.s32 $0x0;
	s10 =	simm.s32 $0x4710;
	s9 =	sadd.s32 s7, s9  }
0x5f: {  	[tilespmem:s10], [sflag:$0x5] =	stream.linear.gather [hbm4b:s9+s26], $0xA00, $0x38;
	[tilespmem:$0x1B258] =	vst v63  }
0x60: {  	_ =	swait.ge [sflag:s30], $0x1400  }
0x61: {  	[sflag:s30] =	ssyncset.done $0x0  }
0x62: {  	[sflag:s30] =	ssyncadd.s32 $0xFFFFEC00  }
0x63: {  	_ =	swait.ge [sflag:s30], $0xA00  }
0x64: {  	[sflag:s30] =	ssyncset.done $0x0  }
0x65: {  	[sflag:s30] =	ssyncadd.s32 $0xFFFFF600  }
0x66: {  	_ =	swait.ge [sflag:s31], $0xA00  }
0x67: {  	p0 =	seq.s32 s18, $0x0;
	[sflag:s31] =	ssyncset.done $0x0  }
0x68: {  	s9 =	simm.s32 @!p0 $0x6;
	[sflag:s31] =	ssyncadd.s32 $0xFFFFF600  }
0x69: {  	_ =	swait.ge @!p0 [sflag:s9], $0x1540  }
0x6a: {  	[sflag:s9] =	ssyncset.done @!p0 $0x0  }
0x6b: {  	[sflag:s9] =	ssyncadd.s32 @!p0 $0xFFFFEAC0  }
0x6c: {  	v0 =	vld [tilespmem:$0x30];
	_ =	sdelay $0x4  }
0x6d: {  	[tilespmem:$0xC0] =	vst v0;
	v0 =	vld [tilespmem:$0x1FFE0];
	_ =	sdelay $0x1  }
0x6e: {  	s10 =	sshll.u32 s18, $0x1;
	v1 =	vld [tilespmem:$0x40]  }
0x6f: {  	s9 =	sadd.s32 $0x2, s10;
	p0 =	seq.s32 s18, $0x7C;
	v2 =	vld [tilespmem:$0x50]  }
0x70: {  	s9 =	smul.u32 @!p0 $0x28, s9;
	_ =	sdelay $0x1  }
0x71: {  	s9 =	sadd.s32 @!p0 s8, s9  }
0x72: {  	s10 =	sshrl.u32 @!p0 s9, $0x3;
	[tilespmem:$0xD0] =	vst v1  }
0x73: {  	s11 =	simm.s32 @!p0 $0x0;
	s10 =	sadd.s32 @!p0 s5, s10;
	[tilespmem:v0+s0+$0x0] =	vst.idx.msk $0xff, v2  }
0x74: {  	[tilespmem:s11], [sflag:$0x1] =	stream.linear.gather @!p0 [hbm4b:s10+s11], $0x28, $0x38;
	[tilespmem:$0x1B258] =	vst v63  }
0x75: {  	s14 =	simm.s32 @!p0 $0x30;
	s10 =	sadd.s32 @!p0 $0x9C40, s10  }
0x76: {  	[tilespmem:s14], [sflag:$0x1] =	stream.linear.gather @!p0 [hbm4b:s10+s11], $0x28, $0x38;
	[tilespmem:$0x1B258] =	vst v63  }
0x77: {  	s11 =	simm.s32 $0x3DB0  }
0x78: {  	s15 =	simm.s32 $0x1650;
	v0 =	vld [tilespmem:s11+$0x60]  }
0x79: {  	s26 =	simm.s32 $0x1B0;
	v1 =	vld [tilespmem:s15+$0xC0]  }
0x7a: {  	v2 =	vld [tilespmem:s26+$0x60]  }
0x7b: {  	v3 =	vld [tilespmem:s11+$0x70]  }
0x7c: {  	v4 =	vld [tilespmem:s15+$0xD0]  }
0x7d: {  	v8 =	vshll.u32 v0, $0x10  }
0x7e: {  	v5 =	vld [tilespmem:s26+$0x70];
	[tilespmem:$0x1FEB0] =	vst v8  }
0x7f: {  	v7 =	vshll.u32 v1, $0x10;
	v9 =	vand.u32 $0xFFFF0000, v0;
	v0 =	vand.u32 $0xFFFF0000, v1;
	v6 =	vld [tilespmem:s11+$0x80]  }
0x80: {  	v10 =	vshll.u32 v3, $0x10;
	v7 =	vadd.f32 v7, v8;
	v0 =	vadd.f32 v0, v9;
	[tilespmem:$0x1FEC0] =	vst v9  }
0x81: {  	v8 =	vshll.u32 v2, $0x10;
	v2 =	vand.u32 $0xFFFF0000, v2;
	v9 =	vshll.u32 v4, $0x10;
	v1 =	vld [tilespmem:s15+$0xE0];
	[tilespmem:$0x1FED0] =	vst v10  }
0x82: {  	v0 =	vmul.f32 v2, v0;
	v2 =	vadd.f32 v9, v10;
	v10 =	vand.u32 $0xFFFF0000, v3;
	v11 =	vld [tilespmem:s26+$0x80]  }
0x83: {  	v7 =	vmul.f32 v8, v7;
	v3 =	vand.u32 $0xFFFF0000, v4;
	v8 =	vld [tilespmem:s11+$0x90];
	[tilespmem:$0x1FEE0] =	vst v10  }
0x84: {  	v3 =	vadd.f32 v3, v10;
	v4 =	vld [tilespmem:s15+$0xF0];
	v12 =	vshll.u32 v6, $0x10  }
0x85: {  	v9 =	vshll.u32 v5, $0x10;
	v5 =	vand.u32 $0xFFFF0000, v5;
	[tilespmem:$0x1FEF0] =	vst v12  }
0x86: {  	v2 =	vmul.f32 v9, v2;
	(xrf2) =	vadd.scan.msk.f32 $0xffff, v7;
	v3 =	vmul.f32 v5, v3;
	v9 =	vshll.u32 v1, $0x10;
	v19 =	vld [tilespmem:s26+$0x90]  }
0x87: {  	(xrf2) =	vadd.scan.msk.f32 $0xffff, v0;
	v6 =	vand.u32 $0xFFFF0000, v6;
	v1 =	vand.u32 $0xFFFF0000, v1;
	v9 =	vadd.f32 v9, v12  }
0x88: {  	v13 =	vshll.u32 v11, $0x10;
	[tilespmem:$0x1FF00] =	vst v6;
	v1 =	vadd.f32 v1, v6;
	v7 =	vshll.u32 v8, $0x10  }
0x89: {  	v0 =	vand.u32 $0xFFFF0000, v11;
	v18 =	vand.u32 $0xFFFF0000, v8;
	[tilespmem:$0x1FF10] =	vst v7;
	v6 =	vshll.u32 v4, $0x10  }
0x8a: {  	(xrf2) =	vadd.scan.msk.f32 $0xffff, v2;
	v4 =	vand.u32 $0xFFFF0000, v4;
	v5 =	vmul.f32 v13, v9;
	v2 =	vadd.f32 v6, v7;
	v6 =	vld [tilespmem:s15+$0xFFFFFEC0]  }
0x8b: {  	(xrf2) =	vadd.scan.msk.f32 $0xffff, v3;
	v0 =	vmul.f32 v0, v1;
	v3 =	vadd.f32 v4, v18;
	v11 =	vld [tilespmem:s15+$0xFFFFFED0];
	v1 =	vshll.u32 v19, $0x10  }
0x8c: {  	v27 =	vld [tilespmem:s15+$0xFFFFFEF0];
	(xrf2) =	vadd.scan.msk.f32 $0xffff, v5;
	v1 =	vmul.f32 v1, v2;
	v2 =	vand.u32 $0xFFFF0000, v19  }
0x8d: {  	v28 =	vld [tilespmem:s11+$0xFFFFFFA0];
	(xrf2) =	vadd.scan.msk.f32 $0xffff, v0;
	v0 =	vmul.f32 v2, v3  }
0x8e: {  	v29 =	vld [tilespmem:s11+$0xFFFFFFB0];
	(xrf2) =	vadd.scan.msk.f32 $0xffff, v1  }
0x8f: {  	v62 =	vld [tilespmem:s11+$0xFFFFFFD0];
	(xrf2) =	vadd.scan.msk.f32 $0xffff, v0  }
0x90: {  	v35 =	vld [tilespmem:s15+$0xFFFFFF40]  }
0x91: {  	v5 =	vld [tilespmem:s11+$0xFFFFFF90];
	v7, _, _ =	vpop (xrf2)  }
0x92: {  	v37 =	vld [tilespmem:s15+$0xFFFFFF50];
	v21 =	vshll.u32 v6, $0x10;
	v7 =	vbroadcast v7, $0xF  }
0x93: {  	v8, _, _ =	vpop (xrf2);
	v25 =	vand.u32 $0xFFFF0000, v6;
	v24 =	vshll.u32 v11, $0x10;
	v11 =	vand.u32 $0xFFFF0000, v11  }
0x94: {  	v31 =	vshll.u32 v27, $0x10;
	v36 =	vand.u32 $0xFFFF0000, v27;
	v33 =	vshll.u32 v28, $0x10;
	v61, _, _ =	vpop (xrf2)  }
0x95: {  	v34 =	vand.u32 $0xFFFF0000, v28;
	v32 =	vshll.u32 v29, $0x10;
	v27 =	vand.u32 $0xFFFF0000, v62;
	v20, _, _ =	vpop (xrf2)  }
0x96: {  	v8 =	vbroadcast v8, $0xF;
	v14 =	vshll.u32 v5, $0x10;
	v17 =	vand.u32 $0xFFFF0000, v5;
	v5, _, _ =	vpop (xrf2)  }
0x97: {  	v40 =	vld [tilespmem:s11+$0x0];
	v41 =	vand.u32 $0xFFFF0000, v35;
	v42 =	vshll.u32 v37, $0x10;
	v19 =	vbroadcast v61, $0xF;
	v22, _, _ =	vpop (xrf2)  }
0x98: {  	v43 =	vld [tilespmem:s11+$0x10];
	v7 =	vnsel vm0, $0x0, v7;
	v20 =	vbroadcast v20, $0xF;
	v8 =	vnsel vm1, $0x0, v8;
	v6, _, _ =	vpop (xrf2)  }
0x99: {  	v46 =	vld [tilespmem:s15+$0xFFFFFFC0];
	v19 =	vnsel vm2, $0x0, v19;
	v5 =	vbroadcast v5, $0xF;
	v22 =	vbroadcast v22, $0xF;
	v26, _, _ =	vpop (xrf2)  }
0x9a: {  	v49 =	vld [tilespmem:s15+$0xFFFFFFD0];
	v20 =	vnsel vm3, $0x0, v20;
	v6 =	vbroadcast v6, $0xF;
	v26 =	vbroadcast v26, $0xF  }
0x9b: {  	v51 =	vld [tilespmem:s15+$0xFFFFFFE0];
	v7 =	vadd.f32 v8, v7;
	v8 =	vadd.f32 v20, v19;
	v5 =	vnsel vm4, $0x0, v5  }
0x9c: {  	v22 =	vnsel vm5, $0x0, v22;
	v6 =	vnsel vm6, $0x0, v6;
	v26 =	vnsel vm7, $0x0, v26  }
0x9d: {  	v53 =	vld [tilespmem:s11+$0xFFFFFF60];
	v37 =	vand.u32 $0xFFFF0000, v37;
	v5 =	vadd.f32 v22, v5;
	v6 =	vadd.f32 v26, v6  }
0x9e: {  	v10 =	vshll.u32 v40, $0x10;
	v15 =	vand.u32 $0xFFFF0000, v43;
	v57 =	vand.u32 $0xFFFF0000, v46;
	v1 =	vld [tilespmem:s11+$0xFFFFFF70]  }
0x9f: {  	v58 =	vshll.u32 v49, $0x10;
	v7 =	vadd.f32 v8, v7;
	v8 =	vld [tilespmem:s15+$0xFFFFFF70];
	v5 =	vadd.f32 v6, v5  }
0xa0: {  	v23 =	vld [tilespmem:s15+$0xFFFFFEE0];
	v59 =	vand.u32 $0xFFFF0000, v49;
	v60 =	vshll.u32 v51, $0x10;
	v41 =	vadd.f32 v41, v34  }
0xa1: {  	v42 =	vadd.f32 v42, v32;
	v0 =	vld [tilespmem:s11+$0xFFFFFF80];
	v61 =	vand.u32 $0xFFFF0000, v51;
	v5 =	vadd.f32 v5, v7  }
0xa2: {  	v30 =	vld [tilespmem:s11+$0xFFFFFFC0];
	v50 =	vadd.f32 v31, v14;
	v52 =	vadd.f32 v36, v17;
	v36 =	vshll.u32 v53, $0x10  }
0xa3: {  	v21 =	vadd.f32 v21, v36;
	v9 =	vshll.u32 v1, $0x10;
	v19 =	vld [tilespmem:s15+$0x130];
	v5 =	vmul.f32 $1.442695020e+00, v5  }
0xa4: {  	v13 =	vand.u32 $0xFFFF0000, v1;
	v47 =	vshll.u32 v8, $0x10;
	v48 =	vand.u32 $0xFFFF0000, v8  }
0xa5: {  	v8 =	vshll.u32 v43, $0x10;
	v43 =	vshll.u32 v46, $0x10;
	v46 =	vld [tilespmem:s26+$0xFFFFFF60];
	(erf) = vpow2.f32 v5  }
0xa6: {  	v54 =	vld [tilespmem:s26+$0xFFFFFF70];
	v20 =	vshll.u32 v23, $0x10;
	v12 =	vshll.u32 v0, $0x10;
	v16 =	vand.u32 $0xFFFF0000, v0  }
0xa7: {  	v51 =	vld [tilespmem:s26+$0xFFFFFF80];
	v38 =	vadd.f32 v24, v9;
	v39 =	vadd.f32 v11, v13;
	v24 =	vshll.u32 v30, $0x10  }
0xa8: {  	v63 =	vand.u32 $0xFFFF0000, v19;
	v22 =	vand.u32 $0xFFFF0000, v30;
	v30 =	vshll.u32 v62, $0x10;
	v7 =	vld [tilespmem:s11+$0xFFFFFFE0]  }
0xa9: {  	v26 =	vand.u32 $0xFFFF0000, v23;
	v23 =	vand.u32 $0xFFFF0000, v29;
	v29 =	vadd.f32 v20, v12  }
0xaa: {  	v49 =	vadd.f32 v37, v23;
	v37 =	vand.u32 $0xFFFF0000, v53;
	v53 =	vshll.u32 v46, $0x10  }
0xab: {  	v11 =	vld [tilespmem:s11+$0xFFFFFFF0];
	v20 =	vshll.u32 v35, $0x10;
	v21 =	vmul.f32 v53, v21;
	v53 =	vshll.u32 v54, $0x10  }
0xac: {  	v56 =	vld [tilespmem:s15+$0xFFFFFFF0];
	v18 =	vadd.f32 v63, v18;
	v26 =	vadd.f32 v26, v16;
	v38 =	vmul.f32 v53, v38  }
0xad: {  	v63 =	vld [tilespmem:s26+$0xFFFFFF90];
	v53 =	vshll.u32 v51, $0x10;
	v51 =	vand.u32 $0xFFFF0000, v51;
	v35 =	vshll.u32 v7, $0x10  }
0xae: {  	v6 =	vld [tilespmem:s15+$0xFFFFFF60];
	v28 =	vand.u32 $0xFFFF0000, v7;
	v7 =	vand.u32 $0xFFFF0000, v40;
	v40 =	vadd.f32 v20, v33;
	v20 =	vpop (erf)  }
0xaf: {  	v25 =	vadd.f32 v25, v37;
	v26 =	vmul.f32 v51, v26;
	v51 =	vld [tilespmem:s26+$0xFFFFFFD0];
	v55 =	vbroadcast v20, $0x7  }
0xb0: {  	v31 =	vshll.u32 v11, $0x10;
	v11 =	vand.u32 $0xFFFF0000, v11;
	v46 =	vand.u32 $0xFFFF0000, v46;
	(xrf2) =	vadd.scan.msk.f32 $0xffff, v21;
	v21 =	vld [tilespmem:s15+$0x50]  }
0xb1: {  	v54 =	vand.u32 $0xFFFF0000, v54;
	v25 =	vmul.f32 v46, v25;
	v18 =	vmul.f32 v55, v18;
	v55 =	vld [tilespmem:s26+$0xFFFFFFA0]  }
0xb2: {  	v62 =	vshll.u32 v56, $0x10;
	v46 =	vld [tilespmem:s26+$0xFFFFFFB0];
	v1 =	vmul.f32 v54, v39;
	v54 =	vand.u32 $0xFFFF0000, v63  }
0xb3: {  	v29 =	vmul.f32 v53, v29;
	v53 =	vshll.u32 v63, $0x10;
	v2 =	vmul.f32 v54, v52;
	(xrf2) =	vadd.scan.msk.f32 $0xffff, v25  }
0xb4: {  	v39 =	vld [tilespmem:s26+$0xFFFFFFC0];
	v63 =	vmul.f32 v53, v50;
	v44 =	vshll.u32 v6, $0x10;
	v45 =	vand.u32 $0xFFFF0000, v6;
	(xrf2) =	vadd.scan.msk.f32 $0xffff, v38  }
0xb5: {  	v44 =	vadd.f32 v44, v24;
	v45 =	vadd.f32 v45, v22;
	(xrf2) =	vadd.scan.msk.f32 $0xffff, v1;
	v52 =	vshll.u32 v51, $0x10  }
0xb6: {  	(xrf2) =	vadd.scan.msk.f32 $0xffff, v29;
	v29 =	vshll.u32 v21, $0x10;
	v61 =	vadd.f32 v61, v7;
	v50 =	vshll.u32 v55, $0x10  }
0xb7: {  	v0 =	vld [tilespmem:s11+$0x20];
	v53 =	vand.u32 $0xFFFF0000, v55;
	v55 =	vshll.u32 v46, $0x10;
	v46 =	vand.u32 $0xFFFF0000, v46  }
0xb8: {  	v3 =	vmul.f32 v50, v40;
	v4 =	vmul.f32 v53, v41;
	v41 =	vld [tilespmem:s26+$0xFFFFFFE0];
	v50 =	vadd.f32 v47, v30  }
0xb9: {  	v40 =	vld [tilespmem:s11+$0x30];
	v46 =	vmul.f32 v46, v49;
	v49 =	vshll.u32 v39, $0x10;
	v39 =	vand.u32 $0xFFFF0000, v39  }
0xba: {  	v47 =	vmul.f32 v55, v42;
	v54 =	vmul.f32 v39, v45;
	v45 =	vand.u32 $0xFFFF0000, v56;
	v56 =	vld [tilespmem:s26+$0xFFFFFFF0]  }
0xbb: {  	v42 =	vadd.f32 v43, v35;
	v55 =	vmul.f32 v49, v44;
	v44 =	vld [tilespmem:s15+$0x40];
	v39 =	vadd.f32 v48, v27  }
0xbc: {  	v53 =	vand.u32 $0xFFFF0000, v51;
	v48 =	vand.u32 $0xFFFF0000, v0;
	v52 =	vmul.f32 v52, v50  }
0xbd: {  	v50 =	vshll.u32 v0, $0x10;
	v53 =	vmul.f32 v53, v39;
	v0 =	vshll.u32 v41, $0x10  }
0xbe: {  	v25 =	vld [tilespmem:s26+$0x0];
	v39 =	vmul.f32 v0, v42;
	v0 =	vadd.f32 v57, v28;
	v57 =	vadd.f32 v58, v31  }
0xbf: {  	v51 =	vshll.u32 v40, $0x10;
	v49 =	vand.u32 $0xFFFF0000, v40;
	v1 =	vshll.u32 v56, $0x10  }
0xc0: {  	v58 =	vand.u32 $0xFFFF0000, v41;
	v40 =	vand.u32 $0xFFFF0000, v44;
	v38 =	vmul.f32 v1, v57;
	v1 =	vld [tilespmem:s26+$0x10]  }
0xc1: {  	(xrf2) =	vadd.scan.msk.f32 $0xffff, v26;
	v26 =	vld [tilespmem:s26+$0x20];
	v41 =	vadd.f32 v59, v11;
	v42 =	vmul.f32 v58, v0;
	v0 =	vshll.u32 v44, $0x10  }
0xc2: {  	v44 =	vadd.f32 v60, v10;
	v60 =	vand.u32 $0xFFFF0000, v56;
	v56 =	vand.u32 $0xFFFF0000, v21  }
0xc3: {  	v21 =	vshll.u32 v25, $0x10;
	v25 =	vand.u32 $0xFFFF0000, v25;
	v43 =	vmul.f32 v60, v41  }
0xc4: {  	v58 =	vld [tilespmem:s26+$0x30];
	v60 =	vadd.f32 v62, v8;
	v0 =	vadd.f32 v0, v50;
	v44 =	vmul.f32 v21, v44  }
0xc5: {  	v21 =	vadd.f32 v45, v15;
	v45 =	vmul.f32 v25, v61;
	v25 =	vshll.u32 v1, $0x10  }
0xc6: {  	(xrf2) =	vadd.scan.msk.f32 $0xffff, v63;
	v59 =	vadd.f32 v40, v48;
	v57, _, _ =	vpop (xrf2);
	v40 =	vmul.f32 v25, v60;
	v25 =	vshll.u32 v26, $0x10  }
0xc7: {  	(xrf2) =	vadd.scan.msk.f32 $0xffff, v2;
	v2 =	vbroadcast v57, $0xF  }
0xc8: {  	v60 =	vand.u32 $0xFFFF0000, v26;
	v26 =	vmul.f32 v25, v0;
	v0, _, _ =	vpop (xrf2)  }
0xc9: {  	v1 =	vand.u32 $0xFFFF0000, v1;
	v2 =	vnsel vm0, $0x0, v2;
	v63 =	vand.u32 $0xFFFF0000, v58;
	v25, _, _ =	vpop (xrf2)  }
0xca: {  	v41 =	vmul.f32 v1, v21;
	v1 =	vadd.f32 v29, v51;
	v21 =	vmul.f32 v60, v59;
	v62, _, _ =	vpop (xrf2)  }
0xcb: {  	v29 =	vshll.u32 v58, $0x10;
	v0 =	vbroadcast v0, $0xF;
	v61 =	vbroadcast v25, $0xF;
	v59, _, _ =	vpop (xrf2)  }
0xcc: {  	v25 =	vmul.f32 v29, v1;
	v1 =	vld [tilespmem:s15+$0xFFFFFF00];
	v29 =	vadd.f32 v56, v49;
	v56 =	vbroadcast v62, $0xF;
	v60, _, _ =	vpop (xrf2)  }
0xcd: {  	v0 =	vnsel vm1, $0x0, v0;
	v57 =	vnsel vm2, $0x0, v61;
	v61 =	vld [tilespmem:s15+$0xFFFFFF10];
	v60 =	vbroadcast v60, $0xF  }
0xce: {  	v62 =	vld [tilespmem:s11+$0x40];
	v0 =	vadd.f32 v0, v2;
	v59 =	vbroadcast v59, $0xF;
	v56 =	vnsel vm3, $0x0, v56  }
0xcf: {  	v29 =	vmul.f32 v63, v29;
	v2 =	vadd.f32 v56, v57;
	v63 =	vnsel vm5, $0x0, v60  }
0xd0: {  	v57 =	vld [tilespmem:s15+$0x60];
	v56 =	vnsel vm4, $0x0, v59  }
0xd1: {  	(xrf2) =	vadd.scan.msk.f32 $0xffff, v3;
	v60 =	vshll.u32 v1, $0x10;
	v1 =	vand.u32 $0xFFFF0000, v1;
	v5 =	vadd.f32 v2, v0  }
0xd2: {  	v3 =	vld [tilespmem:s26+$0x40];
	(xrf2) =	vadd.scan.msk.f32 $0xffff, v4;
	v2 =	vadd.f32 v63, v56;
	v60 =	vadd.f32 v60, v36;
	v4 =	vshll.u32 v61, $0x10;
	v63, _, _ =	vpop (xrf2)  }
0xd3: {  	v59 =	vadd.f32 v1, v37;
	v1 =	vld [tilespmem:s15+$0xFFFFFF20];
	v6 =	vshll.u32 v62, $0x10;
	v58 =	vadd.f32 v4, v9;
	v9, _, _ =	vpop (xrf2)  }
0xd4: {  	v56 =	vand.u32 $0xFFFF0000, v62;
	v4 =	vbroadcast v63, $0xF;
	v9 =	vbroadcast v9, $0xF  }
0xd5: {  	v62 =	vld [tilespmem:s15+$0xFFFFFF30];
	v61 =	vand.u32 $0xFFFF0000, v61;
	v63 =	vshll.u32 v57, $0x10;
	v57 =	vand.u32 $0xFFFF0000, v57  }
0xd6: {  	v36 =	vadd.f32 v63, v6;
	v4 =	vnsel vm6, $0x0, v4;
	v9 =	vnsel vm7, $0x0, v9  }
0xd7: {  	v63 =	vshll.u32 v3, $0x10;
	v4 =	vadd.f32 v9, v4;
	v9 =	vadd.f32 v57, v56;
	v57 =	vld [tilespmem:s15+$0xFFFFFF80]  }
0xd8: {  	v3 =	vand.u32 $0xFFFF0000, v3;
	v0 =	vshll.u32 v1, $0x10;
	v1 =	vand.u32 $0xFFFF0000, v1  }
0xd9: {  	v37 =	vmul.f32 v63, v36;
	v63 =	vadd.f32 v61, v13;
	v61 =	vadd.f32 v0, v12;
	v0 =	vld [tilespmem:s15+$0xFFFFFF90]  }
0xda: {  	v36 =	vmul.f32 v3, v9;
	v2 =	vadd.f32 v4, v2;
	v3 =	vshll.u32 v62, $0x10  }
0xdb: {  	(xrf2) =	vadd.scan.msk.f32 $0xffff, v47;
	v13 =	vadd.f32 v1, v16;
	v1 =	vld [tilespmem:s15+$0xFFFFFFA0];
	v14 =	vadd.f32 v3, v14;
	v3 =	vand.u32 $0xFFFF0000, v62;
	v4, _, _ =	vpop (xrf2)  }
0xdc: {  	(xrf2) =	vadd.scan.msk.f32 $0xffff, v46;
	v12 =	vadd.f32 v3, v17;
	v2 =	vadd.f32 v2, v5;
	v3 =	vshll.u32 v57, $0x10;
	v5, _, _ =	vpop (xrf2)  }
0xdd: {  	v17 =	vld [tilespmem:s15+$0xFFFFFFB0];
	v57 =	vand.u32 $0xFFFF0000, v57;
	v4 =	vbroadcast v4, $0xF;
	v5 =	vbroadcast v5, $0xF  }
0xde: {  	v62 =	vld [tilespmem:s15+$0x0];
	v9 =	vadd.f32 v3, v33;
	v47 =	vadd.f32 v57, v34;
	v3 =	vshll.u32 v0, $0x10  }
0xdf: {  	v0 =	vand.u32 $0xFFFF0000, v0;
	v57 =	vld [tilespmem:s15+$0x10];
	v46 =	vadd.f32 v3, v32;
	v3 =	vnsel vm0, $0x0, v4  }
0xe0: {  	v33 =	vadd.f32 v0, v23;
	v0 =	vand.u32 $0xFFFF0000, v1;
	v4 =	vnsel vm1, $0x0, v5  }
0xe1: {  	v2 =	vmul.f32 $1.442695020e+00, v2;
	v32 =	vadd.f32 v0, v22;
	v22 =	vld [tilespmem:s15+$0x20];
	v5 =	vadd.f32 v4, v3  }
0xe2: {  	v3 =	vshll.u32 v1, $0x10;
	v0 =	vshll.u32 v17, $0x10;
	v1 =	vand.u32 $0xFFFF0000, v17  }
0xe3: {  	v16 =	vand.u32 $0xFFFF0000, v62;
	(erf) = vpow2.f32 v2;
	v4 =	vadd.f32 v0, v30;
	v30 =	vld [tilespmem:s15+$0x30]  }
0xe4: {  	v34 =	vadd.f32 v3, v24;
	v3 =	vadd.f32 v1, v27;
	v27 =	vshll.u32 v57, $0x10  }
0xe5: {  	v17 =	vld [tilespmem:s11+$0x50];
	v0 =	vshll.u32 v62, $0x10;
	v1, _, _ =	vpop (xrf2);
	v2 =	vadd.f32 v27, v31;
	v27 =	vand.u32 $0xFFFF0000, v57  }
0xe6: {  	(xrf2) =	vadd.scan.msk.f32 $0xffff, v55;
	v62 =	vld [tilespmem:s15+$0x70];
	v23, _, _ =	vpop (xrf2);
	v24 =	vbroadcast v1, $0xF;
	v55 =	vshll.u32 v22, $0x10;
	v22 =	vand.u32 $0xFFFF0000, v22  }
0xe7: {  	v1 =	vadd.f32 v16, v28;
	v23 =	vbroadcast v23, $0xF;
	v22 =	vadd.f32 v22, v7  }
0xe8: {  	v31 =	vld [tilespmem:s26+$0x50];
	v24 =	vnsel vm2, $0x0, v24;
	v7 =	vshll.u32 v30, $0x10;
	v57 =	vand.u32 $0xFFFF0000, v30  }
0xe9: {  	(xrf2) =	vadd.scan.msk.f32 $0xffff, v54;
	v54 =	vld [tilespmem:s15+$0x80];
	v28 =	vnsel vm3, $0x0, v23;
	v7 =	vadd.f32 v7, v8;
	v15 =	vadd.f32 v57, v15  }
0xea: {  	v28 =	vadd.f32 v28, v24;
	v24 =	vadd.f32 v55, v10;
	v10 =	vld [tilespmem:s15+$0x90]  }
0xeb: {  	v23 =	vadd.f32 v27, v11;
	v27 =	vshll.u32 v17, $0x10;
	[tilespmem:$0x1FE30] =	vst v7;
	v7 =	vshll.u32 v62, $0x10  }
0xec: {  	v11 =	vand.u32 $0xFFFF0000, v17;
	[tilespmem:$0x1FE40] =	vst v15;
	v7 =	vadd.f32 v7, v27  }
0xed: {  	(xrf2) =	vadd.scan.msk.f32 $0xffff, v52;
	v8 =	vand.u32 $0xFFFF0000, v62;
	v17 =	vadd.f32 v28, v5;
	v5 =	vshll.u32 v31, $0x10;
	v15 =	vld [tilespmem:s15+$0xA0]  }
0xee: {  	(xrf2) =	vadd.scan.msk.f32 $0xffff, v53;
	v62 =	vshll.u32 v54, $0x10;
	v5 =	vmul.f32 v5, v7;
	v7 =	vadd.f32 v8, v11  }
0xef: {  	v8 =	vadd.f32 v62, v50;
	v30 =	vshll.u32 v10, $0x10;
	v10 =	vand.u32 $0xFFFF0000, v10  }
0xf0: {  	v10 =	vadd.f32 v10, v49  }
0xf1: {  	(xrf2) =	vadd.scan.msk.f32 $0xffff, v39;
	[tilespmem:$0x1FE50] =	vst v8  }
0xf2: {  	(xrf2) =	vadd.scan.msk.f32 $0xffff, v42;
	v8 =	vld [tilespmem:s15+$0x100];
	[tilespmem:$0x1FE80] =	vst v10;
	v10 =	vshll.u32 v15, $0x10  }
0xf3: {  	(xrf2) =	vadd.scan.msk.f32 $0xffff, v38;
	v6 =	vadd.f32 v10, v6  }
0xf4: {  	v19 =	vshll.u32 v19, $0x10;
	v52 =	vand.u32 $0xFFFF0000, v31;
	(xrf2) =	vadd.scan.msk.f32 $0xffff, v43;
	v28 =	vand.u32 $0xFFFF0000, v54;
	v31, _, _ =	vpop (xrf2)  }
0xf5: {  	v43 =	vbroadcast v20, $0x0;
	(xrf2) =	vadd.scan.msk.f32 $0xffff, v44;
	v53 =	vadd.f32 v28, v48;
	v55, _, _ =	vpop (xrf2);
	v28 =	vbroadcast v31, $0xF  }
0xf6: {  	s3 =	simm.s32 $0x4;
	v0 =	vadd.f32 v0, v35;
	(xrf2) =	vadd.scan.msk.f32 $0xffff, v45;
	v45 =	vbroadcast v20, $0x3;
	v16 =	vbroadcast v55, $0xF  }
0xf7: {  	v62 =	vmov s3;
	v28 =	vnsel vm4, $0x0, v28;
	v15 =	vand.u32 $0xFFFF0000, v15;
	[tilespmem:$0x1FE90] =	vst v6;
	v6, _, _ =	vpop (xrf2)  }
0xf8: {  	v31 =	vld [tilespmem:$0x1FEB0];
	v54 =	vadd.f32 v30, v51;
	v16 =	vnsel vm5, $0x0, v16;
	v10 =	vadd.f32 v15, v56;
	v56, _, _ =	vpop (xrf2)  }
0xf9: {  	[tilespmem:$0x1FE60] =	vst v53;
	v15 =	vadd.f32 v16, v28;
	v6 =	vbroadcast v6, $0xF;
	v16 =	vbroadcast v56, $0xF  }
0xfa: {  	v50 =	vbroadcast v20, $0x1;
	v39 =	vmul.u32 $0x88, v62;
	v7 =	vmul.f32 v52, v7;
	[tilespmem:$0x1FE70] =	vst v54;
	v30 =	vpop (erf)  }
0xfb: {  	v57 =	vbroadcast v30, $0x1;
	[tilespmem:$0x1FEA0] =	vst v10;
	v6 =	vnsel vm6, $0x0, v6;
	v16 =	vnsel vm7, $0x0, v16  }
0xfc: {  	v52 =	vbroadcast v30, $0x2;
	v10 =	vshll.u32 v8, $0x10;
	v28 =	vld [tilespmem:s15+$0x110];
	v6 =	vadd.f32 v16, v6  }
0xfd: {  	v51 =	vbroadcast v20, $0x4;
	v35 =	vmul.f32 v57, v59;
	v10 =	vadd.f32 v10, v31;
	v31 =	vld [tilespmem:$0x1FEC0]  }
0xfe: {  	v48 =	vmul.f32 v52, v58;
	v58 =	vbroadcast v30, $0x5;
	v53 =	vld [tilespmem:s15+$0x120];
	v6 =	vadd.f32 v6, v15  }
0xff: {  	v57 =	vbroadcast v30, $0x4;
	v8 =	vand.u32 $0xFFFF0000, v8;
	v56 =	vbroadcast v30, $0x3  }
0x100: {  	v55 =	vld [tilespmem:$0x1FED0];
	v13 =	vmul.f32 v58, v13;
	v10 =	vmul.f32 v43, v10;
	v6 =	vadd.f32 v6, v17  }
0x101: {  	v62 =	vld [tilespmem:$0x1FEF0];
	v54 =	vshll.u32 v28, $0x10;
	v28 =	vand.u32 $0xFFFF0000, v28;
	v38 =	vmul.f32 v56, v63  }
0x102: {  	(xrf2) =	vadd.scan.msk.f32 $0xffff, v40;
	v63, _, _ =	vpop (xrf2);
	v56 =	vld [tilespmem:$0x1FF00];
	v8 =	vadd.f32 v8, v31;
	v31 =	vbroadcast v30, $0x0;
	v6 =	vmul.f32 $1.442695020e+00, v6  }
0x103: {  	(xrf2) =	vadd.scan.msk.f32 $0xffff, v41;
	v59 =	vshll.u32 v53, $0x10;
	v42 =	vand.u32 $0xFFFF0000, v53;
	v53 =	vld [tilespmem:$0x1FFF0];
	v41 =	vbroadcast v63, $0xF  }
0x104: {  	v58, _, _ =	vpop (xrf2);
	v16 =	vmul.f32 v31, v60;
	v31 =	vmov s13;
	v60 =	vld [tilespmem:$0x1FEE0];
	(erf) = vpow2.f32 v6  }
0x105: {  	s14 =	simm.s32 $0x1;
	v49 =	vadd.f32 v54, v55;
	v40 =	vbroadcast v58, $0xF;
	v31 =	vmul.u32 $0x88, v31  }
0x106: {  	v44 =	vadd.f32 v59, v62;
	v59 =	vld [tilespmem:$0x1FF10];
	v58 =	vmov s14;
	v41 =	vnsel vm0, $0x0, v41  }
0x107: {  	v40 =	vnsel vm1, $0x0, v40;
	v15 =	vbroadcast v31, $0x0;
	v31 =	vbroadcast v39, $0x0  }
0x108: {  	v17 =	vbroadcast v20, $0x2;
	v42 =	vadd.f32 v42, v56;
	v39 =	vmul.f32 v57, v61  }
0x109: {  	v61 =	vbroadcast v30, $0x6;
	v28 =	vadd.f32 v28, v60;
	v31 =	vadd.s32 v53, v31;
	v60, _, _ =	vpop (xrf2)  }
0x10a: {  	(xrf2) =	vadd.scan.msk.f32 $0xffff, v26;
	v40 =	vadd.f32 v40, v41;
	v57 =	vbroadcast v20, $0x5;
	v6 =	vbroadcast v30, $0x7;
	v62, _, _ =	vpop (xrf2)  }
0x10b: {  	(xrf2) =	vadd.scan.msk.f32 $0xffff, v21;
	v19 =	vadd.f32 v19, v59;
	v59 =	vld [tilespmem:s15+$0xB0];
	v14 =	vmul.f32 v61, v14;
	v43 =	vbroadcast v62, $0xF;
	v63, _, _ =	vpop (xrf2)  }
0x10c: {  	v15 =	vadd.s32 v53, v15;
	(xrf2) =	vadd.scan.msk.f32 $0xffff, v25;
	v61 =	vbroadcast v60, $0xF;
	v6 =	vmul.f32 v6, v12;
	v54, _, _ =	vpop (xrf2)  }
0x10d: {  	(xrf2) =	vadd.scan.msk.f32 $0xffff, v29;
	v12 =	vbroadcast v20, $0x6;
	v26 =	vnsel vm3, $0x0, v43;
	v41 =	vbroadcast v54, $0xF;
	v25 =	vpop (erf)  }
0x10e: {  	[tilespmem:v31+s16+$0x0] =	vst.idx.msk $0xff, v20;
	v20 =	vnsel vm2, $0x0, v61;
	v31 =	vbroadcast v63, $0xF;
	v29 =	vbroadcast v25, $0x0  }
0x10f: {  	v56, _, _ =	vpop (xrf2);
	v12 =	vmul.f32 v12, v19;
	v20 =	vadd.f32 v26, v20;
	v26 =	vmul.f32 v57, v42  }
0x110: {  	(xrf2) =	vadd.scan.msk.f32 $0xffff, v37;
	v62 =	vshll.u32 v59, $0x10;
	v57, _, _ =	vpop (xrf2);
	v9 =	vmul.f32 v29, v9;
	v29 =	vbroadcast v25, $0x2  }
0x111: {  	s14 =	simm.s32 $0x5260;
	(xrf2) =	vadd.scan.msk.f32 $0xffff, v36;
	v21 =	vbroadcast v56, $0xF;
	[tilespmem:v15+s16+$0x0] =	vst.idx.msk $0xff, v30;
	v19 =	vbroadcast v57, $0xF  }
0x112: {  	v41 =	vnsel vm5, $0x0, v41;
	[tilespmem:s14+$0xFFFFFEB0] =	vst v16;
	v16 =	vadd.f32 v62, v27;
	v31 =	vnsel vm4, $0x0, v31  }
0x113: {  	[tilespmem:s14+$0x140] =	vst v18;
	v21 =	vnsel vm6, $0x0, v21;
	v15 =	vadd.f32 v41, v31;
	v19 =	vnsel vm7, $0x0, v19  }
0x114: {  	v19 =	vadd.f32 v19, v21;
	v27 =	vmul.f32 v29, v46;
	v29, _, _ =	vpop (xrf2);
	(xrf2) =	vadd.scan.msk.f32 $0xffff, v5;
	v5 =	vand.u32 $0xFFFF0000, v59  }
0x115: {  	[tilespmem:$0x1FF20] =	vst v16;
	v5 =	vadd.f32 v5, v11  }
0x116: {  	v8 =	vmul.f32 v50, v8;
	v60 =	vadd.f32 v20, v40;
	[tilespmem:s14+$0xFFFFFEC0] =	vst v35;
	v15 =	vadd.f32 v19, v15  }
0x117: {  	v55 =	vmul.f32 v51, v44;
	v30 =	vbroadcast v25, $0x4;
	[tilespmem:$0x1FF30] =	vst v5  }
0x118: {  	v42 =	vmul.u32 $0x88, v58;
	v15 =	vadd.f32 v15, v60;
	v29 =	vbroadcast v29, $0xF;
	[tilespmem:s14+$0xFFFFFED0] =	vst v48  }
0x119: {  	v17 =	vmul.f32 v17, v49;
	v28 =	vmul.f32 v45, v28;
	[tilespmem:s14+$0xFFFFFEE0] =	vst v38  }
0x11a: {  	v21 =	vbroadcast v42, $0x0;
	v15 =	vmul.f32 $1.442695020e+00, v15;
	[tilespmem:s14+$0xFFFFFEF0] =	vst v39;
	v5, _, _ =	vpop (xrf2)  }
0x11b: {  	v20 =	vbroadcast v25, $0x1;
	v37 =	vmul.f32 v30, v34;
	[tilespmem:s14+$0xFFFFFF00] =	vst v13;
	v30, _, _ =	vpop (xrf2)  }
0x11c: {  	s15 =	simm.s32 $0x2;
	(erf) = vpow2.f32 v15;
	v15 =	vnsel vm0, $0x0, v29;
	[tilespmem:s14+$0xFFFFFF10] =	vst v14;
	v5 =	vbroadcast v5, $0xF;
	v29, _, _ =	vpop (xrf2)  }
0x11d: {  	(xrf2) =	vadd.scan.msk.f32 $0xffff, v7;
	v7 =	vbroadcast v30, $0xF;
	v30 =	vmov s15;
	v29 =	vbroadcast v29, $0xF  }
0x11e: {  	v61 =	vbroadcast v25, $0x3;
	[tilespmem:s14+$0xFFFFFF20] =	vst v6;
	v5 =	vnsel vm1, $0x0, v5;
	v13 =	vmul.u32 $0x88, v30  }
0x11f: {  	s11 =	simm.s32 $0x5;
	[tilespmem:s14+$0xD0] =	vst v10;
	v5 =	vadd.f32 v5, v15;
	v7 =	vnsel vm2, $0x0, v7;
	v15, _, _ =	vpop (xrf2);
	v14 =	vnsel vm3, $0x0, v29  }
0x120: {  	[tilespmem:s14+$0xE0] =	vst v8;
	v6 =	vbroadcast v13, $0x0;
	v13 =	vbroadcast v15, $0xF;
	v15 =	vmov s11  }
0x121: {  	s26 =	simm.s32 $0x3;
	v63 =	vbroadcast v25, $0x5;
	[tilespmem:s14+$0xF0] =	vst v17;
	v7 =	vadd.f32 v14, v7;
	v14 =	vmul.u32 $0x88, v15  }
0x122: {  	v31 =	vbroadcast v25, $0x6;
	v21 =	vadd.s32 v53, v21;
	[tilespmem:s14+$0x100] =	vst v28;
	v10, _, _ =	vpop (xrf2);
	v15 =	vmov s26  }
0x123: {  	[tilespmem:s14+$0x110] =	vst v55;
	s15 =	simm.s32 $0x18D0;
	v8 =	vbroadcast v10, $0xF;
	v5 =	vadd.f32 v7, v5;
	v7 =	vbroadcast v14, $0x0  }
0x124: {  	v36 =	vbroadcast v25, $0x7;
	v4 =	vmul.f32 v31, v4;
	[tilespmem:s14+$0x120] =	vst v26;
	v26 =	vld [tilespmem:s15+$0xC0];
	s26 =	simm.s32 $0x3EF0;
	v10 =	vmul.u32 $0x88, v15  }
0x125: {  	[tilespmem:s14+$0x130] =	vst v12;
	v13 =	vnsel vm4, $0x0, v13;
	v12 =	vld [tilespmem:s26+$0xFFFFFF70];
	v8 =	vnsel vm5, $0x0, v8;
	v15 =	vpop (erf);
	v7 =	vadd.s32 v53, v7  }
0x126: {  	v10 =	vbroadcast v10, $0x0;
	v8 =	vadd.f32 v8, v13;
	v13 =	vld [tilespmem:s26+$0x60];
	v31 =	vbroadcast v15, $0x6;
	[tilespmem:$0x1FF40] =	vst v7  }
0x127: {  	s28 =	simm.s32 $0x2F0;
	v20 =	vmul.f32 v20, v47;
	v18 =	vmul.f32 v63, v32;
	[tilespmem:v21+s16+$0x0] =	vst.idx.msk $0xff, v25  }
0x128: {  	v3 =	vmul.f32 v36, v3;
	v11 =	vmul.f32 v61, v33;
	v10 =	vadd.s32 v53, v10;
	v21 =	vld [tilespmem:s28+$0x60];
	[tilespmem:$0x1FF50] =	vst v31  }
0x129: {  	v14, _, _ =	vpop (xrf2);
	v38 =	vbroadcast v15, $0x0;
	v39 =	vbroadcast v15, $0x1;
	[tilespmem:$0x1FF60] =	vst v10  }
0x12a: {  	v28 =	vbroadcast v15, $0x2;
	v29 =	vbroadcast v15, $0x3;
	v30, _, _ =	vpop (xrf2);
	[tilespmem:s14+$0xFFFFFF38] =	vst v9  }
0x12b: {  	v6 =	vadd.s32 v53, v6;
	v14 =	vbroadcast v14, $0xF;
	v30 =	vbroadcast v30, $0xF;
	v9 =	vld [tilespmem:s26+$0xFFFFFF80];
	[tilespmem:s14+$0xFFFFFF48] =	vst v20  }
0x12c: {  	v41 =	vshll.u32 v26, $0x10;
	v49 =	vbroadcast v15, $0x7;
	v7 =	vbroadcast v15, $0x4;
	v40 =	vld [tilespmem:s26+$0xFFFFFF90];
	[tilespmem:s14+$0xFFFFFF58] =	vst v27  }
0x12d: {  	v14 =	vnsel vm6, $0x0, v14;
	v27 =	vshll.u32 v13, $0x10;
	[tilespmem:s14+$0xFFFFFF68] =	vst v11;
	v11 =	vld [tilespmem:s15+$0xD0];
	v10 =	vnsel vm7, $0x0, v30  }
0x12e: {  	v25 =	vbroadcast v15, $0x5;
	v0 =	vmul.f32 v38, v0;
	v10 =	vadd.f32 v10, v14;
	v14 =	vld [tilespmem:s26+$0x70];
	[tilespmem:$0x1FF70] =	vst v27  }
0x12f: {  	v1 =	vmul.f32 v39, v1;
	v2 =	vmul.f32 v28, v2;
	v44 =	vshll.u32 v12, $0x10;
	[tilespmem:s14+$0xFFFFFF78] =	vst v37  }
0x130: {  	v48 =	vand.u32 $0xFFFF0000, v12;
	v7 =	vmul.f32 v7, v24;
	v20 =	vmul.f32 v29, v23;
	v46 =	vld [tilespmem:s15+$0xFFFFFEC0];
	[tilespmem:s14+$0xFFFFFF88] =	vst v18  }
0x131: {  	v50 =	vand.u32 $0xFFFF0000, v13;
	v13 =	vand.u32 $0xFFFF0000, v26;
	v12 =	vadd.f32 v41, v27;
	[tilespmem:s14+$0xFFFFFF98] =	vst v4;
	v4 =	vld [tilespmem:s15+$0xFFFFFED0]  }
0x132: {  	v59 =	vmul.f32 v25, v22;
	v47 =	vshll.u32 v21, $0x10;
	v8 =	vadd.f32 v10, v8;
	v10 =	vld [tilespmem:s28+$0x70];
	[tilespmem:$0x1FF80] =	vst v50  }
0x133: {  	v12 =	vmul.f32 v47, v12;
	v23 =	vshll.u32 v9, $0x10;
	v52 =	vand.u32 $0xFFFF0000, v9;
	[tilespmem:s14+$0xFFFFFFA8] =	vst v3;
	v3 =	vld [tilespmem:s15+$0xFFFFFEE0]  }
0x134: {  	v9 =	vadd.f32 v13, v50;
	v62 =	vshll.u32 v40, $0x10;
	[tilespmem:v6+s16+$0x0] =	vst.idx.msk $0xff, v15;
	v6 =	vld [tilespmem:s26+$0x80];
	v55 =	vshll.u32 v14, $0x10  }
0x135: {  	v13 =	vand.u32 $0xFFFF0000, v21;
	(xrf2) =	vadd.scan.msk.f32 $0xffff, v12;
	v12 =	vld [tilespmem:s15+$0xE0];
	v5 =	vadd.f32 v8, v5;
	[tilespmem:$0x1FF90] =	vst v55  }
0x136: {  	v27 =	vand.u32 $0xFFFF0000, v40;
	v15 =	vshll.u32 v11, $0x10;
	v13 =	vmul.f32 v13, v9;
	[tilespmem:s14+$0xFFFFFFC0] =	vst v0  }
0x137: {  	v58 =	vshll.u32 v46, $0x10;
	v57 =	vand.u32 $0xFFFF0000, v46;
	v9 =	vadd.f32 v15, v55;
	v0 =	vld [tilespmem:s15+$0xFFFFFEF0];
	[tilespmem:$0x1FFA0] =	vst v5  }
0x138: {  	v15 =	vshll.u32 v10, $0x10;
	(xrf2) =	vadd.scan.msk.f32 $0xffff, v13;
	v5 =	vand.u32 $0xFFFF0000, v14;
	[tilespmem:s14+$0xFFFFFFD0] =	vst v1  }
0x139: {  	v8 =	vmul.f32 v15, v9;
	v61 =	vshll.u32 v6, $0x10;
	v63 =	vand.u32 $0xFFFF0000, v6;
	v14 =	vld [tilespmem:s28+$0x80];
	[tilespmem:s14+$0xFFFFFFE0] =	vst v2  }
0x13a: {  	v1 =	vand.u32 $0xFFFF0000, v11;
	v2 =	vshll.u32 v4, $0x10;
	v11 =	vand.u32 $0xFFFF0000, v4;
	v15 =	vld [tilespmem:s26+$0xFFFFFFA0];
	[tilespmem:$0x1FFB0] =	vst v5  }
0x13b: {  	v4 =	vshll.u32 v3, $0x10;
	v6 =	vand.u32 $0xFFFF0000, v12;
	v1 =	vadd.f32 v1, v5;
	[tilespmem:s14+$0xFFFFFFF0] =	vst v20;
	v60 =	vld [tilespmem:s26+$0xFFFFFFB0]  }
0x13c: {  	v5 =	vand.u32 $0xFFFF0000, v3;
	v3 =	vand.u32 $0xFFFF0000, v10;
	[tilespmem:s14+$0x0] =	vst v7;
	v9 =	vld [tilespmem:s26+$0x90];
	v7 =	vshll.u32 v12, $0x10  }
0x13d: {  	v32 =	vadd.f32 v2, v44;
	v10 =	vld [tilespmem:s15+$0xF0];
	v1 =	vmul.f32 v3, v1;
	[tilespmem:$0x1FFC0] =	vst v61;
	v7 =	vadd.f32 v7, v61  }
0x13e: {  	v31 =	vadd.f32 v11, v48;
	(xrf2) =	vadd.scan.msk.f32 $0xffff, v8;
	v3 =	vshll.u32 v0, $0x10;
	v2 =	vld [tilespmem:s26+$0xFFFFFFC0];
	v13 =	vshll.u32 v14, $0x10  }
0x13f: {  	v0 =	vand.u32 $0xFFFF0000, v0;
	[tilespmem:s14+$0x10] =	vst v59;
	v11 =	vld [tilespmem:s28+$0x90];
	(xrf2) =	vadd.scan.msk.f32 $0xffff, v1;
	v8 =	vmul.f32 v13, v7  }
0x140: {  	v30 =	vshll.u32 v15, $0x10;
	v34 =	vand.u32 $0xFFFF0000, v15;
	v1 =	vadd.f32 v6, v63;
	v7 =	vld [tilespmem:s26+$0xFFFFFFD0];
	[tilespmem:$0x1FFD0] =	vst v63  }
0x141: {  	s29 =	simm.s32 $0xA;
	s10 =	simm.s32 $0x5260;
	v6, _, _ =	vpop (xrf2);
	v12 =	vand.u32 $0xFFFF0000, v14;
	v28 =	vshll.u32 v60, $0x10;
	v37 =	vand.u32 $0xFFFF0000, v60;
	(xrf2) =	vadd.scan.msk.f32 $0xffff, v8;
	v8 =	vld [tilespmem:s15+$0xFFFFFF40]  }
.LBB2_7:
0x142: {  	_ =	sdelay $0x1  }
0x143: {  	v12 =	vmul.f32 v12, v1;
	v17 =	vshll.u32 v9, $0x10;
	v14 =	vshll.u32 v10, $0x10  }
0x144: {  	v29 =	vshll.u32 v2, $0x10;
	v1 =	vand.u32 $0xFFFF0000, v2;
	v2 =	vadd.f32 v4, v23  }
0x145: {  	v9 =	vand.u32 $0xFFFF0000, v9;
	[tilespmem:$0x1FD70] =	vst v17;
	v17 =	vadd.f32 v14, v17  }
0x146: {  	v10 =	vand.u32 $0xFFFF0000, v10;
	[tilespmem:$0x1F9A0] =	vst v2;
	v2 =	vadd.f32 v5, v52;
	v5 =	vshll.u32 v11, $0x10  }
0x147: {  	[tilespmem:$0x1F990] =	vst v31;
	v13 =	vld [tilespmem:s15+$0xFFFFFF50];
	v21 =	vadd.f32 v10, v9;
	v5 =	vmul.f32 v5, v17  }
0x148: {  	[tilespmem:$0x1FB40] =	vst v44;
	v18 =	vld [tilespmem:s26+$0x0];
	v15, _, _ =	vpop (xrf2);
	(xrf2) =	vadd.scan.msk.f32 $0xffff, v12;
	v11 =	vand.u32 $0xFFFF0000, v11  }
0x149: {  	[tilespmem:$0x1FB50] =	vst v48;
	v20 =	vld [tilespmem:s26+$0x10];
	v6 =	vbroadcast v6, $0xF;
	v14, _, _ =	vpop (xrf2);
	(xrf2) =	vadd.scan.msk.f32 $0xffff, v5;
	v5 =	vmul.f32 v11, v21  }
0x14a: {  	[tilespmem:$0x1FB60] =	vst v23;
	v16 =	vld [tilespmem:s15+$0xFFFFFF60];
	v3 =	vadd.f32 v3, v62;
	v0 =	vadd.f32 v0, v27  }
0x14b: {  	v6 =	vnsel vm0, $0x0, v6;
	v4 =	vld [tilespmem:s15+$0xFFFFFF70];
	v40 =	vand.u32 $0xFFFF0000, v7;
	v39 =	vshll.u32 v8, $0x10;
	v10, _, _ =	vpop (xrf2);
	(xrf2) =	vadd.scan.msk.f32 $0xffff, v5  }
0x14c: {  	[tilespmem:$0x1F9C0] =	vst v3;
	v8 =	vand.u32 $0xFFFF0000, v8;
	v23 =	vld [tilespmem:s15+$0xFFFFFFC0];
	v15 =	vbroadcast v15, $0xF;
	v19 =	vshll.u32 v13, $0x10  }
0x14d: {  	v13 =	vand.u32 $0xFFFF0000, v13;
	v3 =	vadd.f32 v39, v30;
	[tilespmem:$0x1F9B0] =	vst v2;
	v2 =	vshll.u32 v7, $0x10;
	v7 =	vld [tilespmem:s26+$0xFFFFFFF0]  }
0x14e: {  	[tilespmem:$0x1FBF0] =	vst v49;
	v50 =	vshll.u32 v18, $0x10;
	v51 =	vshll.u32 v20, $0x10;
	v15 =	vnsel vm1, $0x0, v15  }
0x14f: {  	[tilespmem:$0x1F9E0] =	vst v3;
	v3 =	vadd.f32 v8, v34;
	v6 =	vadd.f32 v15, v6;
	v14 =	vbroadcast v14, $0xF  }
0x150: {  	[tilespmem:$0x1F9D0] =	vst v0;
	v11 =	vshll.u32 v16, $0x10;
	v22 =	vshll.u32 v4, $0x10;
	v24 =	vand.u32 $0xFFFF0000, v4  }
0x151: {  	v0 =	vld [tilespmem:s15+$0xFFFFFFF0];
	v26, _, _ =	vpop (xrf2);
	v4 =	vand.u32 $0xFFFF0000, v20;
	[tilespmem:$0x1F9F0] =	vst v3;
	v8 =	vshll.u32 v23, $0x10;
	v3 =	vadd.f32 v19, v28  }
0x152: {  	[tilespmem:$0x1FBA0] =	vst v30;
	v20 =	vld [tilespmem:s26+$0x30];
	v10 =	vbroadcast v10, $0xF;
	v26 =	vbroadcast v26, $0xF;
	v46 =	vshll.u32 v7, $0x10  }
0x153: {  	[tilespmem:$0x1FB90] =	vst v27;
	v47 =	vand.u32 $0xFFFF0000, v7;
	v7 =	vand.u32 $0xFFFF0000, v18;
	v18 =	vand.u32 $0xFFFF0000, v23;
	v23, _, _ =	vpop (xrf2)  }
0x154: {  	v14 =	vnsel vm2, $0x0, v14;
	[tilespmem:$0x1FA00] =	vst v3;
	v3 =	vadd.f32 v13, v37;
	v10 =	vnsel vm3, $0x0, v10;
	v30, _, _ =	vpop (xrf2)  }
0x155: {  	[tilespmem:$0x1FBC0] =	vst v28;
	v48 =	vld [tilespmem:s26+$0x20];
	v26 =	vnsel vm4, $0x0, v26;
	v10 =	vadd.f32 v10, v14;
	v23 =	vbroadcast v23, $0xF;
	v33, _, _ =	vpop (xrf2)  }
0x156: {  	v56 =	vld [tilespmem:s26+$0xFFFFFF60];
	[tilespmem:$0x1FA10] =	vst v3;
	v3 =	vadd.f32 v11, v29;
	v30 =	vbroadcast v30, $0xF;
	v33 =	vbroadcast v33, $0xF  }
0x157: {  	v12 =	vld [tilespmem:s26+$0xFFFFFFE0];
	[tilespmem:$0x1FBE0] =	vst v29;
	v11 =	vshll.u32 v0, $0x10;
	v29 =	vand.u32 $0xFFFF0000, v0;
	v59 =	vshll.u32 v20, $0x10  }
0x158: {  	[tilespmem:$0x1FBD0] =	vst v37;
	v0 =	vld [tilespmem:s15+$0x40];
	v23 =	vnsel vm5, $0x0, v23;
	v30 =	vnsel vm6, $0x0, v30;
	v33 =	vnsel vm7, $0x0, v33  }
0x159: {  	[tilespmem:$0x1F980] =	vst v32;
	v13 =	vld [tilespmem:s26+$0x50];
	v61 =	vand.u32 $0xFFFF0000, v20;
	v15 =	vadd.f32 v23, v26;
	v20 =	vadd.f32 v33, v30  }
0x15a: {  	[tilespmem:$0x1FC00] =	vst v1  }
0x15b: {  	[tilespmem:$0x1FC20] =	vst v40;
	v60 =	vand.u32 $0xFFFF0000, v48;
	v6 =	vadd.f32 v10, v6;
	v10 =	vadd.f32 v20, v15  }
0x15c: {  	[tilespmem:$0x1FCD0] =	vst v60;
	v43 =	vshll.u32 v12, $0x10  }
0x15d: {  	v31 =	vld [tilespmem:s15+$0x50];
	[tilespmem:$0x1FC10] =	vst v2;
	v26 =	vshll.u32 v0, $0x10;
	v37 =	vand.u32 $0xFFFF0000, v0;
	v0 =	vadd.f32 v10, v6  }
0x15e: {  	v49 =	vld [tilespmem:s15+$0x60];
	v16 =	vand.u32 $0xFFFF0000, v16;
	[tilespmem:$0x1FC30] =	vst v43;
	v5 =	vshll.u32 v56, $0x10;
	v20 =	vshll.u32 v13, $0x10  }
0x15f: {  	v35 =	vld [tilespmem:s28+$0xFFFFFF60];
	[tilespmem:$0x1FB20] =	vst v5;
	v15 =	vand.u32 $0xFFFF0000, v13;
	v13 =	vmul.f32 $1.442695020e+00, v0;
	v0 =	vadd.f32 v16, v1  }
0x160: {  	v32 =	vld [tilespmem:s15+$0x70];
	[tilespmem:$0x1FC50] =	vst v46  }
0x161: {  	v45 =	vand.u32 $0xFFFF0000, v12;
	v12 =	vld [tilespmem:s15+$0xFFFFFFD0];
	[tilespmem:$0x1FA30] =	vst v0;
	v0 =	vadd.f32 v22, v2  }
0x162: {  	v27 =	vld [tilespmem:s26+$0x40];
	[tilespmem:$0x1FC80] =	vst v7  }
0x163: {  	v54 =	vshll.u32 v48, $0x10;
	v38 =	vshll.u32 v31, $0x10;
	[tilespmem:$0x1FA40] =	vst v0;
	v0 =	vadd.f32 v24, v40;
	v24 =	vld [tilespmem:s28+$0x20]  }
0x164: {  	v42 =	vshll.u32 v49, $0x10;
	v44 =	vand.u32 $0xFFFF0000, v49;
	[tilespmem:$0x1FA20] =	vst v3;
	v1 =	vadd.f32 v29, v4;
	v29 =	vld [tilespmem:s28+$0x50]  }
0x165: {  	v53 =	vshll.u32 v35, $0x10;
	v49 =	vshll.u32 v32, $0x10;
	[tilespmem:$0x1FA50] =	vst v0;
	v0 =	vadd.f32 v8, v43  }
0x166: {  	v25 =	vld [tilespmem:s15+$0xFFFFFFE0];
	v19 =	vshll.u32 v12, $0x10;
	v12 =	vand.u32 $0xFFFF0000, v12;
	[tilespmem:$0x1FCE0] =	vst v61;
	v3 =	vand.u32 $0xFFFF0000, v56  }
0x167: {  	v36 =	vld [tilespmem:s28+$0xFFFFFF70];
	v55 =	vadd.f32 v57, v3;
	v23 =	vshll.u32 v27, $0x10;
	[tilespmem:$0x1FA60] =	vst v0;
	v0 =	vadd.f32 v18, v45  }
0x168: {  	[tilespmem:$0x1FD00] =	vst v23;
	v30 =	vld [tilespmem:s28+$0xFFFFFFA0];
	v2 =	vand.u32 $0xFFFF0000, v35;
	v43 =	vadd.f32 v42, v23;
	v17 =	vshll.u32 v24, $0x10  }
0x169: {  	v23 =	vand.u32 $0xFFFF0000, v24;
	v24 =	vshll.u32 v29, $0x10;
	[tilespmem:$0x1FA70] =	vst v0;
	v0 =	vadd.f32 v19, v46  }
0x16a: {  	[tilespmem:$0x1FB30] =	vst v3;
	v46 =	vadd.f32 v26, v54;
	v26 =	vand.u32 $0xFFFF0000, v29;
	v29 =	vmul.f32 v2, v55;
	v2 =	vld [tilespmem:$0x1F980]  }
0x16b: {  	v28 =	vshll.u32 v25, $0x10;
	v25 =	vand.u32 $0xFFFF0000, v25;
	[tilespmem:$0x1FA80] =	vst v0;
	v0 =	vadd.f32 v12, v47  }
0x16c: {  	v5 =	vadd.f32 v58, v5;
	v3 =	vshll.u32 v36, $0x10;
	[tilespmem:$0x1FAD0] =	vst v1;
	v1 =	vadd.f32 v37, v60  }
0x16d: {  	v6 =	vand.u32 $0xFFFF0000, v31;
	v60 =	vshll.u32 v30, $0x10;
	[tilespmem:$0x1FA90] =	vst v0;
	v0 =	vadd.f32 v28, v50  }
0x16e: {  	[tilespmem:$0x1FAE0] =	vst v1;
	v1 =	vadd.f32 v38, v59;
	v40 =	vadd.f32 v6, v61;
	v61 =	vand.u32 $0xFFFF0000, v30  }
0x16f: {  	v30 =	vmul.f32 v53, v5;
	v53 =	vmul.f32 v3, v2;
	v2 =	vld [tilespmem:$0x1F990];
	[tilespmem:$0x1FAA0] =	vst v0;
	v0 =	vadd.f32 v25, v7  }
0x170: {  	[tilespmem:$0x1FAF0] =	vst v1;
	v1 =	vadd.f32 v49, v20  }
0x171: {  	v39 =	vld [tilespmem:s28+$0xFFFFFF80];
	[tilespmem:$0x1FAB0] =	vst v0;
	v0 =	vadd.f32 v11, v51  }
0x172: {  	s3 =	sadd.s32 $0x4, s11;
	[tilespmem:$0x1FB00] =	vst v1;
	v1 =	vld [tilespmem:$0x1FFF0]  }
0x173: {  	v12 =	vmov s3;
	v7 =	vld [tilespmem:s15+$0x130];
	[tilespmem:$0x1FAC0] =	vst v0;
	v0 =	vand.u32 $0xFFFF0000, v36  }
0x174: {  	v11 =	vmul.u32 $0x88, v12;
	v0 =	vmul.f32 v0, v2;
	v2 =	vld [tilespmem:$0x1F9A0]  }
0x175: {  	[tilespmem:$0x1FB80] =	vst v62  }
0x176: {  	[tilespmem:$0x1FB70] =	vst v52;
	v11 =	vbroadcast v11, $0x0  }
0x177: {  	v41 =	vld [tilespmem:s28+$0xFFFFFFE0];
	v52 =	vand.u32 $0xFFFF0000, v27;
	[tilespmem:$0x1FC40] =	vst v45;
	v45 =	vshll.u32 v39, $0x10  }
0x178: {  	v62 =	vld [tilespmem:s28+$0x40];
	[tilespmem:$0x1FC60] =	vst v47;
	v47 =	vadd.f32 v44, v52;
	v44 =	vadd.s32 v1, v11;
	v11 =	vand.u32 $0xFFFF0000, v7  }
0x179: {  	v9 =	vadd.f32 v11, v9;
	v11 =	vmul.f32 v45, v2;
	v2 =	vld [tilespmem:$0x1F9B0]  }
0x17a: {  	v63 =	vld [tilespmem:s15+$0xFFFFFF00]  }
0x17b: {  	v48 =	vld [tilespmem:s28+$0xFFFFFFF0]  }
0x17c: {  	v14 =	vld [tilespmem:s28+$0xFFFFFF90]  }
0x17d: {  	v5 =	vld [tilespmem:$0x1F9F0];
	v49 =	vand.u32 $0xFFFF0000, v39  }
0x17e: {  	v49 =	vmul.f32 v49, v2;
	v2 =	vld [tilespmem:$0x1F9C0]  }
0x17f: {  	[tilespmem:$0x1FBB0] =	vst v34;
	v34 =	vld [tilespmem:s28+$0xFFFFFFD0]  }
0x180: {  	v21 =	vld [tilespmem:s15+$0xFFFFFF10]  }
0x181: {  	v32 =	vand.u32 $0xFFFF0000, v32;
	v33 =	vld [tilespmem:s28+$0xFFFFFFB0];
	(xrf2) =	vadd.scan.msk.f32 $0xffff, v30  }
0x182: {  	v39 =	vadd.f32 v32, v15;
	v32 =	vshll.u32 v14, $0x10;
	(xrf2) =	vadd.scan.msk.f32 $0xffff, v29;
	v29 =	vld [tilespmem:$0x1FA10]  }
0x183: {  	v28 =	vmul.f32 v32, v2;
	v32 =	vmul.f32 v61, v5;
	v5 =	vld [tilespmem:$0x1FA00]  }
0x184: {  	v56 =	vld [tilespmem:s28+$0x0]  }
0x185: {  	v27 =	vld [tilespmem:s28+$0xFFFFFFC0]  }
0x186: {  	v57 =	vld [tilespmem:s28+$0x10]  }
0x187: {  	[tilespmem:$0x1FC90] =	vst v51;
	v3 =	vld [tilespmem:$0x1F9D0];
	v51 =	vshll.u32 v33, $0x10;
	v36 =	vand.u32 $0xFFFF0000, v33  }
0x188: {  	v38 =	vmul.f32 v51, v5;
	v51 =	vmul.f32 v36, v29;
	v29 =	vld [tilespmem:$0x1FA20]  }
0x189: {  	v31 =	vld [tilespmem:s15+$0x100];
	(erf) = vpow2.f32 v13  }
0x18a: {  	[tilespmem:$0x1FCF0] =	vst v59;
	v16 =	vshll.u32 v56, $0x10;
	v35 =	vshll.u32 v27, $0x10;
	v59 =	vand.u32 $0xFFFF0000, v14;
	v42 =	vld [tilespmem:s15+$0xFFFFFF20]  }
0x18b: {  	[tilespmem:$0x1FD10] =	vst v52;
	v14 =	vand.u32 $0xFFFF0000, v56;
	v56 =	vshll.u32 v63, $0x10;
	v55 =	vand.u32 $0xFFFF0000, v63;
	v52 =	vld [tilespmem:s15+$0xFFFFFF30]  }
0x18c: {  	v63 =	vand.u32 $0xFFFF0000, v21;
	v45 =	vshll.u32 v21, $0x10;
	v21 =	vmul.f32 v59, v3;
	v3 =	vld [tilespmem:$0x1F9E0]  }
0x18d: {  	v35 =	vmul.f32 v35, v29;
	v29 =	vld [tilespmem:$0x1FA30]  }
0x18e: {  	[tilespmem:$0x1FCC0] =	vst v54;
	v58 =	vand.u32 $0xFFFF0000, v41;
	v37 =	vld [tilespmem:s15+$0x110];
	v54 =	vshll.u32 v41, $0x10;
	v41 =	vshll.u32 v62, $0x10  }
0x18f: {  	v25 =	vand.u32 $0xFFFF0000, v62;
	v62 =	vand.u32 $0xFFFF0000, v42;
	v59 =	vshll.u32 v42, $0x10;
	v42 =	vld [tilespmem:$0x1FA50]  }
0x190: {  	[tilespmem:$0x1FD20] =	vst v20;
	v27 =	vand.u32 $0xFFFF0000, v27;
	v20 =	vand.u32 $0xFFFF0000, v57;
	v33 =	vld [tilespmem:s15+$0x120]  }
0x191: {  	[tilespmem:$0x1FD30] =	vst v15;
	v15 =	vshll.u32 v57, $0x10;
	v57 =	vshll.u32 v52, $0x10;
	v36 =	vand.u32 $0xFFFF0000, v52;
	v52 =	vld [tilespmem:$0x1FA60]  }
0x192: {  	v6 =	vpop (erf);
	v30 =	vmul.f32 v60, v3;
	v60 =	vmul.f32 v27, v29;
	v27 =	vld [tilespmem:$0x1FA40]  }
0x193: {  	v1 =	vld [tilespmem:s15+$0xFFFFFF90];
	[tilespmem:v44+s16+$0x0] =	vst.idx.msk $0xff, v6;
	v44 =	vand.u32 $0xFFFF0000, v34  }
0x194: {  	v44 =	vmul.f32 v44, v42;
	v42 =	vld [tilespmem:$0x1FA80];
	_ =	sdelay $0x1  }
0x195: {  	v18 =	vshll.u32 v34, $0x10  }
0x196: {  	v61 =	vmul.f32 v18, v27;
	v18 =	vmul.f32 v54, v52  }
0x197: {  	v34 =	vshll.u32 v48, $0x10;
	v29 =	vshll.u32 v1, $0x10  }
0x198: {  	[tilespmem:$0x1FCA0] =	vst v18;
	v18 =	vmul.f32 v34, v42;
	v42 =	vand.u32 $0xFFFF0000, v1;
	v1 =	vmul.f32 v17, v46  }
0x199: {  	v54 =	vld [tilespmem:$0x1FA70]  }
0x19a: {  	[tilespmem:$0x1FDB0] =	vst v1;
	v1 =	vld [tilespmem:$0x1FAE0];
	_ =	sdelay $0x4  }
0x19b: {  	v58 =	vmul.f32 v58, v54;
	v54 =	vld [tilespmem:$0x1FAB0];
	v1 =	vmul.f32 v23, v1  }
0x19c: {  	v19 =	vld [tilespmem:s28+$0x30]  }
0x19d: {  	[tilespmem:$0x1FDC0] =	vst v1;
	v1 =	vld [tilespmem:$0x1FAF0];
	_ =	sdelay $0x2  }
0x19e: {  	v52 =	vld [tilespmem:$0x1FAA0];
	v14 =	vmul.f32 v14, v54  }
0x19f: {  	[tilespmem:$0x1FC70] =	vst v50;
	v22 =	vshll.u32 v19, $0x10;
	v12 =	vbroadcast v6, $0x7  }
0x1a0: {  	[tilespmem:$0x1FD80] =	vst v14;
	v14 =	vld [tilespmem:$0x1FAC0];
	v1 =	vmul.f32 v22, v1  }
0x1a1: {  	[tilespmem:$0x1FCB0] =	vst v4;
	v19 =	vand.u32 $0xFFFF0000, v19;
	(xrf2) =	vadd.scan.msk.f32 $0xffff, v53;
	v9 =	vmul.f32 v12, v9  }
0x1a2: {  	s14 =	sadd.s32 $0x2A8, s14;
	(xrf2) =	vadd.scan.msk.f32 $0xffff, v0;
	v0 =	vld [tilespmem:$0x1FAD0];
	[tilespmem:$0x1FDD0] =	vst v1;
	v1 =	vmul.f32 v19, v40  }
0x1a3: {  	[tilespmem:s14+$0x140] =	vst v9;
	v16 =	vmul.f32 v16, v52  }
0x1a4: {  	v4 =	vld [tilespmem:s15+$0xFFFFFFB0];
	[tilespmem:$0x1FDE0] =	vst v1;
	v1 =	vmul.f32 v41, v43  }
0x1a5: {  	[tilespmem:$0x1FD60] =	vst v16;
	v14 =	vmul.f32 v15, v14  }
0x1a6: {  	[tilespmem:$0x1FDF0] =	vst v1;
	v1 =	vmul.f32 v25, v47  }
0x1a7: {  	v9 =	vld [tilespmem:s15+$0xFFFFFFA0];
	[tilespmem:$0x1FD90] =	vst v14;
	v14 =	vmul.f32 v20, v0  }
0x1a8: {  	[tilespmem:$0x1FE00] =	vst v1;
	v1 =	vld [tilespmem:$0x1FB00]  }
0x1a9: {  	v50 =	vld [tilespmem:s15+$0xFFFFFF80];
	v16 =	vshll.u32 v4, $0x10;
	[tilespmem:$0x1FDA0] =	vst v14;
	v14 =	vand.u32 $0xFFFF0000, v4;
	v4 =	vmul.f32 v26, v39;
	_ =	sdelay $0x1  }
0x1aa: {  	[tilespmem:$0x1FE20] =	vst v4;
	v4 =	vld [tilespmem:$0x1FFA0]  }
0x1ab: {  	v27 =	vshll.u32 v9, $0x10;
	v0, _, _ =	vpop (xrf2)  }
0x1ac: {  	v13 =	vld [tilespmem:s15+$0x10];
	v46 =	vand.u32 $0xFFFF0000, v9;
	v0 =	vbroadcast v0, $0xF;
	v9 =	vmul.f32 v24, v1;
	v1, _, _ =	vpop (xrf2)  }
0x1ad: {  	v8 =	vld [tilespmem:s15+$0x0];
	v53 =	vshll.u32 v50, $0x10;
	v1 =	vbroadcast v1, $0xF  }
0x1ae: {  	[tilespmem:$0x1FB10] =	vst v7;
	v2 =	vld [tilespmem:s15+$0x90];
	v34 =	vand.u32 $0xFFFF0000, v50;
	(xrf2) =	vadd.scan.msk.f32 $0xffff, v11;
	v0 =	vnsel vm0, $0x0, v0  }
0x1af: {  	v50 =	vld [tilespmem:$0x1FA90];
	(xrf2) =	vadd.scan.msk.f32 $0xffff, v49;
	[tilespmem:$0x1FE10] =	vst v9;
	v9 =	vmul.f32 $1.442695020e+00, v4;
	v1 =	vnsel vm1, $0x0, v1  }
0x1b0: {  	v0 =	vadd.f32 v1, v0;
	v1 =	vld [tilespmem:$0x1FB10];
	_ =	sdelay $0x1  }
0x1b1: {  	v41 =	vand.u32 $0xFFFF0000, v8;
	v47 =	vshll.u32 v8, $0x10;
	v8, _, _ =	vpop (xrf2)  }
0x1b2: {  	v48 =	vand.u32 $0xFFFF0000, v48;
	v3 =	vld [tilespmem:s15+$0xA0];
	v15 =	vshll.u32 v13, $0x10;
	(erf) = vpow2.f32 v9;
	v9, _, _ =	vpop (xrf2)  }
0x1b3: {  	v7 =	vld [tilespmem:s15+$0x80];
	v8 =	vbroadcast v8, $0xF;
	v4 =	vand.u32 $0xFFFF0000, v13;
	v13 =	vbroadcast v9, $0xF  }
0x1b4: {  	[tilespmem:$0x1FD40] =	vst v18;
	v52 =	vand.u32 $0xFFFF0000, v2;
	v18 =	vmul.f32 v48, v50;
	v43 =	vshll.u32 v1, $0x10;
	v1 =	vld [tilespmem:$0x1FF60]  }
0x1b5: {  	v50 =	vshll.u32 v2, $0x10;
	v8 =	vnsel vm2, $0x0, v8;
	v2 =	vnsel vm3, $0x0, v13  }
0x1b6: {  	(xrf2) =	vadd.scan.msk.f32 $0xffff, v28;
	v2 =	vadd.f32 v2, v8  }
0x1b7: {  	v17 =	vand.u32 $0xFFFF0000, v3;
	(xrf2) =	vadd.scan.msk.f32 $0xffff, v21;
	v21 =	vshll.u32 v3, $0x10;
	v3, _, _ =	vpop (xrf2)  }
0x1b8: {  	v49 =	vshll.u32 v7, $0x10;
	v9 =	vand.u32 $0xFFFF0000, v7;
	v7 =	vadd.f32 v2, v0;
	v0, _, _ =	vpop (xrf2)  }
0x1b9: {  	v12 =	vld [tilespmem:s15+$0x20];
	v3 =	vbroadcast v3, $0xF;
	v0 =	vbroadcast v0, $0xF  }
0x1ba: {  	v10 =	vld [tilespmem:s15+$0x30]  }
0x1bb: {  	v5 =	vld [tilespmem:s15+$0xB0];
	v3 =	vnsel vm4, $0x0, v3;
	v8 =	vpop (erf);
	v0 =	vnsel vm5, $0x0, v0  }
0x1bc: {  	[tilespmem:v1+s16+$0x0] =	vst.idx.msk $0xff, v8;
	v1 =	vadd.f32 v0, v3;
	v0 =	vld [tilespmem:$0x1FB20];
	_ =	sdelay $0x1  }
0x1bd: {  	v23 =	vand.u32 $0xFFFF0000, v12  }
0x1be: {  	v19 =	vshll.u32 v12, $0x10;
	v12 =	vand.u32 $0xFFFF0000, v10;
	v11 =	vshll.u32 v10, $0x10  }
0x1bf: {  	v10 =	vshll.u32 v5, $0x10;
	v20 =	vand.u32 $0xFFFF0000, v5;
	v24 =	vand.u32 $0xFFFF0000, v37;
	v5, _, _ =	vpop (xrf2)  }
0x1c0: {  	(xrf2) =	vadd.scan.msk.f32 $0xffff, v30;
	v13 =	vshll.u32 v37, $0x10;
	v37 =	vbroadcast v5, $0xF;
	v5 =	vadd.f32 v56, v0;
	v0 =	vld [tilespmem:$0x1FB30]  }
0x1c1: {  	(xrf2) =	vadd.scan.msk.f32 $0xffff, v32;
	v32 =	vbroadcast v8, $0x0  }
0x1c2: {  	v30 =	vbroadcast v8, $0x1;
	v2 =	vbroadcast v8, $0x2  }
0x1c3: {  	v48 =	vshll.u32 v31, $0x10;
	v26 =	vbroadcast v8, $0x3;
	v25 =	vbroadcast v8, $0x4  }
0x1c4: {  	v22 =	vand.u32 $0xFFFF0000, v31;
	v31 =	vbroadcast v8, $0x5;
	v54 =	vbroadcast v8, $0x7  }
0x1c5: {  	(xrf2) =	vadd.scan.msk.f32 $0xffff, v38;
	v38 =	vnsel vm6, $0x0, v37;
	v37 =	vbroadcast v8, $0x6;
	v8 =	vadd.f32 v55, v0;
	v0 =	vld [tilespmem:$0x1FB40];
	_ =	sdelay $0x1  }
0x1c6: {  	v3, _, _ =	vpop (xrf2)  }
0x1c7: {  	v40 =	vshll.u32 v33, $0x10;
	v39 =	vand.u32 $0xFFFF0000, v33;
	v33 =	vbroadcast v3, $0xF;
	_ =	sdelay $0x1  }
0x1c8: {  	[tilespmem:$0x1FD50] =	vst v18;
	v18 =	vadd.f32 v45, v0;
	v45 =	vnsel vm7, $0x0, v33  }
0x1c9: {  	v45 =	vadd.f32 v45, v38;
	v38 =	vld [tilespmem:$0x1FB50];
	_ =	sdelay $0x3  }
0x1ca: {  	v1 =	vadd.f32 v45, v1;
	v45 =	vld [tilespmem:$0x1FB80]  }
0x1cb: {  	v38 =	vadd.f32 v63, v38;
	v63 =	vld [tilespmem:$0x1FB60];
	_ =	sdelay $0x1  }
0x1cc: {  	v28 =	vbroadcast v6, $0x1;
	(xrf2) =	vadd.scan.msk.f32 $0xffff, v51;
	v51 =	vbroadcast v6, $0x4  }
0x1cd: {  	v3 =	vbroadcast v6, $0x2;
	v56 =	vbroadcast v6, $0x0;
	v55, _, _ =	vpop (xrf2)  }
0x1ce: {  	v33 =	vbroadcast v6, $0x3;
	v0 =	vbroadcast v55, $0xF;
	v45 =	vadd.f32 v57, v45;
	v57 =	vld [tilespmem:$0x1FB90]  }
0x1cf: {  	v55 =	vbroadcast v6, $0x5;
	v59 =	vadd.f32 v59, v63;
	v63 =	vbroadcast v6, $0x6;
	v6 =	vld [tilespmem:$0x1FB70]  }
0x1d0: {  	v1 =	vadd.f32 v1, v7;
	v7 =	vld [tilespmem:$0x1FBA0];
	_ =	sdelay $0x3  }
0x1d1: {  	(xrf2) =	vadd.scan.msk.f32 $0xffff, v35;
	v35 =	vadd.f32 v36, v57;
	v57 =	vld [tilespmem:$0x1FF50];
	v6 =	vadd.f32 v62, v6;
	v62, _, _ =	vpop (xrf2)  }
0x1d2: {  	v36 =	vbroadcast v62, $0xF;
	v62 =	vadd.f32 v53, v7;
	v7 =	vld [tilespmem:$0x1FE30];
	_ =	sdelay $0x4  }
0x1d3: {  	(xrf2) =	vadd.scan.msk.f32 $0xffff, v60;
	v60 =	vld [tilespmem:$0x1FBB0];
	v7 =	vmul.f32 v57, v7  }
0x1d4: {  	v53 =	vld [tilespmem:$0x1FBC0]  }
0x1d5: {  	[tilespmem:s10+$0x20] =	vst v7;
	v7 =	vld [tilespmem:$0x1FBE0];
	_ =	sdelay $0x3  }
0x1d6: {  	v57 =	vnsel vm1, $0x0, v36;
	v53 =	vadd.f32 v29, v53;
	v29, _, _ =	vpop (xrf2)  }
0x1d7: {  	v36 =	vadd.f32 v34, v60;
	v60 =	vbroadcast v29, $0xF;
	v29 =	vadd.f32 v27, v7;
	v7 =	vld [tilespmem:$0x1FE40]  }
0x1d8: {  	v27 =	vld [tilespmem:$0x1FBF0];
	_ =	sdelay $0x4  }
0x1d9: {  	v27 =	vmul.f32 v27, v7;
	v7 =	vld [tilespmem:$0x1FC00]  }
0x1da: {  	v1 =	vmul.f32 $1.442695020e+00, v1;
	_ =	sdelay $0x1  }
0x1db: {  	v0 =	vnsel vm0, $0x0, v0;
	(erf) = vpow2.f32 v1;
	v1 =	vld [tilespmem:$0x1FC30]  }
0x1dc: {  	v57 =	vadd.f32 v57, v0;
	v0 =	vld [tilespmem:$0x1FBD0]  }
0x1dd: {  	v34 =	vadd.f32 v46, v7;
	v7 =	vld [tilespmem:$0x1FC10];
	_ =	sdelay $0x3  }
0x1de: {  	v0 =	vadd.f32 v42, v0  }
0x1df: {  	[tilespmem:s10+$0x30] =	vst v27;
	v27 =	vadd.f32 v47, v1;
	v1 =	vld [tilespmem:$0x1FC40];
	v42 =	vadd.f32 v16, v7;
	v7, _, _ =	vpop (xrf2)  }
0x1e0: {  	v46 =	vbroadcast v7, $0xF;
	v7 =	vld [tilespmem:$0x1FC20];
	_ =	sdelay $0x4  }
0x1e1: {  	v7 =	vadd.f32 v14, v7;
	v14 =	vadd.f32 v41, v1;
	v41 =	vld [tilespmem:$0x1FC50];
	_ =	sdelay $0x2  }
0x1e2: {  	v1 =	vld [tilespmem:$0x1FE50];
	_ =	sdelay $0x1  }
0x1e3: {  	v16 =	vadd.f32 v15, v41;
	v15 =	vld [tilespmem:$0x1FC60];
	_ =	sdelay $0x2  }
0x1e4: {  	v1 =	vmul.f32 v32, v1;
	_ =	sdelay $0x1  }
0x1e5: {  	(xrf2) =	vadd.scan.msk.f32 $0xffff, v61;
	[tilespmem:s10+$0x48] =	vst v1;
	v1 =	vld [tilespmem:$0x1FC80];
	v4 =	vadd.f32 v4, v15;
	v15, _, _ =	vpop (xrf2)  }
0x1e6: {  	(xrf2) =	vadd.scan.msk.f32 $0xffff, v44;
	v44 =	vbroadcast v15, $0xF;
	v15 =	vld [tilespmem:$0x1FC70];
	_ =	sdelay $0x4  }
0x1e7: {  	v15 =	vadd.f32 v19, v15;
	v19 =	vadd.f32 v23, v1;
	v1 =	vld [tilespmem:$0x1FC90];
	_ =	sdelay $0x4  }
0x1e8: {  	v1 =	vadd.f32 v11, v1;
	_ =	sdelay $0x1  }
0x1e9: {  	[tilespmem:$0x1FE30] =	vst v1;
	v1 =	vld [tilespmem:$0x1FCA0];
	_ =	sdelay $0x4  }
0x1ea: {  	(xrf2) =	vadd.scan.msk.f32 $0xffff, v1;
	v1 =	vld [tilespmem:$0x1FE60];
	_ =	sdelay $0x4  }
0x1eb: {  	v1 =	vmul.f32 v30, v1;
	v30 =	vld [tilespmem:$0x1FCB0];
	_ =	sdelay $0x4  }
0x1ec: {  	v30 =	vadd.f32 v12, v30;
	_ =	sdelay $0x1  }
0x1ed: {  	[tilespmem:$0x1FE40] =	vst v30;
	v30 =	vld [tilespmem:$0x1FCC0];
	_ =	sdelay $0x4  }
0x1ee: {  	v30 =	vadd.f32 v49, v30;
	_ =	sdelay $0x1  }
0x1ef: {  	[tilespmem:$0x1FE50] =	vst v30;
	v30 =	vld [tilespmem:$0x1FCD0];
	_ =	sdelay $0x4  }
0x1f0: {  	v9 =	vadd.f32 v9, v30;
	_ =	sdelay $0x1  }
0x1f1: {  	[tilespmem:$0x1FE60] =	vst v9;
	v9 =	vld [tilespmem:$0x1FE70];
	_ =	sdelay $0x4  }
0x1f2: {  	v2 =	vmul.f32 v2, v9;
	v9 =	vld [tilespmem:$0x1FCF0];
	_ =	sdelay $0x3  }
0x1f3: {  	v12, _, _ =	vpop (xrf2)  }
0x1f4: {  	v12 =	vbroadcast v12, $0xF;
	v9 =	vadd.f32 v50, v9;
	_ =	sdelay $0x1  }
0x1f5: {  	[tilespmem:$0x1FE70] =	vst v9;
	v9 =	vnsel vm5, $0x0, v12;
	v12 =	vld [tilespmem:$0x1FD00];
	_ =	sdelay $0x3  }
0x1f6: {  	v47 =	vld [tilespmem:$0x1FD40]  }
0x1f7: {  	v12 =	vadd.f32 v21, v12;
	v21 =	vld [tilespmem:$0x1FD10];
	_ =	sdelay $0x2  }
0x1f8: {  	v11 =	vnsel vm4, $0x0, v44  }
0x1f9: {  	(xrf2) =	vadd.scan.msk.f32 $0xffff, v58;
	v9 =	vadd.f32 v9, v11;
	v11 =	vld [tilespmem:$0x1FD20]  }
0x1fa: {  	v17 =	vadd.f32 v17, v21;
	v21, _, _ =	vpop (xrf2);
	(xrf2) =	vadd.scan.msk.f32 $0xffff, v47  }
0x1fb: {  	v60 =	vnsel vm2, $0x0, v60;
	v49 =	vld [tilespmem:$0x1FF40]  }
0x1fc: {  	v44, _, _ =	vpop (xrf2)  }
0x1fd: {  	v61 =	vnsel vm3, $0x0, v46;
	v58 =	vld [tilespmem:$0x1FF90];
	v21 =	vbroadcast v21, $0xF;
	v44 =	vbroadcast v44, $0xF  }
0x1fe: {  	v32 =	vadd.f32 v61, v60;
	v50 =	vld [tilespmem:$0x1FF70];
	v10 =	vadd.f32 v10, v11;
	v60, _, _ =	vpop (xrf2)  }
0x1ff: {  	v11 =	vpop (erf);
	v21 =	vnsel vm6, $0x0, v21;
	v61 =	vbroadcast v60, $0xF;
	v44 =	vnsel vm7, $0x0, v44  }
0x200: {  	[tilespmem:s10+$0x68] =	vst v2;
	v2 =	vbroadcast v11, $0x0;
	v30 =	vbroadcast v11, $0x1;
	v21 =	vadd.f32 v44, v21  }
0x201: {  	v23 =	vadd.f32 v32, v57  }
0x202: {  	v57 =	vld [tilespmem:$0x1FD50];
	v13 =	vadd.f32 v13, v58;
	v2 =	vmul.f32 v2, v5;
	v9 =	vadd.f32 v21, v9  }
0x203: {  	v58 =	vld [tilespmem:$0x1FD60];
	[tilespmem:v49+s16+$0x0] =	vst.idx.msk $0xff, v11;
	v47 =	vadd.f32 v48, v50;
	v48 =	vbroadcast v11, $0x5;
	v21 =	vnsel vm0, $0x0, v61;
	v61, _, _ =	vpop (xrf2)  }
0x204: {  	[tilespmem:s14+$0xFFFFFEB0] =	vst v2;
	v2 =	vmul.f32 v30, v8;
	v9 =	vadd.f32 v9, v23;
	v23 =	vld [tilespmem:$0x1FD80];
	v30, _, _ =	vpop (xrf2)  }
0x205: {  	v6 =	vmul.f32 v48, v6;
	v48 =	vbroadcast v30, $0xF;
	v30 =	vld [tilespmem:$0x1FD90]  }
0x206: {  	[tilespmem:s10+$0x58] =	vst v1;
	v1 =	vld [tilespmem:$0x1FCE0]  }
0x207: {  	v46 =	vld [tilespmem:$0x1FD30];
	(xrf2) =	vadd.scan.msk.f32 $0xffff, v57  }
0x208: {  	(xrf2) =	vadd.scan.msk.f32 $0xffff, v58  }
0x209: {  	(xrf2) =	vadd.scan.msk.f32 $0xffff, v23  }
0x20a: {  	(xrf2) =	vadd.scan.msk.f32 $0xffff, v30;
	v30 =	vld [tilespmem:$0x1FE80]  }
0x20b: {  	v1 =	vadd.f32 v52, v1  }
0x20c: {  	v20 =	vadd.f32 v20, v46;
	v52 =	vld [tilespmem:$0x1FF80];
	v46 =	vbroadcast v11, $0x4  }
0x20d: {  	v32 =	vbroadcast v11, $0x2  }
0x20e: {  	v41 =	vbroadcast v11, $0x3;
	v5 =	vld [tilespmem:$0x1FFC0];
	[tilespmem:s14+$0xFFFFFEC0] =	vst v2;
	v2 =	vmul.f32 v46, v59  }
0x20f: {  	v46 =	vmul.f32 $1.442695020e+00, v9;
	v9 =	vmovc v1;
	v1 =	vmov v12;
	v26 =	vmul.f32 v26, v30;
	v30 =	vld [tilespmem:$0x1FE90]  }
0x210: {  	v49 =	vbroadcast v11, $0x6;
	v11 =	vbroadcast v11, $0x7;
	[tilespmem:$0x1FE90] =	vst v1;
	v1 =	vld [tilespmem:$0x1FDA0]  }
0x211: {  	s3 =	sadd.s32 $0x1, s11;
	v22 =	vadd.f32 v22, v52;
	v52 =	vld [tilespmem:$0x1FFB0]  }
0x212: {  	v3 =	vmul.f32 v3, v13;
	v13 =	vld [tilespmem:$0x1FDB0];
	v8 =	vmov s3;
	v11 =	vmul.f32 v11, v35;
	v50, _, _ =	vpop (xrf2)  }
0x213: {  	v60 =	vld [tilespmem:$0x1FD70];
	[tilespmem:s14+$0xFFFFFF00] =	vst v6;
	v6 =	vmul.u32 $0x88, v8;
	v8 =	vbroadcast v50, $0xF;
	(erf) = vpow2.f32 v46  }
0x214: {  	v57 =	vld [tilespmem:$0x1FFD0];
	v5 =	vadd.f32 v40, v5;
	[tilespmem:s14+$0xFFFFFF20] =	vst v11  }
0x215: {  	[tilespmem:s14+$0xFFFFFEF0] =	vst v2;
	v2 =	vnsel vm2, $0x0, v48;
	v8 =	vnsel vm3, $0x0, v8;
	(xrf2) =	vadd.scan.msk.f32 $0xffff, v1;
	v1 =	vld [tilespmem:$0x1FEA0]  }
0x216: {  	v2 =	vadd.f32 v8, v2;
	v8 =	vmul.f32 v28, v22;
	v22 =	vmov v10;
	[tilespmem:$0x1FE80] =	vst v9;
	v9 =	vld [tilespmem:$0x1FF20]  }
0x217: {  	v11 =	vmul.f32 v56, v47;
	[tilespmem:$0x1FF20] =	vst v22;
	v22 =	vld [tilespmem:$0x1FFF0]  }
0x218: {  	[tilespmem:s14+$0xF0] =	vst v3;
	v5 =	vmul.f32 v51, v5;
	v40 =	vadd.f32 v43, v60;
	v43 =	vbroadcast v61, $0xF  }
0x219: {  	v24 =	vadd.f32 v24, v52;
	v39 =	vadd.f32 v39, v57;
	v6 =	vbroadcast v6, $0x0;
	[tilespmem:s14+$0xD0] =	vst v11;
	v12, _, _ =	vpop (xrf2)  }
0x21a: {  	v52 =	vld [tilespmem:$0x1FF30];
	[tilespmem:s14+$0x110] =	vst v5;
	v23 =	vnsel vm1, $0x0, v43;
	v12 =	vbroadcast v12, $0xF;
	v1 =	vmul.f32 v31, v1  }
0x21b: {  	v21 =	vadd.f32 v23, v21;
	v10 =	vmul.f32 v33, v24;
	[tilespmem:s14+$0xE0] =	vst v8;
	(xrf2) =	vadd.scan.msk.f32 $0xffff, v13;
	v13, _, _ =	vpop (xrf2)  }
0x21c: {  	v6 =	vadd.s32 v22, v6;
	v8 =	vpop (erf);
	[tilespmem:s10+$0x98] =	vst v1;
	v1 =	vbroadcast v13, $0xF;
	v13 =	vmul.f32 v55, v39;
	v55 =	vld [tilespmem:$0x1FDC0]  }
0x21d: {  	v3 =	vld [tilespmem:$0x1FDD0];
	v17 =	vmov v17;
	[tilespmem:s14+$0x100] =	vst v10;
	v56 =	vbroadcast v8, $0x1;
	v57 =	vbroadcast v8, $0x3  }
0x21e: {  	v2 =	vadd.f32 v2, v21;
	v5 =	vbroadcast v8, $0x5;
	v21 =	vbroadcast v8, $0x6;
	v11, _, _ =	vpop (xrf2);
	[tilespmem:s14+$0x120] =	vst v13;
	v13 =	vld [tilespmem:$0x1FDE0]  }
0x21f: {  	[tilespmem:$0x1FEA0] =	vst v17;
	v17 =	vmul.f32 v54, v52;
	v11 =	vbroadcast v11, $0xF;
	v10, _, _ =	vpop (xrf2)  }
0x220: {  	v12 =	vnsel vm4, $0x0, v12;
	v54 =	vmovc v20;
	v20 =	vbroadcast v8, $0x4;
	v10 =	vbroadcast v10, $0xF  }
0x221: {  	[tilespmem:v6+s16+$0x0] =	vst.idx.msk $0xff, v8;
	v11 =	vnsel vm6, $0x0, v11;
	v1 =	vnsel vm5, $0x0, v1;
	(xrf2) =	vadd.scan.msk.f32 $0xffff, v55  }
0x222: {  	v1 =	vadd.f32 v1, v12;
	v12 =	vbroadcast v8, $0x0;
	(xrf2) =	vadd.scan.msk.f32 $0xffff, v3;
	v10 =	vnsel vm7, $0x0, v10  }
0x223: {  	v3 =	vbroadcast v8, $0x2;
	(xrf2) =	vadd.scan.msk.f32 $0xffff, v13;
	v13 =	vbroadcast v8, $0x7;
	v8 =	vadd.f32 v10, v11  }
0x224: {  	v9 =	vmul.f32 v37, v9  }
0x225: {  	v3 =	vmul.f32 v3, v53;
	v1 =	vadd.f32 v8, v1  }
0x226: {  	[tilespmem:s10+$0xA8] =	vst v9;
	v9 =	vmul.f32 v63, v40;
	v10 =	vld [tilespmem:$0x1FDF0]  }
0x227: {  	[tilespmem:s14+$0xFFFFFF58] =	vst v3;
	v3 =	vmul.f32 v5, v34;
	v1 =	vadd.f32 v1, v2;
	v2 =	vld [tilespmem:$0x1FE00];
	_ =	sdelay $0x1  }
0x228: {  	[tilespmem:s14+$0xFFFFFF88] =	vst v3;
	v3 =	vld [tilespmem:$0x1FE10]  }
0x229: {  	v18 =	vmul.f32 v32, v18;
	[tilespmem:s14+$0x130] =	vst v9;
	v9, _, _ =	vpop (xrf2)  }
0x22a: {  	v0 =	vmul.f32 v57, v0;
	v11 =	vbroadcast v9, $0xF;
	(xrf2) =	vadd.scan.msk.f32 $0xffff, v10;
	v9, _, _ =	vpop (xrf2)  }
0x22b: {  	v1 =	vmul.f32 $1.442695020e+00, v1;
	v5 =	vbroadcast v9, $0xF;
	(xrf2) =	vadd.scan.msk.f32 $0xffff, v2  }
0x22c: {  	s3 =	sadd.s32 $0x2, s11;
	v44 =	vmul.f32 v41, v38;
	v6 =	vmul.f32 v56, v36;
	[tilespmem:s14+$0xFFFFFF68] =	vst v0;
	v2, _, _ =	vpop (xrf2)  }
0x22d: {  	(erf) = vpow2.f32 v1;
	(xrf2) =	vadd.scan.msk.f32 $0xffff, v3;
	v3, _, _ =	vpop (xrf2);
	v0 =	vnsel vm1, $0x0, v5;
	v5 =	vmov s3  }
0x22e: {  	[tilespmem:s14+$0xFFFFFED0] =	vst v18;
	v2 =	vbroadcast v2, $0xF;
	v3 =	vbroadcast v3, $0xF;
	v1 =	vmul.u32 $0x88, v5;
	v5 =	vld [tilespmem:$0x1FE20]  }
0x22f: {  	v23 =	vmul.f32 v49, v45;
	[tilespmem:s14+$0xFFFFFF48] =	vst v6;
	v6 =	vmul.f32 v20, v29  }
0x230: {  	[tilespmem:s14+$0xFFFFFEE0] =	vst v44;
	v8 =	vnsel vm0, $0x0, v11;
	v2 =	vnsel vm2, $0x0, v2;
	v3 =	vnsel vm3, $0x0, v3  }
0x231: {  	[tilespmem:s14+$0xFFFFFF78] =	vst v6;
	v0 =	vadd.f32 v0, v8;
	v6 =	vadd.f32 v3, v2  }
0x232: {  	[tilespmem:s14+$0xFFFFFF10] =	vst v23;
	v25 =	vmul.f32 v25, v30;
	v12 =	vmul.f32 v12, v62;
	s3 =	sadd.s32 $0x3, s11;
	v3 =	vmov s29  }
0x233: {  	v3 =	vmul.u32 $0x88, v3;
	v0 =	vadd.f32 v6, v0;
	v6 =	vmov s3;
	(xrf2) =	vadd.scan.msk.f32 $0xffff, v5  }
0x234: {  	[tilespmem:s10+$0x78] =	vst v26;
	v7 =	vmul.f32 v13, v7;
	v1 =	vbroadcast v1, $0x0;
	v5, _, _ =	vpop (xrf2)  }
0x235: {  	[tilespmem:$0x1FF30] =	vst v54;
	v9 =	vmul.f32 v21, v42;
	v3 =	vbroadcast v3, $0x0;
	v2, _, _ =	vpop (xrf2)  }
0x236: {  	[tilespmem:s10+$0x88] =	vst v25;
	v1 =	vadd.s32 v22, v1;
	v8 =	vmul.u32 $0x88, v6;
	v5 =	vbroadcast v5, $0xF;
	v6 =	vpop (erf)  }
0x237: {  	s26 =	sadd.s32 $0x140, s26;
	[tilespmem:s14+$0xFFFFFF98] =	vst v9;
	v3 =	vadd.s32 v22, v3;
	v2 =	vbroadcast v2, $0xF;
	v9 =	vbroadcast v6, $0x1  }
0x238: {  	s15 =	sadd.s32 $0x280, s15;
	v58 =	vld [tilespmem:s26+$0xFFFFFF70];
	[tilespmem:s14+$0xFFFFFF38] =	vst v12;
	v5 =	vnsel vm4, $0x0, v5;
	v11 =	vbroadcast v6, $0x2;
	v12 =	vbroadcast v6, $0x3  }
0x239: {  	v10 =	vld [tilespmem:s15+$0xC0];
	[tilespmem:$0x1FF40] =	vst v3;
	v3 =	vbroadcast v6, $0x4;
	v20 =	vbroadcast v6, $0x5;
	v2 =	vnsel vm5, $0x0, v2  }
0x23a: {  	[tilespmem:s14+$0xFFFFFFA8] =	vst v7;
	v21 =	vmovc v22;
	v22 =	vbroadcast v6, $0x6;
	v2 =	vadd.f32 v2, v5;
	v5 =	vbroadcast v8, $0x0;
	v8 =	vld [tilespmem:s26+$0x60]  }
0x23b: {  	s28 =	sadd.s32 $0x140, s28;
	v7, _, _ =	vpop (xrf2);
	v49 =	vbroadcast v6, $0x7;
	[tilespmem:v1+s16+$0x0] =	vst.idx.msk $0xff, v6;
	v1 =	vbroadcast v6, $0x0  }
0x23c: {  	[tilespmem:s10+$0xB8] =	vst v17;
	v59 =	vld [tilespmem:s28+$0x60];
	v7 =	vbroadcast v7, $0xF;
	v9 =	vmul.f32 v9, v14;
	v5 =	vadd.s32 v21, v5  }
0x23d: {  	v44 =	vshll.u32 v58, $0x10;
	v11 =	vmul.f32 v11, v16;
	v1 =	vmul.f32 v1, v27;
	[tilespmem:$0x1FF60] =	vst v5;
	v5 =	vld [tilespmem:s26+$0xFFFFFF80];
	v13, _, _ =	vpop (xrf2)  }
0x23e: {  	v14 =	vshll.u32 v10, $0x10;
	v3 =	vmul.f32 v3, v15;
	[tilespmem:s14+$0xFFFFFFD0] =	vst v9;
	v9 =	vld [tilespmem:s15+$0xFFFFFEC0];
	v13 =	vbroadcast v13, $0xF  }
0x23f: {  	v7 =	vnsel vm6, $0x0, v7;
	[tilespmem:s14+$0xFFFFFFC0] =	vst v1;
	v1 =	vmul.f32 v12, v4;
	v4 =	vld [tilespmem:s15+$0xD0];
	v60 =	vshll.u32 v8, $0x10  }
0x240: {  	[tilespmem:s14+$0xFFFFFFE0] =	vst v11;
	v11 =	vand.u32 $0xFFFF0000, v8;
	v8 =	vand.u32 $0xFFFF0000, v10;
	v6 =	vnsel vm7, $0x0, v13;
	v13 =	vld [tilespmem:s26+$0xFFFFFF90]  }
0x241: {  	[tilespmem:$0x1FF50] =	vst v22;
	v12 =	vadd.f32 v14, v60;
	v14 =	vshll.u32 v59, $0x10;
	v6 =	vadd.f32 v6, v7;
	v7 =	vld [tilespmem:s26+$0x70]  }
0x242: {  	[tilespmem:s14+$0xFFFFFFF0] =	vst v1;
	v1 =	vld [tilespmem:s15+$0xFFFFFED0];
	v23 =	vshll.u32 v5, $0x10;
	v52 =	vand.u32 $0xFFFF0000, v5;
	v5 =	vadd.f32 v8, v11  }
0x243: {  	[tilespmem:s14+$0x0] =	vst v3;
	v10 =	vmul.f32 v14, v12;
	v8 =	vand.u32 $0xFFFF0000, v59;
	v2 =	vadd.f32 v6, v2;
	v6 =	vld [tilespmem:s28+$0x70]  }
0x244: {  	v48 =	vand.u32 $0xFFFF0000, v58;
	v3 =	vld [tilespmem:s15+$0xFFFFFEE0];
	[tilespmem:$0x1FF80] =	vst v11;
	v58 =	vshll.u32 v9, $0x10;
	v5 =	vmul.f32 v8, v5  }
0x245: {  	v57 =	vand.u32 $0xFFFF0000, v9;
	v11 =	vld [tilespmem:s26+$0x80];
	(xrf2) =	vadd.scan.msk.f32 $0xffff, v10;
	v10 =	vshll.u32 v4, $0x10;
	v62 =	vshll.u32 v13, $0x10  }
0x246: {  	v8 =	vld [tilespmem:s15+$0xE0];
	v27 =	vand.u32 $0xFFFF0000, v13;
	(xrf2) =	vadd.scan.msk.f32 $0xffff, v5;
	v0 =	vadd.f32 v2, v0;
	v12 =	vshll.u32 v7, $0x10  }
0x247: {  	v5 =	vmul.f32 v20, v19;
	v13 =	vld [tilespmem:s28+$0x80];
	v14 =	vand.u32 $0xFFFF0000, v7;
	[tilespmem:$0x1FF90] =	vst v12;
	v9 =	vadd.f32 v10, v12  }
0x248: {  	v7 =	vshll.u32 v1, $0x10;
	v10 =	vld [tilespmem:s15+$0xFFFFFEF0];
	[tilespmem:$0x1FFA0] =	vst v0;
	v0 =	vand.u32 $0xFFFF0000, v4;
	v12 =	vshll.u32 v6, $0x10  }
0x249: {  	v1 =	vand.u32 $0xFFFF0000, v1;
	[tilespmem:$0x1FFB0] =	vst v14;
	v0 =	vadd.f32 v0, v14;
	v14 =	vld [tilespmem:s26+$0xFFFFFFB0];
	v2 =	vmul.f32 v12, v9  }
0x24a: {  	v15 =	vshll.u32 v11, $0x10;
	v63 =	vand.u32 $0xFFFF0000, v11;
	[tilespmem:s14+$0x10] =	vst v5;
	v4 =	vshll.u32 v3, $0x10;
	v12 =	vld [tilespmem:s26+$0xFFFFFFA0]  }
0x24b: {  	p1 =	slt.u32 s29, $0x23;
	v11 =	vld [tilespmem:s28+$0x90];
	v5 =	vand.u32 $0xFFFF0000, v3;
	v32 =	vadd.f32 v7, v44;
	(xrf2) =	vadd.scan.msk.f32 $0xffff, v2;
	v2 =	vshll.u32 v8, $0x10  }
.Ltmp2:
0x24c: {  	[tilespmem:$0x1FFC0] =	vst v15;
	v31 =	vadd.f32 v1, v48;
	v7 =	vld [tilespmem:s26+$0xFFFFFFD0];
	v3 =	vand.u32 $0xFFFF0000, v6;
	v15 =	vadd.f32 v2, v15;
	(pc) =	sbr.rel @p1 .LBB2_7-.Ltmp2, $4  }
0x24d: {  	[tilespmem:$0x1FF70] =	vst v60;
	v9 =	vld [tilespmem:s26+$0x90];
	v61 =	vmul.f32 v3, v0;
	v1 =	vshll.u32 v13, $0x10;
	v8 =	vand.u32 $0xFFFF0000, v8  }
0x24e: {  	[tilespmem:$0x1FFD0] =	vst v63;
	v3 =	vshll.u32 v10, $0x10;
	v0 =	vand.u32 $0xFFFF0000, v10;
	v10 =	vld [tilespmem:s15+$0xF0];
	v15 =	vmul.f32 v1, v15  }
0x24f: {  	v2 =	vld [tilespmem:s26+$0xFFFFFFC0];
	(xrf2) =	vadd.scan.msk.f32 $0xffff, v61;
	v28 =	vshll.u32 v14, $0x10;
	v37 =	vand.u32 $0xFFFF0000, v14;
	v30 =	vshll.u32 v12, $0x10  }
0x250: {  	s10 =	smov.u32 s14;
	s11 =	smov.u32 s29;
	s29 =	sadd.s32 $0x5, s29;
	v6, _, _ =	vpop (xrf2);
	v34 =	vand.u32 $0xFFFF0000, v12;
	v1 =	vadd.f32 v8, v63;
	v8 =	vld [tilespmem:s15+$0xFFFFFF40];
	v12 =	vand.u32 $0xFFFF0000, v13;
	(xrf2) =	vadd.scan.msk.f32 $0xffff, v15  }
0x251: {  	_ =	sdelay $0x1  }
0x252: {  	v41 =	vshll.u32 v9, $0x10;
	v13 =	vshll.u32 v10, $0x10  }
0x253: {  	v9 =	vand.u32 $0xFFFF0000, v9;
	v10 =	vand.u32 $0xFFFF0000, v10;
	v13 =	vadd.f32 v13, v41  }
0x254: {  	v1 =	vmul.f32 v12, v1;
	v12 =	vshll.u32 v11, $0x10;
	v10 =	vadd.f32 v10, v9  }
0x255: {  	v11 =	vand.u32 $0xFFFF0000, v11;
	v12 =	vmul.f32 v12, v13  }
0x256: {  	(xrf2) =	vadd.scan.msk.f32 $0xffff, v1;
	v1 =	vmul.f32 v11, v10  }
0x257: {  	(xrf2) =	vadd.scan.msk.f32 $0xffff, v12  }
0x258: {  	(xrf2) =	vadd.scan.msk.f32 $0xffff, v1;
	_ =	sdelay $0x3  }
0x259: {  	v1, _, _ =	vpop (xrf2)  }
0x25a: {  	v10, _, _ =	vpop (xrf2)  }
0x25b: {  	v11, _, _ =	vpop (xrf2)  }
0x25c: {  	v6 =	vbroadcast v6, $0xF;
	v1 =	vbroadcast v1, $0xF;
	v12, _, _ =	vpop (xrf2)  }
0x25d: {  	v10 =	vbroadcast v10, $0xF;
	v13, _, _ =	vpop (xrf2)  }
0x25e: {  	v6 =	vnsel vm0, $0x0, v6;
	v11 =	vbroadcast v11, $0xF;
	v1 =	vnsel vm1, $0x0, v1;
	v14, _, _ =	vpop (xrf2)  }
0x25f: {  	v12 =	vbroadcast v12, $0xF;
	v10 =	vnsel vm2, $0x0, v10;
	v13 =	vbroadcast v13, $0xF;
	v15, _, _ =	vpop (xrf2)  }
0x260: {  	v11 =	vnsel vm3, $0x0, v11;
	v14 =	vbroadcast v14, $0xF;
	v15 =	vbroadcast v15, $0xF  }
0x261: {  	v1 =	vadd.f32 v1, v6;
	v12 =	vnsel vm4, $0x0, v12;
	v6 =	vadd.f32 v11, v10  }
0x262: {  	v13 =	vnsel vm5, $0x0, v13;
	v14 =	vnsel vm6, $0x0, v14;
	v15 =	vnsel vm7, $0x0, v15  }
0x263: {  	v10 =	vadd.f32 v13, v12;
	v11 =	vadd.f32 v15, v14;
	_ =	sdelay $0x1  }
0x264: {  	v1 =	vadd.f32 v6, v1;
	v6 =	vadd.f32 v11, v10;
	_ =	sdelay $0x1  }
0x265: {  	v1 =	vadd.f32 v6, v1;
	_ =	sdelay $0x1  }
0x266: {  	v10 =	vld [tilespmem:s15+$0xFFFFFF60];
	v1 =	vmul.f32 $1.442695020e+00, v1  }
0x267: {  	v11 =	vld [tilespmem:s15+$0xFFFFFF70]  }
0x268: {  	v38 =	vshll.u32 v7, $0x10;
	v6 =	vld [tilespmem:s15+$0xFFFFFF50];
	(erf) = vpow2.f32 v1  }
0x269: {  	v4 =	vadd.f32 v4, v23;
	v5 =	vadd.f32 v5, v52;
	v36 =	vand.u32 $0xFFFF0000, v7;
	[tilespmem:$0x1F710] =	vst v38  }
0x26a: {  	v17 =	vadd.f32 v0, v27;
	v7 =	vshll.u32 v8, $0x10;
	v8 =	vand.u32 $0xFFFF0000, v8;
	v12 =	vld [tilespmem:s26+$0xFFFFFF60];
	[tilespmem:$0x1F720] =	vst v36  }
0x26b: {  	v20 =	vadd.f32 v7, v30;
	v8 =	vadd.f32 v8, v34;
	v53 =	vld [tilespmem:s15+$0x130]  }
0x26c: {  	v15 =	vadd.f32 v3, v62;
	v0 =	vld [tilespmem:s28+$0xFFFFFF60];
	v14 =	vshll.u32 v10, $0x10;
	v10 =	vand.u32 $0xFFFF0000, v10  }
0x26d: {  	v19 =	vshll.u32 v11, $0x10;
	v11 =	vand.u32 $0xFFFF0000, v11;
	v13 =	vshll.u32 v6, $0x10  }
0x26e: {  	v1 =	vshll.u32 v2, $0x10;
	v6 =	vand.u32 $0xFFFF0000, v6;
	v21 =	vadd.f32 v13, v28;
	v13 =	vld [tilespmem:s28+$0xFFFFFF70]  }
0x26f: {  	v16 =	vmovc v23;
	v23 =	vld [tilespmem:s28+$0xFFFFFF90];
	v2 =	vand.u32 $0xFFFF0000, v2;
	v6 =	vadd.f32 v6, v37;
	v7 =	vshll.u32 v12, $0x10  }
0x270: {  	v29 =	vmovc v28;
	v22 =	vld [tilespmem:s28+$0xFFFFFF80];
	v3 =	vand.u32 $0xFFFF0000, v12;
	v12 =	vand.u32 $0xFFFF0000, v53;
	v24 =	vadd.f32 v58, v7  }
0x271: {  	v26 =	vadd.f32 v57, v3;
	v28 =	vand.u32 $0xFFFF0000, v0;
	v9 =	vadd.f32 v12, v9;
	v35 =	vpop (erf)  }
0x272: {  	v18 =	vmovc v27;
	v27 =	vld [tilespmem:s28+$0xFFFFFFA0];
	v12 =	vadd.f32 v14, v1;
	v14 =	vshll.u32 v0, $0x10;
	v25 =	vbroadcast v35, $0x7  }
0x273: {  	v24 =	vmul.f32 v14, v24;
	v14 =	vshll.u32 v13, $0x10;
	v13 =	vand.u32 $0xFFFF0000, v13  }
0x274: {  	v46 =	vmul.f32 v13, v31;
	v13 =	vshll.u32 v23, $0x10;
	v42 =	vmul.f32 v25, v9;
	v9 =	vld [tilespmem:s28+$0xFFFFFFB0]  }
0x275: {  	v25 =	vmul.f32 v28, v26;
	v26 =	vld [tilespmem:s28+$0xFFFFFFC0];
	v28 =	vmul.f32 v14, v32;
	v14 =	vshll.u32 v22, $0x10  }
0x276: {  	v0 =	vmovc v30;
	v30 =	vld [tilespmem:s26+$0xFFFFFFE0];
	v22 =	vand.u32 $0xFFFF0000, v22;
	v4 =	vmul.f32 v14, v4;
	v14 =	vand.u32 $0xFFFF0000, v23  }
0x277: {  	v5 =	vmul.f32 v22, v5;
	v22 =	vmul.f32 v13, v15;
	v13 =	vshll.u32 v27, $0x10  }
0x278: {  	v23 =	vld [tilespmem:s28+$0xFFFFFFD0];
	v27 =	vand.u32 $0xFFFF0000, v27;
	v33 =	vmul.f32 v14, v17;
	v15 =	vmul.f32 v13, v20  }
0x279: {  	v13 =	vmul.f32 v27, v8;
	v20 =	vadd.f32 v10, v2;
	v14 =	vshll.u32 v9, $0x10  }
0x27a: {  	v31 =	vld [tilespmem:s26+$0xFFFFFFF0];
	v47 =	vand.u32 $0xFFFF0000, v9;
	v9 =	vmul.f32 v14, v21;
	v14 =	vshll.u32 v26, $0x10  }
0x27b: {  	v8 =	vld [tilespmem:s15+$0xFFFFFFC0];
	v27 =	vshll.u32 v30, $0x10;
	v17 =	vmul.f32 v47, v6;
	v10 =	vmul.f32 v14, v12  }
0x27c: {  	v6 =	vld [tilespmem:s15+$0xFFFFFFD0];
	v12 =	vadd.f32 v19, v38;
	v19 =	vadd.f32 v11, v36;
	v11 =	vand.u32 $0xFFFF0000, v26  }
0x27d: {  	v21 =	vld [tilespmem:s28+$0xFFFFFFE0];
	v14 =	vmul.f32 v11, v20;
	v11 =	vshll.u32 v23, $0x10;
	v20 =	vand.u32 $0xFFFF0000, v23  }
0x27e: {  	v23 =	vld [tilespmem:s28+$0xFFFFFFF0];
	[tilespmem:$0x1F730] =	vst v27;
	v11 =	vmul.f32 v11, v12;
	v12 =	vmul.f32 v20, v19;
	v20 =	vand.u32 $0xFFFF0000, v30  }
0x27f: {  	[tilespmem:$0x1F740] =	vst v20  }
0x280: {  	v26 =	vld [tilespmem:s26+$0x0]  }
0x281: {  	v50 =	vshll.u32 v31, $0x10;
	v30 =	vshll.u32 v6, $0x10  }
0x282: {  	v19 =	vshll.u32 v8, $0x10;
	v8 =	vand.u32 $0xFFFF0000, v8;
	[tilespmem:$0x1F750] =	vst v50;
	v30 =	vadd.f32 v30, v50  }
0x283: {  	v19 =	vadd.f32 v19, v27;
	v8 =	vadd.f32 v8, v20;
	v27 =	vld [tilespmem:s15+$0xFFFFFFE0];
	v60 =	vshll.u32 v23, $0x10  }
0x284: {  	v59 =	vshll.u32 v21, $0x10;
	v51 =	vld [tilespmem:s26+$0x10];
	v60 =	vmul.f32 v60, v30;
	v30 =	vand.u32 $0xFFFF0000, v31  }
0x285: {  	v61 =	vmul.f32 v59, v19;
	v19 =	vand.u32 $0xFFFF0000, v21;
	v21 =	vld [tilespmem:s28+$0x0];
	[tilespmem:$0x1F760] =	vst v30;
	v20 =	vshll.u32 v26, $0x10  }
0x286: {  	v6 =	vand.u32 $0xFFFF0000, v6;
	v8 =	vmul.f32 v19, v8;
	v63 =	vld [tilespmem:s15+$0xFFFFFFF0];
	v19 =	vand.u32 $0xFFFF0000, v26;
	[tilespmem:$0x1F770] =	vst v20  }
0x287: {  	v6 =	vadd.f32 v6, v30;
	[tilespmem:$0x1F780] =	vst v19  }
0x288: {  	v23 =	vand.u32 $0xFFFF0000, v23;
	v26 =	vld [tilespmem:s26+$0x20]  }
0x289: {  	(xrf2) =	vadd.scan.msk.f32 $0xffff, v24;
	v39 =	vshll.u32 v27, $0x10;
	v27 =	vand.u32 $0xFFFF0000, v27;
	v6 =	vmul.f32 v23, v6;
	v40 =	vld [tilespmem:s15+$0x40]  }
0x28a: {  	(xrf2) =	vadd.scan.msk.f32 $0xffff, v25;
	v24 =	vadd.f32 v39, v20;
	v27 =	vadd.f32 v27, v19;
	v43 =	vld [tilespmem:s28+$0x10];
	v20 =	vshll.u32 v51, $0x10  }
0x28b: {  	v23 =	vshll.u32 v21, $0x10;
	v21 =	vand.u32 $0xFFFF0000, v21;
	v25 =	vld [tilespmem:s28+$0x20];
	v19 =	vand.u32 $0xFFFF0000, v51;
	[tilespmem:$0x1F790] =	vst v20  }
0x28c: {  	(xrf2) =	vadd.scan.msk.f32 $0xffff, v28;
	v56 =	vmul.f32 v21, v27;
	v21 =	vld [tilespmem:s26+$0x30];
	[tilespmem:$0x1F7A0] =	vst v19  }
0x28d: {  	(xrf2) =	vadd.scan.msk.f32 $0xffff, v46;
	v57 =	vmul.f32 v23, v24;
	v23 =	vshll.u32 v63, $0x10;
	v27 =	vld [tilespmem:s15+$0x50]  }
0x28e: {  	(xrf2) =	vadd.scan.msk.f32 $0xffff, v4;
	v24 =	vand.u32 $0xFFFF0000, v63;
	v4 =	vadd.f32 v23, v20;
	v20 =	vshll.u32 v26, $0x10  }
0x28f: {  	(xrf2) =	vadd.scan.msk.f32 $0xffff, v5;
	v5 =	vadd.f32 v24, v19;
	v23 =	vshll.u32 v40, $0x10;
	[tilespmem:$0x1F7B0] =	vst v20  }
0x290: {  	v28 =	vshll.u32 v43, $0x10;
	v46 =	vand.u32 $0xFFFF0000, v26;
	v23 =	vadd.f32 v23, v20;
	v24 =	vld [tilespmem:s28+$0x30]  }
0x291: {  	v59 =	vmul.f32 v28, v4;
	v4 =	vand.u32 $0xFFFF0000, v43;
	v28 =	vshll.u32 v25, $0x10  }
0x292: {  	v58 =	vmul.f32 v4, v5;
	v26 =	vld [tilespmem:s15+$0x60];
	v47 =	vshll.u32 v21, $0x10;
	v5 =	vshll.u32 v27, $0x10  }
0x293: {  	v4 =	vand.u32 $0xFFFF0000, v40;
	v51 =	vmul.f32 v28, v23;
	v23 =	vld [tilespmem:s26+$0x40];
	v5 =	vadd.f32 v5, v47  }
0x294: {  	(xrf2) =	vadd.scan.msk.f32 $0xffff, v22;
	v22 =	vand.u32 $0xFFFF0000, v25;
	v4 =	vadd.f32 v4, v46  }
0x295: {  	v43 =	vand.u32 $0xFFFF0000, v21;
	v21 =	vand.u32 $0xFFFF0000, v27;
	v25 =	vshll.u32 v24, $0x10  }
0x296: {  	v27, _, _ =	vpop (xrf2);
	v55 =	vmul.f32 v22, v4;
	v4 =	vadd.f32 v21, v43  }
0x297: {  	v22 =	vbroadcast v27, $0xF;
	v21 =	vand.u32 $0xFFFF0000, v24;
	v54 =	vmul.f32 v25, v5;
	v5, _, _ =	vpop (xrf2)  }
0x298: {  	v24 =	vld [tilespmem:s28+$0x40];
	v27 =	vshll.u32 v26, $0x10;
	v36 =	vshll.u32 v23, $0x10;
	v5 =	vbroadcast v5, $0xF;
	v25, _, _ =	vpop (xrf2)  }
0x299: {  	(xrf2) =	vadd.scan.msk.f32 $0xffff, v33;
	v22 =	vnsel vm0, $0x0, v22;
	v20 =	vmul.f32 v21, v4;
	v21 =	vadd.f32 v27, v36;
	v28, _, _ =	vpop (xrf2)  }
0x29a: {  	v25 =	vbroadcast v25, $0xF;
	v5 =	vnsel vm1, $0x0, v5;
	v27 =	vbroadcast v28, $0xF;
	v28 =	vld [tilespmem:s15+$0xFFFFFF00]  }
0x29b: {  	v45, _, _ =	vpop (xrf2);
	v22 =	vadd.f32 v5, v22  }
0x29c: {  	v38 =	vld [tilespmem:s15+$0xFFFFFF10];
	v25 =	vnsel vm2, $0x0, v25;
	v50, _, _ =	vpop (xrf2);
	v33 =	vbroadcast v45, $0xF;
	v27 =	vnsel vm3, $0x0, v27  }
0x29d: {  	v5 =	vshll.u32 v24, $0x10;
	v39 =	vbroadcast v50, $0xF;
	v25 =	vadd.f32 v27, v25  }
0x29e: {  	v63 =	vld [tilespmem:s28+$0x50];
	v19 =	vmul.f32 v5, v21;
	v21 =	vnsel vm4, $0x0, v33  }
0x29f: {  	v33 =	vld [tilespmem:s26+$0x50];
	v27 =	vnsel vm5, $0x0, v39;
	v39 =	vadd.f32 v25, v22;
	v22 =	vshll.u32 v28, $0x10  }
0x2a0: {  	v21 =	vadd.f32 v27, v21;
	v27 =	vld [tilespmem:s15+$0x70];
	v22 =	vadd.f32 v22, v7;
	v7 =	vand.u32 $0xFFFF0000, v28;
	v28, _, _ =	vpop (xrf2);
	(xrf2) =	vadd.scan.msk.f32 $0xffff, v15  }
0x2a1: {  	v25 =	vshll.u32 v38, $0x10;
	v15 =	vadd.f32 v7, v3;
	(xrf2) =	vadd.scan.msk.f32 $0xffff, v13  }
0x2a2: {  	v32 =	vld [tilespmem:s15+$0xFFFFFF20];
	v3 =	vbroadcast v28, $0xF;
	v28 =	vand.u32 $0xFFFF0000, v23;
	v13 =	vand.u32 $0xFFFF0000, v26;
	(xrf2) =	vadd.scan.msk.f32 $0xffff, v9  }
0x2a3: {  	v25 =	vadd.f32 v25, v44;
	v23 =	vand.u32 $0xFFFF0000, v24;
	v13 =	vadd.f32 v13, v28;
	v7, _, _ =	vpop (xrf2);
	(xrf2) =	vadd.scan.msk.f32 $0xffff, v17  }
0x2a4: {  	v4 =	vld [tilespmem:$0x1FFA0];
	v50 =	vshll.u32 v33, $0x10;
	v9 =	vshll.u32 v63, $0x10;
	v7 =	vbroadcast v7, $0xF;
	(xrf2) =	vadd.scan.msk.f32 $0xffff, v10  }
0x2a5: {  	v45 =	vld [tilespmem:s15+$0xFFFFFF30];
	v3 =	vnsel vm6, $0x0, v3;
	v26 =	vshll.u32 v27, $0x10;
	(xrf2) =	vadd.scan.msk.f32 $0xffff, v14;
	v14 =	vand.u32 $0xFFFF0000, v63  }
0x2a6: {  	v24 =	vnsel vm7, $0x0, v7;
	v7 =	vmul.f32 v23, v13;
	v13 =	vadd.f32 v26, v50  }
0x2a7: {  	v23 =	vand.u32 $0xFFFF0000, v38;
	v3 =	vadd.f32 v24, v3;
	v24 =	vshll.u32 v32, $0x10  }
0x2a8: {  	v9 =	vmul.f32 v9, v13;
	v13 =	vadd.f32 v23, v48;
	v17 =	vadd.f32 v24, v16;
	v24 =	vld [tilespmem:s15+$0xFFFFFF80]  }
0x2a9: {  	v23 =	vmul.f32 $1.442695020e+00, v4;
	v3 =	vadd.f32 v3, v21;
	v21 =	vand.u32 $0xFFFF0000, v32  }
0x2aa: {  	v26 =	vadd.f32 v21, v52;
	v21 =	vshll.u32 v45, $0x10;
	v52 =	vand.u32 $0xFFFF0000, v45  }
0x2ab: {  	(erf) = vpow2.f32 v23;
	v23 =	vand.u32 $0xFFFF0000, v33;
	v44 =	vadd.f32 v21, v62  }
0x2ac: {  	v10, _, _ =	vpop (xrf2);
	v38 =	vadd.f32 v52, v18;
	v21 =	vld [tilespmem:s15+$0xFFFFFF90];
	v39 =	vadd.f32 v3, v39;
	v3 =	vand.u32 $0xFFFF0000, v27  }
0x2ad: {  	v62, _, _ =	vpop (xrf2);
	v16 =	vbroadcast v10, $0xF;
	v52 =	vld [tilespmem:s15+$0xFFFFFFA0];
	v3 =	vadd.f32 v3, v23;
	v27 =	vshll.u32 v24, $0x10  }
0x2ae: {  	(xrf2) =	vadd.scan.msk.f32 $0xffff, v11;
	v33 =	vbroadcast v62, $0xF;
	v63 =	vand.u32 $0xFFFF0000, v24;
	v24 =	vadd.f32 v27, v0;
	v0 =	vld [tilespmem:$0x1FE30]  }
0x2af: {  	(xrf2) =	vadd.scan.msk.f32 $0xffff, v12;
	v12, _, _ =	vpop (xrf2);
	v10 =	vmul.f32 v14, v3;
	v3 =	vld [tilespmem:$0x1FF50]  }
0x2b0: {  	v62, _, _ =	vpop (xrf2);
	v14 =	vnsel vm0, $0x0, v16;
	v27 =	vnsel vm1, $0x0, v33  }
0x2b1: {  	v14 =	vadd.f32 v27, v14;
	v27 =	vmul.f32 $1.442695020e+00, v39;
	v39 =	vbroadcast v62, $0xF  }
0x2b2: {  	s3 =	sadd.s32 $0x4, s11;
	v5 =	vld [tilespmem:$0x1FFF0];
	v32 =	vadd.f32 v63, v34;
	v11 =	vshll.u32 v21, $0x10;
	v48 =	vand.u32 $0xFFFF0000, v52  }
0x2b3: {  	v63 =	vmov s3;
	v31 =	vadd.f32 v11, v29;
	v11 =	vadd.f32 v48, v2;
	v2 =	vld [tilespmem:$0x1FE70]  }
0x2b4: {  	v12 =	vbroadcast v12, $0xF;
	v40 =	vmul.u32 $0x88, v63;
	v33 =	vmul.f32 v3, v0;
	v0 =	vld [tilespmem:$0x1FE40]  }
0x2b5: {  	v16 =	vshll.u32 v52, $0x10;
	(erf) = vpow2.f32 v27;
	v27 =	vnsel vm3, $0x0, v39;
	v39 =	vpop (erf)  }
0x2b6: {  	v12 =	vnsel vm2, $0x0, v12;
	v30 =	vadd.f32 v16, v1;
	v1 =	vbroadcast v39, $0x2  }
0x2b7: {  	v12 =	vadd.f32 v27, v12;
	v27 =	vbroadcast v40, $0x0;
	v40 =	vld [tilespmem:s15+$0x100]  }
0x2b8: {  	v34, _, _ =	vpop (xrf2);
	v2 =	vmul.f32 v1, v2;
	v1 =	vld [tilespmem:$0x1FF70]  }
0x2b9: {  	v16 =	vbroadcast v34, $0xF;
	v27 =	vadd.s32 v5, v27;
	v45 =	vmul.f32 v49, v0;
	v0 =	vld [tilespmem:$0x1FE50]  }
0x2ba: {  	v63, _, _ =	vpop (xrf2)  }
0x2bb: {  	v34 =	vbroadcast v63, $0xF;
	v63 =	vld [tilespmem:s15+$0x120];
	v48 =	vnsel vm4, $0x0, v16  }
0x2bc: {  	(xrf2) =	vadd.scan.msk.f32 $0xffff, v61;
	v52 =	vbroadcast v39, $0x0;
	v12 =	vadd.f32 v12, v14;
	v14 =	vld [tilespmem:s15+$0x110];
	v16 =	vshll.u32 v40, $0x10  }
0x2bd: {  	(xrf2) =	vadd.scan.msk.f32 $0xffff, v8;
	v8 =	vadd.f32 v16, v1;
	v1 =	vld [tilespmem:$0x1FF80]  }
0x2be: {  	v52 =	vmul.f32 v52, v0;
	v0 =	vld [tilespmem:$0x1FE60];
	[tilespmem:v27+s16+$0x0] =	vst.idx.msk $0xff, v35  }
0x2bf: {  	v3 =	vld [tilespmem:$0x1FF90];
	_ =	sdelay $0x2  }
0x2c0: {  	s14 =	sadd.s32 $0x2A8, s14;
	v21 =	vand.u32 $0xFFFF0000, v21  }
0x2c1: {  	v21 =	vadd.f32 v21, v37;
	v37 =	vbroadcast v39, $0x1;
	v16 =	vshll.u32 v14, $0x10;
	[tilespmem:s14+$0x140] =	vst v42  }
0x2c2: {  	v61 =	vadd.f32 v16, v3;
	v3 =	vld [tilespmem:$0x1FF60];
	_ =	sdelay $0x2  }
0x2c3: {  	v62 =	vmul.f32 v37, v0;
	v37, _, _ =	vpop (xrf2)  }
0x2c4: {  	v0, _, _ =	vpop (xrf2)  }
0x2c5: {  	v0 =	vbroadcast v0, $0xF;
	_ =	sdelay $0x1  }
0x2c6: {  	v49 =	vnsel vm5, $0x0, v34;
	v34 =	vbroadcast v37, $0xF  }
0x2c7: {  	v40 =	vand.u32 $0xFFFF0000, v40;
	[tilespmem:v3+s16+$0x0] =	vst.idx.msk $0xff, v39  }
0x2c8: {  	v40 =	vadd.f32 v40, v1;
	v37 =	vnsel vm6, $0x0, v34;
	v1 =	vnsel vm7, $0x0, v0;
	v0 =	vpop (erf);
	v3 =	vld [tilespmem:$0x1FFB0];
	[tilespmem:s10+$0x20] =	vst v33  }
0x2c9: {  	v48 =	vadd.f32 v49, v48;
	v1 =	vadd.f32 v1, v37;
	v37 =	vbroadcast v0, $0x5;
	v4 =	vld [tilespmem:$0x1FFC0];
	[tilespmem:s10+$0x30] =	vst v45  }
0x2ca: {  	v33 =	vld [tilespmem:$0x1FFD0];
	[tilespmem:s10+$0x48] =	vst v52  }
0x2cb: {  	v1 =	vadd.f32 v1, v48;
	v48 =	vmul.f32 v37, v26;
	v26 =	vld [tilespmem:$0x1FF40]  }
0x2cc: {  	v34 =	vbroadcast v0, $0x2  }
0x2cd: {  	v27 =	vbroadcast v0, $0x0;
	v42 =	vbroadcast v0, $0x6  }
0x2ce: {  	v14 =	vand.u32 $0xFFFF0000, v14;
	v29 =	vbroadcast v0, $0x1;
	v25 =	vmul.f32 v34, v25  }
0x2cf: {  	v44 =	vmul.f32 v42, v44;
	v1 =	vadd.f32 v1, v12;
	v3 =	vadd.f32 v14, v3  }
0x2d0: {  	(xrf2) =	vadd.scan.msk.f32 $0xffff, v60;
	v14 =	vmul.f32 v27, v22;
	v22 =	vshll.u32 v63, $0x10;
	v27 =	vbroadcast v0, $0x3  }
0x2d1: {  	(xrf2) =	vadd.scan.msk.f32 $0xffff, v6;
	v1 =	vmul.f32 $1.442695020e+00, v1;
	v4 =	vadd.f32 v22, v4;
	v22 =	vmul.f32 v29, v15  }
0x2d2: {  	[tilespmem:s10+$0x58] =	vst v62;
	v15 =	vand.u32 $0xFFFF0000, v63;
	v6 =	vmul.f32 v27, v13;
	v13 =	vshll.u32 v53, $0x10;
	v53, _, _ =	vpop (xrf2)  }
0x2d3: {  	v29 =	vbroadcast v0, $0x4;
	v45 =	vadd.f32 v15, v33;
	v15 =	vld [tilespmem:s15+$0xFFFFFFB0];
	v18, _, _ =	vpop (xrf2);
	[tilespmem:v26+s16+$0x0] =	vst.idx.msk $0xff, v0;
	v0 =	vbroadcast v0, $0x7  }
0x2d4: {  	(xrf2) =	vadd.scan.msk.f32 $0xffff, v57;
	v37 =	vbroadcast v35, $0x5;
	[tilespmem:s10+$0x68] =	vst v2;
	v60 =	vbroadcast v18, $0xF;
	v18 =	vld [tilespmem:s15+$0x0]  }
0x2d5: {  	(xrf2) =	vadd.scan.msk.f32 $0xffff, v56;
	(erf) = vpow2.f32 v1;
	v2 =	vmul.f32 v0, v38;
	v0 =	vld [tilespmem:$0x1FE80]  }
0x2d6: {  	v49 =	vadd.f32 v13, v41;
	v12 =	vbroadcast v53, $0xF;
	v41 =	vbroadcast v35, $0x4;
	[tilespmem:s14+$0xFFFFFEB0] =	vst v14  }
0x2d7: {  	v62 =	vbroadcast v39, $0x4;
	(xrf2) =	vadd.scan.msk.f32 $0xffff, v59;
	v29 =	vmul.f32 v29, v17;
	v14 =	vld [tilespmem:$0x1FE90]  }
0x2d8: {  	v13 =	vbroadcast v39, $0x3;
	(xrf2) =	vadd.scan.msk.f32 $0xffff, v58;
	v12 =	vnsel vm0, $0x0, v12;
	v4 =	vmul.f32 v41, v4  }
0x2d9: {  	v33 =	vshll.u32 v15, $0x10;
	v26 =	vand.u32 $0xFFFF0000, v15;
	v27 =	vshll.u32 v18, $0x10;
	v63 =	vld [tilespmem:$0x1FEA0];
	[tilespmem:s14+$0xFFFFFEC0] =	vst v22  }
0x2da: {  	v15 =	vand.u32 $0xFFFF0000, v18;
	v22 =	vld [tilespmem:$0x1FF20];
	[tilespmem:s14+$0xFFFFFED0] =	vst v25;
	v38 =	vmul.f32 v13, v0;
	v13 =	vnsel vm1, $0x0, v60  }
0x2db: {  	v34 =	vld [tilespmem:s15+$0x80];
	v18 =	vbroadcast v35, $0x0;
	[tilespmem:s14+$0xFFFFFEE0] =	vst v6;
	v52 =	vadd.f32 v13, v12;
	v12 =	vbroadcast v39, $0x5  }
0x2dc: {  	v6 =	vld [tilespmem:$0x1FF30];
	[tilespmem:s14+$0xFFFFFEF0] =	vst v29;
	v53 =	vmul.f32 v62, v14;
	v14 =	vbroadcast v39, $0x6  }
0x2dd: {  	v59 =	vmul.f32 v18, v8;
	v8 =	vbroadcast v35, $0x1;
	[tilespmem:s14+$0xFFFFFF00] =	vst v48  }
0x2de: {  	(xrf2) =	vadd.scan.msk.f32 $0xffff, v51;
	v29 =	vbroadcast v35, $0x6;
	v48 =	vpop (erf);
	[tilespmem:s14+$0xFFFFFF10] =	vst v44;
	v44 =	vmul.f32 v37, v45;
	v0 =	vld [tilespmem:s15+$0x10]  }
0x2df: {  	(xrf2) =	vadd.scan.msk.f32 $0xffff, v55;
	v13 =	vld [tilespmem:s15+$0x20];
	v39 =	vbroadcast v39, $0x7;
	v56 =	vmul.f32 v12, v63;
	v12, _, _ =	vpop (xrf2)  }
0x2e0: {  	v57 =	vmul.f32 v14, v22;
	(xrf2) =	vadd.scan.msk.f32 $0xffff, v54;
	v12 =	vbroadcast v12, $0xF;
	v14, _, _ =	vpop (xrf2)  }
0x2e1: {  	v45 =	vbroadcast v48, $0x1;
	v40 =	vmul.f32 v8, v40;
	v8 =	vshll.u32 v34, $0x10;
	(xrf2) =	vadd.scan.msk.f32 $0xffff, v20;
	v42, _, _ =	vpop (xrf2)  }
0x2e2: {  	v39 =	vmul.f32 v39, v6;
	(xrf2) =	vadd.scan.msk.f32 $0xffff, v19;
	v6 =	vnsel vm2, $0x0, v12;
	v12 =	vand.u32 $0xFFFF0000, v34;
	v34, _, _ =	vpop (xrf2)  }
0x2e3: {  	v17 =	vshll.u32 v0, $0x10;
	v22 =	vand.u32 $0xFFFF0000, v0;
	v0 =	vbroadcast v14, $0xF;
	(xrf2) =	vadd.scan.msk.f32 $0xffff, v7;
	v7, _, _ =	vpop (xrf2)  }
0x2e4: {  	v1 =	vld [tilespmem:s15+$0x30];
	v25 =	vshll.u32 v13, $0x10;
	(xrf2) =	vadd.scan.msk.f32 $0xffff, v9;
	v9 =	vbroadcast v42, $0xF;
	v41 =	vbroadcast v34, $0xF;
	v42, _, _ =	vpop (xrf2)  }
0x2e5: {  	v0 =	vnsel vm3, $0x0, v0;
	(xrf2) =	vadd.scan.msk.f32 $0xffff, v10;
	v7 =	vbroadcast v7, $0xF;
	v10 =	vbroadcast v42, $0xF  }
0x2e6: {  	v18 =	vand.u32 $0xFFFF0000, v13;
	v51 =	vadd.f32 v0, v6;
	v9 =	vnsel vm4, $0x0, v9  }
0x2e7: {  	v16 =	vnsel vm5, $0x0, v41;
	v7 =	vnsel vm6, $0x0, v7;
	v10 =	vnsel vm7, $0x0, v10  }
0x2e8: {  	v0 =	vbroadcast v35, $0x2;
	v9 =	vadd.f32 v16, v9;
	v7 =	vadd.f32 v10, v7  }
0x2e9: {  	s29 =	sadd.s32 $0x1, s11;
	v13 =	vshll.u32 v1, $0x10;
	v6 =	vand.u32 $0xFFFF0000, v1;
	v1 =	vbroadcast v35, $0x3  }
0x2ea: {  	[tilespmem:s14+$0xFFFFFF20] =	vst v2;
	v63, _, _ =	vpop (xrf2);
	v54 =	vmul.f32 v0, v61;
	v61 =	vmov s29;
	v7 =	vadd.f32 v7, v9  }
0x2eb: {  	v29 =	vmul.f32 v29, v49;
	[tilespmem:s10+$0x78] =	vst v38;
	v38 =	vbroadcast v48, $0x0;
	v62 =	vmul.u32 $0x88, v61;
	v41, _, _ =	vpop (xrf2)  }
0x2ec: {  	[tilespmem:s14+$0x110] =	vst v4;
	v3 =	vmul.f32 v1, v3;
	v2 =	vadd.f32 v51, v52;
	v16 =	vbroadcast v63, $0xF;
	v9, _, _ =	vpop (xrf2)  }
0x2ed: {  	[tilespmem:s14+$0xD0] =	vst v59;
	v35 =	vbroadcast v41, $0xF;
	v10 =	vbroadcast v62, $0x0;
	v42, _, _ =	vpop (xrf2)  }
0x2ee: {  	[tilespmem:s14+$0xE0] =	vst v40;
	v51 =	vbroadcast v48, $0x2;
	v16 =	vnsel vm0, $0x0, v16;
	v2 =	vadd.f32 v7, v2;
	v7, _, _ =	vpop (xrf2)  }
0x2ef: {  	[tilespmem:s10+$0x98] =	vst v56;
	v35 =	vnsel vm1, $0x0, v35;
	v10 =	vadd.s32 v5, v10;
	v9 =	vbroadcast v9, $0xF;
	v56, _, _ =	vpop (xrf2)  }
0x2f0: {  	[tilespmem:s10+$0xA8] =	vst v57;
	v16 =	vadd.f32 v35, v16;
	v57 =	vbroadcast v42, $0xF;
	v2 =	vmul.f32 $1.442695020e+00, v2;
	v58, _, _ =	vpop (xrf2)  }
0x2f1: {  	[tilespmem:s10+$0x88] =	vst v53;
	v9 =	vnsel vm2, $0x0, v9;
	v7 =	vbroadcast v7, $0xF;
	v59 =	vbroadcast v56, $0xF;
	v61, _, _ =	vpop (xrf2)  }
0x2f2: {  	[tilespmem:s10+$0xB8] =	vst v39;
	v35 =	vnsel vm3, $0x0, v57;
	v39 =	vbroadcast v58, $0xF;
	v62 =	vbroadcast v61, $0xF  }
0x2f3: {  	[tilespmem:s14+$0xF0] =	vst v54;
	(erf) = vpow2.f32 v2;
	v2 =	vadd.f32 v35, v9;
	v7 =	vnsel vm4, $0x0, v7  }
0x2f4: {  	[tilespmem:s14+$0x100] =	vst v3;
	v3 =	vnsel vm5, $0x0, v59;
	v9 =	vnsel vm6, $0x0, v39;
	v63 =	vnsel vm7, $0x0, v62  }
0x2f5: {  	v24 =	vmul.f32 v38, v24;
	v3 =	vadd.f32 v3, v7;
	v7 =	vld [tilespmem:$0x1F710];
	[tilespmem:s14+$0x120] =	vst v44;
	v4 =	vadd.f32 v63, v9  }
0x2f6: {  	v52 =	vbroadcast v48, $0x3;
	v20 =	vmul.f32 v51, v31;
	v2 =	vadd.f32 v2, v16;
	[tilespmem:s14+$0x130] =	vst v29  }
0x2f7: {  	v42 =	vbroadcast v48, $0x4;
	[tilespmem:v10+s16+$0x0] =	vst.idx.msk $0xff, v48;
	v10 =	vmul.f32 v45, v32;
	v3 =	vadd.f32 v4, v3  }
0x2f8: {  	s10 =	sadd.s32 $0x2, s11;
	v21 =	vmul.f32 v52, v21;
	[tilespmem:s14+$0xFFFFFF38] =	vst v24;
	v9 =	vbroadcast v48, $0x5  }
0x2f9: {  	s11 =	sadd.s32 $0x3, s11;
	v19 =	vmul.f32 v42, v30;
	v29 =	vmov s10;
	v2 =	vadd.f32 v3, v2;
	v3 =	vld [tilespmem:$0x1F720];
	[tilespmem:s14+$0xFFFFFF48] =	vst v10  }
0x2fa: {  	v49 =	vmul.u32 $0x88, v29;
	v9 =	vmul.f32 v9, v11;
	v11 =	vmov s11;
	v53 =	vld [tilespmem:$0x1F730];
	[tilespmem:s14+$0xFFFFFF58] =	vst v20  }
0x2fb: {  	v4 =	vbroadcast v48, $0x6;
	v7 =	vadd.f32 v33, v7;
	[tilespmem:s14+$0xFFFFFF68] =	vst v21;
	v2 =	vmul.f32 $1.442695020e+00, v2  }
0x2fc: {  	v10 =	vbroadcast v49, $0x0;
	[tilespmem:s14+$0xFFFFFF78] =	vst v19  }
0x2fd: {  	v4 =	vmul.f32 v4, v7;
	v7 =	vmul.u32 $0x88, v11;
	v11 =	vpop (erf);
	(erf) = vpow2.f32 v2;
	v2 =	vld [tilespmem:$0x1F740];
	[tilespmem:s14+$0xFFFFFF88] =	vst v9  }
0x2fe: {  	v19 =	vld [tilespmem:$0x1F750]  }
0x2ff: {  	v29 =	vbroadcast v48, $0x7;
	v10 =	vadd.s32 v5, v10;
	v3 =	vadd.f32 v26, v3;
	_ =	sdelay $0x1  }
0x300: {  	v9 =	vbroadcast v11, $0x0;
	v16 =	vadd.f32 v27, v53;
	v3 =	vmul.f32 v29, v3  }
0x301: {  	[tilespmem:s14+$0xFFFFFF98] =	vst v4;
	v4 =	vbroadcast v7, $0x0;
	v7 =	vbroadcast v11, $0x1;
	v2 =	vadd.f32 v15, v2  }
0x302: {  	v9 =	vmul.f32 v9, v16;
	v17 =	vadd.f32 v17, v19;
	v19 =	vld [tilespmem:$0x1F760];
	[tilespmem:s14+$0xFFFFFFA8] =	vst v3;
	v3 =	vbroadcast v11, $0x2  }
0x303: {  	v54 =	vld [tilespmem:$0x1F770];
	[tilespmem:v10+s16+$0x0] =	vst.idx.msk $0xff, v11;
	v2 =	vmul.f32 v7, v2  }
0x304: {  	v7 =	vld [tilespmem:$0x1F780];
	v3 =	vmul.f32 v3, v17;
	[tilespmem:s14+$0xFFFFFFC0] =	vst v9  }
0x305: {  	[tilespmem:s14+$0xFFFFFFD0] =	vst v2  }
0x306: {  	[tilespmem:s14+$0xFFFFFFE0] =	vst v3  }
0x307: {  	v4 =	vadd.s32 v5, v4;
	v10 =	vbroadcast v11, $0x3;
	v19 =	vadd.f32 v22, v19;
	v5 =	vld [tilespmem:$0x1F790];
	_ =	sdelay $0x1  }
0x308: {  	v10 =	vmul.f32 v10, v19;
	_ =	sdelay $0x1  }
0x309: {  	v16 =	vadd.f32 v25, v54;
	[tilespmem:s14+$0xFFFFFFF0] =	vst v10  }
0x30a: {  	v7 =	vadd.f32 v18, v7;
	v18 =	vbroadcast v11, $0x4;
	v13 =	vadd.f32 v13, v5;
	v5 =	vld [tilespmem:$0x1F7A0]  }
0x30b: {  	v60 =	vld [tilespmem:s15+$0x90]  }
0x30c: {  	v3 =	vmul.f32 v18, v16  }
0x30d: {  	v14 =	vld [tilespmem:s15+$0xA0]  }
0x30e: {  	[tilespmem:s14+$0x0] =	vst v3  }
0x30f: {  	v9 =	vbroadcast v11, $0x5;
	v6 =	vadd.f32 v6, v5;
	v5 =	vld [tilespmem:$0x1F7B0]  }
0x310: {  	v12 =	vadd.f32 v12, v46;
	v1 =	vshll.u32 v60, $0x10;
	v55 =	vbroadcast v11, $0x6;
	v15 =	vld [tilespmem:s15+$0xB0]  }
0x311: {  	v0 =	vand.u32 $0xFFFF0000, v60;
	v7 =	vmul.f32 v9, v7;
	v10 =	vbroadcast v11, $0x7  }
0x312: {  	v60 =	vshll.u32 v14, $0x10;
	v1 =	vadd.f32 v1, v47;
	v11 =	vmul.f32 v55, v13;
	v3 =	vpop (erf)  }
0x313: {  	v0 =	vadd.f32 v0, v43;
	[tilespmem:s14+$0x10] =	vst v7;
	v6 =	vmul.f32 v10, v6;
	v10 =	vbroadcast v3, $0x2  }
0x314: {  	v2 =	vand.u32 $0xFFFF0000, v14;
	v7 =	vbroadcast v3, $0x0;
	[tilespmem:v4+s16+$0x0] =	vst.idx.msk $0xff, v3;
	v8 =	vadd.f32 v8, v5  }
0x315: {  	v14 =	vshll.u32 v15, $0x10;
	v4 =	vbroadcast v3, $0x1;
	[tilespmem:s14+$0x20] =	vst v11;
	v1 =	vmul.f32 v10, v1  }
0x316: {  	[tilespmem:s14+$0x30] =	vst v6;
	v6 =	vbroadcast v3, $0x4;
	v5 =	vadd.f32 v60, v36;
	v7 =	vmul.f32 v7, v8  }
0x317: {  	v2 =	vadd.f32 v2, v28;
	v4 =	vmul.f32 v4, v12;
	[tilespmem:s14+$0x68] =	vst v1;
	v8 =	vbroadcast v3, $0x3  }
0x318: {  	v9 =	vand.u32 $0xFFFF0000, v15;
	v1 =	vmul.f32 v6, v5;
	[tilespmem:s14+$0x48] =	vst v7;
	v7 =	vbroadcast v3, $0x5  }
0x319: {  	[tilespmem:s14+$0x58] =	vst v4;
	v4 =	vadd.f32 v14, v50;
	v0 =	vmul.f32 v8, v0;
	v8 =	vbroadcast v3, $0x6  }
0x31a: {  	v5 =	vadd.f32 v9, v23;
	v3 =	vbroadcast v3, $0x7;
	[tilespmem:s14+$0x88] =	vst v1;
	v2 =	vmul.f32 v7, v2  }
0x31b: {  	[tilespmem:s14+$0x78] =	vst v0;
	v0 =	vmul.f32 v8, v4  }
0x31c: {  	v1 =	vmul.f32 v3, v5;
	[tilespmem:s14+$0x98] =	vst v2  }
0x31d: {  	[tilespmem:s14+$0xA8] =	vst v0  }
0x31e: {  	s3 =	simm.s32 @!p0 $0x1;
	[tilespmem:s14+$0xB8] =	vst v1  }
0x31f: {  	[spmem:s2] =	stream.indirect.scatter.add.f32 [tilespmem:s16], [sflag:$0x6], $0x88, s0, s19, $0xb8;
	[tilespmem:$0x1B258] =	vst v63  }
0x320: {  	_ =	swait.ge @!p0 [sflag:s3], $0x50  }
0x321: {  	s10 =	simm.s32 @!p0 $0x0;
	[sflag:s3] =	ssyncset.done @!p0 $0x0  }
0x322: {  	s11 =	simm.s32 @!p0 $0x1510;
	[sflag:s3] =	ssyncadd.s32 @!p0 $0xFFFFFFB0;
	s3 =	simm.s32 @!p0 $0x28  }
0x323: {  	[tilespmem:s11], [sflag:$0x3] =	stream.indirect.gather @!p0 [hbm4b:s1+s3], $0x80, s10, s3, $0xb8;
	[tilespmem:$0x1B258] =	vst v63  }
0x324: {  	s14 =	simm.s32 @!p0 $0x110;
	s11 =	simm.s32 @!p0 $0x30  }
0x325: {  	[tilespmem:s14], [sflag:$0x3] =	stream.indirect.gather @!p0 [hbm4b:s6+s3], $0x40, s11, s3, $0xb8;
	[tilespmem:$0x1B258] =	vst v63  }
0x326: {  	s3 =	sshll.u32 @!p0 s9, $0x3  }
0x327: {  	s3 =	sand.u32 @!p0 $0xFFFFF80, s3  }
0x328: {  	s9 =	simm.s32 @!p0 $0x3D10;
	s3 =	sadd.s32 @!p0 s7, s3  }
0x329: {  	[tilespmem:s9], [sflag:$0x5] =	stream.linear.gather @!p0 [hbm4b:s3+s10], $0xA00, $0x38;
	[tilespmem:$0x1B258] =	vst v63  }
0x32a: {  	_ =	swait.ge [sflag:s20], $0x1400  }
0x32b: {  	[sflag:s20] =	ssyncset.done $0x0  }
0x32c: {  	[sflag:s20] =	ssyncadd.s32 $0xFFFFEC00  }
0x32d: {  	_ =	swait.ge [sflag:s20], $0xA00  }
0x32e: {  	[sflag:s20] =	ssyncset.done $0x0  }
0x32f: {  	[sflag:s20] =	ssyncadd.s32 $0xFFFFF600  }
0x330: {  	_ =	swait.ge [sflag:s31], $0xA00  }
0x331: {  	[sflag:s31] =	ssyncset.done $0x0  }
0x332: {  	[sflag:s31] =	ssyncadd.s32 $0xFFFFF600  }
0x333: {  	_ =	swait.ge [sflag:s21], $0x1540  }
0x334: {  	[sflag:s21] =	ssyncset.done $0x0  }
0x335: {  	[sflag:s21] =	ssyncadd.s32 $0xFFFFEAC0  }
0x336: {  	v0 =	vld [tilespmem:$0x90];
	_ =	sdelay $0x4  }
0x337: {  	[tilespmem:$0xE8] =	vst v0;
	v0 =	vld [tilespmem:$0x1FFE0];
	_ =	sdelay $0x1  }
0x338: {  	v1 =	vld [tilespmem:$0xA0]  }
0x339: {  	v2 =	vld [tilespmem:$0xB0]  }
0x33a: {  	s3 =	smul.u32 @!p0 $0x50, s18;
	_ =	sdelay $0x1  }
0x33b: {  	s3 =	sadd.s32 @!p0 s3, s12  }
0x33c: {  	s3 =	sshrl.u32 @!p0 s3, $0x3;
	[tilespmem:$0xF8] =	vst v1  }
0x33d: {  	s9 =	simm.s32 @!p0 $0x60;
	s3 =	sadd.s32 @!p0 s5, s3;
	[tilespmem:v0+s22+$0x0] =	vst.idx.msk $0xff, v2  }
0x33e: {  	[tilespmem:s9], [sflag:$0x2] =	stream.linear.gather @!p0 [hbm4b:s3+s10], $0x28, $0x38;
	[tilespmem:$0x1B258] =	vst v63  }
0x33f: {  	s26 =	simm.s32 $0x47B0;
	s3 =	sadd.s32 @!p0 $0x9C40, s3;
	s9 =	simm.s32 @!p0 $0x90  }
0x340: {  	[tilespmem:s9], [sflag:$0x2] =	stream.linear.gather @!p0 [hbm4b:s3+s10], $0x28, $0x38;
	[tilespmem:$0x1B258] =	vst v63  }
0x341: {  	s29 =	simm.s32 $0x2A50;
	v0 =	vld [tilespmem:s26+$0x60]  }
0x342: {  	v1 =	vld [tilespmem:s29+$0xC0]  }
0x343: {  	s3 =	simm.s32 $0xBB0;
	v3 =	vld [tilespmem:s26+$0x70]  }
0x344: {  	v2 =	vld [tilespmem:s3+$0x60]  }
0x345: {  	v4 =	vld [tilespmem:s29+$0xD0]  }
0x346: {  	v8 =	vshll.u32 v0, $0x10  }
0x347: {  	v5 =	vld [tilespmem:s3+$0x70];
	v7 =	vshll.u32 v1, $0x10;
	v17 =	vand.u32 $0xFFFF0000, v0;
	[tilespmem:$0x1F840] =	vst v8  }
0x348: {  	v0 =	vand.u32 $0xFFFF0000, v1;
	v11 =	vshll.u32 v3, $0x10;
	v7 =	vadd.f32 v7, v8;
	v6 =	vld [tilespmem:s26+$0x80]  }
0x349: {  	v8 =	vshll.u32 v2, $0x10;
	v0 =	vadd.f32 v0, v17;
	v1 =	vld [tilespmem:s29+$0xE0];
	[tilespmem:$0x1F850] =	vst v11  }
0x34a: {  	v9 =	vshll.u32 v4, $0x10;
	v2 =	vand.u32 $0xFFFF0000, v2;
	v7 =	vmul.f32 v8, v7;
	v8 =	vld [tilespmem:s26+$0x90]  }
0x34b: {  	v10 =	vld [tilespmem:s3+$0x80];
	v0 =	vmul.f32 v2, v0;
	v2 =	vadd.f32 v9, v11  }
0x34c: {  	v11 =	vshll.u32 v5, $0x10;
	v9 =	vand.u32 $0xFFFF0000, v3  }
0x34d: {  	v3 =	vand.u32 $0xFFFF0000, v4;
	[tilespmem:$0x1F860] =	vst v9;
	v2 =	vmul.f32 v11, v2;
	v11 =	vshll.u32 v6, $0x10  }
0x34e: {  	v3 =	vadd.f32 v3, v9;
	v4 =	vld [tilespmem:s29+$0xF0];
	v12 =	vshll.u32 v1, $0x10;
	v6 =	vand.u32 $0xFFFF0000, v6;
	[tilespmem:$0x1F870] =	vst v11  }
0x34f: {  	(xrf2) =	vadd.scan.msk.f32 $0xffff, v7;
	v12 =	vadd.f32 v12, v11;
	v7 =	vshll.u32 v8, $0x10;
	v19 =	vld [tilespmem:s3+$0x90];
	[tilespmem:$0x1F880] =	vst v6  }
0x350: {  	v5 =	vand.u32 $0xFFFF0000, v5;
	v13 =	vshll.u32 v10, $0x10;
	[tilespmem:$0x1F890] =	vst v7  }
0x351: {  	v3 =	vmul.f32 v5, v3;
	v5 =	vmul.f32 v13, v12;
	v12 =	vld [tilespmem:s29+$0xFFFFFED0]  }
0x352: {  	v27 =	vld [tilespmem:s29+$0xFFFFFEF0]  }
0x353: {  	v1 =	vand.u32 $0xFFFF0000, v1;
	v28 =	vld [tilespmem:s26+$0xFFFFFFA0]  }
0x354: {  	(xrf2) =	vadd.scan.msk.f32 $0xffff, v0;
	v1 =	vadd.f32 v1, v6;
	v0 =	vand.u32 $0xFFFF0000, v10;
	v6 =	vshll.u32 v4, $0x10;
	v29 =	vld [tilespmem:s26+$0xFFFFFFB0]  }
0x355: {  	(xrf2) =	vadd.scan.msk.f32 $0xffff, v2;
	v18 =	vand.u32 $0xFFFF0000, v8;
	v4 =	vand.u32 $0xFFFF0000, v4;
	v56 =	vld [tilespmem:s29+$0xFFFFFF40];
	v2 =	vadd.f32 v6, v7  }
0x356: {  	(xrf2) =	vadd.scan.msk.f32 $0xffff, v3;
	v0 =	vmul.f32 v0, v1;
	v57 =	vld [tilespmem:s29+$0xFFFFFF50];
	v3 =	vadd.f32 v4, v18;
	v1 =	vshll.u32 v19, $0x10  }
0x357: {  	v60 =	vld [tilespmem:s26+$0x10];
	(xrf2) =	vadd.scan.msk.f32 $0xffff, v5;
	v1 =	vmul.f32 v1, v2;
	v2 =	vand.u32 $0xFFFF0000, v19  }
0x358: {  	v61 =	vld [tilespmem:s29+$0xFFFFFFC0];
	(xrf2) =	vadd.scan.msk.f32 $0xffff, v0;
	v0 =	vmul.f32 v2, v3  }
0x359: {  	v62 =	vld [tilespmem:s29+$0xFFFFFFD0];
	(xrf2) =	vadd.scan.msk.f32 $0xffff, v1  }
0x35a: {  	v6 =	vld [tilespmem:s29+$0xFFFFFEC0];
	(xrf2) =	vadd.scan.msk.f32 $0xffff, v0  }
0x35b: {  	v24 =	vshll.u32 v12, $0x10;
	v12 =	vand.u32 $0xFFFF0000, v12;
	v31 =	vshll.u32 v27, $0x10  }
0x35c: {  	v5 =	vld [tilespmem:s26+$0xFFFFFF90];
	v27 =	vand.u32 $0xFFFF0000, v27;
	v33 =	vshll.u32 v28, $0x10;
	v34 =	vand.u32 $0xFFFF0000, v28  }
0x35d: {  	v7, _, _ =	vpop (xrf2);
	v32 =	vshll.u32 v29, $0x10;
	v59 =	vand.u32 $0xFFFF0000, v56;
	v42 =	vshll.u32 v57, $0x10  }
0x35e: {  	v36 =	vand.u32 $0xFFFF0000, v57;
	v9 =	vand.u32 $0xFFFF0000, v60;
	v43 =	vshll.u32 v61, $0x10;
	v8, _, _ =	vpop (xrf2)  }
0x35f: {  	v57 =	vshll.u32 v62, $0x10;
	v21 =	vshll.u32 v6, $0x10;
	v7 =	vbroadcast v7, $0xF;
	v19, _, _ =	vpop (xrf2)  }
0x360: {  	v26 =	vand.u32 $0xFFFF0000, v6;
	v41 =	vadd.f32 v59, v34;
	v42 =	vadd.f32 v42, v32;
	v20, _, _ =	vpop (xrf2)  }
0x361: {  	v14 =	vshll.u32 v5, $0x10;
	v16 =	vand.u32 $0xFFFF0000, v5;
	v8 =	vbroadcast v8, $0xF;
	v5, _, _ =	vpop (xrf2)  }
0x362: {  	v23 =	vld [tilespmem:s29+$0xFFFFFEE0];
	v19 =	vbroadcast v19, $0xF;
	v7 =	vnsel vm0, $0x0, v7;
	v50 =	vadd.f32 v31, v14;
	v22, _, _ =	vpop (xrf2)  }
0x363: {  	v63 =	vld [tilespmem:s29+$0xFFFFFFE0];
	v27 =	vadd.f32 v27, v16;
	v20 =	vbroadcast v20, $0xF;
	v8 =	vnsel vm1, $0x0, v8;
	v6, _, _ =	vpop (xrf2)  }
0x364: {  	v1 =	vld [tilespmem:s26+$0xFFFFFF70];
	v19 =	vnsel vm2, $0x0, v19;
	v5 =	vbroadcast v5, $0xF;
	v22 =	vbroadcast v22, $0xF;
	v25, _, _ =	vpop (xrf2)  }
0x365: {  	v0 =	vld [tilespmem:s26+$0xFFFFFF80];
	v20 =	vnsel vm3, $0x0, v20;
	v6 =	vbroadcast v6, $0xF;
	v25 =	vbroadcast v25, $0xF  }
0x366: {  	v7 =	vadd.f32 v8, v7;
	v8 =	vadd.f32 v20, v19;
	v5 =	vnsel vm4, $0x0, v5  }
0x367: {  	v22 =	vnsel vm5, $0x0, v22;
	v6 =	vnsel vm6, $0x0, v6;
	v25 =	vnsel vm7, $0x0, v25  }
0x368: {  	v37 =	vld [tilespmem:s26+$0xFFFFFF60];
	v59 =	vshll.u32 v63, $0x10;
	v5 =	vadd.f32 v22, v5;
	v6 =	vadd.f32 v25, v6  }
0x369: {  	v10 =	vshll.u32 v1, $0x10;
	v13 =	vand.u32 $0xFFFF0000, v1;
	v20 =	vshll.u32 v23, $0x10  }
0x36a: {  	v30 =	vld [tilespmem:s26+$0xFFFFFFC0];
	v11 =	vshll.u32 v0, $0x10;
	v7 =	vadd.f32 v8, v7;
	v5 =	vadd.f32 v6, v5  }
0x36b: {  	v15 =	vand.u32 $0xFFFF0000, v0;
	v38 =	vadd.f32 v24, v10;
	v39 =	vadd.f32 v12, v13;
	v8 =	vld [tilespmem:s29+$0xFFFFFF70]  }
0x36c: {  	v46 =	vld [tilespmem:s3+$0xFFFFFF60];
	v24 =	vand.u32 $0xFFFF0000, v29;
	v40 =	vadd.f32 v20, v11;
	v5 =	vadd.f32 v5, v7  }
0x36d: {  	v54 =	vld [tilespmem:s3+$0xFFFFFF70];
	v20 =	vshll.u32 v56, $0x10;
	v49 =	vadd.f32 v36, v24;
	v36 =	vshll.u32 v37, $0x10  }
0x36e: {  	v19 =	vld [tilespmem:s26+$0xFFFFFFD0];
	v37 =	vand.u32 $0xFFFF0000, v37;
	v21 =	vadd.f32 v21, v36;
	v5 =	vmul.f32 $1.442695020e+00, v5  }
0x36f: {  	v26 =	vadd.f32 v26, v37;
	v22 =	vand.u32 $0xFFFF0000, v23;
	v23 =	vand.u32 $0xFFFF0000, v30  }
0x370: {  	v55 =	vld [tilespmem:s3+$0xFFFFFF80];
	v47 =	vshll.u32 v8, $0x10;
	v48 =	vand.u32 $0xFFFF0000, v8;
	(erf) = vpow2.f32 v5  }
0x371: {  	v12 =	vld [tilespmem:s26+$0xFFFFFFF0];
	v8 =	vshll.u32 v60, $0x10;
	v60 =	vand.u32 $0xFFFF0000, v63;
	v63 =	vshll.u32 v46, $0x10  }
0x372: {  	v0 =	vld [tilespmem:s3+$0xFFFFFFF0];
	v21 =	vmul.f32 v63, v21;
	v63 =	vshll.u32 v54, $0x10;
	v54 =	vand.u32 $0xFFFF0000, v54  }
0x373: {  	v28 =	vand.u32 $0xFFFF0000, v19;
	v46 =	vand.u32 $0xFFFF0000, v46;
	v1 =	vmul.f32 v54, v39;
	v39 =	vld [tilespmem:s3+$0xFFFFFFC0]  }
0x374: {  	v26 =	vmul.f32 v46, v26;
	v25 =	vshll.u32 v30, $0x10;
	v30 =	vshll.u32 v19, $0x10;
	v19 =	vld [tilespmem:s29+$0x130]  }
0x375: {  	v56 =	vand.u32 $0xFFFF0000, v61;
	v52 =	vadd.f32 v20, v33;
	v38 =	vmul.f32 v63, v38;
	(xrf2) =	vadd.scan.msk.f32 $0xffff, v21;
	v21 =	vld [tilespmem:s29+$0x50]  }
0x376: {  	v22 =	vadd.f32 v22, v15;
	v31 =	vshll.u32 v12, $0x10;
	v12 =	vand.u32 $0xFFFF0000, v12;
	(xrf2) =	vadd.scan.msk.f32 $0xffff, v26;
	v6 =	vld [tilespmem:s29+$0xFFFFFF60]  }
0x377: {  	v58 =	vld [tilespmem:s26+$0x0];
	v57 =	vadd.f32 v57, v31;
	v63 =	vshll.u32 v55, $0x10;
	v55 =	vand.u32 $0xFFFF0000, v55;
	(xrf2) =	vadd.scan.msk.f32 $0xffff, v38  }
0x378: {  	v40 =	vmul.f32 v63, v40;
	v22 =	vmul.f32 v55, v22;
	(xrf2) =	vadd.scan.msk.f32 $0xffff, v1;
	v1 =	vshll.u32 v0, $0x10;
	v7 =	vld [tilespmem:s26+$0xFFFFFFE0]  }
0x379: {  	v53 =	vld [tilespmem:s29+$0xFFFFFFF0];
	v0 =	vand.u32 $0xFFFF0000, v0;
	v55 =	vshll.u32 v39, $0x10;
	v51 =	vand.u32 $0xFFFF0000, v19;
	v20 =	vpop (erf)  }
0x37a: {  	v39 =	vand.u32 $0xFFFF0000, v39;
	v18 =	vadd.f32 v51, v18;
	v51 =	vld [tilespmem:s3+$0xFFFFFF90];
	v61 =	vbroadcast v20, $0x7  }
0x37b: {  	v38 =	vmul.f32 v1, v57;
	v57 =	vshll.u32 v21, $0x10;
	v44 =	vshll.u32 v6, $0x10  }
0x37c: {  	v45 =	vand.u32 $0xFFFF0000, v6;
	v6 =	vshll.u32 v58, $0x10;
	v18 =	vmul.f32 v61, v18;
	v61 =	vld [tilespmem:s3+$0xFFFFFFA0]  }
0x37d: {  	v46 =	vld [tilespmem:s3+$0xFFFFFFB0];
	v44 =	vadd.f32 v44, v25;
	v45 =	vadd.f32 v45, v23;
	v35 =	vshll.u32 v7, $0x10  }
0x37e: {  	v29 =	vand.u32 $0xFFFF0000, v7;
	v7 =	vand.u32 $0xFFFF0000, v58;
	v58 =	vand.u32 $0xFFFF0000, v62  }
0x37f: {  	v63 =	vld [tilespmem:s3+$0xFFFFFFD0];
	v62 =	vshll.u32 v53, $0x10;
	v54 =	vshll.u32 v51, $0x10;
	v51 =	vand.u32 $0xFFFF0000, v51  }
0x380: {  	v55 =	vmul.f32 v55, v44;
	v43 =	vadd.f32 v43, v35;
	v27 =	vmul.f32 v51, v27;
	v51 =	vld [tilespmem:s26+$0x20]  }
0x381: {  	v26 =	vadd.f32 v56, v29;
	v2 =	vmul.f32 v54, v50;
	v50 =	vshll.u32 v61, $0x10  }
0x382: {  	v56 =	vld [tilespmem:s3+$0x0];
	v54 =	vand.u32 $0xFFFF0000, v61;
	v61 =	vmul.f32 v50, v52;
	v50 =	vshll.u32 v46, $0x10  }
0x383: {  	v3 =	vmul.f32 v54, v41;
	v41 =	vld [tilespmem:s3+$0xFFFFFFE0];
	v52 =	vadd.f32 v47, v30;
	v46 =	vand.u32 $0xFFFF0000, v46  }
0x384: {  	v54 =	vmul.f32 v39, v45;
	v45 =	vand.u32 $0xFFFF0000, v53;
	v47 =	vmul.f32 v50, v42;
	v42 =	vld [tilespmem:s26+$0x30]  }
0x385: {  	v53 =	vadd.f32 v48, v28;
	v48 =	vand.u32 $0xFFFF0000, v51;
	v50 =	vshll.u32 v63, $0x10  }
0x386: {  	v44 =	vld [tilespmem:s29+$0x40];
	v46 =	vmul.f32 v46, v49;
	v63 =	vand.u32 $0xFFFF0000, v63;
	v52 =	vmul.f32 v50, v52  }
0x387: {  	v50 =	vshll.u32 v51, $0x10;
	v53 =	vmul.f32 v63, v53;
	v63 =	vadd.f32 v59, v6  }
0x388: {  	v59 =	vadd.f32 v62, v8;
	v62 =	vand.u32 $0xFFFF0000, v56;
	v51 =	vshll.u32 v41, $0x10  }
0x389: {  	v1 =	vld [tilespmem:s3+$0x10];
	(xrf2) =	vadd.scan.msk.f32 $0xffff, v40;
	v41 =	vand.u32 $0xFFFF0000, v41;
	v39 =	vmul.f32 v51, v43;
	v51 =	vshll.u32 v42, $0x10  }
0x38a: {  	(xrf2) =	vadd.scan.msk.f32 $0xffff, v22;
	v22 =	vld [tilespmem:s3+$0x20];
	v49 =	vand.u32 $0xFFFF0000, v42;
	v42 =	vmul.f32 v41, v26;
	v43 =	vadd.f32 v58, v12  }
0x38b: {  	v26 =	vshll.u32 v44, $0x10;
	v58 =	vand.u32 $0xFFFF0000, v21;
	v21 =	vadd.f32 v60, v7  }
0x38c: {  	v41 =	vand.u32 $0xFFFF0000, v44;
	v43 =	vmul.f32 v0, v43;
	v0 =	vshll.u32 v56, $0x10  }
0x38d: {  	v60 =	vadd.f32 v45, v9;
	v45 =	vmul.f32 v62, v21;
	v44 =	vmul.f32 v0, v63;
	v0 =	vld [tilespmem:s3+$0x30]  }
0x38e: {  	v21 =	vshll.u32 v1, $0x10;
	v1 =	vand.u32 $0xFFFF0000, v1;
	v63 =	vadd.f32 v41, v48  }
0x38f: {  	v40 =	vmul.f32 v21, v59;
	v21 =	vshll.u32 v22, $0x10;
	v22 =	vand.u32 $0xFFFF0000, v22  }
0x390: {  	(xrf2) =	vadd.scan.msk.f32 $0xffff, v2;
	v2, _, _ =	vpop (xrf2);
	v26 =	vadd.f32 v26, v50  }
0x391: {  	(xrf2) =	vadd.scan.msk.f32 $0xffff, v27;
	v2 =	vbroadcast v2, $0xF;
	v27 =	vadd.f32 v57, v51;
	v41 =	vmul.f32 v1, v60;
	v1, _, _ =	vpop (xrf2)  }
0x392: {  	v26 =	vmul.f32 v21, v26;
	v21 =	vmul.f32 v22, v63;
	v22, _, _ =	vpop (xrf2);
	v60 =	vshll.u32 v0, $0x10  }
0x393: {  	v1 =	vbroadcast v1, $0xF;
	v62 =	vbroadcast v22, $0xF;
	v63, _, _ =	vpop (xrf2)  }
0x394: {  	v56 =	vld [tilespmem:s29+$0xFFFFFF00];
	v59, _, _ =	vpop (xrf2);
	v22 =	vmul.f32 v60, v27;
	v27 =	vadd.f32 v58, v49;
	v58 =	vbroadcast v63, $0xF  }
0x395: {  	v2 =	vnsel vm0, $0x0, v2;
	v1 =	vnsel vm1, $0x0, v1;
	v57 =	vnsel vm2, $0x0, v62;
	v62 =	vld [tilespmem:s29+$0xFFFFFF10];
	v60, _, _ =	vpop (xrf2)  }
0x396: {  	v59 =	vbroadcast v59, $0xF;
	v63 =	vld [tilespmem:s26+$0x40];
	v58 =	vnsel vm3, $0x0, v58;
	v60 =	vbroadcast v60, $0xF  }
0x397: {  	v0 =	vand.u32 $0xFFFF0000, v0;
	v1 =	vadd.f32 v1, v2;
	v2 =	vadd.f32 v58, v57;
	v57 =	vld [tilespmem:s29+$0x60]  }
0x398: {  	v27 =	vmul.f32 v0, v27;
	v0 =	vnsel vm4, $0x0, v59;
	v60 =	vnsel vm5, $0x0, v60  }
0x399: {  	(xrf2) =	vadd.scan.msk.f32 $0xffff, v61;
	v1 =	vadd.f32 v2, v1;
	v2 =	vld [tilespmem:s3+$0x40];
	v0 =	vadd.f32 v60, v0;
	v60 =	vshll.u32 v56, $0x10  }
0x39a: {  	(xrf2) =	vadd.scan.msk.f32 $0xffff, v3;
	v3 =	vand.u32 $0xFFFF0000, v56;
	v61, _, _ =	vpop (xrf2);
	v60 =	vadd.f32 v60, v36;
	v36 =	vshll.u32 v62, $0x10  }
0x39b: {  	v59 =	vadd.f32 v3, v37;
	v3 =	vld [tilespmem:s29+$0xFFFFFF20];
	v4 =	vshll.u32 v63, $0x10;
	v56, _, _ =	vpop (xrf2);
	v58 =	vadd.f32 v36, v10  }
0x39c: {  	v10 =	vbroadcast v61, $0xF;
	v36 =	vbroadcast v56, $0xF;
	v61 =	vshll.u32 v57, $0x10  }
0x39d: {  	v5 =	vand.u32 $0xFFFF0000, v63;
	v56 =	vand.u32 $0xFFFF0000, v57;
	v57 =	vld [tilespmem:s29+$0xFFFFFF30];
	v37 =	vadd.f32 v61, v4  }
0x39e: {  	v10 =	vnsel vm6, $0x0, v10;
	v36 =	vnsel vm7, $0x0, v36;
	v61 =	vshll.u32 v2, $0x10  }
0x39f: {  	v2 =	vand.u32 $0xFFFF0000, v2;
	v10 =	vadd.f32 v36, v10;
	v36 =	vadd.f32 v56, v5  }
0x3a0: {  	(xrf2) =	vadd.scan.msk.f32 $0xffff, v47;
	v37 =	vmul.f32 v61, v37;
	v56 =	vld [tilespmem:s29+$0xFFFFFF80];
	v61 =	vand.u32 $0xFFFF0000, v62;
	v62 =	vshll.u32 v3, $0x10  }
0x3a1: {  	(xrf2) =	vadd.scan.msk.f32 $0xffff, v46;
	v3 =	vand.u32 $0xFFFF0000, v3;
	v63 =	vadd.f32 v61, v13;
	v36 =	vmul.f32 v2, v36;
	v2 =	vld [tilespmem:s29+$0xFFFFFF90]  }
0x3a2: {  	v61 =	vadd.f32 v62, v11;
	v0 =	vadd.f32 v10, v0;
	v10 =	vshll.u32 v57, $0x10  }
0x3a3: {  	v62 =	vadd.f32 v3, v15;
	v11, _, _ =	vpop (xrf2);
	v13 =	vadd.f32 v10, v14;
	v10 =	vand.u32 $0xFFFF0000, v57  }
0x3a4: {  	v3 =	vld [tilespmem:s29+$0xFFFFFFA0];
	v11 =	vbroadcast v11, $0xF;
	v14 =	vadd.f32 v10, v16;
	v10 =	vadd.f32 v0, v1;
	v1, _, _ =	vpop (xrf2)  }
0x3a5: {  	v16 =	vld [tilespmem:s29+$0xFFFFFFB0];
	v0 =	vshll.u32 v56, $0x10;
	v15 =	vand.u32 $0xFFFF0000, v56;
	v1 =	vbroadcast v1, $0xF  }
0x3a6: {  	v47 =	vadd.f32 v0, v33;
	v46 =	vadd.f32 v15, v34;
	v0 =	vshll.u32 v2, $0x10  }
0x3a7: {  	v1 =	vnsel vm1, $0x0, v1;
	v34 =	vadd.f32 v0, v32;
	v0 =	vnsel vm0, $0x0, v11  }
0x3a8: {  	v15 =	vld [tilespmem:s29+$0x0];
	v56 =	vadd.f32 v1, v0;
	v0 =	vand.u32 $0xFFFF0000, v2  }
0x3a9: {  	v57 =	vld [tilespmem:s29+$0x10];
	v1 =	vshll.u32 v3, $0x10;
	v32 =	vadd.f32 v0, v24;
	v0 =	vand.u32 $0xFFFF0000, v3  }
0x3aa: {  	v2, _, _ =	vpop (xrf2);
	v33 =	vadd.f32 v1, v25;
	v25 =	vld [tilespmem:s29+$0x20];
	v11 =	vadd.f32 v0, v23;
	v0 =	vshll.u32 v16, $0x10  }
0x3ab: {  	v1 =	vand.u32 $0xFFFF0000, v16;
	v23, _, _ =	vpop (xrf2);
	v3 =	vadd.f32 v0, v30;
	v30 =	vld [tilespmem:s29+$0x30]  }
0x3ac: {  	v24 =	vbroadcast v2, $0xF;
	v1 =	vadd.f32 v1, v28;
	v28 =	vbroadcast v23, $0xF  }
0x3ad: {  	v10 =	vmul.f32 $1.442695020e+00, v10;
	v0 =	vshll.u32 v15, $0x10;
	v15 =	vand.u32 $0xFFFF0000, v15  }
0x3ae: {  	v16 =	vld [tilespmem:s26+$0x50];
	v2 =	vadd.f32 v15, v29;
	v29 =	vnsel vm2, $0x0, v24;
	v28 =	vnsel vm3, $0x0, v28  }
0x3af: {  	(xrf2) =	vadd.scan.msk.f32 $0xffff, v55;
	v23 =	vshll.u32 v57, $0x10;
	v15 =	vld [tilespmem:s29+$0x70];
	v28 =	vadd.f32 v28, v29;
	v55 =	vshll.u32 v25, $0x10  }
0x3b0: {  	(xrf2) =	vadd.scan.msk.f32 $0xffff, v54;
	v54 =	vld [tilespmem:s29+$0x80];
	v29 =	vand.u32 $0xFFFF0000, v25;
	v25 =	vadd.f32 v55, v6;
	v6 =	vshll.u32 v30, $0x10  }
0x3b1: {  	v23 =	vadd.f32 v23, v31;
	v31 =	vld [tilespmem:s3+$0x50];
	v6 =	vadd.f32 v6, v8;
	v8 =	vand.u32 $0xFFFF0000, v30  }
0x3b2: {  	(erf) = vpow2.f32 v10;
	v10 =	vand.u32 $0xFFFF0000, v57;
	v8 =	vadd.f32 v8, v9  }
0x3b3: {  	v57 =	vld [tilespmem:s29+$0x90];
	v24 =	vadd.f32 v10, v12;
	v12 =	vshll.u32 v16, $0x10;
	v10 =	vand.u32 $0xFFFF0000, v16;
	[tilespmem:$0x1F7C0] =	vst v6  }
0x3b4: {  	v29 =	vadd.f32 v29, v7;
	v7 =	vand.u32 $0xFFFF0000, v15;
	v6 =	vshll.u32 v15, $0x10;
	[tilespmem:$0x1F7D0] =	vst v8  }
0x3b5: {  	(xrf2) =	vadd.scan.msk.f32 $0xffff, v52;
	v30 =	vand.u32 $0xFFFF0000, v54;
	v9 =	vshll.u32 v54, $0x10;
	v6 =	vadd.f32 v6, v12;
	v8 =	vld [tilespmem:s29+$0xA0]  }
0x3b6: {  	(xrf2) =	vadd.scan.msk.f32 $0xffff, v53;
	v7 =	vadd.f32 v7, v10;
	v15 =	vadd.f32 v28, v56;
	v28 =	vshll.u32 v31, $0x10  }
0x3b7: {  	v9 =	vadd.f32 v9, v50;
	v6 =	vmul.f32 v28, v6;
	v28 =	vand.u32 $0xFFFF0000, v31  }
0x3b8: {  	(xrf2) =	vadd.scan.msk.f32 $0xffff, v39;
	v7 =	vmul.f32 v28, v7;
	v28 =	vadd.f32 v30, v48  }
0x3b9: {  	(xrf2) =	vadd.scan.msk.f32 $0xffff, v42;
	[tilespmem:$0x1F7E0] =	vst v9;
	v31 =	vshll.u32 v57, $0x10  }
0x3ba: {  	(xrf2) =	vadd.scan.msk.f32 $0xffff, v38;
	v9 =	vld [tilespmem:s29+$0x100];
	[tilespmem:$0x1F7F0] =	vst v28;
	v28 =	vadd.f32 v31, v51;
	v53 =	vshll.u32 v8, $0x10  }
0x3bb: {  	v0 =	vadd.f32 v0, v35;
	(xrf2) =	vadd.scan.msk.f32 $0xffff, v43;
	v4 =	vadd.f32 v53, v4  }
0x3bc: {  	v52, _, _ =	vpop (xrf2);
	v43 =	vbroadcast v20, $0x0;
	(xrf2) =	vadd.scan.msk.f32 $0xffff, v44;
	v16 =	vand.u32 $0xFFFF0000, v57;
	v8 =	vand.u32 $0xFFFF0000, v8  }
0x3bd: {  	s11 =	simm.s32 $0x0;
	v16 =	vadd.f32 v16, v49;
	v30 =	vbroadcast v52, $0xF;
	v31 =	vld [tilespmem:$0x1F840];
	[tilespmem:$0x1F800] =	vst v28;
	v5 =	vadd.f32 v8, v5  }
0x3be: {  	s14 =	simm.s32 $0x4;
	v49 =	vbroadcast v20, $0x1;
	v56 =	vmov s11;
	v50 =	vbroadcast v20, $0x3;
	v28, _, _ =	vpop (xrf2);
	[tilespmem:$0x1F820] =	vst v4  }
0x3bf: {  	v57 =	vmov s14;
	v30 =	vnsel vm4, $0x0, v30;
	v51 =	vbroadcast v20, $0x4;
	[tilespmem:$0x1F830] =	vst v5;
	v4, _, _ =	vpop (xrf2)  }
0x3c0: {  	v5 =	vshll.u32 v9, $0x10;
	(xrf2) =	vadd.scan.msk.f32 $0xffff, v45;
	v45 =	vbroadcast v20, $0x2;
	v28 =	vbroadcast v28, $0xF;
	v54, _, _ =	vpop (xrf2)  }
0x3c1: {  	[tilespmem:$0x1F810] =	vst v16;
	v9 =	vand.u32 $0xFFFF0000, v9;
	v4 =	vbroadcast v4, $0xF;
	v16 =	vbroadcast v54, $0xF  }
0x3c2: {  	v5 =	vadd.f32 v5, v31;
	v9 =	vadd.f32 v9, v17;
	v28 =	vnsel vm5, $0x0, v28  }
0x3c3: {  	v8 =	vadd.f32 v28, v30;
	v30 =	vpop (erf);
	v4 =	vnsel vm6, $0x0, v4;
	v16 =	vnsel vm7, $0x0, v16  }
0x3c4: {  	v5 =	vmul.f32 v43, v5;
	v31 =	vbroadcast v30, $0x1;
	v4 =	vadd.f32 v16, v4  }
0x3c5: {  	v17 =	vmul.u32 $0x88, v56;
	v28 =	vld [tilespmem:s29+$0x110];
	v55 =	vbroadcast v30, $0x0;
	v54 =	vbroadcast v30, $0x3  }
0x3c6: {  	v53 =	vld [tilespmem:$0x1F850];
	v31 =	vmul.f32 v31, v59;
	v59 =	vbroadcast v30, $0x2;
	v4 =	vadd.f32 v4, v8  }
0x3c7: {  	v35 =	vmul.u32 $0x88, v57;
	v57 =	vld [tilespmem:$0x1F860];
	v16 =	vmul.f32 v55, v60;
	v55 =	vbroadcast v30, $0x4  }
0x3c8: {  	v60 =	vld [tilespmem:s29+$0x120];
	v39 =	vmul.f32 v59, v58;
	v8 =	vbroadcast v17, $0x0;
	v4 =	vadd.f32 v4, v15  }
0x3c9: {  	v19 =	vshll.u32 v19, $0x10;
	(xrf2) =	vadd.scan.msk.f32 $0xffff, v40;
	v17 =	vbroadcast v35, $0x0;
	v35 =	vmul.f32 v54, v63;
	v59 =	vld [tilespmem:$0x1F870]  }
0x3ca: {  	(xrf2) =	vadd.scan.msk.f32 $0xffff, v41;
	v52 =	vshll.u32 v28, $0x10;
	v38 =	vmul.f32 v55, v61;
	v63 =	vld [tilespmem:$0x1F890];
	v4 =	vmul.f32 $1.442695020e+00, v4  }
0x3cb: {  	v58 =	vbroadcast v30, $0x6;
	v48 =	vadd.f32 v52, v53;
	v52 =	vbroadcast v20, $0x5;
	v53 =	vld [tilespmem:$0x1FFF0]  }
0x3cc: {  	v28 =	vand.u32 $0xFFFF0000, v28;
	v61 =	vld [tilespmem:$0x1F880];
	v15 =	vbroadcast v30, $0x5;
	(erf) = vpow2.f32 v4  }
0x3cd: {  	v13 =	vmul.f32 v58, v13;
	v56 =	vshll.u32 v60, $0x10;
	v42 =	vand.u32 $0xFFFF0000, v60;
	v60, _, _ =	vpop (xrf2)  }
0x3ce: {  	v28 =	vadd.f32 v28, v57;
	v45 =	vmul.f32 v45, v48;
	v15 =	vmul.f32 v15, v62;
	v62, _, _ =	vpop (xrf2)  }
0x3cf: {  	v41 =	vbroadcast v60, $0xF;
	v44 =	vadd.f32 v56, v59;
	v40 =	vbroadcast v62, $0xF;
	v54, _, _ =	vpop (xrf2)  }
0x3d0: {  	v19 =	vadd.f32 v19, v63;
	v17 =	vadd.s32 v53, v17;
	v4 =	vbroadcast v30, $0x7;
	v56, _, _ =	vpop (xrf2)  }
0x3d1: {  	v42 =	vadd.f32 v42, v61;
	v41 =	vnsel vm0, $0x0, v41;
	v55 =	vbroadcast v54, $0xF;
	v57, _, _ =	vpop (xrf2)  }
0x3d2: {  	(xrf2) =	vadd.scan.msk.f32 $0xffff, v26;
	v40 =	vnsel vm1, $0x0, v40;
	v4 =	vmul.f32 v4, v14;
	v14 =	vbroadcast v20, $0x6;
	v59, _, _ =	vpop (xrf2)  }
0x3d3: {  	(xrf2) =	vadd.scan.msk.f32 $0xffff, v21;
	v8 =	vadd.s32 v53, v8;
	v43 =	vbroadcast v56, $0xF;
	v40 =	vadd.f32 v40, v41;
	v61, _, _ =	vpop (xrf2)  }
0x3d4: {  	v63 =	vld [tilespmem:s29+$0xB0];
	(xrf2) =	vadd.scan.msk.f32 $0xffff, v22;
	v58 =	vnsel vm2, $0x0, v55;
	v41 =	vbroadcast v59, $0xF;
	v14 =	vmul.f32 v14, v19;
	v19, _, _ =	vpop (xrf2)  }
0x3d5: {  	v26 =	vnsel vm3, $0x0, v43;
	v21 =	vbroadcast v61, $0xF;
	[tilespmem:v17+s16+$0x0] =	vst.idx.msk $0xff, v20;
	v20 =	vbroadcast v57, $0xF;
	v22 =	vpop (erf)  }
0x3d6: {  	(xrf2) =	vadd.scan.msk.f32 $0xffff, v27;
	v17 =	vadd.f32 v26, v58;
	v19 =	vbroadcast v19, $0xF;
	v27 =	vbroadcast v22, $0x0  }
0x3d7: {  	s14 =	simm.s32 $0x5260;
	v41 =	vnsel vm5, $0x0, v41;
	v21 =	vnsel vm6, $0x0, v21;
	v20 =	vnsel vm4, $0x0, v20  }
0x3d8: {  	[tilespmem:s14+$0x140] =	vst v18;
	v19 =	vnsel vm7, $0x0, v19;
	v18 =	vmul.f32 v27, v47;
	v27 =	vbroadcast v22, $0x2  }
0x3d9: {  	v48 =	vshll.u32 v63, $0x10;
	[tilespmem:v8+s16+$0x0] =	vst.idx.msk $0xff, v30;
	v8 =	vadd.f32 v41, v20;
	v19 =	vadd.f32 v19, v21  }
0x3da: {  	v9 =	vmul.f32 v49, v9;
	(xrf2) =	vadd.scan.msk.f32 $0xffff, v37;
	v12 =	vadd.f32 v48, v12  }
0x3db: {  	v60 =	vmul.f32 v51, v44;
	(xrf2) =	vadd.scan.msk.f32 $0xffff, v36;
	v17 =	vadd.f32 v17, v40;
	v8 =	vadd.f32 v19, v8  }
0x3dc: {  	[tilespmem:s14+$0xFFFFFEB0] =	vst v16;
	v51 =	vmul.f32 v27, v34;
	v27, _, _ =	vpop (xrf2);
	(xrf2) =	vadd.scan.msk.f32 $0xffff, v6;
	v6 =	vand.u32 $0xFFFF0000, v63  }
0x3dd: {  	v28 =	vmul.f32 v50, v28;
	[tilespmem:$0x1F8A0] =	vst v12;
	v8 =	vadd.f32 v8, v17;
	v6 =	vadd.f32 v6, v10  }
0x3de: {  	v26 =	vmul.f32 v52, v42;
	[tilespmem:s14+$0xFFFFFEC0] =	vst v31;
	v12 =	vbroadcast v22, $0x7  }
0x3df: {  	v30 =	vbroadcast v22, $0x4;
	v8 =	vmul.f32 $1.442695020e+00, v8;
	[tilespmem:$0x1F8B0] =	vst v6  }
0x3e0: {  	s15 =	simm.s32 $0x1;
	v19 =	vbroadcast v22, $0x3;
	v1 =	vmul.f32 v12, v1;
	[tilespmem:s14+$0xFFFFFED0] =	vst v39  }
0x3e1: {  	v62 =	vmov s15;
	(erf) = vpow2.f32 v8;
	v27 =	vbroadcast v27, $0xF;
	[tilespmem:s14+$0xFFFFFEE0] =	vst v35  }
0x3e2: {  	s26 =	simm.s32 $0x2;
	v42 =	vmul.u32 $0x88, v62;
	v10 =	vmul.f32 v19, v32;
	v19 =	vmul.f32 v30, v33;
	[tilespmem:s14+$0xFFFFFEF0] =	vst v38;
	v6, _, _ =	vpop (xrf2)  }
0x3e3: {  	v8 =	vnsel vm0, $0x0, v27;
	v27 =	vmov s26;
	[tilespmem:s14+$0xFFFFFF00] =	vst v15;
	v30, _, _ =	vpop (xrf2);
	v6 =	vbroadcast v6, $0xF  }
0x3e4: {  	v12 =	vmul.u32 $0x88, v27;
	[tilespmem:s14+$0xFFFFFF10] =	vst v13;
	v52, _, _ =	vpop (xrf2);
	(xrf2) =	vadd.scan.msk.f32 $0xffff, v7;
	v7 =	vbroadcast v30, $0xF  }
0x3e5: {  	v20 =	vbroadcast v42, $0x0;
	[tilespmem:s14+$0xFFFFFF20] =	vst v4;
	v17 =	vbroadcast v52, $0xF;
	v6 =	vnsel vm1, $0x0, v6  }
0x3e6: {  	s11 =	simm.s32 $0x5;
	[tilespmem:s14+$0xD0] =	vst v5;
	v4 =	vbroadcast v12, $0x0;
	v13, _, _ =	vpop (xrf2);
	v6 =	vadd.f32 v6, v8;
	v7 =	vnsel vm2, $0x0, v7  }
0x3e7: {  	[tilespmem:s14+$0xE0] =	vst v9;
	v12 =	vbroadcast v13, $0xF;
	v13 =	vmov s11;
	v8 =	vnsel vm3, $0x0, v17  }
0x3e8: {  	s29 =	simm.s32 $0x3;
	[tilespmem:s14+$0xF0] =	vst v45;
	v5 =	vadd.f32 v8, v7;
	v8 =	vmul.u32 $0x88, v13  }
0x3e9: {  	v20 =	vadd.s32 v53, v20;
	[tilespmem:s14+$0x100] =	vst v28;
	v13 =	vmov s29;
	v7, _, _ =	vpop (xrf2)  }
0x3ea: {  	s9 =	simm.s32 $0x2CD0;
	[tilespmem:s14+$0x110] =	vst v60;
	v7 =	vbroadcast v7, $0xF;
	v5 =	vadd.f32 v5, v6;
	v6 =	vbroadcast v8, $0x0  }
0x3eb: {  	s15 =	simm.s32 $0x48F0;
	[tilespmem:s14+$0x120] =	vst v26;
	v26 =	vld [tilespmem:s9+$0xC0];
	v9 =	vmul.u32 $0x88, v13  }
0x3ec: {  	[tilespmem:s14+$0x130] =	vst v14;
	v14 =	vld [tilespmem:s15+$0xFFFFFF70];
	v12 =	vnsel vm4, $0x0, v12;
	v13 =	vpop (erf);
	v7 =	vnsel vm5, $0x0, v7;
	v6 =	vadd.s32 v53, v6  }
0x3ed: {  	v9 =	vbroadcast v9, $0x0;
	v31 =	vbroadcast v13, $0x6;
	v7 =	vadd.f32 v7, v12;
	v12 =	vld [tilespmem:s15+$0x60];
	[tilespmem:$0x1F8C0] =	vst v6  }
0x3ee: {  	s26 =	simm.s32 $0xCF0;
	v15 =	vbroadcast v13, $0x0;
	[tilespmem:v20+s16+$0x0] =	vst.idx.msk $0xff, v22  }
0x3ef: {  	v21 =	vbroadcast v22, $0x1;
	v9 =	vadd.s32 v53, v9;
	v20 =	vld [tilespmem:s26+$0x60];
	[tilespmem:$0x1F8D0] =	vst v31  }
0x3f0: {  	v8, _, _ =	vpop (xrf2);
	v0 =	vmul.f32 v15, v0;
	v15 =	vbroadcast v13, $0x7;
	[tilespmem:$0x1F8E0] =	vst v9  }
0x3f1: {  	v21 =	vmul.f32 v21, v46;
	v30, _, _ =	vpop (xrf2);
	[tilespmem:s14+$0xFFFFFF38] =	vst v18  }
0x3f2: {  	v8 =	vbroadcast v8, $0xF;
	v30 =	vbroadcast v30, $0xF;
	v9 =	vld [tilespmem:s15+$0xFFFFFF80];
	[tilespmem:$0x1F8F0] =	vst v15  }
0x3f3: {  	v49 =	vbroadcast v22, $0x5;
	v27 =	vbroadcast v13, $0x2;
	[tilespmem:s14+$0xFFFFFF48] =	vst v21  }
0x3f4: {  	v50 =	vbroadcast v22, $0x6;
	v8 =	vnsel vm6, $0x0, v8;
	v15 =	vnsel vm7, $0x0, v30;
	v18 =	vld [tilespmem:s15+$0xFFFFFF90];
	[tilespmem:s14+$0xFFFFFF58] =	vst v51  }
0x3f5: {  	v55 =	vmul.f32 v27, v23;
	v8 =	vadd.f32 v15, v8;
	v23 =	vshll.u32 v12, $0x10;
	v15 =	vld [tilespmem:s15+$0x70];
	[tilespmem:s14+$0xFFFFFF68] =	vst v10  }
0x3f6: {  	v11 =	vmul.f32 v49, v11;
	v3 =	vmul.f32 v50, v3;
	v4 =	vadd.s32 v53, v4;
	v10 =	vld [tilespmem:s9+$0xD0];
	[tilespmem:$0x1F900] =	vst v23  }
0x3f7: {  	v60 =	vshll.u32 v26, $0x10;
	v40 =	vand.u32 $0xFFFF0000, v14;
	v54 =	vbroadcast v13, $0x1;
	[tilespmem:s14+$0xFFFFFF78] =	vst v19  }
0x3f8: {  	v28 =	vbroadcast v13, $0x3;
	v27 =	vshll.u32 v14, $0x10;
	v14 =	vadd.f32 v60, v23;
	v61 =	vld [tilespmem:s9+$0xFFFFFEC0];
	[tilespmem:s14+$0xFFFFFF88] =	vst v11  }
0x3f9: {  	v23 =	vand.u32 $0xFFFF0000, v12;
	v19 =	vshll.u32 v20, $0x10;
	v7 =	vadd.f32 v8, v7;
	v8 =	vld [tilespmem:s26+$0x70];
	[tilespmem:s14+$0xFFFFFF98] =	vst v3  }
0x3fa: {  	v21 =	vmul.f32 v28, v24;
	v11 =	vand.u32 $0xFFFF0000, v26;
	v3 =	vld [tilespmem:s9+$0xFFFFFED0];
	v12 =	vmul.f32 v19, v14;
	[tilespmem:$0x1F910] =	vst v23  }
0x3fb: {  	v24 =	vshll.u32 v9, $0x10;
	v42 =	vand.u32 $0xFFFF0000, v9;
	v9 =	vadd.f32 v11, v23;
	[tilespmem:s14+$0xFFFFFFA8] =	vst v1;
	v11 =	vld [tilespmem:s9+$0xFFFFFEE0]  }
0x3fc: {  	v6 =	vbroadcast v13, $0x4;
	v22 =	vbroadcast v13, $0x5;
	[tilespmem:v4+s16+$0x0] =	vst.idx.msk $0xff, v13;
	v13 =	vld [tilespmem:s15+$0x80];
	v14 =	vshll.u32 v15, $0x10  }
0x3fd: {  	v5 =	vadd.f32 v7, v5;
	(xrf2) =	vadd.scan.msk.f32 $0xffff, v12;
	v12 =	vld [tilespmem:s9+$0xE0];
	[tilespmem:$0x1F920] =	vst v14  }
0x3fe: {  	v2 =	vmul.f32 v54, v2;
	v1 =	vand.u32 $0xFFFF0000, v20;
	v4 =	vshll.u32 v10, $0x10;
	[tilespmem:s14+$0xFFFFFFC0] =	vst v0  }
0x3ff: {  	v9 =	vmul.f32 v1, v9;
	v1 =	vadd.f32 v4, v14;
	v4 =	vld [tilespmem:s9+$0xFFFFFEF0];
	[tilespmem:$0x1F930] =	vst v5  }
0x400: {  	v6 =	vmul.f32 v6, v25;
	v44 =	vshll.u32 v18, $0x10;
	v43 =	vand.u32 $0xFFFF0000, v18;
	[tilespmem:s14+$0xFFFFFFD0] =	vst v2  }
0x401: {  	v18 =	vand.u32 $0xFFFF0000, v15;
	v14 =	vmul.f32 v22, v29;
	v0 =	vshll.u32 v8, $0x10;
	v15 =	vld [tilespmem:s26+$0x80];
	[tilespmem:s14+$0xFFFFFFE0] =	vst v55  }
0x402: {  	v7 =	vshll.u32 v3, $0x10;
	v62 =	vand.u32 $0xFFFF0000, v3;
	v2 =	vand.u32 $0xFFFF0000, v10;
	v63 =	vld [tilespmem:s15+$0xFFFFFFA0];
	[tilespmem:$0x1F940] =	vst v18  }
0x403: {  	v3 =	vand.u32 $0xFFFF0000, v8;
	v5 =	vmul.f32 v0, v1;
	v2 =	vadd.f32 v2, v18;
	[tilespmem:s14+$0xFFFFFFF0] =	vst v21;
	v18 =	vld [tilespmem:s15+$0xFFFFFFB0]  }
0x404: {  	v1 =	vshll.u32 v11, $0x10;
	v0 =	vand.u32 $0xFFFF0000, v11;
	v11 =	vshll.u32 v13, $0x10;
	[tilespmem:s14+$0x0] =	vst v6;
	v8 =	vld [tilespmem:s15+$0x90]  }
0x405: {  	v58 =	vshll.u32 v61, $0x10;
	v57 =	vand.u32 $0xFFFF0000, v61;
	(xrf2) =	vadd.scan.msk.f32 $0xffff, v9;
	v10 =	vld [tilespmem:s9+$0xF0];
	[tilespmem:$0x1F950] =	vst v11  }
0x406: {  	v28 =	vadd.f32 v7, v27;
	v29 =	vadd.f32 v62, v40;
	v6 =	vshll.u32 v12, $0x10;
	[tilespmem:s14+$0x10] =	vst v14  }
0x407: {  	v13 =	vand.u32 $0xFFFF0000, v13;
	v9 =	vand.u32 $0xFFFF0000, v12;
	v6 =	vadd.f32 v6, v11;
	[tilespmem:$0x1F960] =	vst v27  }
0x408: {  	v9 =	vadd.f32 v9, v13;
	v19 =	vmul.f32 v3, v2;
	v7 =	vshll.u32 v15, $0x10;
	v2 =	vld [tilespmem:s15+$0xFFFFFFC0]  }
0x409: {  	(xrf2) =	vadd.scan.msk.f32 $0xffff, v5;
	v3 =	vshll.u32 v4, $0x10;
	v4 =	vand.u32 $0xFFFF0000, v4;
	v11 =	vld [tilespmem:s26+$0x90];
	v7 =	vmul.f32 v7, v6  }
0x40a: {  	(xrf2) =	vadd.scan.msk.f32 $0xffff, v19;
	v47 =	vshll.u32 v63, $0x10;
	v20 =	vand.u32 $0xFFFF0000, v63;
	v5 =	vld [tilespmem:s15+$0xFFFFFFD0];
	[tilespmem:$0x1F970] =	vst v13  }
0x40b: {  	s28 =	simm.s32 $0xA;
	s10 =	simm.s32 $0x5260;
	v12 =	vand.u32 $0xFFFF0000, v15;
	v6, _, _ =	vpop (xrf2);
	v46 =	vshll.u32 v18, $0x10;
	v45 =	vand.u32 $0xFFFF0000, v18;
	(xrf2) =	vadd.scan.msk.f32 $0xffff, v7;
	v7 =	vld [tilespmem:s9+$0xFFFFFF40]  }
.LBB2_9:
0x40c: {  	_ = 	snop  }
0x40d: {  	v9 =	vmul.f32 v12, v9  }
0x40e: {  	v16 =	vshll.u32 v8, $0x10;
	v14 =	vshll.u32 v10, $0x10  }
0x40f: {  	v12, _, _ =	vpop (xrf2);
	(xrf2) =	vadd.scan.msk.f32 $0xffff, v9;
	v9 =	vand.u32 $0xFFFF0000, v8;
	v8 =	vand.u32 $0xFFFF0000, v10;
	v18 =	vadd.f32 v14, v16  }
0x410: {  	v37 =	vshll.u32 v11, $0x10;
	v8 =	vadd.f32 v8, v9  }
0x411: {  	v21 =	vand.u32 $0xFFFF0000, v11;
	v10 =	vmul.f32 v37, v18  }
0x412: {  	v0 =	vadd.f32 v0, v42;
	v8 =	vmul.f32 v21, v8  }
0x413: {  	v13 =	vld [tilespmem:s9+$0xFFFFFF50];
	v14, _, _ =	vpop (xrf2);
	(xrf2) =	vadd.scan.msk.f32 $0xffff, v10  }
0x414: {  	[tilespmem:$0x1F280] =	vst v0;
	v0 =	vld [tilespmem:s9+$0xFFFFFF70];
	v11, _, _ =	vpop (xrf2);
	(xrf2) =	vadd.scan.msk.f32 $0xffff, v8  }
0x415: {  	v15 =	vld [tilespmem:s9+$0xFFFFFF60]  }
0x416: {  	v17 =	vld [tilespmem:s15+$0xFFFFFFE0];
	v6 =	vbroadcast v6, $0xF;
	v38 =	vshll.u32 v7, $0x10;
	v7 =	vand.u32 $0xFFFF0000, v7  }
0x417: {  	[tilespmem:$0x1F450] =	vst v42;
	v1 =	vadd.f32 v1, v24;
	v7 =	vadd.f32 v7, v20  }
0x418: {  	[tilespmem:$0x1F440] =	vst v24;
	v6 =	vnsel vm0, $0x0, v6;
	v12 =	vbroadcast v12, $0xF;
	v10 =	vshll.u32 v13, $0x10  }
0x419: {  	v22 =	vshll.u32 v0, $0x10;
	v24 =	vand.u32 $0xFFFF0000, v0;
	v0 =	vld [tilespmem:s9+$0xFFFFFFD0];
	[tilespmem:$0x1F2C0] =	vst v7;
	v7 =	vadd.f32 v10, v46  }
0x41a: {  	v42 =	vmovc v28;
	[tilespmem:$0x1F260] =	vst v29;
	v29 =	vshll.u32 v2, $0x10;
	v21 =	vshll.u32 v15, $0x10;
	v13 =	vand.u32 $0xFFFF0000, v13  }
0x41b: {  	v50 =	vshll.u32 v17, $0x10;
	v14 =	vbroadcast v14, $0xF;
	v39, _, _ =	vpop (xrf2);
	[tilespmem:$0x1F2D0] =	vst v7;
	v7 =	vadd.f32 v13, v45  }
0x41c: {  	v51 =	vand.u32 $0xFFFF0000, v17;
	v12 =	vnsel vm1, $0x0, v12;
	v11 =	vbroadcast v11, $0xF;
	v26, _, _ =	vpop (xrf2)  }
0x41d: {  	v34 =	vld [tilespmem:s15+$0xFFFFFF60];
	v17 =	vbroadcast v39, $0xF;
	v14 =	vnsel vm2, $0x0, v14;
	[tilespmem:$0x1F2E0] =	vst v7;
	v7 =	vadd.f32 v21, v29;
	v21, _, _ =	vpop (xrf2)  }
0x41e: {  	v27 =	vshll.u32 v0, $0x10;
	v28 =	vand.u32 $0xFFFF0000, v0;
	v0 =	vld [tilespmem:s15+$0x40];
	v26 =	vbroadcast v26, $0xF;
	v33, _, _ =	vpop (xrf2)  }
0x41f: {  	v11 =	vnsel vm3, $0x0, v11;
	v21 =	vbroadcast v21, $0xF;
	v33 =	vbroadcast v33, $0xF  }
0x420: {  	v6 =	vadd.f32 v12, v6;
	v17 =	vnsel vm4, $0x0, v17;
	v11 =	vadd.f32 v11, v14  }
0x421: {  	v26 =	vnsel vm5, $0x0, v26;
	v21 =	vnsel vm6, $0x0, v21;
	v33 =	vnsel vm7, $0x0, v33  }
0x422: {  	v14 =	vadd.f32 v26, v17;
	v62 =	vadd.f32 v33, v21  }
0x423: {  	v53 =	vshll.u32 v34, $0x10;
	v55 =	vand.u32 $0xFFFF0000, v34;
	v34 =	vand.u32 $0xFFFF0000, v0  }
0x424: {  	v21 =	vshll.u32 v0, $0x10;
	v0 =	vadd.f32 v11, v6;
	v6 =	vadd.f32 v62, v14  }
0x425: {  	v19 =	vld [tilespmem:s15+$0x10]  }
0x426: {  	v23 =	vld [tilespmem:s9+$0xFFFFFFC0];
	v3 =	vadd.f32 v3, v44;
	v0 =	vadd.f32 v6, v0  }
0x427: {  	[tilespmem:$0x1F270] =	vst v1;
	v2 =	vand.u32 $0xFFFF0000, v2;
	v49 =	vshll.u32 v5, $0x10;
	v15 =	vand.u32 $0xFFFF0000, v15  }
0x428: {  	[tilespmem:$0x1F290] =	vst v3;
	v1 =	vand.u32 $0xFFFF0000, v5;
	v5 =	vld [tilespmem:s15+$0xFFFFFFF0];
	v14 =	vmul.f32 $1.442695020e+00, v0;
	v0 =	vadd.f32 v15, v2  }
0x429: {  	v3 =	vadd.f32 v4, v43;
	[tilespmem:$0x1F4F0] =	vst v1;
	v4 =	vadd.f32 v38, v47  }
0x42a: {  	v61 =	vshll.u32 v19, $0x10;
	v18 =	vld [tilespmem:s15+$0x0];
	[tilespmem:$0x1F300] =	vst v0;
	v0 =	vadd.f32 v22, v49  }
0x42b: {  	[tilespmem:$0x1F2B0] =	vst v4;
	v4 =	vand.u32 $0xFFFF0000, v19;
	v19 =	vshll.u32 v23, $0x10;
	v23 =	vand.u32 $0xFFFF0000, v23  }
0x42c: {  	v8 =	vld [tilespmem:s9+$0xFFFFFFE0];
	[tilespmem:$0x1F310] =	vst v0;
	v0 =	vadd.f32 v24, v1;
	v1 =	vadd.f32 v23, v51  }
0x42d: {  	v59 =	vshll.u32 v5, $0x10  }
0x42e: {  	[tilespmem:$0x1F340] =	vst v1;
	v1 =	vadd.f32 v27, v59  }
0x42f: {  	[tilespmem:$0x1F2A0] =	vst v3;
	v5 =	vand.u32 $0xFFFF0000, v5;
	v60 =	vshll.u32 v18, $0x10;
	v3 =	vand.u32 $0xFFFF0000, v18;
	v18 =	vld [tilespmem:s9+$0xFFFFFFF0]  }
0x430: {  	[tilespmem:$0x1F350] =	vst v1;
	v1 =	vadd.f32 v28, v5  }
0x431: {  	[tilespmem:$0x1F480] =	vst v47;
	v13 =	vshll.u32 v8, $0x10  }
0x432: {  	[tilespmem:$0x1F360] =	vst v1;
	v1 =	vadd.f32 v13, v60  }
0x433: {  	[tilespmem:$0x1F4C0] =	vst v29;
	v47 =	vld [tilespmem:s15+$0x20];
	v8 =	vand.u32 $0xFFFF0000, v8  }
0x434: {  	v29 =	vshll.u32 v18, $0x10;
	v30 =	vand.u32 $0xFFFF0000, v18;
	v18 =	vld [tilespmem:s9+$0x40];
	[tilespmem:$0x1F370] =	vst v1;
	v1 =	vadd.f32 v8, v3  }
0x435: {  	[tilespmem:$0x1F460] =	vst v44  }
0x436: {  	[tilespmem:$0x1F380] =	vst v1;
	v1 =	vadd.f32 v29, v61  }
0x437: {  	[tilespmem:$0x1F430] =	vst v40;
	v25 =	vld [tilespmem:s15+$0x30]  }
0x438: {  	v31 =	vld [tilespmem:s9+$0x50];
	[tilespmem:$0x1F390] =	vst v1;
	v1 =	vadd.f32 v30, v4  }
0x439: {  	v32 =	vld [tilespmem:s9+$0x70];
	[tilespmem:$0x1F2F0] =	vst v7;
	v7 =	vshll.u32 v47, $0x10;
	v11 =	vshll.u32 v18, $0x10  }
0x43a: {  	v10 =	vld [tilespmem:s15+$0x50];
	[tilespmem:$0x1F3A0] =	vst v1;
	v1 =	vadd.f32 v11, v7  }
0x43b: {  	[tilespmem:$0x1F4A0] =	vst v46;
	v48 =	vld [tilespmem:s9+$0x60];
	v63 =	vand.u32 $0xFFFF0000, v47;
	v26 =	vand.u32 $0xFFFF0000, v18  }
0x43c: {  	v35 =	vld [tilespmem:s26+$0xFFFFFF60];
	[tilespmem:$0x1F3B0] =	vst v1;
	v1 =	vadd.f32 v26, v63  }
0x43d: {  	v36 =	vld [tilespmem:s26+$0xFFFFFF70];
	v38 =	vshll.u32 v31, $0x10;
	[tilespmem:$0x1F410] =	vst v53;
	v46 =	vshll.u32 v25, $0x10  }
0x43e: {  	v37 =	vld [tilespmem:s26+$0xFFFFFF80];
	(erf) = vpow2.f32 v14;
	[tilespmem:$0x1F3C0] =	vst v1;
	v1 =	vadd.f32 v38, v46  }
0x43f: {  	v41 =	vshll.u32 v32, $0x10;
	v39 =	vld [tilespmem:s26+$0xFFFFFFC0];
	v17 =	vshll.u32 v10, $0x10;
	[tilespmem:$0x1F320] =	vst v0  }
0x440: {  	v0 =	vadd.f32 v19, v50;
	v19 =	vld [tilespmem:s26+$0x20];
	[tilespmem:$0x1F3D0] =	vst v1;
	v1 =	vadd.f32 v41, v17  }
0x441: {  	s3 =	sadd.s32 $0x4, s11;
	v52 =	vand.u32 $0xFFFF0000, v25;
	[tilespmem:$0x1F530] =	vst v5;
	v5 =	vld [tilespmem:s9+$0x130]  }
0x442: {  	v40 =	vand.u32 $0xFFFF0000, v48;
	v53 =	vadd.f32 v58, v53;
	v13 =	vmov s3;
	[tilespmem:$0x1F3E0] =	vst v1;
	v1 =	vld [tilespmem:$0x1FFF0]  }
0x443: {  	[tilespmem:$0x1F490] =	vst v20;
	v54 =	vadd.f32 v57, v55;
	v20 =	vand.u32 $0xFFFF0000, v37;
	v27 =	vld [tilespmem:s26+$0x30];
	v13 =	vmul.u32 $0x88, v13  }
0x444: {  	[tilespmem:$0x1F4D0] =	vst v2;
	v6 =	vand.u32 $0xFFFF0000, v31;
	v31 =	vshll.u32 v48, $0x10;
	v48 =	vshll.u32 v35, $0x10;
	v28 =	vld [tilespmem:s26+$0x40]  }
0x445: {  	[tilespmem:$0x1F5A0] =	vst v52;
	v35 =	vand.u32 $0xFFFF0000, v35;
	v2 =	vshll.u32 v37, $0x10;
	v11 =	vbroadcast v13, $0x0  }
0x446: {  	v37 =	vshll.u32 v39, $0x10;
	[tilespmem:$0x1F330] =	vst v0;
	v0 =	vshll.u32 v36, $0x10;
	v23 =	vand.u32 $0xFFFF0000, v19  }
0x447: {  	[tilespmem:$0x1F5C0] =	vst v46;
	v46 =	vadd.f32 v6, v52;
	v6 =	vpop (erf);
	v52 =	vadd.s32 v1, v11;
	v11 =	vand.u32 $0xFFFF0000, v5  }
0x448: {  	[tilespmem:$0x1F5F0] =	vst v17;
	v24 =	vand.u32 $0xFFFF0000, v27;
	v17 =	vbroadcast v6, $0x7;
	v9 =	vadd.f32 v11, v9  }
0x449: {  	v25 =	vld [tilespmem:s26+$0xFFFFFFA0];
	[tilespmem:$0x1F550] =	vst v3;
	v3 =	vand.u32 $0xFFFF0000, v36;
	v36 =	vand.u32 $0xFFFF0000, v39;
	v39 =	vand.u32 $0xFFFF0000, v28  }
0x44a: {  	[tilespmem:$0x1F470] =	vst v43;
	v33 =	vld [tilespmem:s26+$0xFFFFFFB0];
	v26 =	vshll.u32 v27, $0x10;
	v27 =	vmul.f32 v48, v53;
	v9 =	vmul.f32 v17, v9  }
0x44b: {  	[tilespmem:$0x1F4B0] =	vst v45;
	v30 =	vld [tilespmem:s26+$0x50];
	v17 =	vshll.u32 v19, $0x10;
	v19 =	vshll.u32 v28, $0x10;
	v28 =	vmul.f32 v35, v54  }
0x44c: {  	[tilespmem:$0x1F400] =	vst v5;
	(xrf2) =	vadd.scan.msk.f32 $0xffff, v27;
	v5 =	vld [tilespmem:$0x1F2C0]  }
0x44d: {  	[tilespmem:$0x1F4E0] =	vst v49;
	(xrf2) =	vadd.scan.msk.f32 $0xffff, v28;
	v28 =	vld [tilespmem:$0x1F2E0]  }
0x44e: {  	v43 =	vld [tilespmem:s26+$0xFFFFFFD0];
	[tilespmem:$0x1F510] =	vst v51  }
0x44f: {  	[tilespmem:$0x1F420] =	vst v55;
	v55 =	vld [tilespmem:s26+$0x0];
	v44 =	vadd.f32 v31, v21;
	v49 =	vadd.f32 v40, v34;
	v51 =	vand.u32 $0xFFFF0000, v25  }
0x450: {  	[tilespmem:$0x1F560] =	vst v61;
	v45 =	vld [tilespmem:s26+$0xFFFFFFE0];
	v61 =	vshll.u32 v25, $0x10;
	v25 =	vshll.u32 v33, $0x10;
	v33 =	vand.u32 $0xFFFF0000, v33  }
0x451: {  	[tilespmem:$0x1F5E0] =	vst v34;
	v31 =	vld [tilespmem:s9+$0xFFFFFF20];
	v29 =	vshll.u32 v30, $0x10;
	v34 =	vand.u32 $0xFFFF0000, v30;
	v30 =	vmul.f32 v0, v42  }
0x452: {  	v42 =	vmul.f32 v51, v5;
	v51 =	vmul.f32 v33, v28;
	v28 =	vld [tilespmem:$0x1F2F0]  }
0x453: {  	v40 =	vld [tilespmem:s9+$0x120]  }
0x454: {  	v0 =	vld [tilespmem:$0x1F260]  }
0x455: {  	v57 =	vshll.u32 v45, $0x10;
	v38 =	vld [tilespmem:s9+$0x100]  }
0x456: {  	v18 =	vshll.u32 v43, $0x10;
	[tilespmem:$0x1F5D0] =	vst v21;
	v21 =	vand.u32 $0xFFFF0000, v45;
	v45 =	vshll.u32 v31, $0x10;
	v41 =	vld [tilespmem:s9+$0x110]  }
0x457: {  	[tilespmem:v52+s16+$0x0] =	vst.idx.msk $0xff, v6;
	v52 =	vand.u32 $0xFFFF0000, v43;
	v43 =	vand.u32 $0xFFFF0000, v31;
	v31 =	vmul.f32 v37, v28;
	v28 =	vld [tilespmem:$0x1F300];
	_ =	sdelay $0x2  }
0x458: {  	v56 =	vld [tilespmem:s26+$0x10]  }
0x459: {  	v0 =	vmul.f32 v3, v0;
	v3 =	vld [tilespmem:$0x1F270]  }
0x45a: {  	[tilespmem:$0x1F640] =	vst v16;
	v16 =	vand.u32 $0xFFFF0000, v55;
	v15 =	vshll.u32 v55, $0x10;
	v55 =	vmul.f32 v36, v28;
	v28 =	vld [tilespmem:$0x1F310];
	_ =	sdelay $0x2  }
0x45b: {  	v58 =	vld [tilespmem:s9+$0xFFFFFF00]  }
0x45c: {  	v11 =	vmul.f32 v2, v3;
	v2 =	vld [tilespmem:$0x1F280]  }
0x45d: {  	v14 =	vshll.u32 v56, $0x10;
	v22 =	vand.u32 $0xFFFF0000, v56;
	v56 =	vmul.f32 v18, v28;
	v18 =	vld [tilespmem:$0x1F320];
	_ =	sdelay $0x1  }
0x45e: {  	v12 =	vld [tilespmem:s26+$0xFFFFFF90]  }
0x45f: {  	v3 =	vld [tilespmem:$0x1F2A0]  }
0x460: {  	v20 =	vmul.f32 v20, v2;
	v2 =	vld [tilespmem:$0x1F290]  }
0x461: {  	v48 =	vshll.u32 v58, $0x10;
	v54 =	vand.u32 $0xFFFF0000, v58;
	v58 =	vmul.f32 v52, v18;
	v18 =	vld [tilespmem:$0x1F330];
	_ =	sdelay $0x1  }
0x462: {  	v32 =	vand.u32 $0xFFFF0000, v32;
	v10 =	vand.u32 $0xFFFF0000, v10  }
0x463: {  	v1 =	vadd.f32 v32, v10;
	v32 =	vshll.u32 v12, $0x10  }
0x464: {  	[tilespmem:$0x1F540] =	vst v60;
	v60 =	vand.u32 $0xFFFF0000, v12;
	v27 =	vmul.f32 v32, v2  }
0x465: {  	v32 =	vmul.f32 v60, v3;
	v60 =	vmul.f32 v57, v18;
	v18 =	vld [tilespmem:$0x1F340];
	_ =	sdelay $0x4  }
0x466: {  	v47 =	vld [tilespmem:s26+$0xFFFFFFF0];
	(xrf2) =	vadd.scan.msk.f32 $0xffff, v30;
	v18 =	vmul.f32 v21, v18  }
0x467: {  	(xrf2) =	vadd.scan.msk.f32 $0xffff, v0;
	v0 =	vld [tilespmem:$0x1F3A0]  }
0x468: {  	[tilespmem:$0x1F5B0] =	vst v18;
	v18 =	vld [tilespmem:$0x1F350];
	_ =	sdelay $0x3  }
0x469: {  	v62 =	vshll.u32 v47, $0x10;
	v0 =	vmul.f32 v22, v0  }
0x46a: {  	[tilespmem:$0x1F3F0] =	vst v1;
	v1 =	vld [tilespmem:s9+$0xFFFFFF90];
	v18 =	vmul.f32 v62, v18  }
0x46b: {  	[tilespmem:$0x1F670] =	vst v0;
	v0 =	vld [tilespmem:$0x1F3B0]  }
0x46c: {  	[tilespmem:$0x1F610] =	vst v18;
	v18 =	vld [tilespmem:$0x1F360];
	_ =	sdelay $0x3  }
0x46d: {  	v47 =	vand.u32 $0xFFFF0000, v47;
	v30 =	vshll.u32 v1, $0x10  }
0x46e: {  	v18 =	vmul.f32 v47, v18;
	v47 =	vand.u32 $0xFFFF0000, v1;
	v1 =	vmul.f32 v17, v0;
	_ =	sdelay $0x1  }
0x46f: {  	[tilespmem:$0x1F680] =	vst v1;
	v1 =	vld [tilespmem:$0x1F3C0];
	_ =	sdelay $0x2  }
0x470: {  	[tilespmem:$0x1F620] =	vst v18;
	v18 =	vld [tilespmem:$0x1F370];
	_ =	sdelay $0x1  }
0x471: {  	v1 =	vmul.f32 v23, v1;
	_ =	sdelay $0x1  }
0x472: {  	[tilespmem:$0x1F6A0] =	vst v1;
	v1 =	vld [tilespmem:$0x1F3D0]  }
0x473: {  	v15 =	vmul.f32 v15, v18  }
0x474: {  	[tilespmem:$0x1F570] =	vst v4;
	v4 =	vld [tilespmem:s9+$0xFFFFFFB0]  }
0x475: {  	[tilespmem:$0x1F630] =	vst v15;
	v15 =	vld [tilespmem:$0x1F380];
	_ =	sdelay $0x1  }
0x476: {  	v1 =	vmul.f32 v26, v1;
	_ =	sdelay $0x1  }
0x477: {  	[tilespmem:$0x1F6B0] =	vst v1;
	v1 =	vmul.f32 v24, v46  }
0x478: {  	v15 =	vmul.f32 v16, v15;
	v16 =	vshll.u32 v4, $0x10;
	v46 =	vand.u32 $0xFFFF0000, v4;
	v4 =	vld [tilespmem:$0x1F3F0]  }
0x479: {  	[tilespmem:$0x1F6C0] =	vst v1;
	v1 =	vmul.f32 v19, v44;
	_ =	sdelay $0x1  }
0x47a: {  	s14 =	sadd.s32 $0x2A8, s14;
	[tilespmem:$0x1F6D0] =	vst v1;
	v1 =	vmul.f32 v39, v49  }
0x47b: {  	[tilespmem:s14+$0x140] =	vst v9;
	v9 =	vld [tilespmem:s9+$0xFFFFFFA0]  }
0x47c: {  	v4 =	vmul.f32 v34, v4;
	[tilespmem:$0x1F6E0] =	vst v1;
	v1 =	vld [tilespmem:$0x1F3E0];
	_ =	sdelay $0x1  }
0x47d: {  	[tilespmem:$0x1F700] =	vst v4;
	v4 =	vld [tilespmem:$0x1F930]  }
0x47e: {  	[tilespmem:$0x1F650] =	vst v15;
	v15 =	vld [tilespmem:$0x1F390]  }
0x47f: {  	v3 =	vld [tilespmem:$0x1F2B0]  }
0x480: {  	v8 =	vld [tilespmem:s9+$0x0];
	v28 =	vshll.u32 v9, $0x10;
	v21 =	vand.u32 $0xFFFF0000, v9;
	v9 =	vmul.f32 v29, v1  }
0x481: {  	v12 =	vld [tilespmem:s9+$0x20]  }
0x482: {  	v0, _, _ =	vpop (xrf2);
	(xrf2) =	vadd.scan.msk.f32 $0xffff, v11;
	[tilespmem:$0x1F6F0] =	vst v9;
	v9 =	vmul.f32 $1.442695020e+00, v4  }
0x483: {  	v2 =	vld [tilespmem:s9+$0x90];
	v14 =	vmul.f32 v14, v15  }
0x484: {  	v35 =	vmul.f32 v61, v3;
	v1, _, _ =	vpop (xrf2)  }
0x485: {  	v0 =	vbroadcast v0, $0xF;
	v15 =	vshll.u32 v8, $0x10;
	[tilespmem:$0x1F660] =	vst v14;
	v14 =	vand.u32 $0xFFFF0000, v8;
	v8, _, _ =	vpop (xrf2)  }
0x486: {  	[tilespmem:$0x1F500] =	vst v50;
	v50 =	vld [tilespmem:s9+$0xFFFFFF30];
	v22 =	vand.u32 $0xFFFF0000, v12;
	v1 =	vbroadcast v1, $0xF;
	(erf) = vpow2.f32 v9;
	v9, _, _ =	vpop (xrf2)  }
0x487: {  	v3 =	vld [tilespmem:s9+$0xA0];
	v19 =	vshll.u32 v12, $0x10;
	v8 =	vbroadcast v8, $0xF;
	v12 =	vbroadcast v9, $0xF  }
0x488: {  	v0 =	vnsel vm0, $0x0, v0;
	v18 =	vshll.u32 v2, $0x10;
	v49 =	vand.u32 $0xFFFF0000, v2  }
0x489: {  	(xrf2) =	vadd.scan.msk.f32 $0xffff, v20;
	v1 =	vnsel vm1, $0x0, v1;
	v8 =	vnsel vm2, $0x0, v8;
	v2 =	vnsel vm3, $0x0, v12  }
0x48a: {  	(xrf2) =	vadd.scan.msk.f32 $0xffff, v27;
	v0 =	vadd.f32 v1, v0;
	v1 =	vadd.f32 v2, v8  }
0x48b: {  	v5 =	vld [tilespmem:$0x1F2D0];
	v37 =	vshll.u32 v50, $0x10;
	v36 =	vand.u32 $0xFFFF0000, v50;
	(xrf2) =	vadd.scan.msk.f32 $0xffff, v32  }
0x48c: {  	v50 =	vand.u32 $0xFFFF0000, v3;
	v12 =	vshll.u32 v3, $0x10;
	v3, _, _ =	vpop (xrf2);
	(xrf2) =	vadd.scan.msk.f32 $0xffff, v35;
	v35 =	vadd.f32 v1, v0;
	v1 =	vld [tilespmem:$0x1F400]  }
0x48d: {  	[tilespmem:$0x1F520] =	vst v59;
	v59 =	vld [tilespmem:s9+$0xFFFFFF80]  }
0x48e: {  	v13 =	vld [tilespmem:s9+$0x10]  }
0x48f: {  	[tilespmem:$0x1F580] =	vst v7;
	v7 =	vld [tilespmem:s9+$0x80]  }
0x490: {  	v25 =	vmul.f32 v25, v5;
	v5 =	vld [tilespmem:s9+$0xB0]  }
0x491: {  	v44 =	vshll.u32 v1, $0x10;
	v1 =	vld [tilespmem:$0x1F8E0]  }
0x492: {  	[tilespmem:$0x1F600] =	vst v10;
	v10 =	vld [tilespmem:s9+$0x30];
	_ =	sdelay $0x1  }
0x493: {  	v33 =	vshll.u32 v59, $0x10;
	v52 =	vshll.u32 v13, $0x10;
	v11 =	vand.u32 $0xFFFF0000, v13  }
0x494: {  	v13 =	vshll.u32 v7, $0x10;
	v23 =	vand.u32 $0xFFFF0000, v5;
	v26 =	vshll.u32 v41, $0x10;
	v0, _, _ =	vpop (xrf2)  }
0x495: {  	v39 =	vshll.u32 v38, $0x10;
	v3 =	vbroadcast v3, $0xF;
	v0 =	vbroadcast v0, $0xF  }
0x496: {  	v29 =	vshll.u32 v10, $0x10;
	v20 =	vshll.u32 v5, $0x10;
	v9 =	vand.u32 $0xFFFF0000, v10  }
0x497: {  	v10 =	vand.u32 $0xFFFF0000, v7;
	v5 =	vnsel vm4, $0x0, v3;
	(xrf2) =	vadd.scan.msk.f32 $0xffff, v42;
	v2 =	vpop (erf);
	v0 =	vnsel vm5, $0x0, v0  }
0x498: {  	v7, _, _ =	vpop (xrf2);
	v42 =	vbroadcast v2, $0x0;
	v3 =	vbroadcast v2, $0x1;
	[tilespmem:v1+s16+$0x0] =	vst.idx.msk $0xff, v2;
	v1 =	vadd.f32 v0, v5;
	v0 =	vld [tilespmem:$0x1F410]  }
0x499: {  	v8 =	vand.u32 $0xFFFF0000, v38;
	v4 =	vbroadcast v2, $0x2;
	v38 =	vbroadcast v7, $0xF  }
0x49a: {  	v24 =	vand.u32 $0xFFFF0000, v41;
	v41 =	vbroadcast v2, $0x3;
	v34 =	vbroadcast v2, $0x4  }
0x49b: {  	v62 =	vand.u32 $0xFFFF0000, v59;
	v57 =	vbroadcast v2, $0x5;
	v59 =	vbroadcast v2, $0x7;
	v7, _, _ =	vpop (xrf2)  }
0x49c: {  	(xrf2) =	vadd.scan.msk.f32 $0xffff, v25;
	v25 =	vnsel vm6, $0x0, v38;
	v38 =	vbroadcast v2, $0x6;
	v2 =	vbroadcast v7, $0xF  }
0x49d: {  	v5 =	vadd.f32 v48, v0;
	v0 =	vld [tilespmem:$0x1F420]  }
0x49e: {  	v2 =	vnsel vm7, $0x0, v2  }
0x49f: {  	[tilespmem:$0x1F590] =	vst v63;
	v63 =	vld [tilespmem:s9+$0xFFFFFF10];
	v25 =	vadd.f32 v2, v25;
	v2 =	vbroadcast v6, $0x5;
	_ =	sdelay $0x1  }
0x4a0: {  	[tilespmem:$0x1F690] =	vst v2;
	v2 =	vld [tilespmem:$0x1F430]  }
0x4a1: {  	v17 =	vadd.f32 v54, v0;
	v0 =	vld [tilespmem:$0x1F960];
	_ =	sdelay $0x1  }
0x4a2: {  	v53 =	vshll.u32 v63, $0x10  }
0x4a3: {  	v63 =	vand.u32 $0xFFFF0000, v63;
	v61 =	vbroadcast v6, $0x4;
	(xrf2) =	vadd.scan.msk.f32 $0xffff, v51;
	v51 =	vbroadcast v6, $0x3  }
0x4a4: {  	v48 =	vbroadcast v6, $0x0;
	v54 =	vbroadcast v6, $0x2;
	v2 =	vadd.f32 v63, v2  }
0x4a5: {  	v63 =	vbroadcast v6, $0x6;
	v7 =	vadd.f32 v53, v0;
	v53 =	vbroadcast v6, $0x1;
	v6 =	vld [tilespmem:$0x1F450];
	_ =	sdelay $0x4  }
0x4a6: {  	v6 =	vadd.f32 v43, v6;
	v43 =	vld [tilespmem:$0x1F480];
	_ =	sdelay $0x1  }
0x4a7: {  	v27, _, _ =	vpop (xrf2);
	(xrf2) =	vadd.scan.msk.f32 $0xffff, v31  }
0x4a8: {  	v31, _, _ =	vpop (xrf2);
	(xrf2) =	vadd.scan.msk.f32 $0xffff, v55;
	v55 =	vld [tilespmem:$0x1F7C0];
	v1 =	vadd.f32 v25, v1  }
0x4a9: {  	v0 =	vbroadcast v27, $0xF;
	v27 =	vld [tilespmem:$0x1F440]  }
0x4aa: {  	v1 =	vadd.f32 v1, v35;
	v35 =	vadd.f32 v33, v43;
	v43 =	vld [tilespmem:$0x1F8D0];
	_ =	sdelay $0x3  }
0x4ab: {  	v27 =	vadd.f32 v45, v27;
	v45 =	vld [tilespmem:$0x1F470]  }
0x4ac: {  	v33 =	vmul.f32 v43, v55;
	v55 =	vld [tilespmem:$0x1F490];
	_ =	sdelay $0x1  }
0x4ad: {  	v31 =	vbroadcast v31, $0xF;
	_ =	sdelay $0x1  }
0x4ae: {  	v31 =	vnsel vm1, $0x0, v31  }
0x4af: {  	v0 =	vnsel vm0, $0x0, v0;
	v45 =	vadd.f32 v36, v45;
	v36 =	vadd.f32 v62, v55;
	v62 =	vld [tilespmem:$0x1F4A0]  }
0x4b0: {  	v55 =	vadd.f32 v31, v0;
	v0 =	vld [tilespmem:$0x1F4B0];
	_ =	sdelay $0x3  }
0x4b1: {  	v62 =	vadd.f32 v30, v62;
	v30, _, _ =	vpop (xrf2)  }
0x4b2: {  	v43 =	vbroadcast v30, $0xF;
	v30 =	vadd.f32 v47, v0;
	v0 =	vld [tilespmem:$0x1F4C0];
	_ =	sdelay $0x4  }
0x4b3: {  	[tilespmem:s10+$0x20] =	vst v33;
	v33 =	vadd.f32 v28, v0;
	v0 =	vld [tilespmem:$0x1F7D0]  }
0x4b4: {  	v28 =	vld [tilespmem:$0x1F8F0];
	_ =	sdelay $0x4  }
0x4b5: {  	v25 =	vld [tilespmem:$0x1F460];
	v0 =	vmul.f32 v28, v0  }
0x4b6: {  	v28 =	vld [tilespmem:$0x1F4D0]  }
0x4b7: {  	[tilespmem:s10+$0x30] =	vst v0;
	v0 =	vld [tilespmem:$0x1F500];
	_ =	sdelay $0x2  }
0x4b8: {  	v1 =	vmul.f32 $1.442695020e+00, v1;
	v25 =	vadd.f32 v37, v25;
	v37 =	vld [tilespmem:$0x1F4F0]  }
0x4b9: {  	v31 =	vadd.f32 v21, v28;
	v21 =	vld [tilespmem:$0x1F4E0]  }
0x4ba: {  	(erf) = vpow2.f32 v1;
	v1 =	vadd.f32 v15, v0;
	v0 =	vld [tilespmem:$0x1F510]  }
0x4bb: {  	v15 =	vld [tilespmem:$0x1F520];
	_ =	sdelay $0x3  }
0x4bc: {  	v47 =	vnsel vm2, $0x0, v43;
	v43 =	vadd.f32 v16, v21;
	v16 =	vadd.f32 v14, v0;
	v0 =	vld [tilespmem:$0x1F7E0]  }
0x4bd: {  	v28 =	vadd.f32 v46, v37;
	v37 =	vadd.f32 v52, v15;
	v15 =	vld [tilespmem:$0x1F530]  }
0x4be: {  	(xrf2) =	vadd.scan.msk.f32 $0xffff, v56;
	v56, _, _ =	vpop (xrf2)  }
0x4bf: {  	v21 =	vbroadcast v56, $0xF;
	_ =	sdelay $0x1  }
0x4c0: {  	v14 =	vmul.f32 v42, v0;
	v0 =	vnsel vm3, $0x0, v21  }
0x4c1: {  	v21 =	vadd.f32 v11, v15;
	v15 =	vadd.f32 v0, v47;
	v0 =	vld [tilespmem:$0x1F540]  }
0x4c2: {  	[tilespmem:s10+$0x48] =	vst v14;
	v14 =	vld [tilespmem:$0x1F550];
	_ =	sdelay $0x4  }
0x4c3: {  	v0 =	vadd.f32 v19, v0;
	v19 =	vadd.f32 v22, v14;
	v14 =	vld [tilespmem:$0x1F560];
	_ =	sdelay $0x4  }
0x4c4: {  	v14 =	vadd.f32 v29, v14;
	_ =	sdelay $0x1  }
0x4c5: {  	[tilespmem:$0x1F7C0] =	vst v14;
	v14 =	vld [tilespmem:$0x1F7F0];
	_ =	sdelay $0x4  }
0x4c6: {  	v3 =	vmul.f32 v3, v14;
	v14 =	vadd.f32 v15, v55;
	v15 =	vld [tilespmem:$0x1F570];
	_ =	sdelay $0x4  }
0x4c7: {  	v15 =	vadd.f32 v9, v15;
	_ =	sdelay $0x1  }
0x4c8: {  	[tilespmem:$0x1F7D0] =	vst v15;
	v15 =	vld [tilespmem:$0x1F580];
	_ =	sdelay $0x4  }
0x4c9: {  	v13 =	vadd.f32 v13, v15;
	_ =	sdelay $0x1  }
0x4ca: {  	[tilespmem:$0x1F7E0] =	vst v13;
	v13 =	vld [tilespmem:$0x1F590];
	_ =	sdelay $0x4  }
0x4cb: {  	v10 =	vadd.f32 v10, v13;
	_ =	sdelay $0x1  }
0x4cc: {  	[tilespmem:$0x1F7F0] =	vst v10;
	v10 =	vld [tilespmem:$0x1F5B0];
	_ =	sdelay $0x2  }
0x4cd: {  	(xrf2) =	vadd.scan.msk.f32 $0xffff, v58  }
0x4ce: {  	v11, _, _ =	vpop (xrf2);
	(xrf2) =	vadd.scan.msk.f32 $0xffff, v60  }
0x4cf: {  	v9, _, _ =	vpop (xrf2);
	(xrf2) =	vadd.scan.msk.f32 $0xffff, v10;
	v10 =	vld [tilespmem:$0x1F800];
	_ =	sdelay $0x4  }
0x4d0: {  	v4 =	vmul.f32 v4, v10;
	v10 =	vld [tilespmem:$0x1F5C0];
	_ =	sdelay $0x4  }
0x4d1: {  	v10 =	vadd.f32 v18, v10;
	_ =	sdelay $0x1  }
0x4d2: {  	[tilespmem:$0x1F800] =	vst v10;
	v10 =	vld [tilespmem:$0x1F5D0];
	_ =	sdelay $0x2  }
0x4d3: {  	v52 =	vld [tilespmem:$0x1F910];
	v11 =	vbroadcast v11, $0xF;
	v9 =	vbroadcast v9, $0xF  }
0x4d4: {  	v22 =	vld [tilespmem:$0x1F610]  }
0x4d5: {  	v11 =	vnsel vm4, $0x0, v11;
	v9 =	vnsel vm5, $0x0, v9;
	v10 =	vadd.f32 v12, v10;
	v12 =	vld [tilespmem:$0x1F5E0]  }
0x4d6: {  	v9 =	vadd.f32 v9, v11;
	v11 =	vld [tilespmem:$0x1F5F0]  }
0x4d7: {  	v13, _, _ =	vpop (xrf2)  }
0x4d8: {  	v8 =	vadd.f32 v8, v52;
	v52 =	vld [tilespmem:$0x1F630];
	v29, _, _ =	vpop (xrf2)  }
0x4d9: {  	v13 =	vbroadcast v13, $0xF;
	v29 =	vbroadcast v29, $0xF;
	(xrf2) =	vadd.scan.msk.f32 $0xffff, v22;
	v22 =	vld [tilespmem:$0x1F8C0]  }
0x4da: {  	v12 =	vadd.f32 v50, v12;
	v50 =	vld [tilespmem:$0x1F900]  }
0x4db: {  	v15 =	vpop (erf);
	v11 =	vadd.f32 v20, v11;
	v20 =	vld [tilespmem:$0x1F600];
	v13 =	vnsel vm6, $0x0, v13;
	v29 =	vnsel vm7, $0x0, v29  }
0x4dc: {  	v55 =	vld [tilespmem:$0x1F620];
	v13 =	vadd.f32 v29, v13;
	[tilespmem:s10+$0x68] =	vst v4;
	v4 =	vbroadcast v15, $0x0  }
0x4dd: {  	[tilespmem:s10+$0x58] =	vst v3;
	v3 =	vld [tilespmem:$0x1F5A0]  }
0x4de: {  	v32 =	vshll.u32 v40, $0x10;
	v9 =	vadd.f32 v13, v9;
	v4 =	vmul.f32 v4, v5;
	v5 =	vld [tilespmem:$0x1F950]  }
0x4df: {  	v42 =	vbroadcast v15, $0x4;
	v46 =	vbroadcast v15, $0x5;
	v39 =	vadd.f32 v39, v50;
	v50 =	vld [tilespmem:$0x1F970]  }
0x4e0: {  	v20 =	vadd.f32 v23, v20;
	v23 =	vbroadcast v15, $0x3;
	v58, _, _ =	vpop (xrf2);
	v9 =	vadd.f32 v9, v14;
	v14 =	vld [tilespmem:$0x1F650]  }
0x4e1: {  	v40 =	vand.u32 $0xFFFF0000, v40;
	v29 =	vbroadcast v58, $0xF;
	v18 =	vbroadcast v15, $0x1  }
0x4e2: {  	v3 =	vadd.f32 v49, v3;
	v47 =	vbroadcast v15, $0x6;
	v2 =	vmul.f32 v23, v2;
	[tilespmem:v22+s16+$0x0] =	vst.idx.msk $0xff, v15  }
0x4e3: {  	v13 =	vnsel vm0, $0x0, v29;
	(xrf2) =	vadd.scan.msk.f32 $0xffff, v55;
	v55, _, _ =	vpop (xrf2);
	[tilespmem:s14+$0xFFFFFEB0] =	vst v4;
	v4 =	vmul.f32 v18, v17  }
0x4e4: {  	(xrf2) =	vadd.scan.msk.f32 $0xffff, v52;
	v5 =	vadd.f32 v32, v5;
	v32 =	vadd.f32 v40, v50;
	v40 =	vbroadcast v55, $0xF  }
0x4e5: {  	v22 =	vbroadcast v15, $0x2;
	v15 =	vbroadcast v15, $0x7;
	(xrf2) =	vadd.scan.msk.f32 $0xffff, v14;
	[tilespmem:s14+$0xFFFFFEE0] =	vst v2  }
0x4e6: {  	v56 =	vld [tilespmem:$0x1F920];
	v2 =	vmul.f32 v47, v25;
	[tilespmem:s14+$0xFFFFFEC0] =	vst v4;
	v4 =	vmul.f32 v42, v27;
	v18, _, _ =	vpop (xrf2);
	v14 =	vnsel vm1, $0x0, v40  }
0x4e7: {  	v18 =	vbroadcast v18, $0xF;
	v13 =	vadd.f32 v14, v13;
	v14 =	vmul.f32 v15, v45;
	v15 =	vld [tilespmem:$0x1F660]  }
0x4e8: {  	[tilespmem:s14+$0xFFFFFF10] =	vst v2;
	v2 =	vld [tilespmem:$0x1F670]  }
0x4e9: {  	v58 =	vmovc v3;
	v7 =	vmul.f32 v22, v7;
	[tilespmem:s14+$0xFFFFFEF0] =	vst v4;
	v4 =	vnsel vm2, $0x0, v18;
	v18 =	vld [tilespmem:$0x1F820];
	v3 =	vmov v10  }
0x4ea: {  	[tilespmem:$0x1F820] =	vst v3;
	v3 =	vld [tilespmem:$0x1F8A0]  }
0x4eb: {  	v60 =	vld [tilespmem:$0x1F940];
	[tilespmem:s14+$0xFFFFFED0] =	vst v7;
	v7 =	vmul.f32 $1.442695020e+00, v9  }
0x4ec: {  	[tilespmem:s14+$0xFFFFFF20] =	vst v14;
	v14 =	vld [tilespmem:$0x1F680];
	(xrf2) =	vadd.scan.msk.f32 $0xffff, v15  }
0x4ed: {  	v6 =	vmul.f32 v46, v6;
	v9, _, _ =	vpop (xrf2);
	(erf) = vpow2.f32 v7;
	(xrf2) =	vadd.scan.msk.f32 $0xffff, v2;
	v2 =	vld [tilespmem:$0x1F830]  }
0x4ee: {  	v9 =	vbroadcast v9, $0xF  }
0x4ef: {  	s29 =	sadd.s32 $0x1, s11;
	v26 =	vadd.f32 v26, v56;
	[tilespmem:s14+$0xFFFFFF00] =	vst v6;
	v7 =	vmov v12;
	v3 =	vmul.f32 v38, v3  }
0x4f0: {  	v56 =	vmov s29;
	v24 =	vadd.f32 v24, v60;
	[tilespmem:$0x1F830] =	vst v7;
	v7 =	vnsel vm3, $0x0, v9  }
0x4f1: {  	v6 =	vmul.u32 $0x88, v56;
	v12 =	vld [tilespmem:$0x1F8B0];
	[tilespmem:s10+$0xA8] =	vst v3;
	v4 =	vadd.f32 v7, v4;
	v7 =	vmul.f32 v53, v8;
	v8 =	vmovc v11  }
0x4f2: {  	v10, _, _ =	vpop (xrf2);
	(xrf2) =	vadd.scan.msk.f32 $0xffff, v14;
	v14 =	vmov v20;
	v20 =	vld [tilespmem:$0x1FFF0];
	[tilespmem:$0x1F8A0] =	vst v8;
	v2 =	vmul.f32 v57, v2  }
0x4f3: {  	v10 =	vbroadcast v10, $0xF;
	v9 =	vmul.f32 v48, v39;
	[tilespmem:$0x1F8B0] =	vst v14;
	v14 =	vld [tilespmem:$0x1F6A0];
	v4 =	vadd.f32 v4, v13;
	v13, _, _ =	vpop (xrf2)  }
0x4f4: {  	v11 =	vmul.f32 v51, v24;
	[tilespmem:s10+$0x98] =	vst v2;
	v2 =	vbroadcast v13, $0xF;
	v13 =	vld [tilespmem:$0x1F690]  }
0x4f5: {  	v29 =	vld [tilespmem:$0x1F640];
	v3 =	vbroadcast v6, $0x0;
	[tilespmem:s14+$0xD0] =	vst v9  }
0x4f6: {  	v5 =	vmul.f32 v61, v5;
	v10 =	vnsel vm4, $0x0, v10;
	[tilespmem:s14+$0xE0] =	vst v7;
	v7 =	vpop (erf)  }
0x4f7: {  	v8 =	vmul.f32 v54, v26;
	[tilespmem:s14+$0x100] =	vst v11;
	v3 =	vadd.s32 v20, v3;
	v2 =	vnsel vm5, $0x0, v2;
	v9, _, _ =	vpop (xrf2)  }
0x4f8: {  	v15 =	vld [tilespmem:$0x1F810];
	(xrf2) =	vadd.scan.msk.f32 $0xffff, v14;
	v9 =	vbroadcast v9, $0xF;
	v2 =	vadd.f32 v2, v10;
	v10 =	vbroadcast v7, $0x0;
	v11, _, _ =	vpop (xrf2)  }
0x4f9: {  	[tilespmem:s14+$0x110] =	vst v5;
	v11 =	vbroadcast v11, $0xF;
	v13 =	vmul.f32 v13, v32  }
0x4fa: {  	v29 =	vadd.f32 v44, v29;
	[tilespmem:s14+$0xF0] =	vst v8;
	v8 =	vld [tilespmem:$0x1F6B0]  }
0x4fb: {  	v9 =	vnsel vm6, $0x0, v9;
	v10 =	vmul.f32 v10, v35;
	v11 =	vnsel vm7, $0x0, v11;
	[tilespmem:s14+$0x120] =	vst v13;
	v13 =	vld [tilespmem:$0x1F6C0]  }
0x4fc: {  	v12 =	vmul.f32 v59, v12;
	[tilespmem:v3+s16+$0x0] =	vst.idx.msk $0xff, v7;
	v11 =	vadd.f32 v11, v9  }
0x4fd: {  	v6 =	vmul.f32 v63, v29;
	v15 =	vmul.f32 v41, v15;
	[tilespmem:s14+$0xFFFFFF38] =	vst v10;
	v10 =	vld [tilespmem:$0x1F6D0]  }
0x4fe: {  	[tilespmem:s10+$0xB8] =	vst v12;
	v12 =	vbroadcast v7, $0x1;
	v2 =	vadd.f32 v11, v2  }
0x4ff: {  	[tilespmem:s10+$0x78] =	vst v15;
	v15 =	vbroadcast v7, $0x4;
	v5 =	vbroadcast v7, $0x5;
	(xrf2) =	vadd.scan.msk.f32 $0xffff, v8  }
0x500: {  	v59 =	vbroadcast v7, $0x6;
	v14 =	vbroadcast v7, $0x3;
	v2 =	vadd.f32 v2, v4;
	v4 =	vld [tilespmem:$0x1F6E0];
	(xrf2) =	vadd.scan.msk.f32 $0xffff, v13  }
0x501: {  	[tilespmem:s14+$0x130] =	vst v6;
	v5 =	vmul.f32 v5, v31;
	v8 =	vbroadcast v7, $0x2;
	v6, _, _ =	vpop (xrf2)  }
0x502: {  	v13 =	vbroadcast v7, $0x7;
	v7, _, _ =	vpop (xrf2);
	(xrf2) =	vadd.scan.msk.f32 $0xffff, v10;
	v2 =	vmul.f32 $1.442695020e+00, v2  }
0x503: {  	v6 =	vbroadcast v6, $0xF;
	v11 =	vbroadcast v7, $0xF  }
0x504: {  	[tilespmem:s14+$0xFFFFFF88] =	vst v5;
	v5 =	vld [tilespmem:$0x1F6F0];
	(erf) = vpow2.f32 v2  }
0x505: {  	s29 =	sadd.s32 $0x2, s11;
	v6 =	vnsel vm0, $0x0, v6;
	(xrf2) =	vadd.scan.msk.f32 $0xffff, v4;
	v4 =	vnsel vm1, $0x0, v11  }
0x506: {  	v3 =	vmul.f32 v12, v36;
	v4 =	vadd.f32 v4, v6;
	v6 =	vmov s29  }
0x507: {  	v2 =	vmul.u32 $0x88, v6;
	v6 =	vld [tilespmem:$0x1F700]  }
0x508: {  	[tilespmem:s14+$0xFFFFFF48] =	vst v3;
	v3 =	vmul.f32 v15, v33  }
0x509: {  	s15 =	sadd.s32 $0x140, s15;
	v18 =	vmul.f32 v34, v18;
	v8 =	vmul.f32 v8, v62;
	v7, _, _ =	vpop (xrf2);
	(xrf2) =	vadd.scan.msk.f32 $0xffff, v5;
	s29 =	sadd.s32 $0x3, s11  }
0x50a: {  	v15 =	vld [tilespmem:s15+$0xFFFFFF70];
	[tilespmem:s14+$0xFFFFFF78] =	vst v3;
	v3 =	vbroadcast v7, $0xF;
	v7 =	vmov s29;
	v2 =	vbroadcast v2, $0x0;
	v5, _, _ =	vpop (xrf2)  }
0x50b: {  	[tilespmem:s14+$0xFFFFFF58] =	vst v8;
	v9 =	vmul.f32 v14, v30;
	v5 =	vbroadcast v5, $0xF  }
0x50c: {  	v8 =	vmul.f32 v59, v43;
	v10 =	vmul.f32 v13, v28;
	v2 =	vadd.s32 v20, v2;
	(xrf2) =	vadd.scan.msk.f32 $0xffff, v6;
	v6, _, _ =	vpop (xrf2)  }
0x50d: {  	[tilespmem:s14+$0xFFFFFF68] =	vst v9;
	v3 =	vnsel vm2, $0x0, v3;
	v9 =	vmul.u32 $0x88, v7;
	v7 =	vpop (erf);
	v5 =	vnsel vm3, $0x0, v5  }
0x50e: {  	[tilespmem:s14+$0xFFFFFFA8] =	vst v10;
	v6 =	vbroadcast v6, $0xF;
	v10 =	vbroadcast v7, $0x1;
	v3 =	vadd.f32 v5, v3  }
0x50f: {  	v40 =	vand.u32 $0xFFFF0000, v15;
	v12 =	vbroadcast v7, $0x2;
	v13 =	vbroadcast v7, $0x3  }
0x510: {  	[tilespmem:s10+$0x88] =	vst v18;
	v18 =	vbroadcast v7, $0x5;
	v5 =	vmov s28;
	v3 =	vadd.f32 v3, v4;
	v4, _, _ =	vpop (xrf2)  }
0x511: {  	s26 =	sadd.s32 $0x140, s26;
	v5 =	vmul.u32 $0x88, v5;
	[tilespmem:v2+s16+$0x0] =	vst.idx.msk $0xff, v7;
	v2 =	vbroadcast v7, $0x0;
	v4 =	vbroadcast v4, $0xF  }
0x512: {  	s9 =	sadd.s32 $0x280, s9;
	[tilespmem:$0x1F810] =	vst v58;
	v60 =	vld [tilespmem:s26+$0x60];
	v22 =	vbroadcast v7, $0x6;
	v6 =	vnsel vm4, $0x0, v6;
	v10 =	vmul.f32 v10, v16  }
0x513: {  	[tilespmem:s14+$0xFFFFFF98] =	vst v8;
	v11 =	vld [tilespmem:s9+$0xC0];
	v5 =	vbroadcast v5, $0x0;
	v8, _, _ =	vpop (xrf2);
	v1 =	vmul.f32 v2, v1;
	v4 =	vnsel vm5, $0x0, v4  }
0x514: {  	[tilespmem:s14+$0xFFFFFFD0] =	vst v10;
	v8 =	vbroadcast v8, $0xF;
	v4 =	vadd.f32 v4, v6;
	v6 =	vbroadcast v9, $0x0;
	v9 =	vld [tilespmem:s15+$0x60]  }
0x515: {  	v12 =	vmul.f32 v12, v37;
	v2 =	vbroadcast v7, $0x7;
	v10 =	vld [tilespmem:s9+$0xFFFFFEC0];
	v5 =	vadd.s32 v20, v5;
	[tilespmem:s14+$0xFFFFFFC0] =	vst v1  }
0x516: {  	v1 =	vmul.f32 v13, v21;
	v8 =	vnsel vm6, $0x0, v8;
	[tilespmem:$0x1F8C0] =	vst v5;
	v5 =	vbroadcast v7, $0x4;
	v7 =	vld [tilespmem:s15+$0xFFFFFF90];
	v14, _, _ =	vpop (xrf2)  }
0x517: {  	[tilespmem:$0x1F8D0] =	vst v22;
	v14 =	vbroadcast v14, $0xF;
	v6 =	vadd.s32 v20, v6;
	v20 =	vshll.u32 v15, $0x10  }
0x518: {  	v15 =	vshll.u32 v60, $0x10;
	v0 =	vmul.f32 v5, v0;
	v5 =	vand.u32 $0xFFFF0000, v11;
	[tilespmem:$0x1F8E0] =	vst v6;
	v6 =	vld [tilespmem:s15+$0xFFFFFF80]  }
0x519: {  	[tilespmem:$0x1F8F0] =	vst v2;
	v13 =	vld [tilespmem:s9+$0xD0];
	v2 =	vnsel vm7, $0x0, v14;
	v14 =	vshll.u32 v11, $0x10;
	v61 =	vshll.u32 v9, $0x10  }
0x51a: {  	[tilespmem:s14+$0xFFFFFFE0] =	vst v12;
	v58 =	vshll.u32 v10, $0x10;
	v2 =	vadd.f32 v2, v8;
	v8 =	vld [tilespmem:s15+$0x70];
	v14 =	vadd.f32 v14, v61  }
0x51b: {  	[tilespmem:s14+$0xFFFFFFF0] =	vst v1;
	v12 =	vand.u32 $0xFFFF0000, v9;
	v44 =	vshll.u32 v7, $0x10;
	v43 =	vand.u32 $0xFFFF0000, v7;
	v7 =	vld [tilespmem:s15+$0x80]  }
0x51c: {  	v1 =	vld [tilespmem:s9+$0xFFFFFED0];
	[tilespmem:$0x1F960] =	vst v20;
	v5 =	vadd.f32 v5, v12;
	v2 =	vadd.f32 v2, v4;
	v9 =	vmul.f32 v15, v14  }
0x51d: {  	[tilespmem:s14+$0x0] =	vst v0;
	v4 =	vld [tilespmem:s26+$0x70];
	v24 =	vshll.u32 v6, $0x10;
	v42 =	vand.u32 $0xFFFF0000, v6;
	v6 =	vand.u32 $0xFFFF0000, v60  }
0x51e: {  	v57 =	vand.u32 $0xFFFF0000, v10;
	v0 =	vld [tilespmem:s9+$0xFFFFFEE0];
	[tilespmem:$0x1F900] =	vst v61;
	v5 =	vmul.f32 v6, v5;
	v2 =	vadd.f32 v2, v3  }
0x51f: {  	v6 =	vld [tilespmem:s9+$0xE0];
	(xrf2) =	vadd.scan.msk.f32 $0xffff, v9;
	v11 =	vshll.u32 v8, $0x10;
	v9 =	vshll.u32 v13, $0x10;
	v8 =	vand.u32 $0xFFFF0000, v8  }
0x520: {  	[tilespmem:$0x1F910] =	vst v12;
	v14 =	vld [tilespmem:s15+$0xFFFFFFB0];
	v62 =	vshll.u32 v7, $0x10;
	v63 =	vand.u32 $0xFFFF0000, v7;
	v9 =	vadd.f32 v9, v11  }
0x521: {  	v12 =	vld [tilespmem:s26+$0x80];
	(xrf2) =	vadd.scan.msk.f32 $0xffff, v5;
	v5 =	vmul.f32 v18, v19;
	[tilespmem:$0x1F930] =	vst v2;
	v2 =	vand.u32 $0xFFFF0000, v13  }
0x522: {  	v10 =	vld [tilespmem:s9+$0xFFFFFEF0];
	[tilespmem:$0x1F920] =	vst v11;
	v11 =	vshll.u32 v4, $0x10;
	v2 =	vadd.f32 v2, v8;
	v4 =	vand.u32 $0xFFFF0000, v4  }
0x523: {  	v13 =	vld [tilespmem:s15+$0xFFFFFFA0];
	[tilespmem:$0x1F940] =	vst v8;
	v3 =	vmul.f32 v11, v9;
	v9 =	vshll.u32 v1, $0x10;
	v11 =	vand.u32 $0xFFFF0000, v1  }
0x524: {  	p0 =	slt.u32 s28, $0x23;
	v8 =	vld [tilespmem:s15+$0x90];
	[tilespmem:s14+$0x10] =	vst v5;
	v1 =	vshll.u32 v0, $0x10;
	v0 =	vand.u32 $0xFFFF0000, v0;
	v5 =	vshll.u32 v6, $0x10  }
.Ltmp3:
0x525: {  	[tilespmem:$0x1F950] =	vst v62;
	v46 =	vshll.u32 v14, $0x10;
	v15 =	vmul.f32 v4, v2;
	v2 =	vld [tilespmem:s15+$0xFFFFFFC0];
	v5 =	vadd.f32 v5, v62;
	(pc) =	sbr.rel @p0 .LBB2_9-.Ltmp3, $4  }
0x526: {  	v28 =	vadd.f32 v9, v20;
	v29 =	vadd.f32 v11, v40;
	v9 =	vshll.u32 v12, $0x10;
	v11 =	vld [tilespmem:s26+$0x90];
	(xrf2) =	vadd.scan.msk.f32 $0xffff, v3  }
0x527: {  	v4 =	vand.u32 $0xFFFF0000, v10;
	v3 =	vshll.u32 v10, $0x10;
	v10 =	vld [tilespmem:s9+$0xF0];
	(xrf2) =	vadd.scan.msk.f32 $0xffff, v15;
	v15 =	vmul.f32 v9, v5  }
0x528: {  	[tilespmem:$0x1F970] =	vst v63;
	v45 =	vand.u32 $0xFFFF0000, v14;
	v7 =	vand.u32 $0xFFFF0000, v6;
	v12 =	vand.u32 $0xFFFF0000, v12;
	v5 =	vld [tilespmem:s15+$0xFFFFFFD0]  }
0x529: {  	s10 =	smov.u32 s14;
	s11 =	smov.u32 s28;
	s28 =	sadd.s32 $0x5, s28;
	v47 =	vshll.u32 v13, $0x10;
	v20 =	vand.u32 $0xFFFF0000, v13;
	v9 =	vadd.f32 v7, v63;
	v7 =	vld [tilespmem:s9+$0xFFFFFF40];
	v6, _, _ =	vpop (xrf2);
	(xrf2) =	vadd.scan.msk.f32 $0xffff, v15  }
0x52a: {  	_ =	sdelay $0x1  }
0x52b: {  	v14 =	vshll.u32 v8, $0x10;
	v13 =	vshll.u32 v10, $0x10  }
0x52c: {  	v8 =	vand.u32 $0xFFFF0000, v8;
	v62 =	vand.u32 $0xFFFF0000, v10;
	v13 =	vadd.f32 v13, v14  }
0x52d: {  	v9 =	vmul.f32 v12, v9;
	v63 =	vshll.u32 v11, $0x10;
	v10 =	vadd.f32 v62, v8  }
0x52e: {  	[tilespmem:$0x1F1F0] =	vst v14;
	v14 =	vand.u32 $0xFFFF0000, v11;
	v12 =	vmul.f32 v63, v13  }
0x52f: {  	(xrf2) =	vadd.scan.msk.f32 $0xffff, v9;
	v15 =	vmul.f32 v14, v10  }
0x530: {  	(xrf2) =	vadd.scan.msk.f32 $0xffff, v12  }
0x531: {  	(xrf2) =	vadd.scan.msk.f32 $0xffff, v15;
	_ =	sdelay $0x3  }
0x532: {  	v16, _, _ =	vpop (xrf2)  }
0x533: {  	v17, _, _ =	vpop (xrf2)  }
0x534: {  	v18, _, _ =	vpop (xrf2)  }
0x535: {  	v6 =	vbroadcast v6, $0xF;
	v9 =	vbroadcast v16, $0xF;
	v19, _, _ =	vpop (xrf2)  }
0x536: {  	v10 =	vbroadcast v17, $0xF;
	v21, _, _ =	vpop (xrf2)  }
0x537: {  	v6 =	vnsel vm0, $0x0, v6;
	v9 =	vnsel vm1, $0x0, v9;
	v11 =	vbroadcast v18, $0xF;
	v22, _, _ =	vpop (xrf2)  }
0x538: {  	v10 =	vnsel vm2, $0x0, v10;
	v12 =	vbroadcast v19, $0xF;
	v13 =	vbroadcast v21, $0xF;
	v15, _, _ =	vpop (xrf2)  }
0x539: {  	v11 =	vnsel vm3, $0x0, v11;
	v14 =	vbroadcast v22, $0xF;
	v15 =	vbroadcast v15, $0xF  }
0x53a: {  	v6 =	vadd.f32 v9, v6;
	v23 =	vadd.f32 v11, v10;
	v12 =	vnsel vm4, $0x0, v12  }
0x53b: {  	v13 =	vnsel vm5, $0x0, v13;
	v14 =	vnsel vm6, $0x0, v14;
	v15 =	vnsel vm7, $0x0, v15  }
0x53c: {  	v25 =	vadd.f32 v13, v12;
	v26 =	vadd.f32 v15, v14;
	_ =	sdelay $0x1  }
0x53d: {  	v6 =	vadd.f32 v23, v6;
	v27 =	vadd.f32 v26, v25;
	_ =	sdelay $0x1  }
0x53e: {  	v6 =	vadd.f32 v27, v6;
	_ =	sdelay $0x1  }
0x53f: {  	v6 =	vmul.f32 $1.442695020e+00, v6;
	_ =	sdelay $0x1  }
0x540: {  	(erf) = vpow2.f32 v6;
	_ =	sdelay $0x2  }
0x541: {  	v30 =	vld [tilespmem:s9+$0xFFFFFF50]  }
0x542: {  	v51 =	vld [tilespmem:s9+$0x130]  }
0x543: {  	v31 =	vld [tilespmem:s9+$0xFFFFFF60]  }
0x544: {  	v49 =	vshll.u32 v2, $0x10;
	v2 =	vand.u32 $0xFFFF0000, v2;
	v54 =	vld [tilespmem:s15+$0xFFFFFF60]  }
0x545: {  	v32 =	vadd.f32 v1, v24;
	v4 =	vadd.f32 v4, v43;
	v55 =	vld [tilespmem:s26+$0xFFFFFF60];
	v48 =	vshll.u32 v5, $0x10  }
0x546: {  	v33 =	vld [tilespmem:s26+$0xFFFFFF70];
	v56 =	vshll.u32 v7, $0x10;
	v59 =	vand.u32 $0xFFFF0000, v7;
	v63 =	vadd.f32 v0, v42  }
0x547: {  	v38 =	vld [tilespmem:s26+$0xFFFFFFA0];
	v0 =	vand.u32 $0xFFFF0000, v5;
	v60 =	vshll.u32 v30, $0x10;
	v35 =	vand.u32 $0xFFFF0000, v51;
	v39 =	vpop (erf)  }
0x548: {  	v34 =	vld [tilespmem:s26+$0xFFFFFF80];
	v9 =	vand.u32 $0xFFFF0000, v30;
	v1 =	vadd.f32 v35, v8;
	v25 =	vbroadcast v39, $0x7  }
0x549: {  	v61 =	vshll.u32 v31, $0x10;
	v16 =	vand.u32 $0xFFFF0000, v31;
	v7 =	vand.u32 $0xFFFF0000, v54;
	v23 =	vld [tilespmem:s26+$0xFFFFFF90]  }
0x54a: {  	v5 =	vand.u32 $0xFFFF0000, v55;
	v18 =	vadd.f32 v59, v20;
	v1 =	vmul.f32 v25, v1  }
0x54b: {  	v41 =	vshll.u32 v33, $0x10;
	v62 =	vadd.f32 v60, v46;
	v9 =	vadd.f32 v9, v45  }
0x54c: {  	v28 =	vmul.f32 v41, v28;
	v8 =	vand.u32 $0xFFFF0000, v38;
	v10 =	vshll.u32 v54, $0x10;
	v6 =	vld [tilespmem:s9+$0xFFFFFF70];
	[tilespmem:$0x1F1D0] =	vst v1  }
0x54d: {  	v54 =	vshll.u32 v34, $0x10;
	v37 =	vadd.f32 v58, v10;
	v13 =	vadd.f32 v56, v47;
	v52 =	vld [tilespmem:s26+$0xFFFFFFB0]  }
0x54e: {  	v22 =	vshll.u32 v55, $0x10;
	v55 =	vshll.u32 v23, $0x10;
	v56 =	vand.u32 $0xFFFF0000, v23;
	v53 =	vld [tilespmem:s26+$0xFFFFFFC0]  }
0x54f: {  	v19 =	vmovc v24;
	v23 =	vmul.f32 v54, v32;
	v24 =	vmul.f32 v22, v37;
	v14 =	vand.u32 $0xFFFF0000, v33;
	v30 =	vld [tilespmem:s26+$0xFFFFFFD0]  }
0x550: {  	v15 =	vand.u32 $0xFFFF0000, v34;
	v34 =	vmul.f32 v56, v4;
	v29 =	vmul.f32 v14, v29;
	v58 =	vld [tilespmem:s15+$0xFFFFFFE0]  }
0x551: {  	v32 =	vmul.f32 v15, v63;
	v26 =	vadd.f32 v57, v7;
	v57 =	vshll.u32 v38, $0x10;
	v59 =	vld [tilespmem:s9+$0xFFFFFFC0]  }
0x552: {  	v21 =	vadd.f32 v61, v49;
	v14 =	vmul.f32 v8, v18;
	v22 =	vmul.f32 v57, v13  }
0x553: {  	v27 =	vadd.f32 v16, v2;
	v17 =	vshll.u32 v6, $0x10;
	v6 =	vand.u32 $0xFFFF0000, v6;
	v41 =	vld [tilespmem:s9+$0xFFFFFFD0]  }
0x554: {  	v36 =	vadd.f32 v17, v48;
	v6 =	vadd.f32 v6, v0;
	v35 =	vld [tilespmem:s26+$0xFFFFFFE0];
	v63 =	vshll.u32 v52, $0x10  }
0x555: {  	v17 =	vld [tilespmem:s15+$0x0];
	v1 =	vand.u32 $0xFFFF0000, v52;
	v31 =	vshll.u32 v53, $0x10;
	v37 =	vand.u32 $0xFFFF0000, v53  }
0x556: {  	v50 =	vmovc v20;
	v20 =	vld [tilespmem:s9+$0xFFFFFFE0];
	v38 =	vshll.u32 v30, $0x10;
	v8 =	vshll.u32 v58, $0x10;
	v60 =	vshll.u32 v59, $0x10  }
0x557: {  	v25 =	vld [tilespmem:s15+$0xFFFFFFF0];
	v4 =	vand.u32 $0xFFFF0000, v59;
	v16 =	vmul.f32 v63, v62;
	v15 =	vmul.f32 v1, v9  }
0x558: {  	v59 =	vshll.u32 v41, $0x10;
	v13 =	vmul.f32 v31, v21;
	v12 =	vmul.f32 v37, v27;
	v27 =	vld [tilespmem:s26+$0x0]  }
0x559: {  	v11 =	vmul.f32 v38, v36;
	v63 =	vand.u32 $0xFFFF0000, v58;
	v61 =	vadd.f32 v60, v8  }
0x55a: {  	v62 =	vand.u32 $0xFFFF0000, v30;
	v1 =	vld [tilespmem:s26+$0xFFFFFFF0];
	v58 =	vshll.u32 v35, $0x10;
	v60 =	vand.u32 $0xFFFF0000, v41  }
0x55b: {  	v41 =	vshll.u32 v17, $0x10;
	v31 =	vshll.u32 v20, $0x10;
	v56 =	vmul.f32 v58, v61;
	v61 =	vld [tilespmem:s15+$0x10]  }
0x55c: {  	v9 =	vand.u32 $0xFFFF0000, v35;
	v4 =	vadd.f32 v4, v63;
	v31 =	vadd.f32 v31, v41  }
0x55d: {  	v18 =	vmul.f32 v62, v6;
	v6 =	vshll.u32 v25, $0x10;
	v38 =	vshll.u32 v27, $0x10  }
0x55e: {  	v35 =	vld [tilespmem:s15+$0x20];
	v54 =	vmul.f32 v9, v4;
	v4 =	vadd.f32 v59, v6;
	v52 =	vmul.f32 v38, v31  }
0x55f: {  	v3 =	vadd.f32 v3, v44;
	v62 =	vld [tilespmem:s9+$0xFFFFFFF0];
	v36 =	vshll.u32 v1, $0x10  }
0x560: {  	v58 =	vmul.f32 v36, v4;
	v36 =	vld [tilespmem:s26+$0x10];
	v53 =	vshll.u32 v61, $0x10;
	[tilespmem:$0x1F1E0] =	vst v52  }
0x561: {  	v33 =	vmul.f32 v55, v3;
	v55 =	vand.u32 $0xFFFF0000, v61;
	v4 =	vld [tilespmem:s15+$0x30];
	[tilespmem:$0x1F200] =	vst v53  }
0x562: {  	v5 =	vmul.f32 v5, v26;
	[tilespmem:$0x1F210] =	vst v55  }
0x563: {  	v26 =	vand.u32 $0xFFFF0000, v17;
	v57 =	vand.u32 $0xFFFF0000, v20;
	v9 =	vand.u32 $0xFFFF0000, v25;
	v20 =	vld [tilespmem:s9+$0x40]  }
0x564: {  	v17 =	vadd.f32 v57, v26;
	v21 =	vadd.f32 v60, v9;
	v30 =	vld [tilespmem:s9+$0x50]  }
0x565: {  	v1 =	vand.u32 $0xFFFF0000, v1;
	v60 =	vshll.u32 v62, $0x10;
	v61 =	vand.u32 $0xFFFF0000, v62;
	v37 =	vld [tilespmem:s26+$0x20]  }
0x566: {  	(xrf2) =	vadd.scan.msk.f32 $0xffff, v24;
	v62 =	vadd.f32 v60, v53;
	v25 =	vadd.f32 v61, v55;
	v53 =	vshll.u32 v35, $0x10;
	v24 =	vld [tilespmem:s15+$0x40]  }
0x567: {  	v55 =	vand.u32 $0xFFFF0000, v35;
	v31 =	vshll.u32 v36, $0x10;
	v52 =	vand.u32 $0xFFFF0000, v36;
	v36 =	vld [tilespmem:s26+$0x30];
	[tilespmem:$0x1F220] =	vst v53  }
0x568: {  	(xrf2) =	vadd.scan.msk.f32 $0xffff, v5;
	v27 =	vand.u32 $0xFFFF0000, v27;
	v59 =	vmul.f32 v1, v21;
	[tilespmem:$0x1F230] =	vst v55  }
0x569: {  	(xrf2) =	vadd.scan.msk.f32 $0xffff, v28;
	v21 =	vmul.f32 v27, v17;
	v5 =	vmul.f32 v31, v62;
	v35 =	vld [tilespmem:s9+$0x60]  }
0x56a: {  	(xrf2) =	vadd.scan.msk.f32 $0xffff, v29;
	v61 =	vmul.f32 v52, v25;
	v60 =	vshll.u32 v4, $0x10;
	v29 =	vand.u32 $0xFFFF0000, v4  }
0x56b: {  	v57 =	vshll.u32 v20, $0x10;
	v20 =	vand.u32 $0xFFFF0000, v20;
	[tilespmem:$0x1F240] =	vst v60;
	v62 =	vshll.u32 v30, $0x10  }
0x56c: {  	v3 =	vshll.u32 v37, $0x10;
	v17 =	vand.u32 $0xFFFF0000, v37;
	v20 =	vadd.f32 v20, v55;
	v38 =	vld [tilespmem:s26+$0x40]  }
0x56d: {  	(xrf2) =	vadd.scan.msk.f32 $0xffff, v23;
	v25 =	vadd.f32 v57, v53;
	v28 =	vadd.f32 v62, v60;
	v37 =	vshll.u32 v36, $0x10;
	v23 =	vld [tilespmem:s9+$0x70]  }
0x56e: {  	v57 =	vand.u32 $0xFFFF0000, v30;
	v60 =	vshll.u32 v35, $0x10;
	v53 =	vmul.f32 v17, v20;
	v20 =	vld [tilespmem:s15+$0x50]  }
0x56f: {  	(xrf2) =	vadd.scan.msk.f32 $0xffff, v32;
	v62 =	vand.u32 $0xFFFF0000, v24;
	v55 =	vand.u32 $0xFFFF0000, v36;
	v4 =	vadd.f32 v57, v29  }
0x570: {  	(xrf2) =	vadd.scan.msk.f32 $0xffff, v33;
	v31 =	vmul.f32 v3, v25;
	v27 =	vmul.f32 v37, v28;
	v37 =	vshll.u32 v24, $0x10  }
0x571: {  	[tilespmem:$0x1F250] =	vst v62;
	v17 =	vand.u32 $0xFFFF0000, v35;
	v3 =	vadd.f32 v60, v37;
	v55 =	vmul.f32 v55, v4;
	v60, _, _ =	vpop (xrf2)  }
0x572: {  	v32 =	vld [tilespmem:s26+$0x50];
	v62 =	vadd.f32 v17, v62;
	v57 =	vshll.u32 v38, $0x10;
	v17 =	vbroadcast v60, $0xF  }
0x573: {  	(xrf2) =	vadd.scan.msk.f32 $0xffff, v34;
	v1, _, _ =	vpop (xrf2);
	v35 =	vshll.u32 v23, $0x10;
	v4 =	vmul.f32 v57, v3;
	v28 =	vshll.u32 v20, $0x10  }
0x574: {  	v3 =	vand.u32 $0xFFFF0000, v38;
	v25 =	vbroadcast v1, $0xF;
	v36, _, _ =	vpop (xrf2);
	v24 =	vadd.f32 v35, v28;
	v35 =	vld [tilespmem:$0x1F930]  }
0x575: {  	v57 =	vmul.f32 v3, v62;
	v33 =	vnsel vm0, $0x0, v17;
	v38, _, _ =	vpop (xrf2);
	v52 =	vbroadcast v36, $0xF  }
0x576: {  	v30 =	vand.u32 $0xFFFF0000, v20;
	v62 =	vand.u32 $0xFFFF0000, v23;
	v34 =	vbroadcast v38, $0xF  }
0x577: {  	v25 =	vnsel vm1, $0x0, v25;
	v60 =	vshll.u32 v32, $0x10;
	v1 =	vnsel vm2, $0x0, v52  }
0x578: {  	v20 =	vadd.f32 v62, v30;
	v17, _, _ =	vpop (xrf2);
	v60 =	vmul.f32 v60, v24;
	v3 =	vnsel vm3, $0x0, v34;
	v34 =	vld [tilespmem:s9+$0xFFFFFF00]  }
0x579: {  	v52 =	vand.u32 $0xFFFF0000, v32;
	v38, _, _ =	vpop (xrf2);
	v62 =	vbroadcast v17, $0xF;
	v36 =	vmul.f32 $1.442695020e+00, v35  }
0x57a: {  	(xrf2) =	vadd.scan.msk.f32 $0xffff, v22;
	v24 =	vadd.f32 v25, v33;
	v25 =	vld [tilespmem:s9+$0xFFFFFF20];
	v23 =	vadd.f32 v3, v1;
	v1, _, _ =	vpop (xrf2);
	v35 =	vbroadcast v38, $0xF  }
0x57b: {  	v33 =	vmul.f32 v52, v20;
	(xrf2) =	vadd.scan.msk.f32 $0xffff, v14;
	v3 =	vnsel vm4, $0x0, v62;
	v62 =	vld [tilespmem:s9+$0xFFFFFF30];
	v20 =	vbroadcast v1, $0xF  }
0x57c: {  	v14 =	vld [tilespmem:s9+$0xFFFFFF10];
	v22 =	vadd.f32 v23, v24;
	(erf) = vpow2.f32 v36;
	v17 =	vnsel vm5, $0x0, v35  }
0x57d: {  	v38 =	vshll.u32 v34, $0x10;
	v23 =	vadd.f32 v17, v3;
	v3 =	vnsel vm6, $0x0, v20;
	v20 =	vld [tilespmem:s9+$0xFFFFFF80];
	v36, _, _ =	vpop (xrf2)  }
0x57e: {  	v52 =	vand.u32 $0xFFFF0000, v34;
	v35 =	vadd.f32 v38, v10;
	v10 =	vld [tilespmem:s9+$0xFFFFFF90];
	v32 =	vbroadcast v36, $0xF  }
0x57f: {  	v34 =	vadd.f32 v52, v7;
	v38 =	vshll.u32 v25, $0x10;
	v36 =	vld [tilespmem:$0x1F960]  }
0x580: {  	v38 =	vadd.f32 v38, v19;
	v52 =	vshll.u32 v62, $0x10;
	v17 =	vnsel vm7, $0x0, v32  }
0x581: {  	v62 =	vand.u32 $0xFFFF0000, v62;
	(xrf2) =	vadd.scan.msk.f32 $0xffff, v16;
	v16 =	vadd.f32 v52, v44;
	v7 =	vadd.f32 v17, v3  }
0x582: {  	v32 =	vshll.u32 v14, $0x10;
	v14 =	vand.u32 $0xFFFF0000, v14;
	v1 =	vshll.u32 v20, $0x10  }
0x583: {  	v17 =	vand.u32 $0xFFFF0000, v20;
	v19 =	vshll.u32 v10, $0x10;
	v7 =	vadd.f32 v7, v23;
	v23 =	vld [tilespmem:s9+$0xFFFFFFA0]  }
0x584: {  	v3, _, _ =	vpop (xrf2);
	v32 =	vadd.f32 v32, v36;
	v36 =	vadd.f32 v14, v40;
	v40 =	vand.u32 $0xFFFF0000, v25;
	v25 =	vld [tilespmem:$0x1F7C0]  }
0x585: {  	v52, _, _ =	vpop (xrf2);
	v40 =	vadd.f32 v40, v42;
	v42 =	vadd.f32 v62, v43;
	v62 =	vbroadcast v3, $0xF;
	v43 =	vld [tilespmem:$0x1F8D0]  }
0x586: {  	(xrf2) =	vadd.scan.msk.f32 $0xffff, v15;
	v44 =	vld [tilespmem:s9+$0xFFFFFFB0];
	v10 =	vand.u32 $0xFFFF0000, v10;
	v19 =	vadd.f32 v19, v46;
	v20 =	vbroadcast v52, $0xF  }
0x587: {  	s3 =	sadd.s32 $0x4, s11;
	v15 =	vadd.f32 v7, v22;
	v7 =	vadd.f32 v1, v47;
	v22 =	vnsel vm0, $0x0, v62;
	v62 =	vld [tilespmem:s9+$0x0]  }
0x588: {  	v20 =	vnsel vm1, $0x0, v20;
	v1 =	vmov s3;
	v3 =	vand.u32 $0xFFFF0000, v23  }
0x589: {  	(xrf2) =	vadd.scan.msk.f32 $0xffff, v13;
	v13 =	vadd.f32 v20, v22;
	v47 =	vshll.u32 v23, $0x10;
	v23 =	vadd.f32 v3, v2;
	v3 =	vld [tilespmem:$0x1FFF0]  }
0x58a: {  	(xrf2) =	vadd.scan.msk.f32 $0xffff, v12;
	v12 =	vld [tilespmem:s9+$0x10];
	v22 =	vadd.f32 v10, v45;
	v10 =	vmul.u32 $0x88, v1;
	v52 =	vmul.f32 v43, v25  }
0x58b: {  	v25 =	vadd.f32 v17, v50;
	v24 =	vadd.f32 v47, v49;
	v49 =	vld [tilespmem:$0x1F7D0];
	v17 =	vshll.u32 v44, $0x10  }
0x58c: {  	v50 =	vld [tilespmem:$0x1F8F0];
	v43 =	vmul.f32 $1.442695020e+00, v15;
	v10 =	vbroadcast v10, $0x0;
	v46 =	vand.u32 $0xFFFF0000, v62  }
0x58d: {  	(xrf2) =	vadd.scan.msk.f32 $0xffff, v11;
	v44 =	vand.u32 $0xFFFF0000, v44;
	v20 =	vadd.f32 v17, v48;
	v17 =	vadd.f32 v46, v63;
	v46 =	vld [tilespmem:$0x1F7E0]  }
0x58e: {  	(xrf2) =	vadd.scan.msk.f32 $0xffff, v18;
	v18 =	vpop (erf);
	v14 =	vadd.f32 v44, v0;
	v45 =	vshll.u32 v62, $0x10;
	v44 =	vadd.s32 v3, v10  }
0x58f: {  	(erf) = vpow2.f32 v43;
	v43 =	vadd.f32 v45, v8;
	v8, _, _ =	vpop (xrf2)  }
0x590: {  	v11 =	vld [tilespmem:s9+$0x20];
	v47 =	vbroadcast v18, $0x0;
	v45 =	vshll.u32 v12, $0x10;
	v2, _, _ =	vpop (xrf2);
	v62 =	vbroadcast v8, $0xF  }
0x591: {  	v8 =	vadd.f32 v45, v6;
	v6 =	vld [tilespmem:s9+$0x100];
	v49 =	vmul.f32 v50, v49;
	v0 =	vbroadcast v2, $0xF  }
0x592: {  	v50 =	vnsel vm2, $0x0, v62;
	v62 =	vld [tilespmem:s9+$0x110];
	v48 =	vmul.f32 v47, v46;
	v47 =	vand.u32 $0xFFFF0000, v12  }
0x593: {  	v0 =	vnsel vm3, $0x0, v0;
	v10 =	vadd.f32 v47, v9;
	v9 =	vld [tilespmem:s9+$0x120];
	[tilespmem:v44+s16+$0x0] =	vst.idx.msk $0xff, v39  }
0x594: {  	v2 =	vadd.f32 v0, v50;
	v50 =	vld [tilespmem:$0x1F1D0];
	_ =	sdelay $0x3  }
0x595: {  	s14 =	sadd.s32 $0x2A8, s14  }
0x596: {  	v46 =	vshll.u32 v11, $0x10;
	[tilespmem:s14+$0x140] =	vst v50  }
0x597: {  	v15 =	vadd.f32 v46, v41;
	v46 =	vld [tilespmem:$0x1F8E0];
	_ =	sdelay $0x3  }
0x598: {  	v45, _, _ =	vpop (xrf2)  }
0x599: {  	v44 =	vbroadcast v45, $0xF;
	v45 =	vld [tilespmem:$0x1F7F0];
	_ =	sdelay $0x2  }
0x59a: {  	v12 =	vbroadcast v18, $0x1;
	v47, _, _ =	vpop (xrf2);
	[tilespmem:v46+s16+$0x0] =	vst.idx.msk $0xff, v18  }
0x59b: {  	v0 =	vbroadcast v47, $0xF;
	v47 =	vld [tilespmem:$0x1F800];
	[tilespmem:s10+$0x20] =	vst v52  }
0x59c: {  	v63, _, _ =	vpop (xrf2);
	v12 =	vmul.f32 v12, v45;
	[tilespmem:s10+$0x30] =	vst v49  }
0x59d: {  	(xrf2) =	vadd.scan.msk.f32 $0xffff, v56;
	v41, _, _ =	vpop (xrf2);
	[tilespmem:s10+$0x48] =	vst v48  }
0x59e: {  	(xrf2) =	vadd.scan.msk.f32 $0xffff, v54;
	v50 =	vnsel vm4, $0x0, v44;
	v44 =	vbroadcast v41, $0xF;
	v41 =	vld [tilespmem:$0x1F900];
	[tilespmem:s10+$0x58] =	vst v12  }
0x59f: {  	(xrf2) =	vadd.scan.msk.f32 $0xffff, v58;
	v58 =	vld [tilespmem:$0x1F8C0];
	_ =	sdelay $0x4  }
0x5a0: {  	v1 =	vbroadcast v18, $0x2;
	v12 =	vld [tilespmem:$0x1F910]  }
0x5a1: {  	v2 =	vadd.f32 v2, v13;
	v0 =	vnsel vm5, $0x0, v0;
	v52 =	vbroadcast v63, $0xF  }
0x5a2: {  	v44 =	vnsel vm7, $0x0, v44;
	v63 =	vpop (erf);
	v1 =	vmul.f32 v1, v47;
	v47 =	vshll.u32 v6, $0x10  }
0x5a3: {  	v45 =	vbroadcast v63, $0x1;
	v13 =	vadd.f32 v47, v41;
	v41 =	vnsel vm6, $0x0, v52;
	[tilespmem:v58+s16+$0x0] =	vst.idx.msk $0xff, v63  }
0x5a4: {  	v0 =	vadd.f32 v0, v50;
	v6 =	vand.u32 $0xFFFF0000, v6;
	v44 =	vadd.f32 v44, v41;
	v41 =	vld [tilespmem:$0x1F920]  }
0x5a5: {  	v49 =	vbroadcast v63, $0x0;
	v6 =	vadd.f32 v6, v12;
	v12 =	vmul.f32 v45, v34;
	v45 =	vld [tilespmem:$0x1F1E0]  }
0x5a6: {  	v46 =	vbroadcast v63, $0x2;
	v56 =	vbroadcast v63, $0x5;
	v0 =	vadd.f32 v44, v0;
	v48 =	vld [tilespmem:$0x1F940]  }
0x5a7: {  	v50 =	vbroadcast v63, $0x4;
	v35 =	vmul.f32 v49, v35;
	v49 =	vld [tilespmem:$0x1F810];
	[tilespmem:s10+$0x68] =	vst v1  }
0x5a8: {  	(xrf2) =	vadd.scan.msk.f32 $0xffff, v59;
	v59 =	vbroadcast v63, $0x6;
	v0 =	vadd.f32 v0, v2;
	v2 =	vmul.f32 v56, v40;
	v56 =	vld [tilespmem:$0x1F820]  }
0x5a9: {  	v32 =	vmul.f32 v46, v32;
	v46 =	vbroadcast v18, $0x3  }
0x5aa: {  	v16 =	vmul.f32 v59, v16;
	v47 =	vbroadcast v63, $0x3;
	v1 =	vld [tilespmem:$0x1F950]  }
0x5ab: {  	v54 =	vshll.u32 v62, $0x10;
	v34 =	vmul.f32 v50, v38;
	v50 =	vbroadcast v18, $0x4;
	v59 =	vld [tilespmem:$0x1F970];
	[tilespmem:s14+$0xFFFFFEB0] =	vst v35  }
0x5ac: {  	v52 =	vshll.u32 v9, $0x10;
	v9 =	vand.u32 $0xFFFF0000, v9;
	[tilespmem:s14+$0xFFFFFEC0] =	vst v12;
	v0 =	vmul.f32 $1.442695020e+00, v0  }
0x5ad: {  	v36 =	vmul.f32 v47, v36;
	v58, _, _ =	vpop (xrf2);
	(xrf2) =	vadd.scan.msk.f32 $0xffff, v45;
	v40 =	vmul.f32 v50, v56;
	v50 =	vld [tilespmem:$0x1F1F0];
	[tilespmem:s14+$0xFFFFFED0] =	vst v32  }
0x5ae: {  	v47 =	vand.u32 $0xFFFF0000, v62;
	v63 =	vbroadcast v63, $0x7;
	v62, _, _ =	vpop (xrf2);
	(erf) = vpow2.f32 v0;
	(xrf2) =	vadd.scan.msk.f32 $0xffff, v21;
	v32 =	vld [tilespmem:$0x1F830]  }
0x5af: {  	v0 =	vbroadcast v62, $0xF;
	v38 =	vadd.f32 v54, v41;
	v54 =	vbroadcast v18, $0x5;
	(xrf2) =	vadd.scan.msk.f32 $0xffff, v5  }
0x5b0: {  	v41 =	vbroadcast v39, $0x2;
	v21 =	vmul.f32 v63, v42;
	v42 =	vadd.f32 v47, v48;
	(xrf2) =	vadd.scan.msk.f32 $0xffff, v61  }
0x5b1: {  	v63 =	vshll.u32 v51, $0x10;
	v51, _, _ =	vpop (xrf2);
	v56 =	vbroadcast v39, $0x1;
	v5 =	vmul.f32 v46, v49  }
0x5b2: {  	v1 =	vadd.f32 v52, v1;
	v49 =	vbroadcast v58, $0xF;
	v44 =	vbroadcast v51, $0xF  }
0x5b3: {  	v9 =	vadd.f32 v9, v59;
	v38 =	vmul.f32 v41, v38;
	v32 =	vmul.f32 v54, v32;
	v54 =	vld [tilespmem:$0x1F8A0]  }
0x5b4: {  	s15 =	sadd.s32 $0x1, s11;
	v0 =	vnsel vm1, $0x0, v0;
	v61 =	vbroadcast v18, $0x6;
	v18 =	vbroadcast v18, $0x7;
	(xrf2) =	vadd.scan.msk.f32 $0xffff, v31  }
0x5b5: {  	v52, _, _ =	vpop (xrf2);
	v6 =	vmul.f32 v56, v6;
	v56 =	vmov s15;
	(xrf2) =	vadd.scan.msk.f32 $0xffff, v53;
	v53 =	vbroadcast v39, $0x0  }
0x5b6: {  	v46 =	vnsel vm0, $0x0, v49;
	v31 =	vbroadcast v52, $0xF;
	v44 =	vnsel vm2, $0x0, v44;
	(xrf2) =	vadd.scan.msk.f32 $0xffff, v27  }
0x5b7: {  	v0 =	vadd.f32 v0, v46;
	v12 =	vadd.f32 v63, v50;
	v13 =	vmul.f32 v53, v13;
	v58, _, _ =	vpop (xrf2);
	(xrf2) =	vadd.scan.msk.f32 $0xffff, v55  }
0x5b8: {  	[tilespmem:s14+$0xFFFFFEE0] =	vst v36;
	v53 =	vbroadcast v39, $0x3;
	v35 =	vmul.f32 v61, v54;
	v61, _, _ =	vpop (xrf2);
	(xrf2) =	vadd.scan.msk.f32 $0xffff, v4  }
0x5b9: {  	v31 =	vnsel vm3, $0x0, v31;
	v62 =	vld [tilespmem:$0x1F8B0];
	v55 =	vbroadcast v39, $0x5;
	v59 =	vbroadcast v58, $0xF;
	v27, _, _ =	vpop (xrf2);
	(xrf2) =	vadd.scan.msk.f32 $0xffff, v57  }
0x5ba: {  	v31 =	vadd.f32 v31, v44;
	v54 =	vbroadcast v39, $0x4;
	v63 =	vbroadcast v61, $0xF;
	v52, _, _ =	vpop (xrf2)  }
0x5bb: {  	[tilespmem:s14+$0xFFFFFEF0] =	vst v34;
	v46 =	vbroadcast v27, $0xF;
	(xrf2) =	vadd.scan.msk.f32 $0xffff, v60;
	v4 =	vbroadcast v52, $0xF  }
0x5bc: {  	v9 =	vmul.f32 v55, v9;
	v36 =	vnsel vm4, $0x0, v59;
	v44 =	vnsel vm5, $0x0, v63;
	(xrf2) =	vadd.scan.msk.f32 $0xffff, v33  }
0x5bd: {  	[tilespmem:s14+$0xFFFFFF00] =	vst v2;
	v36 =	vadd.f32 v44, v36;
	v46 =	vnsel vm6, $0x0, v46;
	v4 =	vnsel vm7, $0x0, v4  }
0x5be: {  	[tilespmem:s14+$0xFFFFFF10] =	vst v16;
	v18 =	vmul.f32 v18, v62;
	v59 =	vmul.u32 $0x88, v56;
	v58, _, _ =	vpop (xrf2);
	v4 =	vadd.f32 v4, v46  }
0x5bf: {  	[tilespmem:s14+$0xFFFFFF20] =	vst v21;
	v0 =	vadd.f32 v31, v0;
	v57 =	vmul.f32 v53, v42;
	v62 =	vbroadcast v39, $0x6;
	v60, _, _ =	vpop (xrf2)  }
0x5c0: {  	[tilespmem:s10+$0x78] =	vst v5;
	v1 =	vmul.f32 v54, v1;
	v63 =	vbroadcast v59, $0x0;
	v61, _, _ =	vpop (xrf2);
	v4 =	vadd.f32 v4, v36  }
0x5c1: {  	s26 =	sadd.s32 $0x2, s11;
	[tilespmem:s10+$0x88] =	vst v40;
	v12 =	vmul.f32 v62, v12;
	v27 =	vbroadcast v58, $0xF;
	v36, _, _ =	vpop (xrf2)  }
0x5c2: {  	[tilespmem:s14+$0xE0] =	vst v6;
	v58 =	vmov s26;
	v16 =	vbroadcast v60, $0xF;
	v0 =	vadd.f32 v4, v0;
	v40, _, _ =	vpop (xrf2)  }
0x5c3: {  	[tilespmem:s14+$0xF0] =	vst v38;
	v42 =	vadd.s32 v3, v63;
	v5 =	vnsel vm0, $0x0, v27;
	v21 =	vbroadcast v61, $0xF;
	v41, _, _ =	vpop (xrf2)  }
0x5c4: {  	[tilespmem:s10+$0x98] =	vst v32;
	v16 =	vnsel vm1, $0x0, v16;
	v31 =	vbroadcast v36, $0xF;
	v4 =	vpop (erf);
	v0 =	vmul.f32 $1.442695020e+00, v0  }
0x5c5: {  	[tilespmem:s14+$0xD0] =	vst v13;
	v5 =	vadd.f32 v16, v5;
	v46 =	vbroadcast v40, $0xF;
	v44, _, _ =	vpop (xrf2);
	v16 =	vbroadcast v41, $0xF  }
0x5c6: {  	[tilespmem:s10+$0xA8] =	vst v35;
	v45 =	vnsel vm2, $0x0, v21;
	v39 =	vbroadcast v4, $0x0;
	v47, _, _ =	vpop (xrf2);
	(erf) = vpow2.f32 v0  }
0x5c7: {  	[tilespmem:s14+$0x120] =	vst v9;
	v48 =	vnsel vm3, $0x0, v31;
	v0 =	vbroadcast v44, $0xF;
	v49 =	vbroadcast v47, $0xF  }
0x5c8: {  	[tilespmem:s10+$0xB8] =	vst v18;
	v50 =	vbroadcast v4, $0x1;
	v21 =	vnsel vm4, $0x0, v46;
	v55 =	vbroadcast v4, $0x2  }
0x5c9: {  	[tilespmem:s14+$0x100] =	vst v57;
	v51 =	vnsel vm5, $0x0, v16;
	v0 =	vnsel vm6, $0x0, v0;
	v52 =	vnsel vm7, $0x0, v49  }
0x5ca: {  	[tilespmem:s14+$0x110] =	vst v1;
	v56 =	vbroadcast v4, $0x3;
	v2 =	vadd.f32 v51, v21;
	v0 =	vadd.f32 v52, v0  }
0x5cb: {  	[tilespmem:s14+$0x130] =	vst v12;
	v6 =	vadd.f32 v48, v45;
	v57 =	vbroadcast v4, $0x4;
	v7 =	vmul.f32 v39, v7  }
0x5cc: {  	[tilespmem:v42+s16+$0x0] =	vst.idx.msk $0xff, v4;
	v53 =	vmul.f32 v50, v25;
	v0 =	vadd.f32 v0, v2;
	v2 =	vmul.u32 $0x88, v58  }
0x5cd: {  	v60 =	vbroadcast v4, $0x5;
	v5 =	vadd.f32 v6, v5;
	v9 =	vmul.f32 v55, v19;
	[tilespmem:s14+$0xFFFFFF38] =	vst v7  }
0x5ce: {  	v6 =	vmul.f32 v56, v22;
	[tilespmem:s14+$0xFFFFFF48] =	vst v53;
	v2 =	vbroadcast v2, $0x0  }
0x5cf: {  	v62 =	vbroadcast v4, $0x6;
	v59 =	vmul.f32 v57, v24;
	v63 =	vld [tilespmem:$0x1F200];
	[tilespmem:s14+$0xFFFFFF58] =	vst v9;
	v0 =	vadd.f32 v0, v5  }
0x5d0: {  	v54 =	vld [tilespmem:s9+$0x30];
	v4 =	vbroadcast v4, $0x7;
	v21 =	vmul.f32 v60, v23;
	[tilespmem:s14+$0xFFFFFF68] =	vst v6;
	v2 =	vadd.s32 v3, v2  }
0x5d1: {  	v11 =	vand.u32 $0xFFFF0000, v11;
	v1 =	vmul.f32 v62, v20;
	[tilespmem:s14+$0xFFFFFF78] =	vst v59;
	v0 =	vmul.f32 $1.442695020e+00, v0;
	v23 =	vpop (erf)  }
0x5d2: {  	s28 =	sadd.s32 $0x3, s11;
	v11 =	vadd.f32 v11, v26;
	v31 =	vld [tilespmem:s9+$0x90];
	v4 =	vmul.f32 v4, v14;
	[tilespmem:s14+$0xFFFFFF88] =	vst v21;
	v25 =	vbroadcast v23, $0x0  }
0x5d3: {  	v26 =	vmov s28;
	v40 =	vld [tilespmem:s9+$0xA0];
	[tilespmem:s14+$0xFFFFFF98] =	vst v1;
	v27 =	vbroadcast v23, $0x1;
	(erf) = vpow2.f32 v0  }
0x5d4: {  	v9 =	vmul.u32 $0x88, v26;
	v33 =	vld [tilespmem:$0x1F210];
	[tilespmem:s14+$0xFFFFFFA8] =	vst v4;
	v32 =	vbroadcast v23, $0x2;
	v0 =	vmul.f32 v25, v43  }
0x5d5: {  	v61 =	vshll.u32 v54, $0x10;
	v48 =	vld [tilespmem:s9+$0xB0];
	v35 =	vbroadcast v23, $0x3;
	v34 =	vmul.f32 v27, v17;
	[tilespmem:v2+s16+$0x0] =	vst.idx.msk $0xff, v23  }
0x5d6: {  	v24 =	vand.u32 $0xFFFF0000, v54;
	v9 =	vbroadcast v9, $0x0;
	v36 =	vmul.f32 v32, v8;
	v39 =	vld [tilespmem:$0x1F220];
	[tilespmem:s14+$0xFFFFFFC0] =	vst v0  }
0x5d7: {  	v22 =	vld [tilespmem:s9+$0x80];
	v45 =	vshll.u32 v31, $0x10;
	v41 =	vbroadcast v23, $0x4;
	v10 =	vmul.f32 v35, v10;
	[tilespmem:s14+$0xFFFFFFD0] =	vst v34  }
0x5d8: {  	v50 =	vshll.u32 v40, $0x10;
	v9 =	vadd.s32 v3, v9;
	v42 =	vbroadcast v23, $0x5;
	v43 =	vld [tilespmem:$0x1F230];
	[tilespmem:s14+$0xFFFFFFE0] =	vst v36  }
0x5d9: {  	v5 =	vadd.f32 v61, v63;
	v46 =	vbroadcast v23, $0x6;
	v44 =	vmul.f32 v41, v15;
	[tilespmem:s14+$0xFFFFFFF0] =	vst v10  }
0x5da: {  	v57 =	vshll.u32 v48, $0x10;
	v1 =	vand.u32 $0xFFFF0000, v31;
	v4 =	vmul.f32 v42, v11;
	v47 =	vld [tilespmem:$0x1F240]  }
0x5db: {  	v60 =	vand.u32 $0xFFFF0000, v48;
	v1 =	vadd.f32 v1, v29;
	v5 =	vmul.f32 v46, v5;
	[tilespmem:s14+$0x0] =	vst v44  }
0x5dc: {  	v38 =	vshll.u32 v22, $0x10;
	v7 =	vadd.f32 v24, v33;
	v6 =	vbroadcast v23, $0x7;
	[tilespmem:s14+$0x10] =	vst v4;
	v49 =	vpop (erf)  }
0x5dd: {  	v12 =	vand.u32 $0xFFFF0000, v22;
	[tilespmem:s14+$0x20] =	vst v5;
	v8 =	vadd.f32 v38, v39;
	v51 =	vbroadcast v49, $0x0  }
0x5de: {  	v6 =	vmul.f32 v6, v7;
	v12 =	vadd.f32 v12, v43;
	[tilespmem:v9+s16+$0x0] =	vst.idx.msk $0xff, v49;
	v52 =	vbroadcast v49, $0x1  }
0x5df: {  	v54 =	vbroadcast v49, $0x2;
	v3 =	vadd.f32 v45, v47;
	v9 =	vld [tilespmem:$0x1F250];
	v53 =	vmul.f32 v51, v8  }
0x5e0: {  	v0 =	vand.u32 $0xFFFF0000, v40;
	v56 =	vbroadcast v49, $0x3;
	[tilespmem:s14+$0x30] =	vst v6;
	v55 =	vmul.f32 v52, v12  }
0x5e1: {  	v4 =	vadd.f32 v50, v37;
	v58 =	vbroadcast v49, $0x4;
	v3 =	vmul.f32 v54, v3;
	[tilespmem:s14+$0x48] =	vst v53  }
0x5e2: {  	v5 =	vadd.f32 v57, v28;
	v61 =	vbroadcast v49, $0x6;
	v1 =	vmul.f32 v56, v1;
	[tilespmem:s14+$0x58] =	vst v55  }
0x5e3: {  	v62 =	vbroadcast v49, $0x7;
	v4 =	vmul.f32 v58, v4;
	[tilespmem:s14+$0x68] =	vst v3;
	v3 =	vadd.f32 v60, v30  }
0x5e4: {  	v59 =	vbroadcast v49, $0x5;
	v63 =	vmul.f32 v61, v5;
	[tilespmem:s14+$0x78] =	vst v1;
	v0 =	vadd.f32 v0, v9  }
0x5e5: {  	[tilespmem:s14+$0x88] =	vst v4;
	v1 =	vmul.f32 v62, v3  }
0x5e6: {  	[tilespmem:s14+$0xA8] =	vst v63;
	v0 =	vmul.f32 v59, v0  }
0x5e7: {  	p0 =	sgt.u32 s17, $0xF8;
	[tilespmem:s14+$0xB8] =	vst v1  }
0x5e8: {  	s3 =	simm.s32 @!p0 $0x28;
	s10 =	simm.s32 @!p0 $0x5110;
	s9 =	simm.s32 @!p0 $0xE8;
	[tilespmem:s14+$0x98] =	vst v0  }
0x5e9: {  	[spmem:s2] =	stream.indirect.scatter.add.f32 @!p0 [tilespmem:s10], [sflag:$0x6], $0x88, s9, s3, $0xb8;
	[tilespmem:$0x1B258] =	vst v63  }
0x5ea: {  	p0 =	sne.s32 s18, $0x7C  }
.Ltmp4:
0x5eb: {  	_ = 	snop;
	(pc) =	sbr.rel @p0 .LBB2_6-.Ltmp4, $3  }
0x5ec: {  	_ =	sdelay $0x1  }
0x5ed: {  	s29 =	sadd.s32 $0x1, s18  }
0x5ee: {  	s18 =	smov.u32 s29  }
0x5ef: {  	[spmem:s2] =	stream.indirect.scatter.add.f32 [tilespmem:s16], [sflag:$0x7], $0x88, s22, s19, $0xb8;
	[tilespmem:$0x1B258] =	vst v63  }
0x5f0: {  	s3 =	simm.s32 $0x7  }
0x5f1: {  	_ =	swait.ge [sflag:s3], $0x1540  }
0x5f2: {  	s28 =	sadd.s32 $0x0, s4;
	[sflag:s3] =	ssyncset.done $0x0  }
0x5f3: {  	p0 =	sgt.u32 s28, $0xF9;
	[sflag:s3] =	ssyncadd.s32 $0xFFFFEAC0  }
0x5f4: {  	s9 =	simm.s32 @!p0 $0x8;
	[bflag:$0x0] =	sbarrier.arrive $0xFFFF  }
0x5f5: {  	s3 =	simm.s32 @!p0 $0x5110;
	p0 =	por p0, p0;
	s17 =	rddreg [dreg:$0x8]  }
0x5f6: {  	[tilespmem:s3], [sflag:$0x8] =	stream.linear.gather @!p0 [spmem:s17], $0x1540, $0x38;
	[tilespmem:$0x1B258] =	vst v63  }
0x5f7: {  	_ =	swait.ge @!p0 [sflag:s9], $0x1540  }
0x5f8: {  	s29 =	sadd.s32 $0x10, s4;
	s13 =	simm.s32 @!p0 $0x7;
	[sflag:s9] =	ssyncset.done @!p0 $0x0  }
0x5f9: {  	s14 =	rddreg [dreg:$0x9];
	[sflag:s9] =	ssyncadd.s32 @!p0 $0xFFFFEAC0;
	s9 =	simm.s32 @!p0 $0x0  }
0x5fa: {  	[hbm4b:s14+s9] =	stream.linear.scatter @!p0 [tilespmem:s3], [sflag:$0x7], $0x1540, $0x38;
	[tilespmem:$0x1B258] =	vst v63  }
0x5fb: {  	s10 =	simm.s32 $0x20;
	p1 =	sgt.u32 s29, $0xF9;
	_ =	swait.ge @!p0 [sflag:s13], $0x1540  }
0x5fc: {  	s11 =	sadd.s32 $0x15400, s17;
	s9 =	sadd.s32 $0x2A80, s14;
	[sflag:s13] =	ssyncset.done @!p0 $0x0  }
.LBB2_12:
0x5fd: {  	s3 =	simm.s32 @!p1 $0x5110;
	s14 =	simm.s32 @!p1 $0x8;
	[sflag:s13] =	ssyncadd.s32 @!p0 $0xFFFFEAC0  }
0x5fe: {  	s15 =	smov.u32 s10;
	p0 =	por p1, p1;
	s10 =	sadd.s32 $0x10, s10  }
0x5ff: {  	[tilespmem:s3], [sflag:$0x8] =	stream.linear.gather @!p0 [spmem:s11], $0x1540, $0x38;
	[tilespmem:$0x1B258] =	vst v63  }
0x600: {  	p2 =	sne.s32 s10, $0x100;
	_ =	swait.ge @!p0 [sflag:s14], $0x1540  }
.Ltmp5:
0x601: {  	[sflag:s14] =	ssyncset.done @!p0 $0x0;
	(pc) =	sbr.rel @p2 .LBB2_12-.Ltmp5, $4  }
0x602: {  	s13 =	simm.s32 @!p0 $0x7;
	[sflag:s14] =	ssyncadd.s32 @!p0 $0xFFFFEAC0;
	s14 =	simm.s32 @!p0 $0x0  }
0x603: {  	[hbm4b:s9+s14] =	stream.linear.scatter @!p0 [tilespmem:s3], [sflag:$0x7], $0x1540, $0x38;
	[tilespmem:$0x1B258] =	vst v63  }
0x604: {  	s11 =	sadd.s32 $0x15400, s11;
	s3 =	sadd.s32 s15, s4;
	_ =	swait.ge @!p0 [sflag:s13], $0x1540  }
0x605: {  	s9 =	sadd.s32 $0x2A80, s9;
	p1 =	sgt.u32 s3, $0xF9;
	[sflag:s13] =	ssyncset.done @!p0 $0x0  }
0x606: {  	s3 =	simm.s32 @!p1 $0x5110  }
0x607: {  	s10 =	simm.s32 @!p1 $0x8;
	[sflag:s13] =	ssyncadd.s32 @!p0 $0xFFFFEAC0;
	p0 =	por p1, p1  }
0x608: {  	[tilespmem:s3], [sflag:$0x8] =	stream.linear.gather @!p0 [spmem:s11], $0x1540, $0x38;
	[tilespmem:$0x1B258] =	vst v63  }
0x609: {  	_ =	swait.ge @!p0 [sflag:s10], $0x1540  }
0x60a: {  	[sflag:s10] =	ssyncset.done @!p0 $0x0  }
0x60b: {  	s11 =	simm.s32 @!p0 $0x7;
	[sflag:s10] =	ssyncadd.s32 @!p0 $0xFFFFEAC0;
	s10 =	simm.s32 @!p0 $0x0  }
0x60c: {  	[hbm4b:s9+s10] =	stream.linear.scatter @!p0 [tilespmem:s3], [sflag:$0x7], $0x1540, $0x38;
	[tilespmem:$0x1B258] =	vst v63  }
0x60d: {  	_ =	swait.ge @!p0 [sflag:s11], $0x1540  }
0x60e: {  	s28 =	rddreg [dreg:$0xa]  }
0x60f: {  	s29 =	rddreg [dreg:$0x7];
	s9 =	sadd.s32 $0x1, s28  }
0x610: {  	p1 =	sne.s32 s9, s29  }
.Ltmp6:
0x611: {  	_ = 	snop;
	(pc) =	sbr.rel @p1 .LBB2_1-.Ltmp6, $3  }
0x612: {  	_ =	sdelay $0x1  }
0x613: {  	[sflag:s11] =	ssyncset.done @!p0 $0x0  }
0x614: {  	v2 =	vimm.f32 $0.0e+00;
	v3 =	vld [tilespmem:$0x1FFF0];
	[sflag:s11] =	ssyncadd.s32 @!p0 $0xFFFFEAC0  }
0x615: {  	_ =	sfence.sel $0x180000  }
0x616: {  	[bflag:$0x0] =	sbarrier.arrive $0xFFFF  }
0x617: {  	_ =	strace $0x9000004A  }
0x618: {  	[bflag:$0x2] =	sbarrier.arrive $0xFFFF  }
0x619: {  	p0 =	sne.s32 s4, $0x0;
	s0 =	rddreg [dreg:$0x3]  }
0x61a: {  	s0 =	sadd.s32 @!p0 $0x100000, s0  }
0x61b: {  	[sflag:s0] =	ssyncadd.tile.s32 @!p0 $0x1;
	_ =	shalt  }
.Lfunc_end2:
_tile_overlayer_lowered:
.L_overlay_start_2:
0x61c: {  	(tag) =	ssettag $0x2  }
0x61d: {  	s0 =	rddreg [dreg:$0x0];
	s2 =	stileid.u32  }
0x61e: {  	s1 =	rddreg [dreg:$0x1];
	p0 =	sne.s32 s2, $0x0  }
0x61f: {  	s3 =	rddreg [dreg:$0x2];
	[bflag:$0x3] =	sbarrier.arrive $0xFFFF;
	s2 =	simm.s32 @!p0 $0x1C07  }
0x620: {  	[timem:s3], [sflag:s2] =	dma.local @!p0 [hbm:s0], s1  }
0x621: {  	s0 =	simm.s32 @!p0 $0x7  }
0x622: {  	_ =	swait.ge @!p0 [sflag:s0], s1  }
0x623: {  	s1 =	ssub.s32 @!p0 $0x0, s1;
	[sflag:s0] =	ssyncset.done @!p0 $0x0  }
0x624: {  	[sflag:s0] =	ssyncadd.s32 @!p0 s1  }
0x625: {  	[bflag:$0x3] =	sbarrier.arrive $0xFFFF  }
0x626: {  	_ =	shalt  }

// kernel: sparse-core-data-format-call.cloned.1.call-start
scs
called_computation_lowered:
.L_overlay_start_0:
0x0: {  	s1 =	sld [smem:$0x3FD9]  }
0x1: {  	s2 =	sld [smem:$0x3FFE];
	_ =	sdelay $0x1  }
0x2: {  	s3 =	srdreg.scid  }
0x3: {  	s0 =	sand.u32 $0x1, s3  }
0x4: {  	s17 =	sshll.u32 s0, $0xA;
	s1 =	sadd.s32 s2, s1  }
0x5: {  	s1 =	sadd.s32 s1, s17  }
0x6: {  	[smem:$0x3FBF] =	sst s1  }
0x7: {  	_ = 	snop  }
0x8: {  	(tm) =	ssettm $0x1  }
0x9: {  	s18 =	sld [smem:$0x3FFB];
	_ =	sdelay $0x3  }
0xa: {  	_ =	strace s18  }
0xb: {  	s1 =	sld [smem:$0x3FFC];
	_ =	sdelay $0x3  }
0xc: {  	_ =	strace s1  }
0xd: {  	s1 =	sld [smem:$0x3FFD];
	_ =	sdelay $0x3  }
0xe: {  	_ =	strace s1  }
0xf: {  	_ =	strace $0x8FFFFFFF  }
0x10: {  	s19 =	sld [smem:$0x3FDB];
	_ =	sdelay $0x1  }
0x11: {  	s20 =	simm.s32 $_scs_section_size  }
0x12: {  	s4 =	simm.s32 $_size__tile_overlayer_lowered;
	s5 =	simm.s32 $_tile_overlayer_lowered  }
0x13: {  	s23 =	simm.s32 $0x1BFF;
	s22 =	sshll.u32 s5, $0x1;
	s1 =	sadd.s32 s20, s19  }
0x14: {  	s6 =	simm.s32 $0x0;
	s21 =	sshll.u32 s4, $0x1;
	s4 =	sadd.s32 s22, s1  }
0x15: {  	[timem:s6], [sflag:s23] =	dma.local [hbm:s4], s21  }
0x16: {  	_ =	swait.ge [sflag:s23], s21  }
0x17: {  	s2 =	ssub.s32 $0x0, s21;
	[sflag:s23] =	ssyncset.done $0x0  }
0x18: {  	[sflag:s23] =	ssyncadd.s32 s2;
	_ =	sdelay $0x1  }
0x19: {  	s24 =	simm.s32 $0x1B8B  }
0x1a: {  	_ =	swait.ge [sflag:s24], $0x1  }
0x1b: {  	[sflag:s24] =	ssyncset.done $0x0  }
0x1c: {  	s26 =	simm.s32 $0x1B8E;
	s25 =	sld [smem:$0x3FFE];
	[sflag:s24] =	ssyncadd.s32 $0xFFFFFFFF  }
0x1d: {  	s27 =	simm.s32 $execute0_lowered;
	[smem:$0x3FD2] =	sst s26  }
0x1e: {  	s4 =	sshll.u32 s27, $0x1;
	_ =	strace $0x80000046;
	[dreg:$0x1] =	wrdreg $0xFFFFFFFF  }
0x1f: {  	s28 =	simm.s32 $_size_execute0_lowered;
	s1 =	sadd.s32 s1, s4;
	[dreg:$0x0] =	wrdreg $0x0  }
0x20: {  	s4 =	sshll.u32 s28, $0x1;
	[dreg:$0x2] =	wrdreg s1  }
0x21: {  	[dreg:$0x3] =	wrdreg s4  }
0x22: {  	[dreg:$0x4] =	wrdreg $0xC0  }
0x23: {  	_ =	task [dreg:s6], $0x5FFFF  }
0x24: {  	[dreg:$0x1] =	wrdreg $0xFFFFFFFF  }
0x25: {  	[dreg:$0x0] =	wrdreg $0x60  }
0x26: {  	[dreg:$0x2] =	wrdreg s25  }
0x27: {  	[dreg:$0x3] =	wrdreg $0x9  }
0x28: {  	_ =	task.clear_ibuf [dreg:s6], $0x4FFFF;
	_ =	strace $0x90000046  }
0x29: {  	s29 =	simm.s32 $0x9;
	_ =	strace $0x80000048  }
0x2a: {  	_ =	swait.ge [sflag:s29], $0x1  }
0x2b: {  	[sflag:s29] =	ssyncadd.s32 $0xFFFFFFFF  }
0x2c: {  	_ =	strace $0x90000048  }
0x2d: {  	_ =	sfence  }
0x2e: {  	s30 =	sld [smem:$0x0];
	_ =	sdelay $0x2  }
0x2f: {  	s31 =	sshll.u32 s3, $0xD;
	s3 =	sshrl.u32 s3, $0x2  }
0x30: {  	s2 =	sand.u32 $0x4000, s31;
	s1 =	sadd.s32 s3, s30  }
0x31: {  	s0 =	sor.u32 s2, s0;
	s1 =	sshll.u32 s1, $0x11  }
0x32: {  	s0 =	sor.u32 s1, s0  }
0x33: {  	s0 =	sadd.s32 $0x8F2B, s0  }
0x34: {  	[sflag:s0] =	ssyncadd.remote.s32 $0x1  }
0x35: {  	_ =	sfence.sel $0xFFFF  }
0x36: {  	[dreg:$0x0] =	wrdreg $0xFFFFFFFF;
	(pc) =	sbr.abs _section_cstart, $3  }
0x37: {  	[dreg:$0x1] =	wrdreg $0xFFFFFFFF  }
0x38: {  	_ =	task.clear_ibuf [dreg:s6], $0x2FFFF;
	_ =	strace $0x9FFFFFFF  }
0x39: {  	(tm) =	ssettm $0x7FFFFFFF  }
tec
execute0_lowered:
.L_overlay_start_1:
0x0: {  	(tag) =	ssettag $0x1  }
0x1: {  	s0 =	srdreg.scid  }
0x2: {  	s1 =	sshll.u32 s0, $0x4  }
0x3: {  	s4 =	rddreg [dreg:$0x0];
	s0 =	stileid.u32;
	s1 =	sand.u32 $0x10, s1  }
0x4: {  	s7 =	simm.s32 $0x1;
	s8 =	simm.s32 $0x2;
	s2 =	sor.u32 s0, s1  }
0x5: {  	s9 =	simm.s32 $0x0;
	s12 =	simm.s32 $0x0;
	s2 =	sshll.u32 s2, $0x4  }
0x6: {  	s11 =	simm.s32 $0x0;
	s3 =	sadd.s32 $0x272A00, s4;
	s6 =	ssub.s32 $0x4E20, s2  }
.Ltmp0:
0x7: {  	s4 =	sadd.s32 $0x1A00, s4;
	s5 =	sand.u32 $0x1F0, s6;
	(pc) =	sbr.rel .LBB1_1-.Ltmp0, $4  }
0x8: {  	s1 =	rddreg [dreg:$0x1];
	_ =	strace $0x80000047;
	p0 =	sne.s32 s5, $0x0  }
0x9: {  	s6 =	sshrl.u32 s6, $0x9;
	s5 =	simm.s32 $0x1;
	s7 =	simm.s32 @!p0 $0x0  }
0xa: {  	s10 =	smov.u32 s2;
	[sflag:s5] =	ssyncpa.u1 $0x0;
	s6 =	sadd.s32 s7, s6  }
0xb: {  	[sflag:s8] =	ssyncpa.u1 $0x0;
	s8 =	simm.s32 $0x0;
	s7 =	sadd.s32 $0x1, s6  }
.LBB1_7:
0xc: {  	s14 =	sadd.s32 $0x200, s10  }
0xd: {  	p1 =	sgt.s32 s14, $0x4E1F  }
0xe: {  	s14 =	smov.u32 @p1 s2;
	p1 =	sne.s32 s11, s7  }
.Ltmp1:
0xf: {  	p0 =	slt.u32 s11, $0x2;
	(pc) =	sbr.rel @!p1 .LBB1_8-.Ltmp1, $4  }
0x10: {  	s13 =	simm.s32 @!p0 $0x2  }
0x11: {  	s15 =	sadd.s32 $0x1, s11;
	_ =	swait.ge @!p0 [sflag:s13], $0x4000  }
0x12: {  	s12 =	smov.u32 s10;
	s9 =	sadd.s32 $0x8000, s9;
	[sflag:s13] =	ssyncset.done @!p0 $0x0  }
0x13: {  	s11 =	smov.u32 s15;
	s10 =	smov.u32 s14;
	[sflag:s13] =	ssyncadd.s32 @!p0 $0xFFFFC000  }
.LBB1_1:
0x14: {  	p0 =	sge.u32 s11, s6  }
0x15: {  	s13 =	sxor.u32 @!p0 $0xFFFFFFFF, s11  }
0x16: {  	s31 =	sadd.s32 $0xFFFFFFFF, s11;
	s14 =	sshll.u32 @!p0 s10, $0x7;
	s13 =	sshll.u32 @!p0 s13, $0xE  }
0x17: {  	s15 =	simm.s32 @!p0 $0x0;
	s14 =	sadd.s32 @!p0 s3, s14;
	s13 =	sand.u32 @!p0 $0x4000, s13  }
0x18: {  	[tilespmem:s13], [sflag:$0x1] =	stream.linear.gather @!p0 [hbm4b:s14+s15], $0x4000, $0x38;
	[tilespmem:$0x10000] =	vst v63  }
0x19: {  	p0 =	sge.u32 s31, s6  }
.Ltmp2:
0x1a: {  	_ = 	snop;
	(pc) =	sbr.rel @p0 .LBB1_7-.Ltmp2, $1  }
0x1b: {  	_ =	sdelay $0x3  }
0x1c: {  	s13 =	sshrl.u32 s9, $0x1;
	_ =	swait.ge [sflag:s5], $0x4000  }
0x1d: {  	s15 =	sshll.u32 s11, $0xE;
	s16 =	simm.s32 $0x0;
	s14 =	sand.u32 $0x4000, s13  }
0x1e: {  	[sflag:s5] =	ssyncset.done $0x0;
	s15 =	sand.u32 $0x4000, s15;
	s13 =	sor.u32 $0x200, s14  }
0x1f: {  	s14 =	sor.u32 $0x8080, s14;
	[sflag:s5] =	ssyncadd.s32 $0xFFFFC000;
	s15 =	sor.u32 $0x8000, s15  }
.LBB1_3:
0x20: {  	v0 =	vld [tilespmem:s13+$0xFFFFFE70]  }
0x21: {  	v1 =	vld [tilespmem:s13+$0x70]  }
0x22: {  	v2 =	vld [tilespmem:s13+$0x0]  }
0x23: {  	v3 =	vld [tilespmem:s13+$0xFFFFFE10]  }
0x24: {  	v4 =	vld [tilespmem:s13+$0x10]  }
0x25: {  	v5 =	vld [tilespmem:s13+$0xFFFFFE20]  }
0x26: {  	v7 =	vld [tilespmem:s13+$0x20]  }
0x27: {  	v11 =	vld [tilespmem:s13+$0x30];
	v6 =	vunpack.i.l.s16.s32 v0;
	v8 =	vunpack.i.u.s16.s32 v0;
	v9 =	vunpack.i.u.s16.s32 v1  }
0x28: {  	v10 =	vunpack.i.l.s16.s32 v1;
	v0 =	vunpack.i.u.s16.s32 v2;
	v1 =	vunpack.i.l.s16.s32 v2;
	v2 =	vld [tilespmem:s13+$0xFFFFFE30]  }
0x29: {  	v8 =	vpack.i.b32.b16 v9, v8;
	v9 =	vunpack.i.u.s16.s32 v3;
	v3 =	vunpack.i.l.s16.s32 v3  }
0x2a: {  	v12 =	vld [tilespmem:s13+$0xFFFFFE40];
	v6 =	vpack.i.b32.b16 v10, v6;
	[tilespmem:s14+$0x70] =	vst v8;
	v8 =	vunpack.i.u.s16.s32 v4;
	v4 =	vunpack.i.l.s16.s32 v4  }
0x2b: {  	v13 =	vld [tilespmem:s13+$0x40];
	v10 =	vunpack.i.u.s16.s32 v5;
	v5 =	vunpack.i.l.s16.s32 v5;
	[tilespmem:s14+$0xFFFFFFF0] =	vst v6;
	v3 =	vpack.i.b32.b16 v4, v3  }
0x2c: {  	v6 =	vunpack.i.l.s16.s32 v7;
	v4 =	vld [tilespmem:s13+$0xFFFFFE50];
	[tilespmem:s14+$0xFFFFFF90] =	vst v3;
	v3 =	vpack.i.b32.b16 v8, v9;
	v8 =	vunpack.i.u.s16.s32 v7  }
0x2d: {  	v7 =	vunpack.i.l.s16.s32 v11;
	[tilespmem:s14+$0x10] =	vst v3;
	v3 =	vpack.i.b32.b16 v6, v5;
	v9 =	vunpack.i.u.s16.s32 v2;
	v6 =	vld [tilespmem:s13+$0x50]  }
0x2e: {  	v5 =	vunpack.i.l.s16.s32 v2;
	v2 =	vld [tilespmem:s13+$0xFFFFFE60];
	[tilespmem:s14+$0xFFFFFFA0] =	vst v3;
	v3 =	vpack.i.b32.b16 v8, v10;
	v10 =	vunpack.i.u.s16.s32 v11  }
0x2f: {  	s19 =	simm.s32 $0x0;
	v11 =	vpack.i.b32.b16 v7, v5;
	v7 =	vunpack.i.u.s16.s32 v12;
	v8 =	vunpack.i.l.s16.s32 v12;
	[tilespmem:s14+$0x20] =	vst v3;
	v3 =	vld [tilespmem:s13+$0x60]  }
0x30: {  	s20 =	sadd.s32 $0x80, s13;
	s18 =	smov.u32 s14;
	s17 =	smov.u32 s14;
	v5 =	vld [tilespmem:s13+$0xFFFFFE00];
	[tilespmem:s14+$0xFFFFFFB0] =	vst v11;
	v10 =	vpack.i.b32.b16 v10, v9;
	v9 =	vunpack.i.u.s16.s32 v13;
	v11 =	vunpack.i.l.s16.s32 v13  }
.LBB1_4:
0x31: {  	v12 =	vld [tilespmem:s20+$0xFFFFFE70];
	[tilespmem:s18+$0x30] =	vst v10;
	v8 =	vpack.i.b32.b16 v11, v8;
	v10 =	vunpack.i.u.s16.s32 v4;
	v4 =	vunpack.i.l.s16.s32 v4  }
0x32: {  	s19 =	sadd.s32 $0x2, s19;
	v7 =	vpack.i.b32.b16 v9, v7;
	v11 =	vld [tilespmem:s20+$0x70];
	[tilespmem:s18+$0xFFFFFFC0] =	vst v8;
	v8 =	vunpack.i.u.s16.s32 v6;
	v6 =	vunpack.i.l.s16.s32 v6  }
0x33: {  	p0 =	slt.u32 s19, $0x6;
	v9 =	vld [tilespmem:s20+$0x0];
	[tilespmem:s18+$0x40] =	vst v7;
	v4 =	vpack.i.b32.b16 v6, v4;
	v6 =	vunpack.i.u.s16.s32 v2;
	v2 =	vunpack.i.l.s16.s32 v2  }
0x34: {  	v7 =	vld [tilespmem:s20+$0xFFFFFE10];
	[tilespmem:s18+$0xFFFFFFD0] =	vst v4;
	v4 =	vpack.i.b32.b16 v8, v10;
	v8 =	vunpack.i.u.s16.s32 v3;
	v3 =	vunpack.i.l.s16.s32 v3  }
0x35: {  	v10 =	vld [tilespmem:s20+$0x10];
	v13 =	vunpack.i.u.s16.s32 v5;
	v5 =	vunpack.i.l.s16.s32 v5;
	[tilespmem:s18+$0x50] =	vst v4;
	v2 =	vpack.i.b32.b16 v3, v2  }
0x36: {  	v3 =	vld [tilespmem:s20+$0xFFFFFE20];
	v4 =	vunpack.i.l.s16.s32 v12;
	v1 =	vpack.i.b32.b16 v1, v5;
	v5 =	vpack.i.b32.b16 v0, v13;
	[tilespmem:s18+$0xFFFFFFE0] =	vst v2  }
0x37: {  	v12 =	vunpack.i.u.s16.s32 v12;
	v2 =	vld [tilespmem:s20+$0x20];
	v13 =	vunpack.i.u.s16.s32 v11;
	v11 =	vunpack.i.l.s16.s32 v11;
	[tilespmem:s18+$0xFFFFFF80] =	vst v1  }
0x38: {  	s18 =	sadd.s32 $0x100, s18;
	v0 =	vunpack.i.u.s16.s32 v9;
	v1 =	vunpack.i.l.s16.s32 v9;
	v9 =	vld [tilespmem:s20+$0xFFFFFE30];
	v12 =	vpack.i.b32.b16 v13, v12;
	[tilespmem:s17+$0x0] =	vst v5  }
0x39: {  	v6 =	vpack.i.b32.b16 v8, v6;
	v5 =	vunpack.i.u.s16.s32 v7;
	v7 =	vunpack.i.l.s16.s32 v7;
	v13 =	vld [tilespmem:s20+$0x30];
	[tilespmem:s18+$0x70] =	vst v12  }
0x3a: {  	v4 =	vpack.i.b32.b16 v11, v4;
	v8 =	vunpack.i.u.s16.s32 v10;
	v10 =	vunpack.i.l.s16.s32 v10;
	v12 =	vld [tilespmem:s20+$0xFFFFFE40];
	[tilespmem:s17+$0x60] =	vst v6;
	s17 =	smov.u32 s18  }
0x3b: {  	v6 =	vpack.i.b32.b16 v10, v7;
	v7 =	vunpack.i.u.s16.s32 v3;
	v3 =	vunpack.i.l.s16.s32 v3;
	v11 =	vld [tilespmem:s20+$0x40];
	[tilespmem:s18+$0xFFFFFFF0] =	vst v4  }
.Ltmp3:
0x3c: {  	v5 =	vpack.i.b32.b16 v8, v5;
	[tilespmem:s18+$0xFFFFFF90] =	vst v6;
	v8 =	vunpack.i.u.s16.s32 v2;
	v2 =	vunpack.i.l.s16.s32 v2;
	v4 =	vld [tilespmem:s20+$0xFFFFFE50];
	(pc) =	sbr.rel @p0 .LBB1_4-.Ltmp3, $4  }
0x3d: {  	[tilespmem:s18+$0x10] =	vst v5;
	v2 =	vpack.i.b32.b16 v2, v3;
	v10 =	vunpack.i.u.s16.s32 v9;
	v3 =	vunpack.i.l.s16.s32 v9;
	v6 =	vld [tilespmem:s20+$0x50]  }
0x3e: {  	v5 =	vpack.i.b32.b16 v8, v7;
	[tilespmem:s18+$0xFFFFFFA0] =	vst v2;
	v9 =	vunpack.i.u.s16.s32 v13;
	v7 =	vunpack.i.l.s16.s32 v13;
	v2 =	vld [tilespmem:s20+$0xFFFFFE60]  }
0x3f: {  	[tilespmem:s18+$0x20] =	vst v5;
	v13 =	vpack.i.b32.b16 v7, v3;
	v7 =	vunpack.i.u.s16.s32 v12;
	v8 =	vunpack.i.l.s16.s32 v12;
	v3 =	vld [tilespmem:s20+$0x60]  }
0x40: {  	v10 =	vpack.i.b32.b16 v9, v10;
	v5 =	vld [tilespmem:s20+$0xFFFFFE00];
	[tilespmem:s18+$0xFFFFFFB0] =	vst v13;
	v9 =	vunpack.i.u.s16.s32 v11;
	v11 =	vunpack.i.l.s16.s32 v11;
	s20 =	sadd.s32 $0x80, s20  }
0x41: {  	[tilespmem:s18+$0x30] =	vst v10;
	v8 =	vpack.i.b32.b16 v11, v8  }
0x42: {  	v51 =	vunpack.i.l.s16.s32 v4;
	v7 =	vpack.i.b32.b16 v9, v7;
	[tilespmem:s18+$0xFFFFFFC0] =	vst v8;
	v52 =	vunpack.i.l.s16.s32 v6  }
0x43: {  	v53 =	vunpack.i.u.s16.s32 v4;
	s16 =	sadd.s32 $0x1, s16;
	v54 =	vunpack.i.u.s16.s32 v6;
	[tilespmem:s18+$0x40] =	vst v7;
	v55 =	vpack.i.b32.b16 v52, v51  }
0x44: {  	p0 =	sne.s32 s16, $0x10;
	v56 =	vunpack.i.l.s16.s32 v2;
	v4 =	vpack.i.b32.b16 v54, v53;
	[tilespmem:s18+$0xFFFFFFD0] =	vst v55;
	v57 =	vunpack.i.l.s16.s32 v3  }
.Ltmp4:
0x45: {  	[tilespmem:s18+$0x50] =	vst v4;
	v58 =	vunpack.i.l.s16.s32 v5;
	v59 =	vpack.i.b32.b16 v57, v56;
	(pc) =	sbr.rel @p0 .LBB1_3-.Ltmp4, $4  }
0x46: {  	v61 =	vunpack.i.u.s16.s32 v2;
	v62 =	vunpack.i.u.s16.s32 v3;
	v1 =	vpack.i.b32.b16 v1, v58;
	[tilespmem:s18+$0xFFFFFFE0] =	vst v59  }
0x47: {  	v60 =	vunpack.i.u.s16.s32 v5;
	v63 =	vpack.i.b32.b16 v62, v61;
	[tilespmem:s18+$0xFFFFFF80] =	vst v1  }
0x48: {  	v0 =	vpack.i.b32.b16 v0, v60;
	[tilespmem:s17+$0x60] =	vst v63  }
0x49: {  	s13 =	sadd.s32 $0x400, s13;
	s14 =	sadd.s32 $0x400, s14;
	[tilespmem:s17+$0x0] =	vst v0  }
.Ltmp5:
0x4a: {  	(pc) =	sbr.rel .LBB1_7-.Ltmp5, $4  }
0x4b: {  	_ = 	snop  }
0x4c: {  	s12 =	sshll.u32 s12, $0x7  }
0x4d: {  	s12 =	sadd.s32 s4, s12  }
0x4e: {  	[hbm4b:s12+s8] =	stream.linear.scatter [tilespmem:s15], [sflag:$0x2], $0x4000, $0x38;
	[tilespmem:$0x10000] =	vst v63  }
.LBB1_8:
0x4f: {  	_ =	sfence.sel $0x180000  }
0x50: {  	s2 =	simm.s32 $0x1;
	[bflag:$0x0] =	sbarrier.arrive $0xFFFF  }
0x51: {  	s31 =	simm.s32 $0x2;
	[sflag:s2] =	ssyncpa.u1 $0x1  }
0x52: {  	[sflag:s31] =	ssyncpa.u1 $0x1  }
0x53: {  	p0 =	sne.s32 s0, $0x0;
	_ =	strace $0x90000047  }
0x54: {  	s0 =	sadd.s32 @!p0 $0x100000, s1;
	[bflag:$0x2] =	sbarrier.arrive $0xFFFF  }
0x55: {  	[sflag:s0] =	ssyncadd.tile.s32 @!p0 $0x1;
	_ =	shalt  }
.Lfunc_end1:
_tile_overlayer_lowered:
.L_overlay_start_2:
0x56: {  	(tag) =	ssettag $0x2  }
0x57: {  	s0 =	rddreg [dreg:$0x0];
	s2 =	stileid.u32  }
0x58: {  	s1 =	rddreg [dreg:$0x1];
	p0 =	sne.s32 s2, $0x0  }
0x59: {  	s3 =	rddreg [dreg:$0x2];
	[bflag:$0x3] =	sbarrier.arrive $0xFFFF;
	s2 =	simm.s32 @!p0 $0x1C01  }
0x5a: {  	[timem:s3], [sflag:s2] =	dma.local @!p0 [hbm:s0], s1  }
0x5b: {  	s0 =	simm.s32 @!p0 $0x1  }
0x5c: {  	_ =	swait.ge @!p0 [sflag:s0], s1  }
0x5d: {  	s1 =	ssub.s32 @!p0 $0x0, s1;
	[sflag:s0] =	ssyncset.done @!p0 $0x0  }
0x5e: {  	[sflag:s0] =	ssyncadd.s32 @!p0 s1  }
0x5f: {  	[bflag:$0x3] =	sbarrier.arrive $0xFFFF  }
0x60: {  	_ =	shalt  }

</sc_bundles>
